<compile_context>
chip_gen: v7x
topology: tpu7x:2x2x1
jax: 0.10.2.dev20260603
libtpu: 0.0.44.dev20260713+nightly
codegen_flags: <defaults>
</compile_context>

<pallas_src>
import functools

import jax
import jax.numpy as jnp
from jax import lax
from jax.experimental import pallas as pl
from jax.experimental.pallas import tpu as pltpu
from jax.experimental.pallas import tpu_sc as plsc

B = 16384
L = 200
H = 256
V = 1000
N_TOKENS = B * L

_NC = 2
_NS = 16
_NW = _NC * _NS

CHUNK = 64
G = 16
SB = 2 * G
NBUF = 4
TOK_PER_W = N_TOKENS // _NW
CHUNKS_PER_W = TOK_PER_W // CHUNK
T_OUT = CHUNKS_PER_W // SB
_LANES = 16
_IDX_VREGS = CHUNK // _LANES
_PSTEP = CHUNK % L

assert TOK_PER_W % L == 0
assert CHUNKS_PER_W % SB == 0 and SB % NBUF == 0 and SB == 2 * G



def _fuse_body(word_ref, pos_ref, out_ref):
    out_ref[...] = word_ref[...][None, :, :] + pos_ref[...][:, None, :]


def _build_fused(word_ebd, pos_ebd):
    lb = 8
    fused = pl.pallas_call(
        _fuse_body,
        grid=(L // lb,),
        in_specs=[
            pl.BlockSpec((V, H), lambda l: (0, 0)),
            pl.BlockSpec((lb, H), lambda l: (l, 0)),
        ],
        out_specs=pl.BlockSpec((lb, V, H), lambda l: (l, 0, 0)),
        out_shape=jax.ShapeDtypeStruct((L, V, H), jnp.float32),
    )(word_ebd, pos_ebd)
    return fused.reshape(L * V, H)



def _to_fused_rows(idx_ref, off, p, lane):
    for k in range(_IDX_VREGS):
        sl = pl.ds(off + k * _LANES, _LANES)
        t = lane + (p + k * _LANES)
        lmod = t - jnp.where(t >= L, L, 0)
        idx_ref[sl] = idx_ref[sl] + lmod * V


def _ebd_kernel(x_hbm, fused_hbm, out_hbm,
                ibuf0, ibuf1, rows0, rows1, rows2, rows3,
                isem0, isem1, gsem0, gsem1, gsem2, gsem3,
                ssem0, ssem1, ssem2, ssem3):
    wid = lax.axis_index("s") * _NC + lax.axis_index("c")
    w_base = wid * TOK_PER_W
    ibuf = (ibuf0, ibuf1)
    isem = (isem0, isem1)
    rows = (rows0, rows1, rows2, rows3)
    gsem = (gsem0, gsem1, gsem2, gsem3)
    ssem = (ssem0, ssem1, ssem2, ssem3)
    lane = lax.iota(jnp.int32, _LANES)

    pltpu.sync_copy(x_hbm.at[pl.ds(w_base, G * CHUNK)], ibuf0)
    _to_fused_rows(ibuf0, 0, jnp.int32(0), lane)
    pltpu.async_copy(fused_hbm.at[ibuf0.at[pl.ds(0, CHUNK)]], rows0, gsem0)
    _to_fused_rows(ibuf0, CHUNK, jnp.int32(_PSTEP), lane)
    pltpu.async_copy(fused_hbm.at[ibuf0.at[pl.ds(CHUNK, CHUNK)]], rows1, gsem1)

    def outer(t, q):
        sb_base = w_base + t * SB * CHUNK
        for j in range(SB):
            c_base = sb_base + j * CHUNK
            rb = j % NBUF
            fb = (j + 2) % NBUF

            if j == 0:
                pltpu.async_copy(
                    x_hbm.at[pl.ds(sb_base + G * CHUNK, G * CHUNK)],
                    ibuf1, isem1)
            if j == G:
                @pl.when(t < T_OUT - 1)
                def _prefetch_next_sb():
                    pltpu.async_copy(
                        x_hbm.at[pl.ds(sb_base + SB * CHUNK, G * CHUNK)],
                        ibuf0, isem0)

            nib = ((j + 2) // G) % 2
            noff = ((j + 2) % G) * CHUNK

            def _issue(j=j, fb=fb, nib=nib, noff=noff, q=q):
                if j == G - 2 or j == SB - 2:
                    pltpu.make_async_copy(
                        x_hbm.at[pl.ds(0, G * CHUNK)], ibuf[nib], isem[nib]
                    ).wait()
                _to_fused_rows(ibuf[nib], noff, q, lane)
                if j in (0, 1):
                    @pl.when(t > 0)
                    def _drain():
                        pltpu.make_async_copy(
                            rows[fb], out_hbm.at[pl.ds(0, CHUNK)], ssem[fb]
                        ).wait()
                else:
                    pltpu.make_async_copy(
                        rows[fb], out_hbm.at[pl.ds(0, CHUNK)], ssem[fb]
                    ).wait()
                src = lax.rem(c_base, jnp.int32(L * V - CHUNK))
                pltpu.async_copy(
                    fused_hbm.at[pl.ds(src, CHUNK)],
                    rows[fb], gsem[fb])

            if j >= SB - 2:
                pl.when(t < T_OUT - 1)(_issue)
            else:
                _issue()

            pltpu.make_async_copy(
                fused_hbm.at[pl.ds(0, CHUNK)], rows[rb], gsem[rb]).wait()
            pltpu.async_copy(rows[rb], out_hbm.at[pl.ds(c_base, CHUNK)],
                             ssem[rb])

            q = q + _PSTEP
            q = q - jnp.where(q >= L, L, 0)
        return q

    lax.fori_loop(0, T_OUT, outer, jnp.int32(2 * _PSTEP), unroll=False)

    for r, s in zip(rows, ssem):
        pltpu.make_async_copy(r, out_hbm.at[pl.ds(0, CHUNK)], s).wait()


@jax.jit
def _run(x_flat, word_ebd, pos_ebd):
    fused = _build_fused(word_ebd, pos_ebd)
    mesh = plsc.VectorSubcoreMesh(core_axis_name="c", subcore_axis_name="s")
    f = functools.partial(
        pl.kernel,
        mesh=mesh,
        out_type=jax.ShapeDtypeStruct((N_TOKENS, H), jnp.float32),
        scratch_types=(
            [pltpu.VMEM((G * CHUNK,), jnp.int32)] * 2
            + [pltpu.VMEM((CHUNK, H), jnp.float32)] * NBUF
            + [pltpu.SemaphoreType.DMA] * (2 + 2 * NBUF)
        ),
    )(_ebd_kernel)
    return f(x_flat, fused)


def kernel(X, word_ebd, pos_ebd):
    x_flat = X.reshape(-1).astype(jnp.int32)
    out = _run(x_flat, word_ebd, pos_ebd)
    return out.reshape(B, L, H)

# --- scband reference (transcript-rebuilt; emitter-appended) ---
"""Pipeline reference for scband-ebd-87634512707905 (READ-ONLY COPY).

The authoritative reference and input builder live on the scoring server;
editing this copy changes nothing except your own understanding.
"""

import jax, jax.numpy as jnp
import numpy as np

NUM_HIDDENS = 256
VOCAB = 1000
MAX_POS = 256

def setup_inputs(seed: int = 0) -> dict:
    key = jax.random.key(seed)
    k1, k2, k3 = jax.random.split(key, 3)
    X = jax.random.randint(k1, (16384, 200), 0, VOCAB, dtype=jnp.int64 if jax.config.jax_enable_x64 else jnp.int32)
    word_ebd = jax.random.normal(k2, (VOCAB, NUM_HIDDENS), dtype=jnp.float32)
    pos_ebd = jax.random.normal(k3, (MAX_POS, NUM_HIDDENS), dtype=jnp.float32)
    return {"X": X, "word_ebd": word_ebd, "pos_ebd": pos_ebd}

def reference(X, word_ebd, pos_ebd):
    L = X.shape[-1]
    pos_t = jnp.arange(0, MAX_POS).reshape(1, MAX_POS)
    word = jnp.take(word_ebd, X, axis=0)            # [B, L, H]
    pos = jnp.take(pos_ebd, pos_t[:, :L], axis=0)   # [1, L, H]
    return word + pos

if __name__ == "__main__":
    import jax
    _d = setup_inputs()
    print(jax.jit(kernel)(*tuple(_d.values())))

</pallas_src>

<mosaic_0001>
#map = affine_map<(d0, d1) -> (0)>
#map1 = affine_map<(d0, d1) -> (0, 0)>
module attributes {stable_mosaic.version = 14 : i64} {
  func.func @_ebd_kernel(%arg0: i32, %arg1: i32, %arg2: memref<3276800xi32, #tpu.memory_space<hbm>>, %arg3: memref<200000x256xf32, #tpu.memory_space<hbm>>, %arg4: memref<3276800x256xf32, #tpu.memory_space<hbm>>, %arg5: memref<1024xi32, #tpu.memory_space<vmem>>, %arg6: memref<1024xi32, #tpu.memory_space<vmem>>, %arg7: memref<64x256xf32, #tpu.memory_space<vmem>>, %arg8: memref<64x256xf32, #tpu.memory_space<vmem>>, %arg9: memref<64x256xf32, #tpu.memory_space<vmem>>, %arg10: memref<64x256xf32, #tpu.memory_space<vmem>>, %arg11: memref<!tpu.dma_semaphore, #tpu.memory_space<semaphore_mem>>, %arg12: memref<!tpu.dma_semaphore, #tpu.memory_space<semaphore_mem>>, %arg13: memref<!tpu.dma_semaphore, #tpu.memory_space<semaphore_mem>>, %arg14: memref<!tpu.dma_semaphore, #tpu.memory_space<semaphore_mem>>, %arg15: memref<!tpu.dma_semaphore, #tpu.memory_space<semaphore_mem>>, %arg16: memref<!tpu.dma_semaphore, #tpu.memory_space<semaphore_mem>>, %arg17: memref<!tpu.dma_semaphore, #tpu.memory_space<semaphore_mem>>, %arg18: memref<!tpu.dma_semaphore, #tpu.memory_space<semaphore_mem>>, %arg19: memref<!tpu.dma_semaphore, #tpu.memory_space<semaphore_mem>>, %arg20: memref<!tpu.dma_semaphore, #tpu.memory_space<semaphore_mem>>) attributes {dimension_semantics = [#tpu.dimension_semantics<core_parallel>, #tpu.dimension_semantics<subcore_parallel>], iteration_bounds = array<i64: 2, 16>, scalar_prefetch = 0 : i64, scratch_operands = 16 : i64, tpu.core_type = #tpu.core_type<sc_vector_subcore>, window_params = [{transform_indices = #map}, {transform_indices = #map1}, {transform_indices = #map1}]} {
    %mul3A = arith.constant 2 : i32
    %mul3A_0 = arith.muli %arg1, %mul3A : i32
    %add3A = arith.addi %mul3A_0, %arg0 : i32
    %mul3A_1 = arith.constant 102400 : i32
    %mul3A_2 = arith.muli %add3A, %mul3A_1 : i32
    %iota3A = tpu.iota {dimensions = array<i32: 0>} : vector<16xi32>
    "tpu.region"() ({
      %run_scoped3A = tpu.sem_alloc : memref<!tpu.dma_semaphore, #tpu.memory_space<semaphore_mem>>
      %dma_start3A_234 = tpu.memref_slice %arg2[%mul3A_2] : memref<3276800xi32, #tpu.memory_space<hbm>> -> memref<1024xi32, #tpu.memory_space<hbm>>
      %dma_start3A_235 = tpu.memref_slice %arg2[%mul3A_2] : memref<3276800xi32, #tpu.memory_space<hbm>> -> memref<1024xi32, #tpu.memory_space<hbm>>
      tpu.enqueue_dma source(%dma_start3A_235 : memref<1024xi32, #tpu.memory_space<hbm>>) target(%arg5 : memref<1024xi32, #tpu.memory_space<vmem>>) target_semaphore(%run_scoped3A : memref<!tpu.dma_semaphore, #tpu.memory_space<semaphore_mem>>)
      %dma_wait3A_236 = tpu.memref_slice %arg2[%mul3A_2] : memref<3276800xi32, #tpu.memory_space<hbm>> -> memref<1024xi32, #tpu.memory_space<hbm>>
      %dma_wait3A_237 = tpu.memref_slice %arg2[%mul3A_2] : memref<3276800xi32, #tpu.memory_space<hbm>> -> memref<1024xi32, #tpu.memory_space<hbm>>
      tpu.wait_dma2 semaphore(%run_scoped3A : memref<!tpu.dma_semaphore, #tpu.memory_space<semaphore_mem>>) src(%dma_wait3A_237 : memref<1024xi32, #tpu.memory_space<hbm>>) dst(%arg5 : memref<1024xi32, #tpu.memory_space<vmem>>)
      tpu.yield
    }) : () -> ()
    %add3A_3 = arith.constant 0 : i32
    %add3A_4 = arith.constant 0 : i32
    %add3A_5 = arith.addi %add3A_3, %add3A_4 : i32
    %add3A_6 = vector.broadcast %add3A_5 : i32 to vector<16xi32>
    %add3A_7 = arith.addi %iota3A, %add3A_6 : vector<16xi32>
    %ge3A = arith.constant 200 : i32
    %ge3A_8 = vector.broadcast %ge3A : i32 to vector<16xi32>
    %ge3A_9 = arith.cmpi sge, %add3A_7, %ge3A_8 : vector<16xi32>
    %jit3A = arith.constant 200 : i32
    %jit3A_10 = arith.constant 0 : i32
    %broadcast_in_dim3A = vector.broadcast %jit3A : i32 to vector<16xi32>
    %broadcast_in_dim3A_11 = vector.broadcast %jit3A_10 : i32 to vector<16xi32>
    %select_n3A = arith.select %ge3A_9, %broadcast_in_dim3A, %broadcast_in_dim3A_11 : vector<16xi1>, vector<16xi32>
    %sub3A = arith.subi %add3A_7, %select_n3A : vector<16xi32>
    %get3A = arith.constant 0 : index
    %get3A_12 = tpu.vector_load %arg5[%get3A] {strides = array<i32>} : memref<1024xi32, #tpu.memory_space<vmem>>, vector<16xi32>,
    %get3A_13 = vector.shape_cast %get3A_12 : vector<16xi32> to vector<16xi32>
    %mul3A_14 = arith.constant 1000 : i32
    %mul3A_15 = vector.broadcast %mul3A_14 : i32 to vector<16xi32>
    %mul3A_16 = arith.muli %sub3A, %mul3A_15 : vector<16xi32>
    %add3A_17 = arith.addi %get3A_13, %mul3A_16 : vector<16xi32>
    %swap3A = arith.constant 0 : index
    %swap3A_18 = tpu.vector_load %arg5[%swap3A] {strides = array<i32>} : memref<1024xi32, #tpu.memory_space<vmem>>, vector<16xi32>,
    %swap3A_19 = vector.shape_cast %swap3A_18 : vector<16xi32> to vector<16xi32>
    %swap3A_20 = vector.shape_cast %add3A_17 : vector<16xi32> to vector<16xi32>
    tpu.vector_store %arg5[%swap3A], %swap3A_20 {strides = array<i32>} : memref<1024xi32, #tpu.memory_space<vmem>>, vector<16xi32>,
    %add3A_21 = arith.constant 0 : i32
    %add3A_22 = arith.constant 16 : i32
    %add3A_23 = arith.addi %add3A_21, %add3A_22 : i32
    %add3A_24 = vector.broadcast %add3A_23 : i32 to vector<16xi32>
    %add3A_25 = arith.addi %iota3A, %add3A_24 : vector<16xi32>
    %ge3A_26 = arith.constant 200 : i32
    %ge3A_27 = vector.broadcast %ge3A_26 : i32 to vector<16xi32>
    %ge3A_28 = arith.cmpi sge, %add3A_25, %ge3A_27 : vector<16xi32>
    %jit3A_29 = arith.constant 200 : i32
    %jit3A_30 = arith.constant 0 : i32
    %broadcast_in_dim3A_31 = vector.broadcast %jit3A_29 : i32 to vector<16xi32>
    %broadcast_in_dim3A_32 = vector.broadcast %jit3A_30 : i32 to vector<16xi32>
    %select_n3A_33 = arith.select %ge3A_28, %broadcast_in_dim3A_31, %broadcast_in_dim3A_32 : vector<16xi1>, vector<16xi32>
    %sub3A_34 = arith.subi %add3A_25, %select_n3A_33 : vector<16xi32>
    %get3A_35 = arith.constant 16 : index
    %get3A_36 = tpu.vector_load %arg5[%get3A_35] {strides = array<i32>} : memref<1024xi32, #tpu.memory_space<vmem>>, vector<16xi32>,
    %get3A_37 = vector.shape_cast %get3A_36 : vector<16xi32> to vector<16xi32>
    %mul3A_38 = arith.constant 1000 : i32
    %mul3A_39 = vector.broadcast %mul3A_38 : i32 to vector<16xi32>
    %mul3A_40 = arith.muli %sub3A_34, %mul3A_39 : vector<16xi32>
    %add3A_41 = arith.addi %get3A_37, %mul3A_40 : vector<16xi32>
    %swap3A_42 = arith.constant 16 : index
    %swap3A_43 = tpu.vector_load %arg5[%swap3A_42] {strides = array<i32>} : memref<1024xi32, #tpu.memory_space<vmem>>, vector<16xi32>,
    %swap3A_44 = vector.shape_cast %swap3A_43 : vector<16xi32> to vector<16xi32>
    %swap3A_45 = vector.shape_cast %add3A_41 : vector<16xi32> to vector<16xi32>
    tpu.vector_store %arg5[%swap3A_42], %swap3A_45 {strides = array<i32>} : memref<1024xi32, #tpu.memory_space<vmem>>, vector<16xi32>,
    %add3A_46 = arith.constant 0 : i32
    %add3A_47 = arith.constant 32 : i32
    %add3A_48 = arith.addi %add3A_46, %add3A_47 : i32
    %add3A_49 = vector.broadcast %add3A_48 : i32 to vector<16xi32>
    %add3A_50 = arith.addi %iota3A, %add3A_49 : vector<16xi32>
    %ge3A_51 = arith.constant 200 : i32
    %ge3A_52 = vector.broadcast %ge3A_51 : i32 to vector<16xi32>
    %ge3A_53 = arith.cmpi sge, %add3A_50, %ge3A_52 : vector<16xi32>
    %jit3A_54 = arith.constant 200 : i32
    %jit3A_55 = arith.constant 0 : i32
    %broadcast_in_dim3A_56 = vector.broadcast %jit3A_54 : i32 to vector<16xi32>
    %broadcast_in_dim3A_57 = vector.broadcast %jit3A_55 : i32 to vector<16xi32>
    %select_n3A_58 = arith.select %ge3A_53, %broadcast_in_dim3A_56, %broadcast_in_dim3A_57 : vector<16xi1>, vector<16xi32>
    %sub3A_59 = arith.subi %add3A_50, %select_n3A_58 : vector<16xi32>
    %get3A_60 = arith.constant 32 : index
    %get3A_61 = tpu.vector_load %arg5[%get3A_60] {strides = array<i32>} : memref<1024xi32, #tpu.memory_space<vmem>>, vector<16xi32>,
    %get3A_62 = vector.shape_cast %get3A_61 : vector<16xi32> to vector<16xi32>
    %mul3A_63 = arith.constant 1000 : i32
    %mul3A_64 = vector.broadcast %mul3A_63 : i32 to vector<16xi32>
    %mul3A_65 = arith.muli %sub3A_59, %mul3A_64 : vector<16xi32>
    %add3A_66 = arith.addi %get3A_62, %mul3A_65 : vector<16xi32>
    %swap3A_67 = arith.constant 32 : index
    %swap3A_68 = tpu.vector_load %arg5[%swap3A_67] {strides = array<i32>} : memref<1024xi32, #tpu.memory_space<vmem>>, vector<16xi32>,
    %swap3A_69 = vector.shape_cast %swap3A_68 : vector<16xi32> to vector<16xi32>
    %swap3A_70 = vector.shape_cast %add3A_66 : vector<16xi32> to vector<16xi32>
    tpu.vector_store %arg5[%swap3A_67], %swap3A_70 {strides = array<i32>} : memref<1024xi32, #tpu.memory_space<vmem>>, vector<16xi32>,
    %add3A_71 = arith.constant 0 : i32
    %add3A_72 = arith.constant 48 : i32
    %add3A_73 = arith.addi %add3A_71, %add3A_72 : i32
    %add3A_74 = vector.broadcast %add3A_73 : i32 to vector<16xi32>
    %add3A_75 = arith.addi %iota3A, %add3A_74 : vector<16xi32>
    %ge3A_76 = arith.constant 200 : i32
    %ge3A_77 = vector.broadcast %ge3A_76 : i32 to vector<16xi32>
    %ge3A_78 = arith.cmpi sge, %add3A_75, %ge3A_77 : vector<16xi32>
    %jit3A_79 = arith.constant 200 : i32
    %jit3A_80 = arith.constant 0 : i32
    %broadcast_in_dim3A_81 = vector.broadcast %jit3A_79 : i32 to vector<16xi32>
    %broadcast_in_dim3A_82 = vector.broadcast %jit3A_80 : i32 to vector<16xi32>
    %select_n3A_83 = arith.select %ge3A_78, %broadcast_in_dim3A_81, %broadcast_in_dim3A_82 : vector<16xi1>, vector<16xi32>
    %sub3A_84 = arith.subi %add3A_75, %select_n3A_83 : vector<16xi32>
    %get3A_85 = arith.constant 48 : index
    %get3A_86 = tpu.vector_load %arg5[%get3A_85] {strides = array<i32>} : memref<1024xi32, #tpu.memory_space<vmem>>, vector<16xi32>,
    %get3A_87 = vector.shape_cast %get3A_86 : vector<16xi32> to vector<16xi32>
    %mul3A_88 = arith.constant 1000 : i32
    %mul3A_89 = vector.broadcast %mul3A_88 : i32 to vector<16xi32>
    %mul3A_90 = arith.muli %sub3A_84, %mul3A_89 : vector<16xi32>
    %add3A_91 = arith.addi %get3A_87, %mul3A_90 : vector<16xi32>
    %swap3A_92 = arith.constant 48 : index
    %swap3A_93 = tpu.vector_load %arg5[%swap3A_92] {strides = array<i32>} : memref<1024xi32, #tpu.memory_space<vmem>>, vector<16xi32>,
    %swap3A_94 = vector.shape_cast %swap3A_93 : vector<16xi32> to vector<16xi32>
    %swap3A_95 = vector.shape_cast %add3A_91 : vector<16xi32> to vector<16xi32>
    tpu.vector_store %arg5[%swap3A_92], %swap3A_95 {strides = array<i32>} : memref<1024xi32, #tpu.memory_space<vmem>>, vector<16xi32>,
    %dma_start3A = arith.constant 0 : i32
    %dma_start3A_96 = tpu.memref_slice %arg5[%dma_start3A] : memref<1024xi32, #tpu.memory_space<vmem>> -> memref<64xi32, #tpu.memory_space<vmem>>
    %dma_start3A_97 = arith.constant 0 : i32
    %dma_start3A_98 = arith.constant 0 : i32
    %dma_start3A_99 = tpu.memref_slice %arg3[%dma_start3A_97, %dma_start3A_98] : memref<200000x256xf32, #tpu.memory_space<hbm>> -> memref<200000x256xf32, #tpu.memory_space<hbm>>
    tpu.enqueue_indirect_dma source(%dma_start3A_99 : memref<200000x256xf32, #tpu.memory_space<hbm>>) target(%arg7 : memref<64x256xf32, #tpu.memory_space<vmem>>) offsets(%dma_start3A_96 : memref<64xi32, #tpu.memory_space<vmem>>) semaphore(%arg13 : memref<!tpu.dma_semaphore, #tpu.memory_space<semaphore_mem>>)
    %add3A_100 = arith.constant 64 : i32
    %add3A_101 = arith.constant 0 : i32
    %add3A_102 = arith.addi %add3A_100, %add3A_101 : i32
    %add3A_103 = vector.broadcast %add3A_102 : i32 to vector<16xi32>
    %add3A_104 = arith.addi %iota3A, %add3A_103 : vector<16xi32>
    %ge3A_105 = arith.constant 200 : i32
    %ge3A_106 = vector.broadcast %ge3A_105 : i32 to vector<16xi32>
    %ge3A_107 = arith.cmpi sge, %add3A_104, %ge3A_106 : vector<16xi32>
    %jit3A_108 = arith.constant 200 : i32
    %jit3A_109 = arith.constant 0 : i32
    %broadcast_in_dim3A_110 = vector.broadcast %jit3A_108 : i32 to vector<16xi32>
    %broadcast_in_dim3A_111 = vector.broadcast %jit3A_109 : i32 to vector<16xi32>
    %select_n3A_112 = arith.select %ge3A_107, %broadcast_in_dim3A_110, %broadcast_in_dim3A_111 : vector<16xi1>, vector<16xi32>
    %sub3A_113 = arith.subi %add3A_104, %select_n3A_112 : vector<16xi32>
    %get3A_114 = arith.constant 64 : index
    %get3A_115 = tpu.vector_load %arg5[%get3A_114] {strides = array<i32>} : memref<1024xi32, #tpu.memory_space<vmem>>, vector<16xi32>,
    %get3A_116 = vector.shape_cast %get3A_115 : vector<16xi32> to vector<16xi32>
    %mul3A_117 = arith.constant 1000 : i32
    %mul3A_118 = vector.broadcast %mul3A_117 : i32 to vector<16xi32>
    %mul3A_119 = arith.muli %sub3A_113, %mul3A_118 : vector<16xi32>
    %add3A_120 = arith.addi %get3A_116, %mul3A_119 : vector<16xi32>
    %swap3A_121 = arith.constant 64 : index
    %swap3A_122 = tpu.vector_load %arg5[%swap3A_121] {strides = array<i32>} : memref<1024xi32, #tpu.memory_space<vmem>>, vector<16xi32>,
    %swap3A_123 = vector.shape_cast %swap3A_122 : vector<16xi32> to vector<16xi32>
    %swap3A_124 = vector.shape_cast %add3A_120 : vector<16xi32> to vector<16xi32>
    tpu.vector_store %arg5[%swap3A_121], %swap3A_124 {strides = array<i32>} : memref<1024xi32, #tpu.memory_space<vmem>>, vector<16xi32>,
    %add3A_125 = arith.constant 64 : i32
    %add3A_126 = arith.constant 16 : i32
    %add3A_127 = arith.addi %add3A_125, %add3A_126 : i32
    %add3A_128 = vector.broadcast %add3A_127 : i32 to vector<16xi32>
    %add3A_129 = arith.addi %iota3A, %add3A_128 : vector<16xi32>
    %ge3A_130 = arith.constant 200 : i32
    %ge3A_131 = vector.broadcast %ge3A_130 : i32 to vector<16xi32>
    %ge3A_132 = arith.cmpi sge, %add3A_129, %ge3A_131 : vector<16xi32>
    %jit3A_133 = arith.constant 200 : i32
    %jit3A_134 = arith.constant 0 : i32
    %broadcast_in_dim3A_135 = vector.broadcast %jit3A_133 : i32 to vector<16xi32>
    %broadcast_in_dim3A_136 = vector.broadcast %jit3A_134 : i32 to vector<16xi32>
    %select_n3A_137 = arith.select %ge3A_132, %broadcast_in_dim3A_135, %broadcast_in_dim3A_136 : vector<16xi1>, vector<16xi32>
    %sub3A_138 = arith.subi %add3A_129, %select_n3A_137 : vector<16xi32>
    %get3A_139 = arith.constant 80 : index
    %get3A_140 = tpu.vector_load %arg5[%get3A_139] {strides = array<i32>} : memref<1024xi32, #tpu.memory_space<vmem>>, vector<16xi32>,
    %get3A_141 = vector.shape_cast %get3A_140 : vector<16xi32> to vector<16xi32>
    %mul3A_142 = arith.constant 1000 : i32
    %mul3A_143 = vector.broadcast %mul3A_142 : i32 to vector<16xi32>
    %mul3A_144 = arith.muli %sub3A_138, %mul3A_143 : vector<16xi32>
    %add3A_145 = arith.addi %get3A_141, %mul3A_144 : vector<16xi32>
    %swap3A_146 = arith.constant 80 : index
    %swap3A_147 = tpu.vector_load %arg5[%swap3A_146] {strides = array<i32>} : memref<1024xi32, #tpu.memory_space<vmem>>, vector<16xi32>,
    %swap3A_148 = vector.shape_cast %swap3A_147 : vector<16xi32> to vector<16xi32>
    %swap3A_149 = vector.shape_cast %add3A_145 : vector<16xi32> to vector<16xi32>
    tpu.vector_store %arg5[%swap3A_146], %swap3A_149 {strides = array<i32>} : memref<1024xi32, #tpu.memory_space<vmem>>, vector<16xi32>,
    %add3A_150 = arith.constant 64 : i32
    %add3A_151 = arith.constant 32 : i32
    %add3A_152 = arith.addi %add3A_150, %add3A_151 : i32
    %add3A_153 = vector.broadcast %add3A_152 : i32 to vector<16xi32>
    %add3A_154 = arith.addi %iota3A, %add3A_153 : vector<16xi32>
    %ge3A_155 = arith.constant 200 : i32
    %ge3A_156 = vector.broadcast %ge3A_155 : i32 to vector<16xi32>
    %ge3A_157 = arith.cmpi sge, %add3A_154, %ge3A_156 : vector<16xi32>
    %jit3A_158 = arith.constant 200 : i32
    %jit3A_159 = arith.constant 0 : i32
    %broadcast_in_dim3A_160 = vector.broadcast %jit3A_158 : i32 to vector<16xi32>
    %broadcast_in_dim3A_161 = vector.broadcast %jit3A_159 : i32 to vector<16xi32>
    %select_n3A_162 = arith.select %ge3A_157, %broadcast_in_dim3A_160, %broadcast_in_dim3A_161 : vector<16xi1>, vector<16xi32>
    %sub3A_163 = arith.subi %add3A_154, %select_n3A_162 : vector<16xi32>
    %get3A_164 = arith.constant 96 : index
    %get3A_165 = tpu.vector_load %arg5[%get3A_164] {strides = array<i32>} : memref<1024xi32, #tpu.memory_space<vmem>>, vector<16xi32>,
    %get3A_166 = vector.shape_cast %get3A_165 : vector<16xi32> to vector<16xi32>
    %mul3A_167 = arith.constant 1000 : i32
    %mul3A_168 = vector.broadcast %mul3A_167 : i32 to vector<16xi32>
    %mul3A_169 = arith.muli %sub3A_163, %mul3A_168 : vector<16xi32>
    %add3A_170 = arith.addi %get3A_166, %mul3A_169 : vector<16xi32>
    %swap3A_171 = arith.constant 96 : index
    %swap3A_172 = tpu.vector_load %arg5[%swap3A_171] {strides = array<i32>} : memref<1024xi32, #tpu.memory_space<vmem>>, vector<16xi32>,
    %swap3A_173 = vector.shape_cast %swap3A_172 : vector<16xi32> to vector<16xi32>
    %swap3A_174 = vector.shape_cast %add3A_170 : vector<16xi32> to vector<16xi32>
    tpu.vector_store %arg5[%swap3A_171], %swap3A_174 {strides = array<i32>} : memref<1024xi32, #tpu.memory_space<vmem>>, vector<16xi32>,
    %add3A_175 = arith.constant 64 : i32
    %add3A_176 = arith.constant 48 : i32
    %add3A_177 = arith.addi %add3A_175, %add3A_176 : i32
    %add3A_178 = vector.broadcast %add3A_177 : i32 to vector<16xi32>
    %add3A_179 = arith.addi %iota3A, %add3A_178 : vector<16xi32>
    %ge3A_180 = arith.constant 200 : i32
    %ge3A_181 = vector.broadcast %ge3A_180 : i32 to vector<16xi32>
    %ge3A_182 = arith.cmpi sge, %add3A_179, %ge3A_181 : vector<16xi32>
    %jit3A_183 = arith.constant 200 : i32
    %jit3A_184 = arith.constant 0 : i32
    %broadcast_in_dim3A_185 = vector.broadcast %jit3A_183 : i32 to vector<16xi32>
    %broadcast_in_dim3A_186 = vector.broadcast %jit3A_184 : i32 to vector<16xi32>
    %select_n3A_187 = arith.select %ge3A_182, %broadcast_in_dim3A_185, %broadcast_in_dim3A_186 : vector<16xi1>, vector<16xi32>
    %sub3A_188 = arith.subi %add3A_179, %select_n3A_187 : vector<16xi32>
    %get3A_189 = arith.constant 112 : index
    %get3A_190 = tpu.vector_load %arg5[%get3A_189] {strides = array<i32>} : memref<1024xi32, #tpu.memory_space<vmem>>, vector<16xi32>,
    %get3A_191 = vector.shape_cast %get3A_190 : vector<16xi32> to vector<16xi32>
    %mul3A_192 = arith.constant 1000 : i32
    %mul3A_193 = vector.broadcast %mul3A_192 : i32 to vector<16xi32>
    %mul3A_194 = arith.muli %sub3A_188, %mul3A_193 : vector<16xi32>
    %add3A_195 = arith.addi %get3A_191, %mul3A_194 : vector<16xi32>
    %swap3A_196 = arith.constant 112 : index
    %swap3A_197 = tpu.vector_load %arg5[%swap3A_196] {strides = array<i32>} : memref<1024xi32, #tpu.memory_space<vmem>>, vector<16xi32>,
    %swap3A_198 = vector.shape_cast %swap3A_197 : vector<16xi32> to vector<16xi32>
    %swap3A_199 = vector.shape_cast %add3A_195 : vector<16xi32> to vector<16xi32>
    tpu.vector_store %arg5[%swap3A_196], %swap3A_199 {strides = array<i32>} : memref<1024xi32, #tpu.memory_space<vmem>>, vector<16xi32>,
    %dma_start3A_200 = arith.constant 64 : i32
    %dma_start3A_201 = tpu.memref_slice %arg5[%dma_start3A_200] : memref<1024xi32, #tpu.memory_space<vmem>> -> memref<64xi32, #tpu.memory_space<vmem>>
    %dma_start3A_202 = arith.constant 0 : i32
    %dma_start3A_203 = arith.constant 0 : i32
    %dma_start3A_204 = tpu.memref_slice %arg3[%dma_start3A_202, %dma_start3A_203] : memref<200000x256xf32, #tpu.memory_space<hbm>> -> memref<200000x256xf32, #tpu.memory_space<hbm>>
    tpu.enqueue_indirect_dma source(%dma_start3A_204 : memref<200000x256xf32, #tpu.memory_space<hbm>>) target(%arg8 : memref<64x256xf32, #tpu.memory_space<vmem>>) offsets(%dma_start3A_201 : memref<64xi32, #tpu.memory_space<vmem>>) semaphore(%arg14 : memref<!tpu.dma_semaphore, #tpu.memory_space<semaphore_mem>>)
    %scan3A = arith.constant 128 : i32
    %scan3A_205 = arith.constant 0 : i32
    %scan3A_206 = arith.constant 50 : i32
    %scan3A_207 = arith.addi %scan3A_205, %scan3A_206 : i32
    %scan3A_208 = arith.constant 1 : i32
    %scan3A_209 = scf.for %scan3A_234 = %scan3A_205 to %scan3A_207 step %scan3A_208 iter_args(%scan3A_235 = %scan3A) -> (i32)  : i32 {
      %mul3A_236 = arith.constant 32 : i32
      %mul3A_237 = arith.muli %scan3A_234, %mul3A_236 : i32
      %mul3A_238 = arith.constant 64 : i32
      %mul3A_239 = arith.muli %mul3A_237, %mul3A_238 : i32
      %add3A_240 = arith.addi %mul3A_2, %mul3A_239 : i32
      %add3A_241 = arith.constant 0 : i32
      %add3A_242 = arith.addi %add3A_240, %add3A_241 : i32
      %add3A_243 = arith.constant 1024 : i32
      %add3A_244 = arith.addi %add3A_240, %add3A_243 : i32
      %dma_start3A_245 = tpu.memref_slice %arg2[%add3A_244] : memref<3276800xi32, #tpu.memory_space<hbm>> -> memref<1024xi32, #tpu.memory_space<hbm>>
      %dma_start3A_246 = tpu.memref_slice %arg2[%add3A_244] : memref<3276800xi32, #tpu.memory_space<hbm>> -> memref<1024xi32, #tpu.memory_space<hbm>>
      tpu.enqueue_dma source(%dma_start3A_246 : memref<1024xi32, #tpu.memory_space<hbm>>) target(%arg6 : memref<1024xi32, #tpu.memory_space<vmem>>) target_semaphore(%arg12 : memref<!tpu.dma_semaphore, #tpu.memory_space<semaphore_mem>>)
      %add3A_247 = arith.constant 0 : i32
      %add3A_248 = arith.addi %scan3A_235, %add3A_247 : i32
      %add3A_249 = vector.broadcast %add3A_248 : i32 to vector<16xi32>
      %add3A_250 = arith.addi %iota3A, %add3A_249 : vector<16xi32>
      %ge3A_251 = arith.constant 200 : i32
      %ge3A_252 = vector.broadcast %ge3A_251 : i32 to vector<16xi32>
      %ge3A_253 = arith.cmpi sge, %add3A_250, %ge3A_252 : vector<16xi32>
      %jit3A_254 = arith.constant 200 : i32
      %jit3A_255 = arith.constant 0 : i32
      %broadcast_in_dim3A_256 = vector.broadcast %jit3A_254 : i32 to vector<16xi32>
      %broadcast_in_dim3A_257 = vector.broadcast %jit3A_255 : i32 to vector<16xi32>
      %select_n3A_258 = arith.select %ge3A_253, %broadcast_in_dim3A_256, %broadcast_in_dim3A_257 : vector<16xi1>, vector<16xi32>
      %sub3A_259 = arith.subi %add3A_250, %select_n3A_258 : vector<16xi32>
      %get3A_260 = arith.constant 128 : index
      %get3A_261 = tpu.vector_load %arg5[%get3A_260] {strides = array<i32>} : memref<1024xi32, #tpu.memory_space<vmem>>, vector<16xi32>,
      %get3A_262 = vector.shape_cast %get3A_261 : vector<16xi32> to vector<16xi32>
      %mul3A_263 = arith.constant 1000 : i32
      %mul3A_264 = vector.broadcast %mul3A_263 : i32 to vector<16xi32>
      %mul3A_265 = arith.muli %sub3A_259, %mul3A_264 : vector<16xi32>
      %add3A_266 = arith.addi %get3A_262, %mul3A_265 : vector<16xi32>
      %swap3A_267 = arith.constant 128 : index
      %swap3A_268 = tpu.vector_load %arg5[%swap3A_267] {strides = array<i32>} : memref<1024xi32, #tpu.memory_space<vmem>>, vector<16xi32>,
      %swap3A_269 = vector.shape_cast %swap3A_268 : vector<16xi32> to vector<16xi32>
      %swap3A_270 = vector.shape_cast %add3A_266 : vector<16xi32> to vector<16xi32>
      tpu.vector_store %arg5[%swap3A_267], %swap3A_270 {strides = array<i32>} : memref<1024xi32, #tpu.memory_space<vmem>>, vector<16xi32>,
      %add3A_271 = arith.constant 16 : i32
      %add3A_272 = arith.addi %scan3A_235, %add3A_271 : i32
      %add3A_273 = vector.broadcast %add3A_272 : i32 to vector<16xi32>
      %add3A_274 = arith.addi %iota3A, %add3A_273 : vector<16xi32>
      %ge3A_275 = arith.constant 200 : i32
      %ge3A_276 = vector.broadcast %ge3A_275 : i32 to vector<16xi32>
      %ge3A_277 = arith.cmpi sge, %add3A_274, %ge3A_276 : vector<16xi32>
      %jit3A_278 = arith.constant 200 : i32
      %jit3A_279 = arith.constant 0 : i32
      %broadcast_in_dim3A_280 = vector.broadcast %jit3A_278 : i32 to vector<16xi32>
      %broadcast_in_dim3A_281 = vector.broadcast %jit3A_279 : i32 to vector<16xi32>
      %select_n3A_282 = arith.select %ge3A_277, %broadcast_in_dim3A_280, %broadcast_in_dim3A_281 : vector<16xi1>, vector<16xi32>
      %sub3A_283 = arith.subi %add3A_274, %select_n3A_282 : vector<16xi32>
      %get3A_284 = arith.constant 144 : index
      %get3A_285 = tpu.vector_load %arg5[%get3A_284] {strides = array<i32>} : memref<1024xi32, #tpu.memory_space<vmem>>, vector<16xi32>,
      %get3A_286 = vector.shape_cast %get3A_285 : vector<16xi32> to vector<16xi32>
      %mul3A_287 = arith.constant 1000 : i32
      %mul3A_288 = vector.broadcast %mul3A_287 : i32 to vector<16xi32>
      %mul3A_289 = arith.muli %sub3A_283, %mul3A_288 : vector<16xi32>
      %add3A_290 = arith.addi %get3A_286, %mul3A_289 : vector<16xi32>
      %swap3A_291 = arith.constant 144 : index
      %swap3A_292 = tpu.vector_load %arg5[%swap3A_291] {strides = array<i32>} : memref<1024xi32, #tpu.memory_space<vmem>>, vector<16xi32>,
      %swap3A_293 = vector.shape_cast %swap3A_292 : vector<16xi32> to vector<16xi32>
      %swap3A_294 = vector.shape_cast %add3A_290 : vector<16xi32> to vector<16xi32>
      tpu.vector_store %arg5[%swap3A_291], %swap3A_294 {strides = array<i32>} : memref<1024xi32, #tpu.memory_space<vmem>>, vector<16xi32>,
      %add3A_295 = arith.constant 32 : i32
      %add3A_296 = arith.addi %scan3A_235, %add3A_295 : i32
      %add3A_297 = vector.broadcast %add3A_296 : i32 to vector<16xi32>
      %add3A_298 = arith.addi %iota3A, %add3A_297 : vector<16xi32>
      %ge3A_299 = arith.constant 200 : i32
      %ge3A_300 = vector.broadcast %ge3A_299 : i32 to vector<16xi32>
      %ge3A_301 = arith.cmpi sge, %add3A_298, %ge3A_300 : vector<16xi32>
      %jit3A_302 = arith.constant 200 : i32
      %jit3A_303 = arith.constant 0 : i32
      %broadcast_in_dim3A_304 = vector.broadcast %jit3A_302 : i32 to vector<16xi32>
      %broadcast_in_dim3A_305 = vector.broadcast %jit3A_303 : i32 to vector<16xi32>
      %select_n3A_306 = arith.select %ge3A_301, %broadcast_in_dim3A_304, %broadcast_in_dim3A_305 : vector<16xi1>, vector<16xi32>
      %sub3A_307 = arith.subi %add3A_298, %select_n3A_306 : vector<16xi32>
      %get3A_308 = arith.constant 160 : index
      %get3A_309 = tpu.vector_load %arg5[%get3A_308] {strides = array<i32>} : memref<1024xi32, #tpu.memory_space<vmem>>, vector<16xi32>,
      %get3A_310 = vector.shape_cast %get3A_309 : vector<16xi32> to vector<16xi32>
      %mul3A_311 = arith.constant 1000 : i32
      %mul3A_312 = vector.broadcast %mul3A_311 : i32 to vector<16xi32>
      %mul3A_313 = arith.muli %sub3A_307, %mul3A_312 : vector<16xi32>
      %add3A_314 = arith.addi %get3A_310, %mul3A_313 : vector<16xi32>
      %swap3A_315 = arith.constant 160 : index
      %swap3A_316 = tpu.vector_load %arg5[%swap3A_315] {strides = array<i32>} : memref<1024xi32, #tpu.memory_space<vmem>>, vector<16xi32>,
      %swap3A_317 = vector.shape_cast %swap3A_316 : vector<16xi32> to vector<16xi32>
      %swap3A_318 = vector.shape_cast %add3A_314 : vector<16xi32> to vector<16xi32>
      tpu.vector_store %arg5[%swap3A_315], %swap3A_318 {strides = array<i32>} : memref<1024xi32, #tpu.memory_space<vmem>>, vector<16xi32>,
      %add3A_319 = arith.constant 48 : i32
      %add3A_320 = arith.addi %scan3A_235, %add3A_319 : i32
      %add3A_321 = vector.broadcast %add3A_320 : i32 to vector<16xi32>
      %add3A_322 = arith.addi %iota3A, %add3A_321 : vector<16xi32>
      %ge3A_323 = arith.constant 200 : i32
      %ge3A_324 = vector.broadcast %ge3A_323 : i32 to vector<16xi32>
      %ge3A_325 = arith.cmpi sge, %add3A_322, %ge3A_324 : vector<16xi32>
      %jit3A_326 = arith.constant 200 : i32
      %jit3A_327 = arith.constant 0 : i32
      %broadcast_in_dim3A_328 = vector.broadcast %jit3A_326 : i32 to vector<16xi32>
      %broadcast_in_dim3A_329 = vector.broadcast %jit3A_327 : i32 to vector<16xi32>
      %select_n3A_330 = arith.select %ge3A_325, %broadcast_in_dim3A_328, %broadcast_in_dim3A_329 : vector<16xi1>, vector<16xi32>
      %sub3A_331 = arith.subi %add3A_322, %select_n3A_330 : vector<16xi32>
      %get3A_332 = arith.constant 176 : index
      %get3A_333 = tpu.vector_load %arg5[%get3A_332] {strides = array<i32>} : memref<1024xi32, #tpu.memory_space<vmem>>, vector<16xi32>,
      %get3A_334 = vector.shape_cast %get3A_333 : vector<16xi32> to vector<16xi32>
      %mul3A_335 = arith.constant 1000 : i32
      %mul3A_336 = vector.broadcast %mul3A_335 : i32 to vector<16xi32>
      %mul3A_337 = arith.muli %sub3A_331, %mul3A_336 : vector<16xi32>
      %add3A_338 = arith.addi %get3A_334, %mul3A_337 : vector<16xi32>
      %swap3A_339 = arith.constant 176 : index
      %swap3A_340 = tpu.vector_load %arg5[%swap3A_339] {strides = array<i32>} : memref<1024xi32, #tpu.memory_space<vmem>>, vector<16xi32>,
      %swap3A_341 = vector.shape_cast %swap3A_340 : vector<16xi32> to vector<16xi32>
      %swap3A_342 = vector.shape_cast %add3A_338 : vector<16xi32> to vector<16xi32>
      tpu.vector_store %arg5[%swap3A_339], %swap3A_342 {strides = array<i32>} : memref<1024xi32, #tpu.memory_space<vmem>>, vector<16xi32>,
      %gt3A = arith.constant 0 : i32
      %gt3A_343 = arith.cmpi sgt, %scan3A_234, %gt3A : i32
      %convert_element_type3A = arith.extui %gt3A_343 : i1 to i32
      %cond3A = arith.constant 0 : i32
      %cond3A_344 = arith.cmpi ne, %convert_element_type3A, %cond3A : i32
      scf.if %cond3A_344 {
        %dma_wait3A_4137 = arith.constant 0 : i32
        %dma_wait3A_4138 = arith.constant 0 : i32
        %dma_wait3A_4139 = tpu.memref_slice %arg4[%dma_wait3A_4137, %dma_wait3A_4138] : memref<3276800x256xf32, #tpu.memory_space<hbm>> -> memref<64x256xf32, #tpu.memory_space<hbm>>
        %dma_wait3A_4140 = arith.constant 0 : i32
        %dma_wait3A_4141 = arith.constant 0 : i32
        %dma_wait3A_4142 = tpu.memref_slice %arg4[%dma_wait3A_4140, %dma_wait3A_4141] : memref<3276800x256xf32, #tpu.memory_space<hbm>> -> memref<64x256xf32, #tpu.memory_space<hbm>>
        tpu.wait_dma2 semaphore(%arg19 : memref<!tpu.dma_semaphore, #tpu.memory_space<semaphore_mem>>) src(%arg9 : memref<64x256xf32, #tpu.memory_space<vmem>>) dst(%dma_wait3A_4142 : memref<64x256xf32, #tpu.memory_space<hbm>>)
      } else {
      }
      %rem3A = arith.constant 199936 : i32
      %rem3A_345 = arith.remsi %add3A_242, %rem3A : i32
      %dma_start3A_346 = arith.constant 0 : i32
      %dma_start3A_347 = tpu.memref_slice %arg3[%rem3A_345, %dma_start3A_346] : memref<200000x256xf32, #tpu.memory_space<hbm>> -> memref<64x256xf32, #tpu.memory_space<hbm>>
      %dma_start3A_348 = arith.constant 0 : i32
      %dma_start3A_349 = tpu.memref_slice %arg3[%rem3A_345, %dma_start3A_348] : memref<200000x256xf32, #tpu.memory_space<hbm>> -> memref<64x256xf32, #tpu.memory_space<hbm>>
      tpu.enqueue_dma source(%dma_start3A_349 : memref<64x256xf32, #tpu.memory_space<hbm>>) target(%arg9 : memref<64x256xf32, #tpu.memory_space<vmem>>) target_semaphore(%arg15 : memref<!tpu.dma_semaphore, #tpu.memory_space<semaphore_mem>>)
      %dma_wait3A_350 = arith.constant 0 : i32
      %dma_wait3A_351 = arith.constant 0 : i32
      %dma_wait3A_352 = tpu.memref_slice %arg3[%dma_wait3A_350, %dma_wait3A_351] : memref<200000x256xf32, #tpu.memory_space<hbm>> -> memref<64x256xf32, #tpu.memory_space<hbm>>
      %dma_wait3A_353 = arith.constant 0 : i32
      %dma_wait3A_354 = arith.constant 0 : i32
      %dma_wait3A_355 = tpu.memref_slice %arg3[%dma_wait3A_353, %dma_wait3A_354] : memref<200000x256xf32, #tpu.memory_space<hbm>> -> memref<64x256xf32, #tpu.memory_space<hbm>>
      tpu.wait_dma2 semaphore(%arg13 : memref<!tpu.dma_semaphore, #tpu.memory_space<semaphore_mem>>) src(%dma_wait3A_355 : memref<64x256xf32, #tpu.memory_space<hbm>>) dst(%arg7 : memref<64x256xf32, #tpu.memory_space<vmem>>)
      %dma_start3A_356 = arith.constant 0 : i32
      %dma_start3A_357 = tpu.memref_slice %arg4[%add3A_242, %dma_start3A_356] : memref<3276800x256xf32, #tpu.memory_space<hbm>> -> memref<64x256xf32, #tpu.memory_space<hbm>>
      %dma_start3A_358 = arith.constant 0 : i32
      %dma_start3A_359 = tpu.memref_slice %arg4[%add3A_242, %dma_start3A_358] : memref<3276800x256xf32, #tpu.memory_space<hbm>> -> memref<64x256xf32, #tpu.memory_space<hbm>>
      tpu.enqueue_dma source(%arg7 : memref<64x256xf32, #tpu.memory_space<vmem>>) target(%dma_start3A_359 : memref<64x256xf32, #tpu.memory_space<hbm>>) target_semaphore(%arg17 : memref<!tpu.dma_semaphore, #tpu.memory_space<semaphore_mem>>)
      %add3A_360 = arith.constant 64 : i32
      %add3A_361 = arith.addi %scan3A_235, %add3A_360 : i32
      %ge3A_362 = arith.constant 200 : i32
      %ge3A_363 = arith.cmpi sge, %add3A_361, %ge3A_362 : i32
      %jit3A_364 = arith.constant 200 : i32
      %jit3A_365 = arith.constant 0 : i32
      %select_n3A_366 = arith.select %ge3A_363, %jit3A_364, %jit3A_365 : i32
      %sub3A_367 = arith.subi %add3A_361, %select_n3A_366 : i32
      %add3A_368 = arith.constant 64 : i32
      %add3A_369 = arith.addi %add3A_240, %add3A_368 : i32
      %add3A_370 = arith.constant 0 : i32
      %add3A_371 = arith.addi %sub3A_367, %add3A_370 : i32
      %add3A_372 = vector.broadcast %add3A_371 : i32 to vector<16xi32>
      %add3A_373 = arith.addi %iota3A, %add3A_372 : vector<16xi32>
      %ge3A_374 = arith.constant 200 : i32
      %ge3A_375 = vector.broadcast %ge3A_374 : i32 to vector<16xi32>
      %ge3A_376 = arith.cmpi sge, %add3A_373, %ge3A_375 : vector<16xi32>
      %jit3A_377 = arith.constant 200 : i32
      %jit3A_378 = arith.constant 0 : i32
      %broadcast_in_dim3A_379 = vector.broadcast %jit3A_377 : i32 to vector<16xi32>
      %broadcast_in_dim3A_380 = vector.broadcast %jit3A_378 : i32 to vector<16xi32>
      %select_n3A_381 = arith.select %ge3A_376, %broadcast_in_dim3A_379, %broadcast_in_dim3A_380 : vector<16xi1>, vector<16xi32>
      %sub3A_382 = arith.subi %add3A_373, %select_n3A_381 : vector<16xi32>
      %get3A_383 = arith.constant 192 : index
      %get3A_384 = tpu.vector_load %arg5[%get3A_383] {strides = array<i32>} : memref<1024xi32, #tpu.memory_space<vmem>>, vector<16xi32>,
      %get3A_385 = vector.shape_cast %get3A_384 : vector<16xi32> to vector<16xi32>
      %mul3A_386 = arith.constant 1000 : i32
      %mul3A_387 = vector.broadcast %mul3A_386 : i32 to vector<16xi32>
      %mul3A_388 = arith.muli %sub3A_382, %mul3A_387 : vector<16xi32>
      %add3A_389 = arith.addi %get3A_385, %mul3A_388 : vector<16xi32>
      %swap3A_390 = arith.constant 192 : index
      %swap3A_391 = tpu.vector_load %arg5[%swap3A_390] {strides = array<i32>} : memref<1024xi32, #tpu.memory_space<vmem>>, vector<16xi32>,
      %swap3A_392 = vector.shape_cast %swap3A_391 : vector<16xi32> to vector<16xi32>
      %swap3A_393 = vector.shape_cast %add3A_389 : vector<16xi32> to vector<16xi32>
      tpu.vector_store %arg5[%swap3A_390], %swap3A_393 {strides = array<i32>} : memref<1024xi32, #tpu.memory_space<vmem>>, vector<16xi32>,
      %add3A_394 = arith.constant 16 : i32
      %add3A_395 = arith.addi %sub3A_367, %add3A_394 : i32
      %add3A_396 = vector.broadcast %add3A_395 : i32 to vector<16xi32>
      %add3A_397 = arith.addi %iota3A, %add3A_396 : vector<16xi32>
      %ge3A_398 = arith.constant 200 : i32
      %ge3A_399 = vector.broadcast %ge3A_398 : i32 to vector<16xi32>
      %ge3A_400 = arith.cmpi sge, %add3A_397, %ge3A_399 : vector<16xi32>
      %jit3A_401 = arith.constant 200 : i32
      %jit3A_402 = arith.constant 0 : i32
      %broadcast_in_dim3A_403 = vector.broadcast %jit3A_401 : i32 to vector<16xi32>
      %broadcast_in_dim3A_404 = vector.broadcast %jit3A_402 : i32 to vector<16xi32>
      %select_n3A_405 = arith.select %ge3A_400, %broadcast_in_dim3A_403, %broadcast_in_dim3A_404 : vector<16xi1>, vector<16xi32>
      %sub3A_406 = arith.subi %add3A_397, %select_n3A_405 : vector<16xi32>
      %get3A_407 = arith.constant 208 : index
      %get3A_408 = tpu.vector_load %arg5[%get3A_407] {strides = array<i32>} : memref<1024xi32, #tpu.memory_space<vmem>>, vector<16xi32>,
      %get3A_409 = vector.shape_cast %get3A_408 : vector<16xi32> to vector<16xi32>
      %mul3A_410 = arith.constant 1000 : i32
      %mul3A_411 = vector.broadcast %mul3A_410 : i32 to vector<16xi32>
      %mul3A_412 = arith.muli %sub3A_406, %mul3A_411 : vector<16xi32>
      %add3A_413 = arith.addi %get3A_409, %mul3A_412 : vector<16xi32>
      %swap3A_414 = arith.constant 208 : index
      %swap3A_415 = tpu.vector_load %arg5[%swap3A_414] {strides = array<i32>} : memref<1024xi32, #tpu.memory_space<vmem>>, vector<16xi32>,
      %swap3A_416 = vector.shape_cast %swap3A_415 : vector<16xi32> to vector<16xi32>
      %swap3A_417 = vector.shape_cast %add3A_413 : vector<16xi32> to vector<16xi32>
      tpu.vector_store %arg5[%swap3A_414], %swap3A_417 {strides = array<i32>} : memref<1024xi32, #tpu.memory_space<vmem>>, vector<16xi32>,
      %add3A_418 = arith.constant 32 : i32
      %add3A_419 = arith.addi %sub3A_367, %add3A_418 : i32
      %add3A_420 = vector.broadcast %add3A_419 : i32 to vector<16xi32>
      %add3A_421 = arith.addi %iota3A, %add3A_420 : vector<16xi32>
      %ge3A_422 = arith.constant 200 : i32
      %ge3A_423 = vector.broadcast %ge3A_422 : i32 to vector<16xi32>
      %ge3A_424 = arith.cmpi sge, %add3A_421, %ge3A_423 : vector<16xi32>
      %jit3A_425 = arith.constant 200 : i32
      %jit3A_426 = arith.constant 0 : i32
      %broadcast_in_dim3A_427 = vector.broadcast %jit3A_425 : i32 to vector<16xi32>
      %broadcast_in_dim3A_428 = vector.broadcast %jit3A_426 : i32 to vector<16xi32>
      %select_n3A_429 = arith.select %ge3A_424, %broadcast_in_dim3A_427, %broadcast_in_dim3A_428 : vector<16xi1>, vector<16xi32>
      %sub3A_430 = arith.subi %add3A_421, %select_n3A_429 : vector<16xi32>
      %get3A_431 = arith.constant 224 : index
      %get3A_432 = tpu.vector_load %arg5[%get3A_431] {strides = array<i32>} : memref<1024xi32, #tpu.memory_space<vmem>>, vector<16xi32>,
      %get3A_433 = vector.shape_cast %get3A_432 : vector<16xi32> to vector<16xi32>
      %mul3A_434 = arith.constant 1000 : i32
      %mul3A_435 = vector.broadcast %mul3A_434 : i32 to vector<16xi32>
      %mul3A_436 = arith.muli %sub3A_430, %mul3A_435 : vector<16xi32>
      %add3A_437 = arith.addi %get3A_433, %mul3A_436 : vector<16xi32>
      %swap3A_438 = arith.constant 224 : index
      %swap3A_439 = tpu.vector_load %arg5[%swap3A_438] {strides = array<i32>} : memref<1024xi32, #tpu.memory_space<vmem>>, vector<16xi32>,
      %swap3A_440 = vector.shape_cast %swap3A_439 : vector<16xi32> to vector<16xi32>
      %swap3A_441 = vector.shape_cast %add3A_437 : vector<16xi32> to vector<16xi32>
      tpu.vector_store %arg5[%swap3A_438], %swap3A_441 {strides = array<i32>} : memref<1024xi32, #tpu.memory_space<vmem>>, vector<16xi32>,
      %add3A_442 = arith.constant 48 : i32
      %add3A_443 = arith.addi %sub3A_367, %add3A_442 : i32
      %add3A_444 = vector.broadcast %add3A_443 : i32 to vector<16xi32>
      %add3A_445 = arith.addi %iota3A, %add3A_444 : vector<16xi32>
      %ge3A_446 = arith.constant 200 : i32
      %ge3A_447 = vector.broadcast %ge3A_446 : i32 to vector<16xi32>
      %ge3A_448 = arith.cmpi sge, %add3A_445, %ge3A_447 : vector<16xi32>
      %jit3A_449 = arith.constant 200 : i32
      %jit3A_450 = arith.constant 0 : i32
      %broadcast_in_dim3A_451 = vector.broadcast %jit3A_449 : i32 to vector<16xi32>
      %broadcast_in_dim3A_452 = vector.broadcast %jit3A_450 : i32 to vector<16xi32>
      %select_n3A_453 = arith.select %ge3A_448, %broadcast_in_dim3A_451, %broadcast_in_dim3A_452 : vector<16xi1>, vector<16xi32>
      %sub3A_454 = arith.subi %add3A_445, %select_n3A_453 : vector<16xi32>
      %get3A_455 = arith.constant 240 : index
      %get3A_456 = tpu.vector_load %arg5[%get3A_455] {strides = array<i32>} : memref<1024xi32, #tpu.memory_space<vmem>>, vector<16xi32>,
      %get3A_457 = vector.shape_cast %get3A_456 : vector<16xi32> to vector<16xi32>
      %mul3A_458 = arith.constant 1000 : i32
      %mul3A_459 = vector.broadcast %mul3A_458 : i32 to vector<16xi32>
      %mul3A_460 = arith.muli %sub3A_454, %mul3A_459 : vector<16xi32>
      %add3A_461 = arith.addi %get3A_457, %mul3A_460 : vector<16xi32>
      %swap3A_462 = arith.constant 240 : index
      %swap3A_463 = tpu.vector_load %arg5[%swap3A_462] {strides = array<i32>} : memref<1024xi32, #tpu.memory_space<vmem>>, vector<16xi32>,
      %swap3A_464 = vector.shape_cast %swap3A_463 : vector<16xi32> to vector<16xi32>
      %swap3A_465 = vector.shape_cast %add3A_461 : vector<16xi32> to vector<16xi32>
      tpu.vector_store %arg5[%swap3A_462], %swap3A_465 {strides = array<i32>} : memref<1024xi32, #tpu.memory_space<vmem>>, vector<16xi32>,
      %gt3A_466 = arith.constant 0 : i32
      %gt3A_467 = arith.cmpi sgt, %scan3A_234, %gt3A_466 : i32
      %convert_element_type3A_468 = arith.extui %gt3A_467 : i1 to i32
      %cond3A_469 = arith.constant 0 : i32
      %cond3A_470 = arith.cmpi ne, %convert_element_type3A_468, %cond3A_469 : i32
      scf.if %cond3A_470 {
        %dma_wait3A_4137 = arith.constant 0 : i32
        %dma_wait3A_4138 = arith.constant 0 : i32
        %dma_wait3A_4139 = tpu.memref_slice %arg4[%dma_wait3A_4137, %dma_wait3A_4138] : memref<3276800x256xf32, #tpu.memory_space<hbm>> -> memref<64x256xf32, #tpu.memory_space<hbm>>
        %dma_wait3A_4140 = arith.constant 0 : i32
        %dma_wait3A_4141 = arith.constant 0 : i32
        %dma_wait3A_4142 = tpu.memref_slice %arg4[%dma_wait3A_4140, %dma_wait3A_4141] : memref<3276800x256xf32, #tpu.memory_space<hbm>> -> memref<64x256xf32, #tpu.memory_space<hbm>>
        tpu.wait_dma2 semaphore(%arg20 : memref<!tpu.dma_semaphore, #tpu.memory_space<semaphore_mem>>) src(%arg10 : memref<64x256xf32, #tpu.memory_space<vmem>>) dst(%dma_wait3A_4142 : memref<64x256xf32, #tpu.memory_space<hbm>>)
      } else {
      }
      %rem3A_471 = arith.constant 199936 : i32
      %rem3A_472 = arith.remsi %add3A_369, %rem3A_471 : i32
      %dma_start3A_473 = arith.constant 0 : i32
      %dma_start3A_474 = tpu.memref_slice %arg3[%rem3A_472, %dma_start3A_473] : memref<200000x256xf32, #tpu.memory_space<hbm>> -> memref<64x256xf32, #tpu.memory_space<hbm>>
      %dma_start3A_475 = arith.constant 0 : i32
      %dma_start3A_476 = tpu.memref_slice %arg3[%rem3A_472, %dma_start3A_475] : memref<200000x256xf32, #tpu.memory_space<hbm>> -> memref<64x256xf32, #tpu.memory_space<hbm>>
      tpu.enqueue_dma source(%dma_start3A_476 : memref<64x256xf32, #tpu.memory_space<hbm>>) target(%arg10 : memref<64x256xf32, #tpu.memory_space<vmem>>) target_semaphore(%arg16 : memref<!tpu.dma_semaphore, #tpu.memory_space<semaphore_mem>>)
      %dma_wait3A_477 = arith.constant 0 : i32
      %dma_wait3A_478 = arith.constant 0 : i32
      %dma_wait3A_479 = tpu.memref_slice %arg3[%dma_wait3A_477, %dma_wait3A_478] : memref<200000x256xf32, #tpu.memory_space<hbm>> -> memref<64x256xf32, #tpu.memory_space<hbm>>
      %dma_wait3A_480 = arith.constant 0 : i32
      %dma_wait3A_481 = arith.constant 0 : i32
      %dma_wait3A_482 = tpu.memref_slice %arg3[%dma_wait3A_480, %dma_wait3A_481] : memref<200000x256xf32, #tpu.memory_space<hbm>> -> memref<64x256xf32, #tpu.memory_space<hbm>>
      tpu.wait_dma2 semaphore(%arg14 : memref<!tpu.dma_semaphore, #tpu.memory_space<semaphore_mem>>) src(%dma_wait3A_482 : memref<64x256xf32, #tpu.memory_space<hbm>>) dst(%arg8 : memref<64x256xf32, #tpu.memory_space<vmem>>)
      %dma_start3A_483 = arith.constant 0 : i32
      %dma_start3A_484 = tpu.memref_slice %arg4[%add3A_369, %dma_start3A_483] : memref<3276800x256xf32, #tpu.memory_space<hbm>> -> memref<64x256xf32, #tpu.memory_space<hbm>>
      %dma_start3A_485 = arith.constant 0 : i32
      %dma_start3A_486 = tpu.memref_slice %arg4[%add3A_369, %dma_start3A_485] : memref<3276800x256xf32, #tpu.memory_space<hbm>> -> memref<64x256xf32, #tpu.memory_space<hbm>>
      tpu.enqueue_dma source(%arg8 : memref<64x256xf32, #tpu.memory_space<vmem>>) target(%dma_start3A_486 : memref<64x256xf32, #tpu.memory_space<hbm>>) target_semaphore(%arg18 : memref<!tpu.dma_semaphore, #tpu.memory_space<semaphore_mem>>)
      %add3A_487 = arith.constant 64 : i32
      %add3A_488 = arith.addi %sub3A_367, %add3A_487 : i32
      %ge3A_489 = arith.constant 200 : i32
      %ge3A_490 = arith.cmpi sge, %add3A_488, %ge3A_489 : i32
      %jit3A_491 = arith.constant 200 : i32
      %jit3A_492 = arith.constant 0 : i32
      %select_n3A_493 = arith.select %ge3A_490, %jit3A_491, %jit3A_492 : i32
      %sub3A_494 = arith.subi %add3A_488, %select_n3A_493 : i32
      %add3A_495 = arith.constant 128 : i32
      %add3A_496 = arith.addi %add3A_240, %add3A_495 : i32
      %add3A_497 = arith.constant 0 : i32
      %add3A_498 = arith.addi %sub3A_494, %add3A_497 : i32
      %add3A_499 = vector.broadcast %add3A_498 : i32 to vector<16xi32>
      %add3A_500 = arith.addi %iota3A, %add3A_499 : vector<16xi32>
      %ge3A_501 = arith.constant 200 : i32
      %ge3A_502 = vector.broadcast %ge3A_501 : i32 to vector<16xi32>
      %ge3A_503 = arith.cmpi sge, %add3A_500, %ge3A_502 : vector<16xi32>
      %jit3A_504 = arith.constant 200 : i32
      %jit3A_505 = arith.constant 0 : i32
      %broadcast_in_dim3A_506 = vector.broadcast %jit3A_504 : i32 to vector<16xi32>
      %broadcast_in_dim3A_507 = vector.broadcast %jit3A_505 : i32 to vector<16xi32>
      %select_n3A_508 = arith.select %ge3A_503, %broadcast_in_dim3A_506, %broadcast_in_dim3A_507 : vector<16xi1>, vector<16xi32>
      %sub3A_509 = arith.subi %add3A_500, %select_n3A_508 : vector<16xi32>
      %get3A_510 = arith.constant 256 : index
      %get3A_511 = tpu.vector_load %arg5[%get3A_510] {strides = array<i32>} : memref<1024xi32, #tpu.memory_space<vmem>>, vector<16xi32>,
      %get3A_512 = vector.shape_cast %get3A_511 : vector<16xi32> to vector<16xi32>
      %mul3A_513 = arith.constant 1000 : i32
      %mul3A_514 = vector.broadcast %mul3A_513 : i32 to vector<16xi32>
      %mul3A_515 = arith.muli %sub3A_509, %mul3A_514 : vector<16xi32>
      %add3A_516 = arith.addi %get3A_512, %mul3A_515 : vector<16xi32>
      %swap3A_517 = arith.constant 256 : index
      %swap3A_518 = tpu.vector_load %arg5[%swap3A_517] {strides = array<i32>} : memref<1024xi32, #tpu.memory_space<vmem>>, vector<16xi32>,
      %swap3A_519 = vector.shape_cast %swap3A_518 : vector<16xi32> to vector<16xi32>
      %swap3A_520 = vector.shape_cast %add3A_516 : vector<16xi32> to vector<16xi32>
      tpu.vector_store %arg5[%swap3A_517], %swap3A_520 {strides = array<i32>} : memref<1024xi32, #tpu.memory_space<vmem>>, vector<16xi32>,
      %add3A_521 = arith.constant 16 : i32
      %add3A_522 = arith.addi %sub3A_494, %add3A_521 : i32
      %add3A_523 = vector.broadcast %add3A_522 : i32 to vector<16xi32>
      %add3A_524 = arith.addi %iota3A, %add3A_523 : vector<16xi32>
      %ge3A_525 = arith.constant 200 : i32
      %ge3A_526 = vector.broadcast %ge3A_525 : i32 to vector<16xi32>
      %ge3A_527 = arith.cmpi sge, %add3A_524, %ge3A_526 : vector<16xi32>
      %jit3A_528 = arith.constant 200 : i32
      %jit3A_529 = arith.constant 0 : i32
      %broadcast_in_dim3A_530 = vector.broadcast %jit3A_528 : i32 to vector<16xi32>
      %broadcast_in_dim3A_531 = vector.broadcast %jit3A_529 : i32 to vector<16xi32>
      %select_n3A_532 = arith.select %ge3A_527, %broadcast_in_dim3A_530, %broadcast_in_dim3A_531 : vector<16xi1>, vector<16xi32>
      %sub3A_533 = arith.subi %add3A_524, %select_n3A_532 : vector<16xi32>
      %get3A_534 = arith.constant 272 : index
      %get3A_535 = tpu.vector_load %arg5[%get3A_534] {strides = array<i32>} : memref<1024xi32, #tpu.memory_space<vmem>>, vector<16xi32>,
      %get3A_536 = vector.shape_cast %get3A_535 : vector<16xi32> to vector<16xi32>
      %mul3A_537 = arith.constant 1000 : i32
      %mul3A_538 = vector.broadcast %mul3A_537 : i32 to vector<16xi32>
      %mul3A_539 = arith.muli %sub3A_533, %mul3A_538 : vector<16xi32>
      %add3A_540 = arith.addi %get3A_536, %mul3A_539 : vector<16xi32>
      %swap3A_541 = arith.constant 272 : index
      %swap3A_542 = tpu.vector_load %arg5[%swap3A_541] {strides = array<i32>} : memref<1024xi32, #tpu.memory_space<vmem>>, vector<16xi32>,
      %swap3A_543 = vector.shape_cast %swap3A_542 : vector<16xi32> to vector<16xi32>
      %swap3A_544 = vector.shape_cast %add3A_540 : vector<16xi32> to vector<16xi32>
      tpu.vector_store %arg5[%swap3A_541], %swap3A_544 {strides = array<i32>} : memref<1024xi32, #tpu.memory_space<vmem>>, vector<16xi32>,
      %add3A_545 = arith.constant 32 : i32
      %add3A_546 = arith.addi %sub3A_494, %add3A_545 : i32
      %add3A_547 = vector.broadcast %add3A_546 : i32 to vector<16xi32>
      %add3A_548 = arith.addi %iota3A, %add3A_547 : vector<16xi32>
      %ge3A_549 = arith.constant 200 : i32
      %ge3A_550 = vector.broadcast %ge3A_549 : i32 to vector<16xi32>
      %ge3A_551 = arith.cmpi sge, %add3A_548, %ge3A_550 : vector<16xi32>
      %jit3A_552 = arith.constant 200 : i32
      %jit3A_553 = arith.constant 0 : i32
      %broadcast_in_dim3A_554 = vector.broadcast %jit3A_552 : i32 to vector<16xi32>
      %broadcast_in_dim3A_555 = vector.broadcast %jit3A_553 : i32 to vector<16xi32>
      %select_n3A_556 = arith.select %ge3A_551, %broadcast_in_dim3A_554, %broadcast_in_dim3A_555 : vector<16xi1>, vector<16xi32>
      %sub3A_557 = arith.subi %add3A_548, %select_n3A_556 : vector<16xi32>
      %get3A_558 = arith.constant 288 : index
      %get3A_559 = tpu.vector_load %arg5[%get3A_558] {strides = array<i32>} : memref<1024xi32, #tpu.memory_space<vmem>>, vector<16xi32>,
      %get3A_560 = vector.shape_cast %get3A_559 : vector<16xi32> to vector<16xi32>
      %mul3A_561 = arith.constant 1000 : i32
      %mul3A_562 = vector.broadcast %mul3A_561 : i32 to vector<16xi32>
      %mul3A_563 = arith.muli %sub3A_557, %mul3A_562 : vector<16xi32>
      %add3A_564 = arith.addi %get3A_560, %mul3A_563 : vector<16xi32>
      %swap3A_565 = arith.constant 288 : index
      %swap3A_566 = tpu.vector_load %arg5[%swap3A_565] {strides = array<i32>} : memref<1024xi32, #tpu.memory_space<vmem>>, vector<16xi32>,
      %swap3A_567 = vector.shape_cast %swap3A_566 : vector<16xi32> to vector<16xi32>
      %swap3A_568 = vector.shape_cast %add3A_564 : vector<16xi32> to vector<16xi32>
      tpu.vector_store %arg5[%swap3A_565], %swap3A_568 {strides = array<i32>} : memref<1024xi32, #tpu.memory_space<vmem>>, vector<16xi32>,
      %add3A_569 = arith.constant 48 : i32
      %add3A_570 = arith.addi %sub3A_494, %add3A_569 : i32
      %add3A_571 = vector.broadcast %add3A_570 : i32 to vector<16xi32>
      %add3A_572 = arith.addi %iota3A, %add3A_571 : vector<16xi32>
      %ge3A_573 = arith.constant 200 : i32
      %ge3A_574 = vector.broadcast %ge3A_573 : i32 to vector<16xi32>
      %ge3A_575 = arith.cmpi sge, %add3A_572, %ge3A_574 : vector<16xi32>
      %jit3A_576 = arith.constant 200 : i32
      %jit3A_577 = arith.constant 0 : i32
      %broadcast_in_dim3A_578 = vector.broadcast %jit3A_576 : i32 to vector<16xi32>
      %broadcast_in_dim3A_579 = vector.broadcast %jit3A_577 : i32 to vector<16xi32>
      %select_n3A_580 = arith.select %ge3A_575, %broadcast_in_dim3A_578, %broadcast_in_dim3A_579 : vector<16xi1>, vector<16xi32>
      %sub3A_581 = arith.subi %add3A_572, %select_n3A_580 : vector<16xi32>
      %get3A_582 = arith.constant 304 : index
      %get3A_583 = tpu.vector_load %arg5[%get3A_582] {strides = array<i32>} : memref<1024xi32, #tpu.memory_space<vmem>>, vector<16xi32>,
      %get3A_584 = vector.shape_cast %get3A_583 : vector<16xi32> to vector<16xi32>
      %mul3A_585 = arith.constant 1000 : i32
      %mul3A_586 = vector.broadcast %mul3A_585 : i32 to vector<16xi32>
      %mul3A_587 = arith.muli %sub3A_581, %mul3A_586 : vector<16xi32>
      %add3A_588 = arith.addi %get3A_584, %mul3A_587 : vector<16xi32>
      %swap3A_589 = arith.constant 304 : index
      %swap3A_590 = tpu.vector_load %arg5[%swap3A_589] {strides = array<i32>} : memref<1024xi32, #tpu.memory_space<vmem>>, vector<16xi32>,
      %swap3A_591 = vector.shape_cast %swap3A_590 : vector<16xi32> to vector<16xi32>
      %swap3A_592 = vector.shape_cast %add3A_588 : vector<16xi32> to vector<16xi32>
      tpu.vector_store %arg5[%swap3A_589], %swap3A_592 {strides = array<i32>} : memref<1024xi32, #tpu.memory_space<vmem>>, vector<16xi32>,
      %dma_wait3A_593 = arith.constant 0 : i32
      %dma_wait3A_594 = arith.constant 0 : i32
      %dma_wait3A_595 = tpu.memref_slice %arg4[%dma_wait3A_593, %dma_wait3A_594] : memref<3276800x256xf32, #tpu.memory_space<hbm>> -> memref<64x256xf32, #tpu.memory_space<hbm>>
      %dma_wait3A_596 = arith.constant 0 : i32
      %dma_wait3A_597 = arith.constant 0 : i32
      %dma_wait3A_598 = tpu.memref_slice %arg4[%dma_wait3A_596, %dma_wait3A_597] : memref<3276800x256xf32, #tpu.memory_space<hbm>> -> memref<64x256xf32, #tpu.memory_space<hbm>>
      tpu.wait_dma2 semaphore(%arg17 : memref<!tpu.dma_semaphore, #tpu.memory_space<semaphore_mem>>) src(%arg7 : memref<64x256xf32, #tpu.memory_space<vmem>>) dst(%dma_wait3A_598 : memref<64x256xf32, #tpu.memory_space<hbm>>)
      %rem3A_599 = arith.constant 199936 : i32
      %rem3A_600 = arith.remsi %add3A_496, %rem3A_599 : i32
      %dma_start3A_601 = arith.constant 0 : i32
      %dma_start3A_602 = tpu.memref_slice %arg3[%rem3A_600, %dma_start3A_601] : memref<200000x256xf32, #tpu.memory_space<hbm>> -> memref<64x256xf32, #tpu.memory_space<hbm>>
      %dma_start3A_603 = arith.constant 0 : i32
      %dma_start3A_604 = tpu.memref_slice %arg3[%rem3A_600, %dma_start3A_603] : memref<200000x256xf32, #tpu.memory_space<hbm>> -> memref<64x256xf32, #tpu.memory_space<hbm>>
      tpu.enqueue_dma source(%dma_start3A_604 : memref<64x256xf32, #tpu.memory_space<hbm>>) target(%arg7 : memref<64x256xf32, #tpu.memory_space<vmem>>) target_semaphore(%arg13 : memref<!tpu.dma_semaphore, #tpu.memory_space<semaphore_mem>>)
      %dma_wait3A_605 = arith.constant 0 : i32
      %dma_wait3A_606 = arith.constant 0 : i32
      %dma_wait3A_607 = tpu.memref_slice %arg3[%dma_wait3A_605, %dma_wait3A_606] : memref<200000x256xf32, #tpu.memory_space<hbm>> -> memref<64x256xf32, #tpu.memory_space<hbm>>
      %dma_wait3A_608 = arith.constant 0 : i32
      %dma_wait3A_609 = arith.constant 0 : i32
      %dma_wait3A_610 = tpu.memref_slice %arg3[%dma_wait3A_608, %dma_wait3A_609] : memref<200000x256xf32, #tpu.memory_space<hbm>> -> memref<64x256xf32, #tpu.memory_space<hbm>>
      tpu.wait_dma2 semaphore(%arg15 : memref<!tpu.dma_semaphore, #tpu.memory_space<semaphore_mem>>) src(%dma_wait3A_610 : memref<64x256xf32, #tpu.memory_space<hbm>>) dst(%arg9 : memref<64x256xf32, #tpu.memory_space<vmem>>)
      %dma_start3A_611 = arith.constant 0 : i32
      %dma_start3A_612 = tpu.memref_slice %arg4[%add3A_496, %dma_start3A_611] : memref<3276800x256xf32, #tpu.memory_space<hbm>> -> memref<64x256xf32, #tpu.memory_space<hbm>>
      %dma_start3A_613 = arith.constant 0 : i32
      %dma_start3A_614 = tpu.memref_slice %arg4[%add3A_496, %dma_start3A_613] : memref<3276800x256xf32, #tpu.memory_space<hbm>> -> memref<64x256xf32, #tpu.memory_space<hbm>>
      tpu.enqueue_dma source(%arg9 : memref<64x256xf32, #tpu.memory_space<vmem>>) target(%dma_start3A_614 : memref<64x256xf32, #tpu.memory_space<hbm>>) target_semaphore(%arg19 : memref<!tpu.dma_semaphore, #tpu.memory_space<semaphore_mem>>)
      %add3A_615 = arith.constant 64 : i32
      %add3A_616 = arith.addi %sub3A_494, %add3A_615 : i32
      %ge3A_617 = arith.constant 200 : i32
      %ge3A_618 = arith.cmpi sge, %add3A_616, %ge3A_617 : i32
      %jit3A_619 = arith.constant 200 : i32
      %jit3A_620 = arith.constant 0 : i32
      %select_n3A_621 = arith.select %ge3A_618, %jit3A_619, %jit3A_620 : i32
      %sub3A_622 = arith.subi %add3A_616, %select_n3A_621 : i32
      %add3A_623 = arith.constant 192 : i32
      %add3A_624 = arith.addi %add3A_240, %add3A_623 : i32
      %add3A_625 = arith.constant 0 : i32
      %add3A_626 = arith.addi %sub3A_622, %add3A_625 : i32
      %add3A_627 = vector.broadcast %add3A_626 : i32 to vector<16xi32>
      %add3A_628 = arith.addi %iota3A, %add3A_627 : vector<16xi32>
      %ge3A_629 = arith.constant 200 : i32
      %ge3A_630 = vector.broadcast %ge3A_629 : i32 to vector<16xi32>
      %ge3A_631 = arith.cmpi sge, %add3A_628, %ge3A_630 : vector<16xi32>
      %jit3A_632 = arith.constant 200 : i32
      %jit3A_633 = arith.constant 0 : i32
      %broadcast_in_dim3A_634 = vector.broadcast %jit3A_632 : i32 to vector<16xi32>
      %broadcast_in_dim3A_635 = vector.broadcast %jit3A_633 : i32 to vector<16xi32>
      %select_n3A_636 = arith.select %ge3A_631, %broadcast_in_dim3A_634, %broadcast_in_dim3A_635 : vector<16xi1>, vector<16xi32>
      %sub3A_637 = arith.subi %add3A_628, %select_n3A_636 : vector<16xi32>
      %get3A_638 = arith.constant 320 : index
      %get3A_639 = tpu.vector_load %arg5[%get3A_638] {strides = array<i32>} : memref<1024xi32, #tpu.memory_space<vmem>>, vector<16xi32>,
      %get3A_640 = vector.shape_cast %get3A_639 : vector<16xi32> to vector<16xi32>
      %mul3A_641 = arith.constant 1000 : i32
      %mul3A_642 = vector.broadcast %mul3A_641 : i32 to vector<16xi32>
      %mul3A_643 = arith.muli %sub3A_637, %mul3A_642 : vector<16xi32>
      %add3A_644 = arith.addi %get3A_640, %mul3A_643 : vector<16xi32>
      %swap3A_645 = arith.constant 320 : index
      %swap3A_646 = tpu.vector_load %arg5[%swap3A_645] {strides = array<i32>} : memref<1024xi32, #tpu.memory_space<vmem>>, vector<16xi32>,
      %swap3A_647 = vector.shape_cast %swap3A_646 : vector<16xi32> to vector<16xi32>
      %swap3A_648 = vector.shape_cast %add3A_644 : vector<16xi32> to vector<16xi32>
      tpu.vector_store %arg5[%swap3A_645], %swap3A_648 {strides = array<i32>} : memref<1024xi32, #tpu.memory_space<vmem>>, vector<16xi32>,
      %add3A_649 = arith.constant 16 : i32
      %add3A_650 = arith.addi %sub3A_622, %add3A_649 : i32
      %add3A_651 = vector.broadcast %add3A_650 : i32 to vector<16xi32>
      %add3A_652 = arith.addi %iota3A, %add3A_651 : vector<16xi32>
      %ge3A_653 = arith.constant 200 : i32
      %ge3A_654 = vector.broadcast %ge3A_653 : i32 to vector<16xi32>
      %ge3A_655 = arith.cmpi sge, %add3A_652, %ge3A_654 : vector<16xi32>
      %jit3A_656 = arith.constant 200 : i32
      %jit3A_657 = arith.constant 0 : i32
      %broadcast_in_dim3A_658 = vector.broadcast %jit3A_656 : i32 to vector<16xi32>
      %broadcast_in_dim3A_659 = vector.broadcast %jit3A_657 : i32 to vector<16xi32>
      %select_n3A_660 = arith.select %ge3A_655, %broadcast_in_dim3A_658, %broadcast_in_dim3A_659 : vector<16xi1>, vector<16xi32>
      %sub3A_661 = arith.subi %add3A_652, %select_n3A_660 : vector<16xi32>
      %get3A_662 = arith.constant 336 : index
      %get3A_663 = tpu.vector_load %arg5[%get3A_662] {strides = array<i32>} : memref<1024xi32, #tpu.memory_space<vmem>>, vector<16xi32>,
      %get3A_664 = vector.shape_cast %get3A_663 : vector<16xi32> to vector<16xi32>
      %mul3A_665 = arith.constant 1000 : i32
      %mul3A_666 = vector.broadcast %mul3A_665 : i32 to vector<16xi32>
      %mul3A_667 = arith.muli %sub3A_661, %mul3A_666 : vector<16xi32>
      %add3A_668 = arith.addi %get3A_664, %mul3A_667 : vector<16xi32>
      %swap3A_669 = arith.constant 336 : index
      %swap3A_670 = tpu.vector_load %arg5[%swap3A_669] {strides = array<i32>} : memref<1024xi32, #tpu.memory_space<vmem>>, vector<16xi32>,
      %swap3A_671 = vector.shape_cast %swap3A_670 : vector<16xi32> to vector<16xi32>
      %swap3A_672 = vector.shape_cast %add3A_668 : vector<16xi32> to vector<16xi32>
      tpu.vector_store %arg5[%swap3A_669], %swap3A_672 {strides = array<i32>} : memref<1024xi32, #tpu.memory_space<vmem>>, vector<16xi32>,
      %add3A_673 = arith.constant 32 : i32
      %add3A_674 = arith.addi %sub3A_622, %add3A_673 : i32
      %add3A_675 = vector.broadcast %add3A_674 : i32 to vector<16xi32>
      %add3A_676 = arith.addi %iota3A, %add3A_675 : vector<16xi32>
      %ge3A_677 = arith.constant 200 : i32
      %ge3A_678 = vector.broadcast %ge3A_677 : i32 to vector<16xi32>
      %ge3A_679 = arith.cmpi sge, %add3A_676, %ge3A_678 : vector<16xi32>
      %jit3A_680 = arith.constant 200 : i32
      %jit3A_681 = arith.constant 0 : i32
      %broadcast_in_dim3A_682 = vector.broadcast %jit3A_680 : i32 to vector<16xi32>
      %broadcast_in_dim3A_683 = vector.broadcast %jit3A_681 : i32 to vector<16xi32>
      %select_n3A_684 = arith.select %ge3A_679, %broadcast_in_dim3A_682, %broadcast_in_dim3A_683 : vector<16xi1>, vector<16xi32>
      %sub3A_685 = arith.subi %add3A_676, %select_n3A_684 : vector<16xi32>
      %get3A_686 = arith.constant 352 : index
      %get3A_687 = tpu.vector_load %arg5[%get3A_686] {strides = array<i32>} : memref<1024xi32, #tpu.memory_space<vmem>>, vector<16xi32>,
      %get3A_688 = vector.shape_cast %get3A_687 : vector<16xi32> to vector<16xi32>
      %mul3A_689 = arith.constant 1000 : i32
      %mul3A_690 = vector.broadcast %mul3A_689 : i32 to vector<16xi32>
      %mul3A_691 = arith.muli %sub3A_685, %mul3A_690 : vector<16xi32>
      %add3A_692 = arith.addi %get3A_688, %mul3A_691 : vector<16xi32>
      %swap3A_693 = arith.constant 352 : index
      %swap3A_694 = tpu.vector_load %arg5[%swap3A_693] {strides = array<i32>} : memref<1024xi32, #tpu.memory_space<vmem>>, vector<16xi32>,
      %swap3A_695 = vector.shape_cast %swap3A_694 : vector<16xi32> to vector<16xi32>
      %swap3A_696 = vector.shape_cast %add3A_692 : vector<16xi32> to vector<16xi32>
      tpu.vector_store %arg5[%swap3A_693], %swap3A_696 {strides = array<i32>} : memref<1024xi32, #tpu.memory_space<vmem>>, vector<16xi32>,
      %add3A_697 = arith.constant 48 : i32
      %add3A_698 = arith.addi %sub3A_622, %add3A_697 : i32
      %add3A_699 = vector.broadcast %add3A_698 : i32 to vector<16xi32>
      %add3A_700 = arith.addi %iota3A, %add3A_699 : vector<16xi32>
      %ge3A_701 = arith.constant 200 : i32
      %ge3A_702 = vector.broadcast %ge3A_701 : i32 to vector<16xi32>
      %ge3A_703 = arith.cmpi sge, %add3A_700, %ge3A_702 : vector<16xi32>
      %jit3A_704 = arith.constant 200 : i32
      %jit3A_705 = arith.constant 0 : i32
      %broadcast_in_dim3A_706 = vector.broadcast %jit3A_704 : i32 to vector<16xi32>
      %broadcast_in_dim3A_707 = vector.broadcast %jit3A_705 : i32 to vector<16xi32>
      %select_n3A_708 = arith.select %ge3A_703, %broadcast_in_dim3A_706, %broadcast_in_dim3A_707 : vector<16xi1>, vector<16xi32>
      %sub3A_709 = arith.subi %add3A_700, %select_n3A_708 : vector<16xi32>
      %get3A_710 = arith.constant 368 : index
      %get3A_711 = tpu.vector_load %arg5[%get3A_710] {strides = array<i32>} : memref<1024xi32, #tpu.memory_space<vmem>>, vector<16xi32>,
      %get3A_712 = vector.shape_cast %get3A_711 : vector<16xi32> to vector<16xi32>
      %mul3A_713 = arith.constant 1000 : i32
      %mul3A_714 = vector.broadcast %mul3A_713 : i32 to vector<16xi32>
      %mul3A_715 = arith.muli %sub3A_709, %mul3A_714 : vector<16xi32>
      %add3A_716 = arith.addi %get3A_712, %mul3A_715 : vector<16xi32>
      %swap3A_717 = arith.constant 368 : index
      %swap3A_718 = tpu.vector_load %arg5[%swap3A_717] {strides = array<i32>} : memref<1024xi32, #tpu.memory_space<vmem>>, vector<16xi32>,
      %swap3A_719 = vector.shape_cast %swap3A_718 : vector<16xi32> to vector<16xi32>
      %swap3A_720 = vector.shape_cast %add3A_716 : vector<16xi32> to vector<16xi32>
      tpu.vector_store %arg5[%swap3A_717], %swap3A_720 {strides = array<i32>} : memref<1024xi32, #tpu.memory_space<vmem>>, vector<16xi32>,
      %dma_wait3A_721 = arith.constant 0 : i32
      %dma_wait3A_722 = arith.constant 0 : i32
      %dma_wait3A_723 = tpu.memref_slice %arg4[%dma_wait3A_721, %dma_wait3A_722] : memref<3276800x256xf32, #tpu.memory_space<hbm>> -> memref<64x256xf32, #tpu.memory_space<hbm>>
      %dma_wait3A_724 = arith.constant 0 : i32
      %dma_wait3A_725 = arith.constant 0 : i32
      %dma_wait3A_726 = tpu.memref_slice %arg4[%dma_wait3A_724, %dma_wait3A_725] : memref<3276800x256xf32, #tpu.memory_space<hbm>> -> memref<64x256xf32, #tpu.memory_space<hbm>>
      tpu.wait_dma2 semaphore(%arg18 : memref<!tpu.dma_semaphore, #tpu.memory_space<semaphore_mem>>) src(%arg8 : memref<64x256xf32, #tpu.memory_space<vmem>>) dst(%dma_wait3A_726 : memref<64x256xf32, #tpu.memory_space<hbm>>)
      %rem3A_727 = arith.constant 199936 : i32
      %rem3A_728 = arith.remsi %add3A_624, %rem3A_727 : i32
      %dma_start3A_729 = arith.constant 0 : i32
      %dma_start3A_730 = tpu.memref_slice %arg3[%rem3A_728, %dma_start3A_729] : memref<200000x256xf32, #tpu.memory_space<hbm>> -> memref<64x256xf32, #tpu.memory_space<hbm>>
      %dma_start3A_731 = arith.constant 0 : i32
      %dma_start3A_732 = tpu.memref_slice %arg3[%rem3A_728, %dma_start3A_731] : memref<200000x256xf32, #tpu.memory_space<hbm>> -> memref<64x256xf32, #tpu.memory_space<hbm>>
      tpu.enqueue_dma source(%dma_start3A_732 : memref<64x256xf32, #tpu.memory_space<hbm>>) target(%arg8 : memref<64x256xf32, #tpu.memory_space<vmem>>) target_semaphore(%arg14 : memref<!tpu.dma_semaphore, #tpu.memory_space<semaphore_mem>>)
      %dma_wait3A_733 = arith.constant 0 : i32
      %dma_wait3A_734 = arith.constant 0 : i32
      %dma_wait3A_735 = tpu.memref_slice %arg3[%dma_wait3A_733, %dma_wait3A_734] : memref<200000x256xf32, #tpu.memory_space<hbm>> -> memref<64x256xf32, #tpu.memory_space<hbm>>
      %dma_wait3A_736 = arith.constant 0 : i32
      %dma_wait3A_737 = arith.constant 0 : i32
      %dma_wait3A_738 = tpu.memref_slice %arg3[%dma_wait3A_736, %dma_wait3A_737] : memref<200000x256xf32, #tpu.memory_space<hbm>> -> memref<64x256xf32, #tpu.memory_space<hbm>>
      tpu.wait_dma2 semaphore(%arg16 : memref<!tpu.dma_semaphore, #tpu.memory_space<semaphore_mem>>) src(%dma_wait3A_738 : memref<64x256xf32, #tpu.memory_space<hbm>>) dst(%arg10 : memref<64x256xf32, #tpu.memory_space<vmem>>)
      %dma_start3A_739 = arith.constant 0 : i32
      %dma_start3A_740 = tpu.memref_slice %arg4[%add3A_624, %dma_start3A_739] : memref<3276800x256xf32, #tpu.memory_space<hbm>> -> memref<64x256xf32, #tpu.memory_space<hbm>>
      %dma_start3A_741 = arith.constant 0 : i32
      %dma_start3A_742 = tpu.memref_slice %arg4[%add3A_624, %dma_start3A_741] : memref<3276800x256xf32, #tpu.memory_space<hbm>> -> memref<64x256xf32, #tpu.memory_space<hbm>>
      tpu.enqueue_dma source(%arg10 : memref<64x256xf32, #tpu.memory_space<vmem>>) target(%dma_start3A_742 : memref<64x256xf32, #tpu.memory_space<hbm>>) target_semaphore(%arg20 : memref<!tpu.dma_semaphore, #tpu.memory_space<semaphore_mem>>)
      %add3A_743 = arith.constant 64 : i32
      %add3A_744 = arith.addi %sub3A_622, %add3A_743 : i32
      %ge3A_745 = arith.constant 200 : i32
      %ge3A_746 = arith.cmpi sge, %add3A_744, %ge3A_745 : i32
      %jit3A_747 = arith.constant 200 : i32
      %jit3A_748 = arith.constant 0 : i32
      %select_n3A_749 = arith.select %ge3A_746, %jit3A_747, %jit3A_748 : i32
      %sub3A_750 = arith.subi %add3A_744, %select_n3A_749 : i32
      %add3A_751 = arith.constant 256 : i32
      %add3A_752 = arith.addi %add3A_240, %add3A_751 : i32
      %add3A_753 = arith.constant 0 : i32
      %add3A_754 = arith.addi %sub3A_750, %add3A_753 : i32
      %add3A_755 = vector.broadcast %add3A_754 : i32 to vector<16xi32>
      %add3A_756 = arith.addi %iota3A, %add3A_755 : vector<16xi32>
      %ge3A_757 = arith.constant 200 : i32
      %ge3A_758 = vector.broadcast %ge3A_757 : i32 to vector<16xi32>
      %ge3A_759 = arith.cmpi sge, %add3A_756, %ge3A_758 : vector<16xi32>
      %jit3A_760 = arith.constant 200 : i32
      %jit3A_761 = arith.constant 0 : i32
      %broadcast_in_dim3A_762 = vector.broadcast %jit3A_760 : i32 to vector<16xi32>
      %broadcast_in_dim3A_763 = vector.broadcast %jit3A_761 : i32 to vector<16xi32>
      %select_n3A_764 = arith.select %ge3A_759, %broadcast_in_dim3A_762, %broadcast_in_dim3A_763 : vector<16xi1>, vector<16xi32>
      %sub3A_765 = arith.subi %add3A_756, %select_n3A_764 : vector<16xi32>
      %get3A_766 = arith.constant 384 : index
      %get3A_767 = tpu.vector_load %arg5[%get3A_766] {strides = array<i32>} : memref<1024xi32, #tpu.memory_space<vmem>>, vector<16xi32>,
      %get3A_768 = vector.shape_cast %get3A_767 : vector<16xi32> to vector<16xi32>
      %mul3A_769 = arith.constant 1000 : i32
      %mul3A_770 = vector.broadcast %mul3A_769 : i32 to vector<16xi32>
      %mul3A_771 = arith.muli %sub3A_765, %mul3A_770 : vector<16xi32>
      %add3A_772 = arith.addi %get3A_768, %mul3A_771 : vector<16xi32>
      %swap3A_773 = arith.constant 384 : index
      %swap3A_774 = tpu.vector_load %arg5[%swap3A_773] {strides = array<i32>} : memref<1024xi32, #tpu.memory_space<vmem>>, vector<16xi32>,
      %swap3A_775 = vector.shape_cast %swap3A_774 : vector<16xi32> to vector<16xi32>
      %swap3A_776 = vector.shape_cast %add3A_772 : vector<16xi32> to vector<16xi32>
      tpu.vector_store %arg5[%swap3A_773], %swap3A_776 {strides = array<i32>} : memref<1024xi32, #tpu.memory_space<vmem>>, vector<16xi32>,
      %add3A_777 = arith.constant 16 : i32
      %add3A_778 = arith.addi %sub3A_750, %add3A_777 : i32
      %add3A_779 = vector.broadcast %add3A_778 : i32 to vector<16xi32>
      %add3A_780 = arith.addi %iota3A, %add3A_779 : vector<16xi32>
      %ge3A_781 = arith.constant 200 : i32
      %ge3A_782 = vector.broadcast %ge3A_781 : i32 to vector<16xi32>
      %ge3A_783 = arith.cmpi sge, %add3A_780, %ge3A_782 : vector<16xi32>
      %jit3A_784 = arith.constant 200 : i32
      %jit3A_785 = arith.constant 0 : i32
      %broadcast_in_dim3A_786 = vector.broadcast %jit3A_784 : i32 to vector<16xi32>
      %broadcast_in_dim3A_787 = vector.broadcast %jit3A_785 : i32 to vector<16xi32>
      %select_n3A_788 = arith.select %ge3A_783, %broadcast_in_dim3A_786, %broadcast_in_dim3A_787 : vector<16xi1>, vector<16xi32>
      %sub3A_789 = arith.subi %add3A_780, %select_n3A_788 : vector<16xi32>
      %get3A_790 = arith.constant 400 : index
      %get3A_791 = tpu.vector_load %arg5[%get3A_790] {strides = array<i32>} : memref<1024xi32, #tpu.memory_space<vmem>>, vector<16xi32>,
      %get3A_792 = vector.shape_cast %get3A_791 : vector<16xi32> to vector<16xi32>
      %mul3A_793 = arith.constant 1000 : i32
      %mul3A_794 = vector.broadcast %mul3A_793 : i32 to vector<16xi32>
      %mul3A_795 = arith.muli %sub3A_789, %mul3A_794 : vector<16xi32>
      %add3A_796 = arith.addi %get3A_792, %mul3A_795 : vector<16xi32>
      %swap3A_797 = arith.constant 400 : index
      %swap3A_798 = tpu.vector_load %arg5[%swap3A_797] {strides = array<i32>} : memref<1024xi32, #tpu.memory_space<vmem>>, vector<16xi32>,
      %swap3A_799 = vector.shape_cast %swap3A_798 : vector<16xi32> to vector<16xi32>
      %swap3A_800 = vector.shape_cast %add3A_796 : vector<16xi32> to vector<16xi32>
      tpu.vector_store %arg5[%swap3A_797], %swap3A_800 {strides = array<i32>} : memref<1024xi32, #tpu.memory_space<vmem>>, vector<16xi32>,
      %add3A_801 = arith.constant 32 : i32
      %add3A_802 = arith.addi %sub3A_750, %add3A_801 : i32
      %add3A_803 = vector.broadcast %add3A_802 : i32 to vector<16xi32>
      %add3A_804 = arith.addi %iota3A, %add3A_803 : vector<16xi32>
      %ge3A_805 = arith.constant 200 : i32
      %ge3A_806 = vector.broadcast %ge3A_805 : i32 to vector<16xi32>
      %ge3A_807 = arith.cmpi sge, %add3A_804, %ge3A_806 : vector<16xi32>
      %jit3A_808 = arith.constant 200 : i32
      %jit3A_809 = arith.constant 0 : i32
      %broadcast_in_dim3A_810 = vector.broadcast %jit3A_808 : i32 to vector<16xi32>
      %broadcast_in_dim3A_811 = vector.broadcast %jit3A_809 : i32 to vector<16xi32>
      %select_n3A_812 = arith.select %ge3A_807, %broadcast_in_dim3A_810, %broadcast_in_dim3A_811 : vector<16xi1>, vector<16xi32>
      %sub3A_813 = arith.subi %add3A_804, %select_n3A_812 : vector<16xi32>
      %get3A_814 = arith.constant 416 : index
      %get3A_815 = tpu.vector_load %arg5[%get3A_814] {strides = array<i32>} : memref<1024xi32, #tpu.memory_space<vmem>>, vector<16xi32>,
      %get3A_816 = vector.shape_cast %get3A_815 : vector<16xi32> to vector<16xi32>
      %mul3A_817 = arith.constant 1000 : i32
      %mul3A_818 = vector.broadcast %mul3A_817 : i32 to vector<16xi32>
      %mul3A_819 = arith.muli %sub3A_813, %mul3A_818 : vector<16xi32>
      %add3A_820 = arith.addi %get3A_816, %mul3A_819 : vector<16xi32>
      %swap3A_821 = arith.constant 416 : index
      %swap3A_822 = tpu.vector_load %arg5[%swap3A_821] {strides = array<i32>} : memref<1024xi32, #tpu.memory_space<vmem>>, vector<16xi32>,
      %swap3A_823 = vector.shape_cast %swap3A_822 : vector<16xi32> to vector<16xi32>
      %swap3A_824 = vector.shape_cast %add3A_820 : vector<16xi32> to vector<16xi32>
      tpu.vector_store %arg5[%swap3A_821], %swap3A_824 {strides = array<i32>} : memref<1024xi32, #tpu.memory_space<vmem>>, vector<16xi32>,
      %add3A_825 = arith.constant 48 : i32
      %add3A_826 = arith.addi %sub3A_750, %add3A_825 : i32
      %add3A_827 = vector.broadcast %add3A_826 : i32 to vector<16xi32>
      %add3A_828 = arith.addi %iota3A, %add3A_827 : vector<16xi32>
      %ge3A_829 = arith.constant 200 : i32
      %ge3A_830 = vector.broadcast %ge3A_829 : i32 to vector<16xi32>
      %ge3A_831 = arith.cmpi sge, %add3A_828, %ge3A_830 : vector<16xi32>
      %jit3A_832 = arith.constant 200 : i32
      %jit3A_833 = arith.constant 0 : i32
      %broadcast_in_dim3A_834 = vector.broadcast %jit3A_832 : i32 to vector<16xi32>
      %broadcast_in_dim3A_835 = vector.broadcast %jit3A_833 : i32 to vector<16xi32>
      %select_n3A_836 = arith.select %ge3A_831, %broadcast_in_dim3A_834, %broadcast_in_dim3A_835 : vector<16xi1>, vector<16xi32>
      %sub3A_837 = arith.subi %add3A_828, %select_n3A_836 : vector<16xi32>
      %get3A_838 = arith.constant 432 : index
      %get3A_839 = tpu.vector_load %arg5[%get3A_838] {strides = array<i32>} : memref<1024xi32, #tpu.memory_space<vmem>>, vector<16xi32>,
      %get3A_840 = vector.shape_cast %get3A_839 : vector<16xi32> to vector<16xi32>
      %mul3A_841 = arith.constant 1000 : i32
      %mul3A_842 = vector.broadcast %mul3A_841 : i32 to vector<16xi32>
      %mul3A_843 = arith.muli %sub3A_837, %mul3A_842 : vector<16xi32>
      %add3A_844 = arith.addi %get3A_840, %mul3A_843 : vector<16xi32>
      %swap3A_845 = arith.constant 432 : index
      %swap3A_846 = tpu.vector_load %arg5[%swap3A_845] {strides = array<i32>} : memref<1024xi32, #tpu.memory_space<vmem>>, vector<16xi32>,
      %swap3A_847 = vector.shape_cast %swap3A_846 : vector<16xi32> to vector<16xi32>
      %swap3A_848 = vector.shape_cast %add3A_844 : vector<16xi32> to vector<16xi32>
      tpu.vector_store %arg5[%swap3A_845], %swap3A_848 {strides = array<i32>} : memref<1024xi32, #tpu.memory_space<vmem>>, vector<16xi32>,
      %dma_wait3A_849 = arith.constant 0 : i32
      %dma_wait3A_850 = arith.constant 0 : i32
      %dma_wait3A_851 = tpu.memref_slice %arg4[%dma_wait3A_849, %dma_wait3A_850] : memref<3276800x256xf32, #tpu.memory_space<hbm>> -> memref<64x256xf32, #tpu.memory_space<hbm>>
      %dma_wait3A_852 = arith.constant 0 : i32
      %dma_wait3A_853 = arith.constant 0 : i32
      %dma_wait3A_854 = tpu.memref_slice %arg4[%dma_wait3A_852, %dma_wait3A_853] : memref<3276800x256xf32, #tpu.memory_space<hbm>> -> memref<64x256xf32, #tpu.memory_space<hbm>>
      tpu.wait_dma2 semaphore(%arg19 : memref<!tpu.dma_semaphore, #tpu.memory_space<semaphore_mem>>) src(%arg9 : memref<64x256xf32, #tpu.memory_space<vmem>>) dst(%dma_wait3A_854 : memref<64x256xf32, #tpu.memory_space<hbm>>)
      %rem3A_855 = arith.constant 199936 : i32
      %rem3A_856 = arith.remsi %add3A_752, %rem3A_855 : i32
      %dma_start3A_857 = arith.constant 0 : i32
      %dma_start3A_858 = tpu.memref_slice %arg3[%rem3A_856, %dma_start3A_857] : memref<200000x256xf32, #tpu.memory_space<hbm>> -> memref<64x256xf32, #tpu.memory_space<hbm>>
      %dma_start3A_859 = arith.constant 0 : i32
      %dma_start3A_860 = tpu.memref_slice %arg3[%rem3A_856, %dma_start3A_859] : memref<200000x256xf32, #tpu.memory_space<hbm>> -> memref<64x256xf32, #tpu.memory_space<hbm>>
      tpu.enqueue_dma source(%dma_start3A_860 : memref<64x256xf32, #tpu.memory_space<hbm>>) target(%arg9 : memref<64x256xf32, #tpu.memory_space<vmem>>) target_semaphore(%arg15 : memref<!tpu.dma_semaphore, #tpu.memory_space<semaphore_mem>>)
      %dma_wait3A_861 = arith.constant 0 : i32
      %dma_wait3A_862 = arith.constant 0 : i32
      %dma_wait3A_863 = tpu.memref_slice %arg3[%dma_wait3A_861, %dma_wait3A_862] : memref<200000x256xf32, #tpu.memory_space<hbm>> -> memref<64x256xf32, #tpu.memory_space<hbm>>
      %dma_wait3A_864 = arith.constant 0 : i32
      %dma_wait3A_865 = arith.constant 0 : i32
      %dma_wait3A_866 = tpu.memref_slice %arg3[%dma_wait3A_864, %dma_wait3A_865] : memref<200000x256xf32, #tpu.memory_space<hbm>> -> memref<64x256xf32, #tpu.memory_space<hbm>>
      tpu.wait_dma2 semaphore(%arg13 : memref<!tpu.dma_semaphore, #tpu.memory_space<semaphore_mem>>) src(%dma_wait3A_866 : memref<64x256xf32, #tpu.memory_space<hbm>>) dst(%arg7 : memref<64x256xf32, #tpu.memory_space<vmem>>)
      %dma_start3A_867 = arith.constant 0 : i32
      %dma_start3A_868 = tpu.memref_slice %arg4[%add3A_752, %dma_start3A_867] : memref<3276800x256xf32, #tpu.memory_space<hbm>> -> memref<64x256xf32, #tpu.memory_space<hbm>>
      %dma_start3A_869 = arith.constant 0 : i32
      %dma_start3A_870 = tpu.memref_slice %arg4[%add3A_752, %dma_start3A_869] : memref<3276800x256xf32, #tpu.memory_space<hbm>> -> memref<64x256xf32, #tpu.memory_space<hbm>>
      tpu.enqueue_dma source(%arg7 : memref<64x256xf32, #tpu.memory_space<vmem>>) target(%dma_start3A_870 : memref<64x256xf32, #tpu.memory_space<hbm>>) target_semaphore(%arg17 : memref<!tpu.dma_semaphore, #tpu.memory_space<semaphore_mem>>)
      %add3A_871 = arith.constant 64 : i32
      %add3A_872 = arith.addi %sub3A_750, %add3A_871 : i32
      %ge3A_873 = arith.constant 200 : i32
      %ge3A_874 = arith.cmpi sge, %add3A_872, %ge3A_873 : i32
      %jit3A_875 = arith.constant 200 : i32
      %jit3A_876 = arith.constant 0 : i32
      %select_n3A_877 = arith.select %ge3A_874, %jit3A_875, %jit3A_876 : i32
      %sub3A_878 = arith.subi %add3A_872, %select_n3A_877 : i32
      %add3A_879 = arith.constant 320 : i32
      %add3A_880 = arith.addi %add3A_240, %add3A_879 : i32
      %add3A_881 = arith.constant 0 : i32
      %add3A_882 = arith.addi %sub3A_878, %add3A_881 : i32
      %add3A_883 = vector.broadcast %add3A_882 : i32 to vector<16xi32>
      %add3A_884 = arith.addi %iota3A, %add3A_883 : vector<16xi32>
      %ge3A_885 = arith.constant 200 : i32
      %ge3A_886 = vector.broadcast %ge3A_885 : i32 to vector<16xi32>
      %ge3A_887 = arith.cmpi sge, %add3A_884, %ge3A_886 : vector<16xi32>
      %jit3A_888 = arith.constant 200 : i32
      %jit3A_889 = arith.constant 0 : i32
      %broadcast_in_dim3A_890 = vector.broadcast %jit3A_888 : i32 to vector<16xi32>
      %broadcast_in_dim3A_891 = vector.broadcast %jit3A_889 : i32 to vector<16xi32>
      %select_n3A_892 = arith.select %ge3A_887, %broadcast_in_dim3A_890, %broadcast_in_dim3A_891 : vector<16xi1>, vector<16xi32>
      %sub3A_893 = arith.subi %add3A_884, %select_n3A_892 : vector<16xi32>
      %get3A_894 = arith.constant 448 : index
      %get3A_895 = tpu.vector_load %arg5[%get3A_894] {strides = array<i32>} : memref<1024xi32, #tpu.memory_space<vmem>>, vector<16xi32>,
      %get3A_896 = vector.shape_cast %get3A_895 : vector<16xi32> to vector<16xi32>
      %mul3A_897 = arith.constant 1000 : i32
      %mul3A_898 = vector.broadcast %mul3A_897 : i32 to vector<16xi32>
      %mul3A_899 = arith.muli %sub3A_893, %mul3A_898 : vector<16xi32>
      %add3A_900 = arith.addi %get3A_896, %mul3A_899 : vector<16xi32>
      %swap3A_901 = arith.constant 448 : index
      %swap3A_902 = tpu.vector_load %arg5[%swap3A_901] {strides = array<i32>} : memref<1024xi32, #tpu.memory_space<vmem>>, vector<16xi32>,
      %swap3A_903 = vector.shape_cast %swap3A_902 : vector<16xi32> to vector<16xi32>
      %swap3A_904 = vector.shape_cast %add3A_900 : vector<16xi32> to vector<16xi32>
      tpu.vector_store %arg5[%swap3A_901], %swap3A_904 {strides = array<i32>} : memref<1024xi32, #tpu.memory_space<vmem>>, vector<16xi32>,
      %add3A_905 = arith.constant 16 : i32
      %add3A_906 = arith.addi %sub3A_878, %add3A_905 : i32
      %add3A_907 = vector.broadcast %add3A_906 : i32 to vector<16xi32>
      %add3A_908 = arith.addi %iota3A, %add3A_907 : vector<16xi32>
      %ge3A_909 = arith.constant 200 : i32
      %ge3A_910 = vector.broadcast %ge3A_909 : i32 to vector<16xi32>
      %ge3A_911 = arith.cmpi sge, %add3A_908, %ge3A_910 : vector<16xi32>
      %jit3A_912 = arith.constant 200 : i32
      %jit3A_913 = arith.constant 0 : i32
      %broadcast_in_dim3A_914 = vector.broadcast %jit3A_912 : i32 to vector<16xi32>
      %broadcast_in_dim3A_915 = vector.broadcast %jit3A_913 : i32 to vector<16xi32>
      %select_n3A_916 = arith.select %ge3A_911, %broadcast_in_dim3A_914, %broadcast_in_dim3A_915 : vector<16xi1>, vector<16xi32>
      %sub3A_917 = arith.subi %add3A_908, %select_n3A_916 : vector<16xi32>
      %get3A_918 = arith.constant 464 : index
      %get3A_919 = tpu.vector_load %arg5[%get3A_918] {strides = array<i32>} : memref<1024xi32, #tpu.memory_space<vmem>>, vector<16xi32>,
      %get3A_920 = vector.shape_cast %get3A_919 : vector<16xi32> to vector<16xi32>
      %mul3A_921 = arith.constant 1000 : i32
      %mul3A_922 = vector.broadcast %mul3A_921 : i32 to vector<16xi32>
      %mul3A_923 = arith.muli %sub3A_917, %mul3A_922 : vector<16xi32>
      %add3A_924 = arith.addi %get3A_920, %mul3A_923 : vector<16xi32>
      %swap3A_925 = arith.constant 464 : index
      %swap3A_926 = tpu.vector_load %arg5[%swap3A_925] {strides = array<i32>} : memref<1024xi32, #tpu.memory_space<vmem>>, vector<16xi32>,
      %swap3A_927 = vector.shape_cast %swap3A_926 : vector<16xi32> to vector<16xi32>
      %swap3A_928 = vector.shape_cast %add3A_924 : vector<16xi32> to vector<16xi32>
      tpu.vector_store %arg5[%swap3A_925], %swap3A_928 {strides = array<i32>} : memref<1024xi32, #tpu.memory_space<vmem>>, vector<16xi32>,
      %add3A_929 = arith.constant 32 : i32
      %add3A_930 = arith.addi %sub3A_878, %add3A_929 : i32
      %add3A_931 = vector.broadcast %add3A_930 : i32 to vector<16xi32>
      %add3A_932 = arith.addi %iota3A, %add3A_931 : vector<16xi32>
      %ge3A_933 = arith.constant 200 : i32
      %ge3A_934 = vector.broadcast %ge3A_933 : i32 to vector<16xi32>
      %ge3A_935 = arith.cmpi sge, %add3A_932, %ge3A_934 : vector<16xi32>
      %jit3A_936 = arith.constant 200 : i32
      %jit3A_937 = arith.constant 0 : i32
      %broadcast_in_dim3A_938 = vector.broadcast %jit3A_936 : i32 to vector<16xi32>
      %broadcast_in_dim3A_939 = vector.broadcast %jit3A_937 : i32 to vector<16xi32>
      %select_n3A_940 = arith.select %ge3A_935, %broadcast_in_dim3A_938, %broadcast_in_dim3A_939 : vector<16xi1>, vector<16xi32>
      %sub3A_941 = arith.subi %add3A_932, %select_n3A_940 : vector<16xi32>
      %get3A_942 = arith.constant 480 : index
      %get3A_943 = tpu.vector_load %arg5[%get3A_942] {strides = array<i32>} : memref<1024xi32, #tpu.memory_space<vmem>>, vector<16xi32>,
      %get3A_944 = vector.shape_cast %get3A_943 : vector<16xi32> to vector<16xi32>
      %mul3A_945 = arith.constant 1000 : i32
      %mul3A_946 = vector.broadcast %mul3A_945 : i32 to vector<16xi32>
      %mul3A_947 = arith.muli %sub3A_941, %mul3A_946 : vector<16xi32>
      %add3A_948 = arith.addi %get3A_944, %mul3A_947 : vector<16xi32>
      %swap3A_949 = arith.constant 480 : index
      %swap3A_950 = tpu.vector_load %arg5[%swap3A_949] {strides = array<i32>} : memref<1024xi32, #tpu.memory_space<vmem>>, vector<16xi32>,
      %swap3A_951 = vector.shape_cast %swap3A_950 : vector<16xi32> to vector<16xi32>
      %swap3A_952 = vector.shape_cast %add3A_948 : vector<16xi32> to vector<16xi32>
      tpu.vector_store %arg5[%swap3A_949], %swap3A_952 {strides = array<i32>} : memref<1024xi32, #tpu.memory_space<vmem>>, vector<16xi32>,
      %add3A_953 = arith.constant 48 : i32
      %add3A_954 = arith.addi %sub3A_878, %add3A_953 : i32
      %add3A_955 = vector.broadcast %add3A_954 : i32 to vector<16xi32>
      %add3A_956 = arith.addi %iota3A, %add3A_955 : vector<16xi32>
      %ge3A_957 = arith.constant 200 : i32
      %ge3A_958 = vector.broadcast %ge3A_957 : i32 to vector<16xi32>
      %ge3A_959 = arith.cmpi sge, %add3A_956, %ge3A_958 : vector<16xi32>
      %jit3A_960 = arith.constant 200 : i32
      %jit3A_961 = arith.constant 0 : i32
      %broadcast_in_dim3A_962 = vector.broadcast %jit3A_960 : i32 to vector<16xi32>
      %broadcast_in_dim3A_963 = vector.broadcast %jit3A_961 : i32 to vector<16xi32>
      %select_n3A_964 = arith.select %ge3A_959, %broadcast_in_dim3A_962, %broadcast_in_dim3A_963 : vector<16xi1>, vector<16xi32>
      %sub3A_965 = arith.subi %add3A_956, %select_n3A_964 : vector<16xi32>
      %get3A_966 = arith.constant 496 : index
      %get3A_967 = tpu.vector_load %arg5[%get3A_966] {strides = array<i32>} : memref<1024xi32, #tpu.memory_space<vmem>>, vector<16xi32>,
      %get3A_968 = vector.shape_cast %get3A_967 : vector<16xi32> to vector<16xi32>
      %mul3A_969 = arith.constant 1000 : i32
      %mul3A_970 = vector.broadcast %mul3A_969 : i32 to vector<16xi32>
      %mul3A_971 = arith.muli %sub3A_965, %mul3A_970 : vector<16xi32>
      %add3A_972 = arith.addi %get3A_968, %mul3A_971 : vector<16xi32>
      %swap3A_973 = arith.constant 496 : index
      %swap3A_974 = tpu.vector_load %arg5[%swap3A_973] {strides = array<i32>} : memref<1024xi32, #tpu.memory_space<vmem>>, vector<16xi32>,
      %swap3A_975 = vector.shape_cast %swap3A_974 : vector<16xi32> to vector<16xi32>
      %swap3A_976 = vector.shape_cast %add3A_972 : vector<16xi32> to vector<16xi32>
      tpu.vector_store %arg5[%swap3A_973], %swap3A_976 {strides = array<i32>} : memref<1024xi32, #tpu.memory_space<vmem>>, vector<16xi32>,
      %dma_wait3A_977 = arith.constant 0 : i32
      %dma_wait3A_978 = arith.constant 0 : i32
      %dma_wait3A_979 = tpu.memref_slice %arg4[%dma_wait3A_977, %dma_wait3A_978] : memref<3276800x256xf32, #tpu.memory_space<hbm>> -> memref<64x256xf32, #tpu.memory_space<hbm>>
      %dma_wait3A_980 = arith.constant 0 : i32
      %dma_wait3A_981 = arith.constant 0 : i32
      %dma_wait3A_982 = tpu.memref_slice %arg4[%dma_wait3A_980, %dma_wait3A_981] : memref<3276800x256xf32, #tpu.memory_space<hbm>> -> memref<64x256xf32, #tpu.memory_space<hbm>>
      tpu.wait_dma2 semaphore(%arg20 : memref<!tpu.dma_semaphore, #tpu.memory_space<semaphore_mem>>) src(%arg10 : memref<64x256xf32, #tpu.memory_space<vmem>>) dst(%dma_wait3A_982 : memref<64x256xf32, #tpu.memory_space<hbm>>)
      %rem3A_983 = arith.constant 199936 : i32
      %rem3A_984 = arith.remsi %add3A_880, %rem3A_983 : i32
      %dma_start3A_985 = arith.constant 0 : i32
      %dma_start3A_986 = tpu.memref_slice %arg3[%rem3A_984, %dma_start3A_985] : memref<200000x256xf32, #tpu.memory_space<hbm>> -> memref<64x256xf32, #tpu.memory_space<hbm>>
      %dma_start3A_987 = arith.constant 0 : i32
      %dma_start3A_988 = tpu.memref_slice %arg3[%rem3A_984, %dma_start3A_987] : memref<200000x256xf32, #tpu.memory_space<hbm>> -> memref<64x256xf32, #tpu.memory_space<hbm>>
      tpu.enqueue_dma source(%dma_start3A_988 : memref<64x256xf32, #tpu.memory_space<hbm>>) target(%arg10 : memref<64x256xf32, #tpu.memory_space<vmem>>) target_semaphore(%arg16 : memref<!tpu.dma_semaphore, #tpu.memory_space<semaphore_mem>>)
      %dma_wait3A_989 = arith.constant 0 : i32
      %dma_wait3A_990 = arith.constant 0 : i32
      %dma_wait3A_991 = tpu.memref_slice %arg3[%dma_wait3A_989, %dma_wait3A_990] : memref<200000x256xf32, #tpu.memory_space<hbm>> -> memref<64x256xf32, #tpu.memory_space<hbm>>
      %dma_wait3A_992 = arith.constant 0 : i32
      %dma_wait3A_993 = arith.constant 0 : i32
      %dma_wait3A_994 = tpu.memref_slice %arg3[%dma_wait3A_992, %dma_wait3A_993] : memref<200000x256xf32, #tpu.memory_space<hbm>> -> memref<64x256xf32, #tpu.memory_space<hbm>>
      tpu.wait_dma2 semaphore(%arg14 : memref<!tpu.dma_semaphore, #tpu.memory_space<semaphore_mem>>) src(%dma_wait3A_994 : memref<64x256xf32, #tpu.memory_space<hbm>>) dst(%arg8 : memref<64x256xf32, #tpu.memory_space<vmem>>)
      %dma_start3A_995 = arith.constant 0 : i32
      %dma_start3A_996 = tpu.memref_slice %arg4[%add3A_880, %dma_start3A_995] : memref<3276800x256xf32, #tpu.memory_space<hbm>> -> memref<64x256xf32, #tpu.memory_space<hbm>>
      %dma_start3A_997 = arith.constant 0 : i32
      %dma_start3A_998 = tpu.memref_slice %arg4[%add3A_880, %dma_start3A_997] : memref<3276800x256xf32, #tpu.memory_space<hbm>> -> memref<64x256xf32, #tpu.memory_space<hbm>>
      tpu.enqueue_dma source(%arg8 : memref<64x256xf32, #tpu.memory_space<vmem>>) target(%dma_start3A_998 : memref<64x256xf32, #tpu.memory_space<hbm>>) target_semaphore(%arg18 : memref<!tpu.dma_semaphore, #tpu.memory_space<semaphore_mem>>)
      %add3A_999 = arith.constant 64 : i32
      %add3A_1000 = arith.addi %sub3A_878, %add3A_999 : i32
      %ge3A_1001 = arith.constant 200 : i32
      %ge3A_1002 = arith.cmpi sge, %add3A_1000, %ge3A_1001 : i32
      %jit3A_1003 = arith.constant 200 : i32
      %jit3A_1004 = arith.constant 0 : i32
      %select_n3A_1005 = arith.select %ge3A_1002, %jit3A_1003, %jit3A_1004 : i32
      %sub3A_1006 = arith.subi %add3A_1000, %select_n3A_1005 : i32
      %add3A_1007 = arith.constant 384 : i32
      %add3A_1008 = arith.addi %add3A_240, %add3A_1007 : i32
      %add3A_1009 = arith.constant 0 : i32
      %add3A_1010 = arith.addi %sub3A_1006, %add3A_1009 : i32
      %add3A_1011 = vector.broadcast %add3A_1010 : i32 to vector<16xi32>
      %add3A_1012 = arith.addi %iota3A, %add3A_1011 : vector<16xi32>
      %ge3A_1013 = arith.constant 200 : i32
      %ge3A_1014 = vector.broadcast %ge3A_1013 : i32 to vector<16xi32>
      %ge3A_1015 = arith.cmpi sge, %add3A_1012, %ge3A_1014 : vector<16xi32>
      %jit3A_1016 = arith.constant 200 : i32
      %jit3A_1017 = arith.constant 0 : i32
      %broadcast_in_dim3A_1018 = vector.broadcast %jit3A_1016 : i32 to vector<16xi32>
      %broadcast_in_dim3A_1019 = vector.broadcast %jit3A_1017 : i32 to vector<16xi32>
      %select_n3A_1020 = arith.select %ge3A_1015, %broadcast_in_dim3A_1018, %broadcast_in_dim3A_1019 : vector<16xi1>, vector<16xi32>
      %sub3A_1021 = arith.subi %add3A_1012, %select_n3A_1020 : vector<16xi32>
      %get3A_1022 = arith.constant 512 : index
      %get3A_1023 = tpu.vector_load %arg5[%get3A_1022] {strides = array<i32>} : memref<1024xi32, #tpu.memory_space<vmem>>, vector<16xi32>,
      %get3A_1024 = vector.shape_cast %get3A_1023 : vector<16xi32> to vector<16xi32>
      %mul3A_1025 = arith.constant 1000 : i32
      %mul3A_1026 = vector.broadcast %mul3A_1025 : i32 to vector<16xi32>
      %mul3A_1027 = arith.muli %sub3A_1021, %mul3A_1026 : vector<16xi32>
      %add3A_1028 = arith.addi %get3A_1024, %mul3A_1027 : vector<16xi32>
      %swap3A_1029 = arith.constant 512 : index
      %swap3A_1030 = tpu.vector_load %arg5[%swap3A_1029] {strides = array<i32>} : memref<1024xi32, #tpu.memory_space<vmem>>, vector<16xi32>,
      %swap3A_1031 = vector.shape_cast %swap3A_1030 : vector<16xi32> to vector<16xi32>
      %swap3A_1032 = vector.shape_cast %add3A_1028 : vector<16xi32> to vector<16xi32>
      tpu.vector_store %arg5[%swap3A_1029], %swap3A_1032 {strides = array<i32>} : memref<1024xi32, #tpu.memory_space<vmem>>, vector<16xi32>,
      %add3A_1033 = arith.constant 16 : i32
      %add3A_1034 = arith.addi %sub3A_1006, %add3A_1033 : i32
      %add3A_1035 = vector.broadcast %add3A_1034 : i32 to vector<16xi32>
      %add3A_1036 = arith.addi %iota3A, %add3A_1035 : vector<16xi32>
      %ge3A_1037 = arith.constant 200 : i32
      %ge3A_1038 = vector.broadcast %ge3A_1037 : i32 to vector<16xi32>
      %ge3A_1039 = arith.cmpi sge, %add3A_1036, %ge3A_1038 : vector<16xi32>
      %jit3A_1040 = arith.constant 200 : i32
      %jit3A_1041 = arith.constant 0 : i32
      %broadcast_in_dim3A_1042 = vector.broadcast %jit3A_1040 : i32 to vector<16xi32>
      %broadcast_in_dim3A_1043 = vector.broadcast %jit3A_1041 : i32 to vector<16xi32>
      %select_n3A_1044 = arith.select %ge3A_1039, %broadcast_in_dim3A_1042, %broadcast_in_dim3A_1043 : vector<16xi1>, vector<16xi32>
      %sub3A_1045 = arith.subi %add3A_1036, %select_n3A_1044 : vector<16xi32>
      %get3A_1046 = arith.constant 528 : index
      %get3A_1047 = tpu.vector_load %arg5[%get3A_1046] {strides = array<i32>} : memref<1024xi32, #tpu.memory_space<vmem>>, vector<16xi32>,
      %get3A_1048 = vector.shape_cast %get3A_1047 : vector<16xi32> to vector<16xi32>
      %mul3A_1049 = arith.constant 1000 : i32
      %mul3A_1050 = vector.broadcast %mul3A_1049 : i32 to vector<16xi32>
      %mul3A_1051 = arith.muli %sub3A_1045, %mul3A_1050 : vector<16xi32>
      %add3A_1052 = arith.addi %get3A_1048, %mul3A_1051 : vector<16xi32>
      %swap3A_1053 = arith.constant 528 : index
      %swap3A_1054 = tpu.vector_load %arg5[%swap3A_1053] {strides = array<i32>} : memref<1024xi32, #tpu.memory_space<vmem>>, vector<16xi32>,
      %swap3A_1055 = vector.shape_cast %swap3A_1054 : vector<16xi32> to vector<16xi32>
      %swap3A_1056 = vector.shape_cast %add3A_1052 : vector<16xi32> to vector<16xi32>
      tpu.vector_store %arg5[%swap3A_1053], %swap3A_1056 {strides = array<i32>} : memref<1024xi32, #tpu.memory_space<vmem>>, vector<16xi32>,
      %add3A_1057 = arith.constant 32 : i32
      %add3A_1058 = arith.addi %sub3A_1006, %add3A_1057 : i32
      %add3A_1059 = vector.broadcast %add3A_1058 : i32 to vector<16xi32>
      %add3A_1060 = arith.addi %iota3A, %add3A_1059 : vector<16xi32>
      %ge3A_1061 = arith.constant 200 : i32
      %ge3A_1062 = vector.broadcast %ge3A_1061 : i32 to vector<16xi32>
      %ge3A_1063 = arith.cmpi sge, %add3A_1060, %ge3A_1062 : vector<16xi32>
      %jit3A_1064 = arith.constant 200 : i32
      %jit3A_1065 = arith.constant 0 : i32
      %broadcast_in_dim3A_1066 = vector.broadcast %jit3A_1064 : i32 to vector<16xi32>
      %broadcast_in_dim3A_1067 = vector.broadcast %jit3A_1065 : i32 to vector<16xi32>
      %select_n3A_1068 = arith.select %ge3A_1063, %broadcast_in_dim3A_1066, %broadcast_in_dim3A_1067 : vector<16xi1>, vector<16xi32>
      %sub3A_1069 = arith.subi %add3A_1060, %select_n3A_1068 : vector<16xi32>
      %get3A_1070 = arith.constant 544 : index
      %get3A_1071 = tpu.vector_load %arg5[%get3A_1070] {strides = array<i32>} : memref<1024xi32, #tpu.memory_space<vmem>>, vector<16xi32>,
      %get3A_1072 = vector.shape_cast %get3A_1071 : vector<16xi32> to vector<16xi32>
      %mul3A_1073 = arith.constant 1000 : i32
      %mul3A_1074 = vector.broadcast %mul3A_1073 : i32 to vector<16xi32>
      %mul3A_1075 = arith.muli %sub3A_1069, %mul3A_1074 : vector<16xi32>
      %add3A_1076 = arith.addi %get3A_1072, %mul3A_1075 : vector<16xi32>
      %swap3A_1077 = arith.constant 544 : index
      %swap3A_1078 = tpu.vector_load %arg5[%swap3A_1077] {strides = array<i32>} : memref<1024xi32, #tpu.memory_space<vmem>>, vector<16xi32>,
      %swap3A_1079 = vector.shape_cast %swap3A_1078 : vector<16xi32> to vector<16xi32>
      %swap3A_1080 = vector.shape_cast %add3A_1076 : vector<16xi32> to vector<16xi32>
      tpu.vector_store %arg5[%swap3A_1077], %swap3A_1080 {strides = array<i32>} : memref<1024xi32, #tpu.memory_space<vmem>>, vector<16xi32>,
      %add3A_1081 = arith.constant 48 : i32
      %add3A_1082 = arith.addi %sub3A_1006, %add3A_1081 : i32
      %add3A_1083 = vector.broadcast %add3A_1082 : i32 to vector<16xi32>
      %add3A_1084 = arith.addi %iota3A, %add3A_1083 : vector<16xi32>
      %ge3A_1085 = arith.constant 200 : i32
      %ge3A_1086 = vector.broadcast %ge3A_1085 : i32 to vector<16xi32>
      %ge3A_1087 = arith.cmpi sge, %add3A_1084, %ge3A_1086 : vector<16xi32>
      %jit3A_1088 = arith.constant 200 : i32
      %jit3A_1089 = arith.constant 0 : i32
      %broadcast_in_dim3A_1090 = vector.broadcast %jit3A_1088 : i32 to vector<16xi32>
      %broadcast_in_dim3A_1091 = vector.broadcast %jit3A_1089 : i32 to vector<16xi32>
      %select_n3A_1092 = arith.select %ge3A_1087, %broadcast_in_dim3A_1090, %broadcast_in_dim3A_1091 : vector<16xi1>, vector<16xi32>
      %sub3A_1093 = arith.subi %add3A_1084, %select_n3A_1092 : vector<16xi32>
      %get3A_1094 = arith.constant 560 : index
      %get3A_1095 = tpu.vector_load %arg5[%get3A_1094] {strides = array<i32>} : memref<1024xi32, #tpu.memory_space<vmem>>, vector<16xi32>,
      %get3A_1096 = vector.shape_cast %get3A_1095 : vector<16xi32> to vector<16xi32>
      %mul3A_1097 = arith.constant 1000 : i32
      %mul3A_1098 = vector.broadcast %mul3A_1097 : i32 to vector<16xi32>
      %mul3A_1099 = arith.muli %sub3A_1093, %mul3A_1098 : vector<16xi32>
      %add3A_1100 = arith.addi %get3A_1096, %mul3A_1099 : vector<16xi32>
      %swap3A_1101 = arith.constant 560 : index
      %swap3A_1102 = tpu.vector_load %arg5[%swap3A_1101] {strides = array<i32>} : memref<1024xi32, #tpu.memory_space<vmem>>, vector<16xi32>,
      %swap3A_1103 = vector.shape_cast %swap3A_1102 : vector<16xi32> to vector<16xi32>
      %swap3A_1104 = vector.shape_cast %add3A_1100 : vector<16xi32> to vector<16xi32>
      tpu.vector_store %arg5[%swap3A_1101], %swap3A_1104 {strides = array<i32>} : memref<1024xi32, #tpu.memory_space<vmem>>, vector<16xi32>,
      %dma_wait3A_1105 = arith.constant 0 : i32
      %dma_wait3A_1106 = arith.constant 0 : i32
      %dma_wait3A_1107 = tpu.memref_slice %arg4[%dma_wait3A_1105, %dma_wait3A_1106] : memref<3276800x256xf32, #tpu.memory_space<hbm>> -> memref<64x256xf32, #tpu.memory_space<hbm>>
      %dma_wait3A_1108 = arith.constant 0 : i32
      %dma_wait3A_1109 = arith.constant 0 : i32
      %dma_wait3A_1110 = tpu.memref_slice %arg4[%dma_wait3A_1108, %dma_wait3A_1109] : memref<3276800x256xf32, #tpu.memory_space<hbm>> -> memref<64x256xf32, #tpu.memory_space<hbm>>
      tpu.wait_dma2 semaphore(%arg17 : memref<!tpu.dma_semaphore, #tpu.memory_space<semaphore_mem>>) src(%arg7 : memref<64x256xf32, #tpu.memory_space<vmem>>) dst(%dma_wait3A_1110 : memref<64x256xf32, #tpu.memory_space<hbm>>)
      %rem3A_1111 = arith.constant 199936 : i32
      %rem3A_1112 = arith.remsi %add3A_1008, %rem3A_1111 : i32
      %dma_start3A_1113 = arith.constant 0 : i32
      %dma_start3A_1114 = tpu.memref_slice %arg3[%rem3A_1112, %dma_start3A_1113] : memref<200000x256xf32, #tpu.memory_space<hbm>> -> memref<64x256xf32, #tpu.memory_space<hbm>>
      %dma_start3A_1115 = arith.constant 0 : i32
      %dma_start3A_1116 = tpu.memref_slice %arg3[%rem3A_1112, %dma_start3A_1115] : memref<200000x256xf32, #tpu.memory_space<hbm>> -> memref<64x256xf32, #tpu.memory_space<hbm>>
      tpu.enqueue_dma source(%dma_start3A_1116 : memref<64x256xf32, #tpu.memory_space<hbm>>) target(%arg7 : memref<64x256xf32, #tpu.memory_space<vmem>>) target_semaphore(%arg13 : memref<!tpu.dma_semaphore, #tpu.memory_space<semaphore_mem>>)
      %dma_wait3A_1117 = arith.constant 0 : i32
      %dma_wait3A_1118 = arith.constant 0 : i32
      %dma_wait3A_1119 = tpu.memref_slice %arg3[%dma_wait3A_1117, %dma_wait3A_1118] : memref<200000x256xf32, #tpu.memory_space<hbm>> -> memref<64x256xf32, #tpu.memory_space<hbm>>
      %dma_wait3A_1120 = arith.constant 0 : i32
      %dma_wait3A_1121 = arith.constant 0 : i32
      %dma_wait3A_1122 = tpu.memref_slice %arg3[%dma_wait3A_1120, %dma_wait3A_1121] : memref<200000x256xf32, #tpu.memory_space<hbm>> -> memref<64x256xf32, #tpu.memory_space<hbm>>
      tpu.wait_dma2 semaphore(%arg15 : memref<!tpu.dma_semaphore, #tpu.memory_space<semaphore_mem>>) src(%dma_wait3A_1122 : memref<64x256xf32, #tpu.memory_space<hbm>>) dst(%arg9 : memref<64x256xf32, #tpu.memory_space<vmem>>)
      %dma_start3A_1123 = arith.constant 0 : i32
      %dma_start3A_1124 = tpu.memref_slice %arg4[%add3A_1008, %dma_start3A_1123] : memref<3276800x256xf32, #tpu.memory_space<hbm>> -> memref<64x256xf32, #tpu.memory_space<hbm>>
      %dma_start3A_1125 = arith.constant 0 : i32
      %dma_start3A_1126 = tpu.memref_slice %arg4[%add3A_1008, %dma_start3A_1125] : memref<3276800x256xf32, #tpu.memory_space<hbm>> -> memref<64x256xf32, #tpu.memory_space<hbm>>
      tpu.enqueue_dma source(%arg9 : memref<64x256xf32, #tpu.memory_space<vmem>>) target(%dma_start3A_1126 : memref<64x256xf32, #tpu.memory_space<hbm>>) target_semaphore(%arg19 : memref<!tpu.dma_semaphore, #tpu.memory_space<semaphore_mem>>)
      %add3A_1127 = arith.constant 64 : i32
      %add3A_1128 = arith.addi %sub3A_1006, %add3A_1127 : i32
      %ge3A_1129 = arith.constant 200 : i32
      %ge3A_1130 = arith.cmpi sge, %add3A_1128, %ge3A_1129 : i32
      %jit3A_1131 = arith.constant 200 : i32
      %jit3A_1132 = arith.constant 0 : i32
      %select_n3A_1133 = arith.select %ge3A_1130, %jit3A_1131, %jit3A_1132 : i32
      %sub3A_1134 = arith.subi %add3A_1128, %select_n3A_1133 : i32
      %add3A_1135 = arith.constant 448 : i32
      %add3A_1136 = arith.addi %add3A_240, %add3A_1135 : i32
      %add3A_1137 = arith.constant 0 : i32
      %add3A_1138 = arith.addi %sub3A_1134, %add3A_1137 : i32
      %add3A_1139 = vector.broadcast %add3A_1138 : i32 to vector<16xi32>
      %add3A_1140 = arith.addi %iota3A, %add3A_1139 : vector<16xi32>
      %ge3A_1141 = arith.constant 200 : i32
      %ge3A_1142 = vector.broadcast %ge3A_1141 : i32 to vector<16xi32>
      %ge3A_1143 = arith.cmpi sge, %add3A_1140, %ge3A_1142 : vector<16xi32>
      %jit3A_1144 = arith.constant 200 : i32
      %jit3A_1145 = arith.constant 0 : i32
      %broadcast_in_dim3A_1146 = vector.broadcast %jit3A_1144 : i32 to vector<16xi32>
      %broadcast_in_dim3A_1147 = vector.broadcast %jit3A_1145 : i32 to vector<16xi32>
      %select_n3A_1148 = arith.select %ge3A_1143, %broadcast_in_dim3A_1146, %broadcast_in_dim3A_1147 : vector<16xi1>, vector<16xi32>
      %sub3A_1149 = arith.subi %add3A_1140, %select_n3A_1148 : vector<16xi32>
      %get3A_1150 = arith.constant 576 : index
      %get3A_1151 = tpu.vector_load %arg5[%get3A_1150] {strides = array<i32>} : memref<1024xi32, #tpu.memory_space<vmem>>, vector<16xi32>,
      %get3A_1152 = vector.shape_cast %get3A_1151 : vector<16xi32> to vector<16xi32>
      %mul3A_1153 = arith.constant 1000 : i32
      %mul3A_1154 = vector.broadcast %mul3A_1153 : i32 to vector<16xi32>
      %mul3A_1155 = arith.muli %sub3A_1149, %mul3A_1154 : vector<16xi32>
      %add3A_1156 = arith.addi %get3A_1152, %mul3A_1155 : vector<16xi32>
      %swap3A_1157 = arith.constant 576 : index
      %swap3A_1158 = tpu.vector_load %arg5[%swap3A_1157] {strides = array<i32>} : memref<1024xi32, #tpu.memory_space<vmem>>, vector<16xi32>,
      %swap3A_1159 = vector.shape_cast %swap3A_1158 : vector<16xi32> to vector<16xi32>
      %swap3A_1160 = vector.shape_cast %add3A_1156 : vector<16xi32> to vector<16xi32>
      tpu.vector_store %arg5[%swap3A_1157], %swap3A_1160 {strides = array<i32>} : memref<1024xi32, #tpu.memory_space<vmem>>, vector<16xi32>,
      %add3A_1161 = arith.constant 16 : i32
      %add3A_1162 = arith.addi %sub3A_1134, %add3A_1161 : i32
      %add3A_1163 = vector.broadcast %add3A_1162 : i32 to vector<16xi32>
      %add3A_1164 = arith.addi %iota3A, %add3A_1163 : vector<16xi32>
      %ge3A_1165 = arith.constant 200 : i32
      %ge3A_1166 = vector.broadcast %ge3A_1165 : i32 to vector<16xi32>
      %ge3A_1167 = arith.cmpi sge, %add3A_1164, %ge3A_1166 : vector<16xi32>
      %jit3A_1168 = arith.constant 200 : i32
      %jit3A_1169 = arith.constant 0 : i32
      %broadcast_in_dim3A_1170 = vector.broadcast %jit3A_1168 : i32 to vector<16xi32>
      %broadcast_in_dim3A_1171 = vector.broadcast %jit3A_1169 : i32 to vector<16xi32>
      %select_n3A_1172 = arith.select %ge3A_1167, %broadcast_in_dim3A_1170, %broadcast_in_dim3A_1171 : vector<16xi1>, vector<16xi32>
      %sub3A_1173 = arith.subi %add3A_1164, %select_n3A_1172 : vector<16xi32>
      %get3A_1174 = arith.constant 592 : index
      %get3A_1175 = tpu.vector_load %arg5[%get3A_1174] {strides = array<i32>} : memref<1024xi32, #tpu.memory_space<vmem>>, vector<16xi32>,
      %get3A_1176 = vector.shape_cast %get3A_1175 : vector<16xi32> to vector<16xi32>
      %mul3A_1177 = arith.constant 1000 : i32
      %mul3A_1178 = vector.broadcast %mul3A_1177 : i32 to vector<16xi32>
      %mul3A_1179 = arith.muli %sub3A_1173, %mul3A_1178 : vector<16xi32>
      %add3A_1180 = arith.addi %get3A_1176, %mul3A_1179 : vector<16xi32>
      %swap3A_1181 = arith.constant 592 : index
      %swap3A_1182 = tpu.vector_load %arg5[%swap3A_1181] {strides = array<i32>} : memref<1024xi32, #tpu.memory_space<vmem>>, vector<16xi32>,
      %swap3A_1183 = vector.shape_cast %swap3A_1182 : vector<16xi32> to vector<16xi32>
      %swap3A_1184 = vector.shape_cast %add3A_1180 : vector<16xi32> to vector<16xi32>
      tpu.vector_store %arg5[%swap3A_1181], %swap3A_1184 {strides = array<i32>} : memref<1024xi32, #tpu.memory_space<vmem>>, vector<16xi32>,
      %add3A_1185 = arith.constant 32 : i32
      %add3A_1186 = arith.addi %sub3A_1134, %add3A_1185 : i32
      %add3A_1187 = vector.broadcast %add3A_1186 : i32 to vector<16xi32>
      %add3A_1188 = arith.addi %iota3A, %add3A_1187 : vector<16xi32>
      %ge3A_1189 = arith.constant 200 : i32
      %ge3A_1190 = vector.broadcast %ge3A_1189 : i32 to vector<16xi32>
      %ge3A_1191 = arith.cmpi sge, %add3A_1188, %ge3A_1190 : vector<16xi32>
      %jit3A_1192 = arith.constant 200 : i32
      %jit3A_1193 = arith.constant 0 : i32
      %broadcast_in_dim3A_1194 = vector.broadcast %jit3A_1192 : i32 to vector<16xi32>
      %broadcast_in_dim3A_1195 = vector.broadcast %jit3A_1193 : i32 to vector<16xi32>
      %select_n3A_1196 = arith.select %ge3A_1191, %broadcast_in_dim3A_1194, %broadcast_in_dim3A_1195 : vector<16xi1>, vector<16xi32>
      %sub3A_1197 = arith.subi %add3A_1188, %select_n3A_1196 : vector<16xi32>
      %get3A_1198 = arith.constant 608 : index
      %get3A_1199 = tpu.vector_load %arg5[%get3A_1198] {strides = array<i32>} : memref<1024xi32, #tpu.memory_space<vmem>>, vector<16xi32>,
      %get3A_1200 = vector.shape_cast %get3A_1199 : vector<16xi32> to vector<16xi32>
      %mul3A_1201 = arith.constant 1000 : i32
      %mul3A_1202 = vector.broadcast %mul3A_1201 : i32 to vector<16xi32>
      %mul3A_1203 = arith.muli %sub3A_1197, %mul3A_1202 : vector<16xi32>
      %add3A_1204 = arith.addi %get3A_1200, %mul3A_1203 : vector<16xi32>
      %swap3A_1205 = arith.constant 608 : index
      %swap3A_1206 = tpu.vector_load %arg5[%swap3A_1205] {strides = array<i32>} : memref<1024xi32, #tpu.memory_space<vmem>>, vector<16xi32>,
      %swap3A_1207 = vector.shape_cast %swap3A_1206 : vector<16xi32> to vector<16xi32>
      %swap3A_1208 = vector.shape_cast %add3A_1204 : vector<16xi32> to vector<16xi32>
      tpu.vector_store %arg5[%swap3A_1205], %swap3A_1208 {strides = array<i32>} : memref<1024xi32, #tpu.memory_space<vmem>>, vector<16xi32>,
      %add3A_1209 = arith.constant 48 : i32
      %add3A_1210 = arith.addi %sub3A_1134, %add3A_1209 : i32
      %add3A_1211 = vector.broadcast %add3A_1210 : i32 to vector<16xi32>
      %add3A_1212 = arith.addi %iota3A, %add3A_1211 : vector<16xi32>
      %ge3A_1213 = arith.constant 200 : i32
      %ge3A_1214 = vector.broadcast %ge3A_1213 : i32 to vector<16xi32>
      %ge3A_1215 = arith.cmpi sge, %add3A_1212, %ge3A_1214 : vector<16xi32>
      %jit3A_1216 = arith.constant 200 : i32
      %jit3A_1217 = arith.constant 0 : i32
      %broadcast_in_dim3A_1218 = vector.broadcast %jit3A_1216 : i32 to vector<16xi32>
      %broadcast_in_dim3A_1219 = vector.broadcast %jit3A_1217 : i32 to vector<16xi32>
      %select_n3A_1220 = arith.select %ge3A_1215, %broadcast_in_dim3A_1218, %broadcast_in_dim3A_1219 : vector<16xi1>, vector<16xi32>
      %sub3A_1221 = arith.subi %add3A_1212, %select_n3A_1220 : vector<16xi32>
      %get3A_1222 = arith.constant 624 : index
      %get3A_1223 = tpu.vector_load %arg5[%get3A_1222] {strides = array<i32>} : memref<1024xi32, #tpu.memory_space<vmem>>, vector<16xi32>,
      %get3A_1224 = vector.shape_cast %get3A_1223 : vector<16xi32> to vector<16xi32>
      %mul3A_1225 = arith.constant 1000 : i32
      %mul3A_1226 = vector.broadcast %mul3A_1225 : i32 to vector<16xi32>
      %mul3A_1227 = arith.muli %sub3A_1221, %mul3A_1226 : vector<16xi32>
      %add3A_1228 = arith.addi %get3A_1224, %mul3A_1227 : vector<16xi32>
      %swap3A_1229 = arith.constant 624 : index
      %swap3A_1230 = tpu.vector_load %arg5[%swap3A_1229] {strides = array<i32>} : memref<1024xi32, #tpu.memory_space<vmem>>, vector<16xi32>,
      %swap3A_1231 = vector.shape_cast %swap3A_1230 : vector<16xi32> to vector<16xi32>
      %swap3A_1232 = vector.shape_cast %add3A_1228 : vector<16xi32> to vector<16xi32>
      tpu.vector_store %arg5[%swap3A_1229], %swap3A_1232 {strides = array<i32>} : memref<1024xi32, #tpu.memory_space<vmem>>, vector<16xi32>,
      %dma_wait3A_1233 = arith.constant 0 : i32
      %dma_wait3A_1234 = arith.constant 0 : i32
      %dma_wait3A_1235 = tpu.memref_slice %arg4[%dma_wait3A_1233, %dma_wait3A_1234] : memref<3276800x256xf32, #tpu.memory_space<hbm>> -> memref<64x256xf32, #tpu.memory_space<hbm>>
      %dma_wait3A_1236 = arith.constant 0 : i32
      %dma_wait3A_1237 = arith.constant 0 : i32
      %dma_wait3A_1238 = tpu.memref_slice %arg4[%dma_wait3A_1236, %dma_wait3A_1237] : memref<3276800x256xf32, #tpu.memory_space<hbm>> -> memref<64x256xf32, #tpu.memory_space<hbm>>
      tpu.wait_dma2 semaphore(%arg18 : memref<!tpu.dma_semaphore, #tpu.memory_space<semaphore_mem>>) src(%arg8 : memref<64x256xf32, #tpu.memory_space<vmem>>) dst(%dma_wait3A_1238 : memref<64x256xf32, #tpu.memory_space<hbm>>)
      %rem3A_1239 = arith.constant 199936 : i32
      %rem3A_1240 = arith.remsi %add3A_1136, %rem3A_1239 : i32
      %dma_start3A_1241 = arith.constant 0 : i32
      %dma_start3A_1242 = tpu.memref_slice %arg3[%rem3A_1240, %dma_start3A_1241] : memref<200000x256xf32, #tpu.memory_space<hbm>> -> memref<64x256xf32, #tpu.memory_space<hbm>>
      %dma_start3A_1243 = arith.constant 0 : i32
      %dma_start3A_1244 = tpu.memref_slice %arg3[%rem3A_1240, %dma_start3A_1243] : memref<200000x256xf32, #tpu.memory_space<hbm>> -> memref<64x256xf32, #tpu.memory_space<hbm>>
      tpu.enqueue_dma source(%dma_start3A_1244 : memref<64x256xf32, #tpu.memory_space<hbm>>) target(%arg8 : memref<64x256xf32, #tpu.memory_space<vmem>>) target_semaphore(%arg14 : memref<!tpu.dma_semaphore, #tpu.memory_space<semaphore_mem>>)
      %dma_wait3A_1245 = arith.constant 0 : i32
      %dma_wait3A_1246 = arith.constant 0 : i32
      %dma_wait3A_1247 = tpu.memref_slice %arg3[%dma_wait3A_1245, %dma_wait3A_1246] : memref<200000x256xf32, #tpu.memory_space<hbm>> -> memref<64x256xf32, #tpu.memory_space<hbm>>
      %dma_wait3A_1248 = arith.constant 0 : i32
      %dma_wait3A_1249 = arith.constant 0 : i32
      %dma_wait3A_1250 = tpu.memref_slice %arg3[%dma_wait3A_1248, %dma_wait3A_1249] : memref<200000x256xf32, #tpu.memory_space<hbm>> -> memref<64x256xf32, #tpu.memory_space<hbm>>
      tpu.wait_dma2 semaphore(%arg16 : memref<!tpu.dma_semaphore, #tpu.memory_space<semaphore_mem>>) src(%dma_wait3A_1250 : memref<64x256xf32, #tpu.memory_space<hbm>>) dst(%arg10 : memref<64x256xf32, #tpu.memory_space<vmem>>)
      %dma_start3A_1251 = arith.constant 0 : i32
      %dma_start3A_1252 = tpu.memref_slice %arg4[%add3A_1136, %dma_start3A_1251] : memref<3276800x256xf32, #tpu.memory_space<hbm>> -> memref<64x256xf32, #tpu.memory_space<hbm>>
      %dma_start3A_1253 = arith.constant 0 : i32
      %dma_start3A_1254 = tpu.memref_slice %arg4[%add3A_1136, %dma_start3A_1253] : memref<3276800x256xf32, #tpu.memory_space<hbm>> -> memref<64x256xf32, #tpu.memory_space<hbm>>
      tpu.enqueue_dma source(%arg10 : memref<64x256xf32, #tpu.memory_space<vmem>>) target(%dma_start3A_1254 : memref<64x256xf32, #tpu.memory_space<hbm>>) target_semaphore(%arg20 : memref<!tpu.dma_semaphore, #tpu.memory_space<semaphore_mem>>)
      %add3A_1255 = arith.constant 64 : i32
      %add3A_1256 = arith.addi %sub3A_1134, %add3A_1255 : i32
      %ge3A_1257 = arith.constant 200 : i32
      %ge3A_1258 = arith.cmpi sge, %add3A_1256, %ge3A_1257 : i32
      %jit3A_1259 = arith.constant 200 : i32
      %jit3A_1260 = arith.constant 0 : i32
      %select_n3A_1261 = arith.select %ge3A_1258, %jit3A_1259, %jit3A_1260 : i32
      %sub3A_1262 = arith.subi %add3A_1256, %select_n3A_1261 : i32
      %add3A_1263 = arith.constant 512 : i32
      %add3A_1264 = arith.addi %add3A_240, %add3A_1263 : i32
      %add3A_1265 = arith.constant 0 : i32
      %add3A_1266 = arith.addi %sub3A_1262, %add3A_1265 : i32
      %add3A_1267 = vector.broadcast %add3A_1266 : i32 to vector<16xi32>
      %add3A_1268 = arith.addi %iota3A, %add3A_1267 : vector<16xi32>
      %ge3A_1269 = arith.constant 200 : i32
      %ge3A_1270 = vector.broadcast %ge3A_1269 : i32 to vector<16xi32>
      %ge3A_1271 = arith.cmpi sge, %add3A_1268, %ge3A_1270 : vector<16xi32>
      %jit3A_1272 = arith.constant 200 : i32
      %jit3A_1273 = arith.constant 0 : i32
      %broadcast_in_dim3A_1274 = vector.broadcast %jit3A_1272 : i32 to vector<16xi32>
      %broadcast_in_dim3A_1275 = vector.broadcast %jit3A_1273 : i32 to vector<16xi32>
      %select_n3A_1276 = arith.select %ge3A_1271, %broadcast_in_dim3A_1274, %broadcast_in_dim3A_1275 : vector<16xi1>, vector<16xi32>
      %sub3A_1277 = arith.subi %add3A_1268, %select_n3A_1276 : vector<16xi32>
      %get3A_1278 = arith.constant 640 : index
      %get3A_1279 = tpu.vector_load %arg5[%get3A_1278] {strides = array<i32>} : memref<1024xi32, #tpu.memory_space<vmem>>, vector<16xi32>,
      %get3A_1280 = vector.shape_cast %get3A_1279 : vector<16xi32> to vector<16xi32>
      %mul3A_1281 = arith.constant 1000 : i32
      %mul3A_1282 = vector.broadcast %mul3A_1281 : i32 to vector<16xi32>
      %mul3A_1283 = arith.muli %sub3A_1277, %mul3A_1282 : vector<16xi32>
      %add3A_1284 = arith.addi %get3A_1280, %mul3A_1283 : vector<16xi32>
      %swap3A_1285 = arith.constant 640 : index
      %swap3A_1286 = tpu.vector_load %arg5[%swap3A_1285] {strides = array<i32>} : memref<1024xi32, #tpu.memory_space<vmem>>, vector<16xi32>,
      %swap3A_1287 = vector.shape_cast %swap3A_1286 : vector<16xi32> to vector<16xi32>
      %swap3A_1288 = vector.shape_cast %add3A_1284 : vector<16xi32> to vector<16xi32>
      tpu.vector_store %arg5[%swap3A_1285], %swap3A_1288 {strides = array<i32>} : memref<1024xi32, #tpu.memory_space<vmem>>, vector<16xi32>,
      %add3A_1289 = arith.constant 16 : i32
      %add3A_1290 = arith.addi %sub3A_1262, %add3A_1289 : i32
      %add3A_1291 = vector.broadcast %add3A_1290 : i32 to vector<16xi32>
      %add3A_1292 = arith.addi %iota3A, %add3A_1291 : vector<16xi32>
      %ge3A_1293 = arith.constant 200 : i32
      %ge3A_1294 = vector.broadcast %ge3A_1293 : i32 to vector<16xi32>
      %ge3A_1295 = arith.cmpi sge, %add3A_1292, %ge3A_1294 : vector<16xi32>
      %jit3A_1296 = arith.constant 200 : i32
      %jit3A_1297 = arith.constant 0 : i32
      %broadcast_in_dim3A_1298 = vector.broadcast %jit3A_1296 : i32 to vector<16xi32>
      %broadcast_in_dim3A_1299 = vector.broadcast %jit3A_1297 : i32 to vector<16xi32>
      %select_n3A_1300 = arith.select %ge3A_1295, %broadcast_in_dim3A_1298, %broadcast_in_dim3A_1299 : vector<16xi1>, vector<16xi32>
      %sub3A_1301 = arith.subi %add3A_1292, %select_n3A_1300 : vector<16xi32>
      %get3A_1302 = arith.constant 656 : index
      %get3A_1303 = tpu.vector_load %arg5[%get3A_1302] {strides = array<i32>} : memref<1024xi32, #tpu.memory_space<vmem>>, vector<16xi32>,
      %get3A_1304 = vector.shape_cast %get3A_1303 : vector<16xi32> to vector<16xi32>
      %mul3A_1305 = arith.constant 1000 : i32
      %mul3A_1306 = vector.broadcast %mul3A_1305 : i32 to vector<16xi32>
      %mul3A_1307 = arith.muli %sub3A_1301, %mul3A_1306 : vector<16xi32>
      %add3A_1308 = arith.addi %get3A_1304, %mul3A_1307 : vector<16xi32>
      %swap3A_1309 = arith.constant 656 : index
      %swap3A_1310 = tpu.vector_load %arg5[%swap3A_1309] {strides = array<i32>} : memref<1024xi32, #tpu.memory_space<vmem>>, vector<16xi32>,
      %swap3A_1311 = vector.shape_cast %swap3A_1310 : vector<16xi32> to vector<16xi32>
      %swap3A_1312 = vector.shape_cast %add3A_1308 : vector<16xi32> to vector<16xi32>
      tpu.vector_store %arg5[%swap3A_1309], %swap3A_1312 {strides = array<i32>} : memref<1024xi32, #tpu.memory_space<vmem>>, vector<16xi32>,
      %add3A_1313 = arith.constant 32 : i32
      %add3A_1314 = arith.addi %sub3A_1262, %add3A_1313 : i32
      %add3A_1315 = vector.broadcast %add3A_1314 : i32 to vector<16xi32>
      %add3A_1316 = arith.addi %iota3A, %add3A_1315 : vector<16xi32>
      %ge3A_1317 = arith.constant 200 : i32
      %ge3A_1318 = vector.broadcast %ge3A_1317 : i32 to vector<16xi32>
      %ge3A_1319 = arith.cmpi sge, %add3A_1316, %ge3A_1318 : vector<16xi32>
      %jit3A_1320 = arith.constant 200 : i32
      %jit3A_1321 = arith.constant 0 : i32
      %broadcast_in_dim3A_1322 = vector.broadcast %jit3A_1320 : i32 to vector<16xi32>
      %broadcast_in_dim3A_1323 = vector.broadcast %jit3A_1321 : i32 to vector<16xi32>
      %select_n3A_1324 = arith.select %ge3A_1319, %broadcast_in_dim3A_1322, %broadcast_in_dim3A_1323 : vector<16xi1>, vector<16xi32>
      %sub3A_1325 = arith.subi %add3A_1316, %select_n3A_1324 : vector<16xi32>
      %get3A_1326 = arith.constant 672 : index
      %get3A_1327 = tpu.vector_load %arg5[%get3A_1326] {strides = array<i32>} : memref<1024xi32, #tpu.memory_space<vmem>>, vector<16xi32>,
      %get3A_1328 = vector.shape_cast %get3A_1327 : vector<16xi32> to vector<16xi32>
      %mul3A_1329 = arith.constant 1000 : i32
      %mul3A_1330 = vector.broadcast %mul3A_1329 : i32 to vector<16xi32>
      %mul3A_1331 = arith.muli %sub3A_1325, %mul3A_1330 : vector<16xi32>
      %add3A_1332 = arith.addi %get3A_1328, %mul3A_1331 : vector<16xi32>
      %swap3A_1333 = arith.constant 672 : index
      %swap3A_1334 = tpu.vector_load %arg5[%swap3A_1333] {strides = array<i32>} : memref<1024xi32, #tpu.memory_space<vmem>>, vector<16xi32>,
      %swap3A_1335 = vector.shape_cast %swap3A_1334 : vector<16xi32> to vector<16xi32>
      %swap3A_1336 = vector.shape_cast %add3A_1332 : vector<16xi32> to vector<16xi32>
      tpu.vector_store %arg5[%swap3A_1333], %swap3A_1336 {strides = array<i32>} : memref<1024xi32, #tpu.memory_space<vmem>>, vector<16xi32>,
      %add3A_1337 = arith.constant 48 : i32
      %add3A_1338 = arith.addi %sub3A_1262, %add3A_1337 : i32
      %add3A_1339 = vector.broadcast %add3A_1338 : i32 to vector<16xi32>
      %add3A_1340 = arith.addi %iota3A, %add3A_1339 : vector<16xi32>
      %ge3A_1341 = arith.constant 200 : i32
      %ge3A_1342 = vector.broadcast %ge3A_1341 : i32 to vector<16xi32>
      %ge3A_1343 = arith.cmpi sge, %add3A_1340, %ge3A_1342 : vector<16xi32>
      %jit3A_1344 = arith.constant 200 : i32
      %jit3A_1345 = arith.constant 0 : i32
      %broadcast_in_dim3A_1346 = vector.broadcast %jit3A_1344 : i32 to vector<16xi32>
      %broadcast_in_dim3A_1347 = vector.broadcast %jit3A_1345 : i32 to vector<16xi32>
      %select_n3A_1348 = arith.select %ge3A_1343, %broadcast_in_dim3A_1346, %broadcast_in_dim3A_1347 : vector<16xi1>, vector<16xi32>
      %sub3A_1349 = arith.subi %add3A_1340, %select_n3A_1348 : vector<16xi32>
      %get3A_1350 = arith.constant 688 : index
      %get3A_1351 = tpu.vector_load %arg5[%get3A_1350] {strides = array<i32>} : memref<1024xi32, #tpu.memory_space<vmem>>, vector<16xi32>,
      %get3A_1352 = vector.shape_cast %get3A_1351 : vector<16xi32> to vector<16xi32>
      %mul3A_1353 = arith.constant 1000 : i32
      %mul3A_1354 = vector.broadcast %mul3A_1353 : i32 to vector<16xi32>
      %mul3A_1355 = arith.muli %sub3A_1349, %mul3A_1354 : vector<16xi32>
      %add3A_1356 = arith.addi %get3A_1352, %mul3A_1355 : vector<16xi32>
      %swap3A_1357 = arith.constant 688 : index
      %swap3A_1358 = tpu.vector_load %arg5[%swap3A_1357] {strides = array<i32>} : memref<1024xi32, #tpu.memory_space<vmem>>, vector<16xi32>,
      %swap3A_1359 = vector.shape_cast %swap3A_1358 : vector<16xi32> to vector<16xi32>
      %swap3A_1360 = vector.shape_cast %add3A_1356 : vector<16xi32> to vector<16xi32>
      tpu.vector_store %arg5[%swap3A_1357], %swap3A_1360 {strides = array<i32>} : memref<1024xi32, #tpu.memory_space<vmem>>, vector<16xi32>,
      %dma_wait3A_1361 = arith.constant 0 : i32
      %dma_wait3A_1362 = arith.constant 0 : i32
      %dma_wait3A_1363 = tpu.memref_slice %arg4[%dma_wait3A_1361, %dma_wait3A_1362] : memref<3276800x256xf32, #tpu.memory_space<hbm>> -> memref<64x256xf32, #tpu.memory_space<hbm>>
      %dma_wait3A_1364 = arith.constant 0 : i32
      %dma_wait3A_1365 = arith.constant 0 : i32
      %dma_wait3A_1366 = tpu.memref_slice %arg4[%dma_wait3A_1364, %dma_wait3A_1365] : memref<3276800x256xf32, #tpu.memory_space<hbm>> -> memref<64x256xf32, #tpu.memory_space<hbm>>
      tpu.wait_dma2 semaphore(%arg19 : memref<!tpu.dma_semaphore, #tpu.memory_space<semaphore_mem>>) src(%arg9 : memref<64x256xf32, #tpu.memory_space<vmem>>) dst(%dma_wait3A_1366 : memref<64x256xf32, #tpu.memory_space<hbm>>)
      %rem3A_1367 = arith.constant 199936 : i32
      %rem3A_1368 = arith.remsi %add3A_1264, %rem3A_1367 : i32
      %dma_start3A_1369 = arith.constant 0 : i32
      %dma_start3A_1370 = tpu.memref_slice %arg3[%rem3A_1368, %dma_start3A_1369] : memref<200000x256xf32, #tpu.memory_space<hbm>> -> memref<64x256xf32, #tpu.memory_space<hbm>>
      %dma_start3A_1371 = arith.constant 0 : i32
      %dma_start3A_1372 = tpu.memref_slice %arg3[%rem3A_1368, %dma_start3A_1371] : memref<200000x256xf32, #tpu.memory_space<hbm>> -> memref<64x256xf32, #tpu.memory_space<hbm>>
      tpu.enqueue_dma source(%dma_start3A_1372 : memref<64x256xf32, #tpu.memory_space<hbm>>) target(%arg9 : memref<64x256xf32, #tpu.memory_space<vmem>>) target_semaphore(%arg15 : memref<!tpu.dma_semaphore, #tpu.memory_space<semaphore_mem>>)
      %dma_wait3A_1373 = arith.constant 0 : i32
      %dma_wait3A_1374 = arith.constant 0 : i32
      %dma_wait3A_1375 = tpu.memref_slice %arg3[%dma_wait3A_1373, %dma_wait3A_1374] : memref<200000x256xf32, #tpu.memory_space<hbm>> -> memref<64x256xf32, #tpu.memory_space<hbm>>
      %dma_wait3A_1376 = arith.constant 0 : i32
      %dma_wait3A_1377 = arith.constant 0 : i32
      %dma_wait3A_1378 = tpu.memref_slice %arg3[%dma_wait3A_1376, %dma_wait3A_1377] : memref<200000x256xf32, #tpu.memory_space<hbm>> -> memref<64x256xf32, #tpu.memory_space<hbm>>
      tpu.wait_dma2 semaphore(%arg13 : memref<!tpu.dma_semaphore, #tpu.memory_space<semaphore_mem>>) src(%dma_wait3A_1378 : memref<64x256xf32, #tpu.memory_space<hbm>>) dst(%arg7 : memref<64x256xf32, #tpu.memory_space<vmem>>)
      %dma_start3A_1379 = arith.constant 0 : i32
      %dma_start3A_1380 = tpu.memref_slice %arg4[%add3A_1264, %dma_start3A_1379] : memref<3276800x256xf32, #tpu.memory_space<hbm>> -> memref<64x256xf32, #tpu.memory_space<hbm>>
      %dma_start3A_1381 = arith.constant 0 : i32
      %dma_start3A_1382 = tpu.memref_slice %arg4[%add3A_1264, %dma_start3A_1381] : memref<3276800x256xf32, #tpu.memory_space<hbm>> -> memref<64x256xf32, #tpu.memory_space<hbm>>
      tpu.enqueue_dma source(%arg7 : memref<64x256xf32, #tpu.memory_space<vmem>>) target(%dma_start3A_1382 : memref<64x256xf32, #tpu.memory_space<hbm>>) target_semaphore(%arg17 : memref<!tpu.dma_semaphore, #tpu.memory_space<semaphore_mem>>)
      %add3A_1383 = arith.constant 64 : i32
      %add3A_1384 = arith.addi %sub3A_1262, %add3A_1383 : i32
      %ge3A_1385 = arith.constant 200 : i32
      %ge3A_1386 = arith.cmpi sge, %add3A_1384, %ge3A_1385 : i32
      %jit3A_1387 = arith.constant 200 : i32
      %jit3A_1388 = arith.constant 0 : i32
      %select_n3A_1389 = arith.select %ge3A_1386, %jit3A_1387, %jit3A_1388 : i32
      %sub3A_1390 = arith.subi %add3A_1384, %select_n3A_1389 : i32
      %add3A_1391 = arith.constant 576 : i32
      %add3A_1392 = arith.addi %add3A_240, %add3A_1391 : i32
      %add3A_1393 = arith.constant 0 : i32
      %add3A_1394 = arith.addi %sub3A_1390, %add3A_1393 : i32
      %add3A_1395 = vector.broadcast %add3A_1394 : i32 to vector<16xi32>
      %add3A_1396 = arith.addi %iota3A, %add3A_1395 : vector<16xi32>
      %ge3A_1397 = arith.constant 200 : i32
      %ge3A_1398 = vector.broadcast %ge3A_1397 : i32 to vector<16xi32>
      %ge3A_1399 = arith.cmpi sge, %add3A_1396, %ge3A_1398 : vector<16xi32>
      %jit3A_1400 = arith.constant 200 : i32
      %jit3A_1401 = arith.constant 0 : i32
      %broadcast_in_dim3A_1402 = vector.broadcast %jit3A_1400 : i32 to vector<16xi32>
      %broadcast_in_dim3A_1403 = vector.broadcast %jit3A_1401 : i32 to vector<16xi32>
      %select_n3A_1404 = arith.select %ge3A_1399, %broadcast_in_dim3A_1402, %broadcast_in_dim3A_1403 : vector<16xi1>, vector<16xi32>
      %sub3A_1405 = arith.subi %add3A_1396, %select_n3A_1404 : vector<16xi32>
      %get3A_1406 = arith.constant 704 : index
      %get3A_1407 = tpu.vector_load %arg5[%get3A_1406] {strides = array<i32>} : memref<1024xi32, #tpu.memory_space<vmem>>, vector<16xi32>,
      %get3A_1408 = vector.shape_cast %get3A_1407 : vector<16xi32> to vector<16xi32>
      %mul3A_1409 = arith.constant 1000 : i32
      %mul3A_1410 = vector.broadcast %mul3A_1409 : i32 to vector<16xi32>
      %mul3A_1411 = arith.muli %sub3A_1405, %mul3A_1410 : vector<16xi32>
      %add3A_1412 = arith.addi %get3A_1408, %mul3A_1411 : vector<16xi32>
      %swap3A_1413 = arith.constant 704 : index
      %swap3A_1414 = tpu.vector_load %arg5[%swap3A_1413] {strides = array<i32>} : memref<1024xi32, #tpu.memory_space<vmem>>, vector<16xi32>,
      %swap3A_1415 = vector.shape_cast %swap3A_1414 : vector<16xi32> to vector<16xi32>
      %swap3A_1416 = vector.shape_cast %add3A_1412 : vector<16xi32> to vector<16xi32>
      tpu.vector_store %arg5[%swap3A_1413], %swap3A_1416 {strides = array<i32>} : memref<1024xi32, #tpu.memory_space<vmem>>, vector<16xi32>,
      %add3A_1417 = arith.constant 16 : i32
      %add3A_1418 = arith.addi %sub3A_1390, %add3A_1417 : i32
      %add3A_1419 = vector.broadcast %add3A_1418 : i32 to vector<16xi32>
      %add3A_1420 = arith.addi %iota3A, %add3A_1419 : vector<16xi32>
      %ge3A_1421 = arith.constant 200 : i32
      %ge3A_1422 = vector.broadcast %ge3A_1421 : i32 to vector<16xi32>
      %ge3A_1423 = arith.cmpi sge, %add3A_1420, %ge3A_1422 : vector<16xi32>
      %jit3A_1424 = arith.constant 200 : i32
      %jit3A_1425 = arith.constant 0 : i32
      %broadcast_in_dim3A_1426 = vector.broadcast %jit3A_1424 : i32 to vector<16xi32>
      %broadcast_in_dim3A_1427 = vector.broadcast %jit3A_1425 : i32 to vector<16xi32>
      %select_n3A_1428 = arith.select %ge3A_1423, %broadcast_in_dim3A_1426, %broadcast_in_dim3A_1427 : vector<16xi1>, vector<16xi32>
      %sub3A_1429 = arith.subi %add3A_1420, %select_n3A_1428 : vector<16xi32>
      %get3A_1430 = arith.constant 720 : index
      %get3A_1431 = tpu.vector_load %arg5[%get3A_1430] {strides = array<i32>} : memref<1024xi32, #tpu.memory_space<vmem>>, vector<16xi32>,
      %get3A_1432 = vector.shape_cast %get3A_1431 : vector<16xi32> to vector<16xi32>
      %mul3A_1433 = arith.constant 1000 : i32
      %mul3A_1434 = vector.broadcast %mul3A_1433 : i32 to vector<16xi32>
      %mul3A_1435 = arith.muli %sub3A_1429, %mul3A_1434 : vector<16xi32>
      %add3A_1436 = arith.addi %get3A_1432, %mul3A_1435 : vector<16xi32>
      %swap3A_1437 = arith.constant 720 : index
      %swap3A_1438 = tpu.vector_load %arg5[%swap3A_1437] {strides = array<i32>} : memref<1024xi32, #tpu.memory_space<vmem>>, vector<16xi32>,
      %swap3A_1439 = vector.shape_cast %swap3A_1438 : vector<16xi32> to vector<16xi32>
      %swap3A_1440 = vector.shape_cast %add3A_1436 : vector<16xi32> to vector<16xi32>
      tpu.vector_store %arg5[%swap3A_1437], %swap3A_1440 {strides = array<i32>} : memref<1024xi32, #tpu.memory_space<vmem>>, vector<16xi32>,
      %add3A_1441 = arith.constant 32 : i32
      %add3A_1442 = arith.addi %sub3A_1390, %add3A_1441 : i32
      %add3A_1443 = vector.broadcast %add3A_1442 : i32 to vector<16xi32>
      %add3A_1444 = arith.addi %iota3A, %add3A_1443 : vector<16xi32>
      %ge3A_1445 = arith.constant 200 : i32
      %ge3A_1446 = vector.broadcast %ge3A_1445 : i32 to vector<16xi32>
      %ge3A_1447 = arith.cmpi sge, %add3A_1444, %ge3A_1446 : vector<16xi32>
      %jit3A_1448 = arith.constant 200 : i32
      %jit3A_1449 = arith.constant 0 : i32
      %broadcast_in_dim3A_1450 = vector.broadcast %jit3A_1448 : i32 to vector<16xi32>
      %broadcast_in_dim3A_1451 = vector.broadcast %jit3A_1449 : i32 to vector<16xi32>
      %select_n3A_1452 = arith.select %ge3A_1447, %broadcast_in_dim3A_1450, %broadcast_in_dim3A_1451 : vector<16xi1>, vector<16xi32>
      %sub3A_1453 = arith.subi %add3A_1444, %select_n3A_1452 : vector<16xi32>
      %get3A_1454 = arith.constant 736 : index
      %get3A_1455 = tpu.vector_load %arg5[%get3A_1454] {strides = array<i32>} : memref<1024xi32, #tpu.memory_space<vmem>>, vector<16xi32>,
      %get3A_1456 = vector.shape_cast %get3A_1455 : vector<16xi32> to vector<16xi32>
      %mul3A_1457 = arith.constant 1000 : i32
      %mul3A_1458 = vector.broadcast %mul3A_1457 : i32 to vector<16xi32>
      %mul3A_1459 = arith.muli %sub3A_1453, %mul3A_1458 : vector<16xi32>
      %add3A_1460 = arith.addi %get3A_1456, %mul3A_1459 : vector<16xi32>
      %swap3A_1461 = arith.constant 736 : index
      %swap3A_1462 = tpu.vector_load %arg5[%swap3A_1461] {strides = array<i32>} : memref<1024xi32, #tpu.memory_space<vmem>>, vector<16xi32>,
      %swap3A_1463 = vector.shape_cast %swap3A_1462 : vector<16xi32> to vector<16xi32>
      %swap3A_1464 = vector.shape_cast %add3A_1460 : vector<16xi32> to vector<16xi32>
      tpu.vector_store %arg5[%swap3A_1461], %swap3A_1464 {strides = array<i32>} : memref<1024xi32, #tpu.memory_space<vmem>>, vector<16xi32>,
      %add3A_1465 = arith.constant 48 : i32
      %add3A_1466 = arith.addi %sub3A_1390, %add3A_1465 : i32
      %add3A_1467 = vector.broadcast %add3A_1466 : i32 to vector<16xi32>
      %add3A_1468 = arith.addi %iota3A, %add3A_1467 : vector<16xi32>
      %ge3A_1469 = arith.constant 200 : i32
      %ge3A_1470 = vector.broadcast %ge3A_1469 : i32 to vector<16xi32>
      %ge3A_1471 = arith.cmpi sge, %add3A_1468, %ge3A_1470 : vector<16xi32>
      %jit3A_1472 = arith.constant 200 : i32
      %jit3A_1473 = arith.constant 0 : i32
      %broadcast_in_dim3A_1474 = vector.broadcast %jit3A_1472 : i32 to vector<16xi32>
      %broadcast_in_dim3A_1475 = vector.broadcast %jit3A_1473 : i32 to vector<16xi32>
      %select_n3A_1476 = arith.select %ge3A_1471, %broadcast_in_dim3A_1474, %broadcast_in_dim3A_1475 : vector<16xi1>, vector<16xi32>
      %sub3A_1477 = arith.subi %add3A_1468, %select_n3A_1476 : vector<16xi32>
      %get3A_1478 = arith.constant 752 : index
      %get3A_1479 = tpu.vector_load %arg5[%get3A_1478] {strides = array<i32>} : memref<1024xi32, #tpu.memory_space<vmem>>, vector<16xi32>,
      %get3A_1480 = vector.shape_cast %get3A_1479 : vector<16xi32> to vector<16xi32>
      %mul3A_1481 = arith.constant 1000 : i32
      %mul3A_1482 = vector.broadcast %mul3A_1481 : i32 to vector<16xi32>
      %mul3A_1483 = arith.muli %sub3A_1477, %mul3A_1482 : vector<16xi32>
      %add3A_1484 = arith.addi %get3A_1480, %mul3A_1483 : vector<16xi32>
      %swap3A_1485 = arith.constant 752 : index
      %swap3A_1486 = tpu.vector_load %arg5[%swap3A_1485] {strides = array<i32>} : memref<1024xi32, #tpu.memory_space<vmem>>, vector<16xi32>,
      %swap3A_1487 = vector.shape_cast %swap3A_1486 : vector<16xi32> to vector<16xi32>
      %swap3A_1488 = vector.shape_cast %add3A_1484 : vector<16xi32> to vector<16xi32>
      tpu.vector_store %arg5[%swap3A_1485], %swap3A_1488 {strides = array<i32>} : memref<1024xi32, #tpu.memory_space<vmem>>, vector<16xi32>,
      %dma_wait3A_1489 = arith.constant 0 : i32
      %dma_wait3A_1490 = arith.constant 0 : i32
      %dma_wait3A_1491 = tpu.memref_slice %arg4[%dma_wait3A_1489, %dma_wait3A_1490] : memref<3276800x256xf32, #tpu.memory_space<hbm>> -> memref<64x256xf32, #tpu.memory_space<hbm>>
      %dma_wait3A_1492 = arith.constant 0 : i32
      %dma_wait3A_1493 = arith.constant 0 : i32
      %dma_wait3A_1494 = tpu.memref_slice %arg4[%dma_wait3A_1492, %dma_wait3A_1493] : memref<3276800x256xf32, #tpu.memory_space<hbm>> -> memref<64x256xf32, #tpu.memory_space<hbm>>
      tpu.wait_dma2 semaphore(%arg20 : memref<!tpu.dma_semaphore, #tpu.memory_space<semaphore_mem>>) src(%arg10 : memref<64x256xf32, #tpu.memory_space<vmem>>) dst(%dma_wait3A_1494 : memref<64x256xf32, #tpu.memory_space<hbm>>)
      %rem3A_1495 = arith.constant 199936 : i32
      %rem3A_1496 = arith.remsi %add3A_1392, %rem3A_1495 : i32
      %dma_start3A_1497 = arith.constant 0 : i32
      %dma_start3A_1498 = tpu.memref_slice %arg3[%rem3A_1496, %dma_start3A_1497] : memref<200000x256xf32, #tpu.memory_space<hbm>> -> memref<64x256xf32, #tpu.memory_space<hbm>>
      %dma_start3A_1499 = arith.constant 0 : i32
      %dma_start3A_1500 = tpu.memref_slice %arg3[%rem3A_1496, %dma_start3A_1499] : memref<200000x256xf32, #tpu.memory_space<hbm>> -> memref<64x256xf32, #tpu.memory_space<hbm>>
      tpu.enqueue_dma source(%dma_start3A_1500 : memref<64x256xf32, #tpu.memory_space<hbm>>) target(%arg10 : memref<64x256xf32, #tpu.memory_space<vmem>>) target_semaphore(%arg16 : memref<!tpu.dma_semaphore, #tpu.memory_space<semaphore_mem>>)
      %dma_wait3A_1501 = arith.constant 0 : i32
      %dma_wait3A_1502 = arith.constant 0 : i32
      %dma_wait3A_1503 = tpu.memref_slice %arg3[%dma_wait3A_1501, %dma_wait3A_1502] : memref<200000x256xf32, #tpu.memory_space<hbm>> -> memref<64x256xf32, #tpu.memory_space<hbm>>
      %dma_wait3A_1504 = arith.constant 0 : i32
      %dma_wait3A_1505 = arith.constant 0 : i32
      %dma_wait3A_1506 = tpu.memref_slice %arg3[%dma_wait3A_1504, %dma_wait3A_1505] : memref<200000x256xf32, #tpu.memory_space<hbm>> -> memref<64x256xf32, #tpu.memory_space<hbm>>
      tpu.wait_dma2 semaphore(%arg14 : memref<!tpu.dma_semaphore, #tpu.memory_space<semaphore_mem>>) src(%dma_wait3A_1506 : memref<64x256xf32, #tpu.memory_space<hbm>>) dst(%arg8 : memref<64x256xf32, #tpu.memory_space<vmem>>)
      %dma_start3A_1507 = arith.constant 0 : i32
      %dma_start3A_1508 = tpu.memref_slice %arg4[%add3A_1392, %dma_start3A_1507] : memref<3276800x256xf32, #tpu.memory_space<hbm>> -> memref<64x256xf32, #tpu.memory_space<hbm>>
      %dma_start3A_1509 = arith.constant 0 : i32
      %dma_start3A_1510 = tpu.memref_slice %arg4[%add3A_1392, %dma_start3A_1509] : memref<3276800x256xf32, #tpu.memory_space<hbm>> -> memref<64x256xf32, #tpu.memory_space<hbm>>
      tpu.enqueue_dma source(%arg8 : memref<64x256xf32, #tpu.memory_space<vmem>>) target(%dma_start3A_1510 : memref<64x256xf32, #tpu.memory_space<hbm>>) target_semaphore(%arg18 : memref<!tpu.dma_semaphore, #tpu.memory_space<semaphore_mem>>)
      %add3A_1511 = arith.constant 64 : i32
      %add3A_1512 = arith.addi %sub3A_1390, %add3A_1511 : i32
      %ge3A_1513 = arith.constant 200 : i32
      %ge3A_1514 = arith.cmpi sge, %add3A_1512, %ge3A_1513 : i32
      %jit3A_1515 = arith.constant 200 : i32
      %jit3A_1516 = arith.constant 0 : i32
      %select_n3A_1517 = arith.select %ge3A_1514, %jit3A_1515, %jit3A_1516 : i32
      %sub3A_1518 = arith.subi %add3A_1512, %select_n3A_1517 : i32
      %add3A_1519 = arith.constant 640 : i32
      %add3A_1520 = arith.addi %add3A_240, %add3A_1519 : i32
      %add3A_1521 = arith.constant 0 : i32
      %add3A_1522 = arith.addi %sub3A_1518, %add3A_1521 : i32
      %add3A_1523 = vector.broadcast %add3A_1522 : i32 to vector<16xi32>
      %add3A_1524 = arith.addi %iota3A, %add3A_1523 : vector<16xi32>
      %ge3A_1525 = arith.constant 200 : i32
      %ge3A_1526 = vector.broadcast %ge3A_1525 : i32 to vector<16xi32>
      %ge3A_1527 = arith.cmpi sge, %add3A_1524, %ge3A_1526 : vector<16xi32>
      %jit3A_1528 = arith.constant 200 : i32
      %jit3A_1529 = arith.constant 0 : i32
      %broadcast_in_dim3A_1530 = vector.broadcast %jit3A_1528 : i32 to vector<16xi32>
      %broadcast_in_dim3A_1531 = vector.broadcast %jit3A_1529 : i32 to vector<16xi32>
      %select_n3A_1532 = arith.select %ge3A_1527, %broadcast_in_dim3A_1530, %broadcast_in_dim3A_1531 : vector<16xi1>, vector<16xi32>
      %sub3A_1533 = arith.subi %add3A_1524, %select_n3A_1532 : vector<16xi32>
      %get3A_1534 = arith.constant 768 : index
      %get3A_1535 = tpu.vector_load %arg5[%get3A_1534] {strides = array<i32>} : memref<1024xi32, #tpu.memory_space<vmem>>, vector<16xi32>,
      %get3A_1536 = vector.shape_cast %get3A_1535 : vector<16xi32> to vector<16xi32>
      %mul3A_1537 = arith.constant 1000 : i32
      %mul3A_1538 = vector.broadcast %mul3A_1537 : i32 to vector<16xi32>
      %mul3A_1539 = arith.muli %sub3A_1533, %mul3A_1538 : vector<16xi32>
      %add3A_1540 = arith.addi %get3A_1536, %mul3A_1539 : vector<16xi32>
      %swap3A_1541 = arith.constant 768 : index
      %swap3A_1542 = tpu.vector_load %arg5[%swap3A_1541] {strides = array<i32>} : memref<1024xi32, #tpu.memory_space<vmem>>, vector<16xi32>,
      %swap3A_1543 = vector.shape_cast %swap3A_1542 : vector<16xi32> to vector<16xi32>
      %swap3A_1544 = vector.shape_cast %add3A_1540 : vector<16xi32> to vector<16xi32>
      tpu.vector_store %arg5[%swap3A_1541], %swap3A_1544 {strides = array<i32>} : memref<1024xi32, #tpu.memory_space<vmem>>, vector<16xi32>,
      %add3A_1545 = arith.constant 16 : i32
      %add3A_1546 = arith.addi %sub3A_1518, %add3A_1545 : i32
      %add3A_1547 = vector.broadcast %add3A_1546 : i32 to vector<16xi32>
      %add3A_1548 = arith.addi %iota3A, %add3A_1547 : vector<16xi32>
      %ge3A_1549 = arith.constant 200 : i32
      %ge3A_1550 = vector.broadcast %ge3A_1549 : i32 to vector<16xi32>
      %ge3A_1551 = arith.cmpi sge, %add3A_1548, %ge3A_1550 : vector<16xi32>
      %jit3A_1552 = arith.constant 200 : i32
      %jit3A_1553 = arith.constant 0 : i32
      %broadcast_in_dim3A_1554 = vector.broadcast %jit3A_1552 : i32 to vector<16xi32>
      %broadcast_in_dim3A_1555 = vector.broadcast %jit3A_1553 : i32 to vector<16xi32>
      %select_n3A_1556 = arith.select %ge3A_1551, %broadcast_in_dim3A_1554, %broadcast_in_dim3A_1555 : vector<16xi1>, vector<16xi32>
      %sub3A_1557 = arith.subi %add3A_1548, %select_n3A_1556 : vector<16xi32>
      %get3A_1558 = arith.constant 784 : index
      %get3A_1559 = tpu.vector_load %arg5[%get3A_1558] {strides = array<i32>} : memref<1024xi32, #tpu.memory_space<vmem>>, vector<16xi32>,
      %get3A_1560 = vector.shape_cast %get3A_1559 : vector<16xi32> to vector<16xi32>
      %mul3A_1561 = arith.constant 1000 : i32
      %mul3A_1562 = vector.broadcast %mul3A_1561 : i32 to vector<16xi32>
      %mul3A_1563 = arith.muli %sub3A_1557, %mul3A_1562 : vector<16xi32>
      %add3A_1564 = arith.addi %get3A_1560, %mul3A_1563 : vector<16xi32>
      %swap3A_1565 = arith.constant 784 : index
      %swap3A_1566 = tpu.vector_load %arg5[%swap3A_1565] {strides = array<i32>} : memref<1024xi32, #tpu.memory_space<vmem>>, vector<16xi32>,
      %swap3A_1567 = vector.shape_cast %swap3A_1566 : vector<16xi32> to vector<16xi32>
      %swap3A_1568 = vector.shape_cast %add3A_1564 : vector<16xi32> to vector<16xi32>
      tpu.vector_store %arg5[%swap3A_1565], %swap3A_1568 {strides = array<i32>} : memref<1024xi32, #tpu.memory_space<vmem>>, vector<16xi32>,
      %add3A_1569 = arith.constant 32 : i32
      %add3A_1570 = arith.addi %sub3A_1518, %add3A_1569 : i32
      %add3A_1571 = vector.broadcast %add3A_1570 : i32 to vector<16xi32>
      %add3A_1572 = arith.addi %iota3A, %add3A_1571 : vector<16xi32>
      %ge3A_1573 = arith.constant 200 : i32
      %ge3A_1574 = vector.broadcast %ge3A_1573 : i32 to vector<16xi32>
      %ge3A_1575 = arith.cmpi sge, %add3A_1572, %ge3A_1574 : vector<16xi32>
      %jit3A_1576 = arith.constant 200 : i32
      %jit3A_1577 = arith.constant 0 : i32
      %broadcast_in_dim3A_1578 = vector.broadcast %jit3A_1576 : i32 to vector<16xi32>
      %broadcast_in_dim3A_1579 = vector.broadcast %jit3A_1577 : i32 to vector<16xi32>
      %select_n3A_1580 = arith.select %ge3A_1575, %broadcast_in_dim3A_1578, %broadcast_in_dim3A_1579 : vector<16xi1>, vector<16xi32>
      %sub3A_1581 = arith.subi %add3A_1572, %select_n3A_1580 : vector<16xi32>
      %get3A_1582 = arith.constant 800 : index
      %get3A_1583 = tpu.vector_load %arg5[%get3A_1582] {strides = array<i32>} : memref<1024xi32, #tpu.memory_space<vmem>>, vector<16xi32>,
      %get3A_1584 = vector.shape_cast %get3A_1583 : vector<16xi32> to vector<16xi32>
      %mul3A_1585 = arith.constant 1000 : i32
      %mul3A_1586 = vector.broadcast %mul3A_1585 : i32 to vector<16xi32>
      %mul3A_1587 = arith.muli %sub3A_1581, %mul3A_1586 : vector<16xi32>
      %add3A_1588 = arith.addi %get3A_1584, %mul3A_1587 : vector<16xi32>
      %swap3A_1589 = arith.constant 800 : index
      %swap3A_1590 = tpu.vector_load %arg5[%swap3A_1589] {strides = array<i32>} : memref<1024xi32, #tpu.memory_space<vmem>>, vector<16xi32>,
      %swap3A_1591 = vector.shape_cast %swap3A_1590 : vector<16xi32> to vector<16xi32>
      %swap3A_1592 = vector.shape_cast %add3A_1588 : vector<16xi32> to vector<16xi32>
      tpu.vector_store %arg5[%swap3A_1589], %swap3A_1592 {strides = array<i32>} : memref<1024xi32, #tpu.memory_space<vmem>>, vector<16xi32>,
      %add3A_1593 = arith.constant 48 : i32
      %add3A_1594 = arith.addi %sub3A_1518, %add3A_1593 : i32
      %add3A_1595 = vector.broadcast %add3A_1594 : i32 to vector<16xi32>
      %add3A_1596 = arith.addi %iota3A, %add3A_1595 : vector<16xi32>
      %ge3A_1597 = arith.constant 200 : i32
      %ge3A_1598 = vector.broadcast %ge3A_1597 : i32 to vector<16xi32>
      %ge3A_1599 = arith.cmpi sge, %add3A_1596, %ge3A_1598 : vector<16xi32>
      %jit3A_1600 = arith.constant 200 : i32
      %jit3A_1601 = arith.constant 0 : i32
      %broadcast_in_dim3A_1602 = vector.broadcast %jit3A_1600 : i32 to vector<16xi32>
      %broadcast_in_dim3A_1603 = vector.broadcast %jit3A_1601 : i32 to vector<16xi32>
      %select_n3A_1604 = arith.select %ge3A_1599, %broadcast_in_dim3A_1602, %broadcast_in_dim3A_1603 : vector<16xi1>, vector<16xi32>
      %sub3A_1605 = arith.subi %add3A_1596, %select_n3A_1604 : vector<16xi32>
      %get3A_1606 = arith.constant 816 : index
      %get3A_1607 = tpu.vector_load %arg5[%get3A_1606] {strides = array<i32>} : memref<1024xi32, #tpu.memory_space<vmem>>, vector<16xi32>,
      %get3A_1608 = vector.shape_cast %get3A_1607 : vector<16xi32> to vector<16xi32>
      %mul3A_1609 = arith.constant 1000 : i32
      %mul3A_1610 = vector.broadcast %mul3A_1609 : i32 to vector<16xi32>
      %mul3A_1611 = arith.muli %sub3A_1605, %mul3A_1610 : vector<16xi32>
      %add3A_1612 = arith.addi %get3A_1608, %mul3A_1611 : vector<16xi32>
      %swap3A_1613 = arith.constant 816 : index
      %swap3A_1614 = tpu.vector_load %arg5[%swap3A_1613] {strides = array<i32>} : memref<1024xi32, #tpu.memory_space<vmem>>, vector<16xi32>,
      %swap3A_1615 = vector.shape_cast %swap3A_1614 : vector<16xi32> to vector<16xi32>
      %swap3A_1616 = vector.shape_cast %add3A_1612 : vector<16xi32> to vector<16xi32>
      tpu.vector_store %arg5[%swap3A_1613], %swap3A_1616 {strides = array<i32>} : memref<1024xi32, #tpu.memory_space<vmem>>, vector<16xi32>,
      %dma_wait3A_1617 = arith.constant 0 : i32
      %dma_wait3A_1618 = arith.constant 0 : i32
      %dma_wait3A_1619 = tpu.memref_slice %arg4[%dma_wait3A_1617, %dma_wait3A_1618] : memref<3276800x256xf32, #tpu.memory_space<hbm>> -> memref<64x256xf32, #tpu.memory_space<hbm>>
      %dma_wait3A_1620 = arith.constant 0 : i32
      %dma_wait3A_1621 = arith.constant 0 : i32
      %dma_wait3A_1622 = tpu.memref_slice %arg4[%dma_wait3A_1620, %dma_wait3A_1621] : memref<3276800x256xf32, #tpu.memory_space<hbm>> -> memref<64x256xf32, #tpu.memory_space<hbm>>
      tpu.wait_dma2 semaphore(%arg17 : memref<!tpu.dma_semaphore, #tpu.memory_space<semaphore_mem>>) src(%arg7 : memref<64x256xf32, #tpu.memory_space<vmem>>) dst(%dma_wait3A_1622 : memref<64x256xf32, #tpu.memory_space<hbm>>)
      %rem3A_1623 = arith.constant 199936 : i32
      %rem3A_1624 = arith.remsi %add3A_1520, %rem3A_1623 : i32
      %dma_start3A_1625 = arith.constant 0 : i32
      %dma_start3A_1626 = tpu.memref_slice %arg3[%rem3A_1624, %dma_start3A_1625] : memref<200000x256xf32, #tpu.memory_space<hbm>> -> memref<64x256xf32, #tpu.memory_space<hbm>>
      %dma_start3A_1627 = arith.constant 0 : i32
      %dma_start3A_1628 = tpu.memref_slice %arg3[%rem3A_1624, %dma_start3A_1627] : memref<200000x256xf32, #tpu.memory_space<hbm>> -> memref<64x256xf32, #tpu.memory_space<hbm>>
      tpu.enqueue_dma source(%dma_start3A_1628 : memref<64x256xf32, #tpu.memory_space<hbm>>) target(%arg7 : memref<64x256xf32, #tpu.memory_space<vmem>>) target_semaphore(%arg13 : memref<!tpu.dma_semaphore, #tpu.memory_space<semaphore_mem>>)
      %dma_wait3A_1629 = arith.constant 0 : i32
      %dma_wait3A_1630 = arith.constant 0 : i32
      %dma_wait3A_1631 = tpu.memref_slice %arg3[%dma_wait3A_1629, %dma_wait3A_1630] : memref<200000x256xf32, #tpu.memory_space<hbm>> -> memref<64x256xf32, #tpu.memory_space<hbm>>
      %dma_wait3A_1632 = arith.constant 0 : i32
      %dma_wait3A_1633 = arith.constant 0 : i32
      %dma_wait3A_1634 = tpu.memref_slice %arg3[%dma_wait3A_1632, %dma_wait3A_1633] : memref<200000x256xf32, #tpu.memory_space<hbm>> -> memref<64x256xf32, #tpu.memory_space<hbm>>
      tpu.wait_dma2 semaphore(%arg15 : memref<!tpu.dma_semaphore, #tpu.memory_space<semaphore_mem>>) src(%dma_wait3A_1634 : memref<64x256xf32, #tpu.memory_space<hbm>>) dst(%arg9 : memref<64x256xf32, #tpu.memory_space<vmem>>)
      %dma_start3A_1635 = arith.constant 0 : i32
      %dma_start3A_1636 = tpu.memref_slice %arg4[%add3A_1520, %dma_start3A_1635] : memref<3276800x256xf32, #tpu.memory_space<hbm>> -> memref<64x256xf32, #tpu.memory_space<hbm>>
      %dma_start3A_1637 = arith.constant 0 : i32
      %dma_start3A_1638 = tpu.memref_slice %arg4[%add3A_1520, %dma_start3A_1637] : memref<3276800x256xf32, #tpu.memory_space<hbm>> -> memref<64x256xf32, #tpu.memory_space<hbm>>
      tpu.enqueue_dma source(%arg9 : memref<64x256xf32, #tpu.memory_space<vmem>>) target(%dma_start3A_1638 : memref<64x256xf32, #tpu.memory_space<hbm>>) target_semaphore(%arg19 : memref<!tpu.dma_semaphore, #tpu.memory_space<semaphore_mem>>)
      %add3A_1639 = arith.constant 64 : i32
      %add3A_1640 = arith.addi %sub3A_1518, %add3A_1639 : i32
      %ge3A_1641 = arith.constant 200 : i32
      %ge3A_1642 = arith.cmpi sge, %add3A_1640, %ge3A_1641 : i32
      %jit3A_1643 = arith.constant 200 : i32
      %jit3A_1644 = arith.constant 0 : i32
      %select_n3A_1645 = arith.select %ge3A_1642, %jit3A_1643, %jit3A_1644 : i32
      %sub3A_1646 = arith.subi %add3A_1640, %select_n3A_1645 : i32
      %add3A_1647 = arith.constant 704 : i32
      %add3A_1648 = arith.addi %add3A_240, %add3A_1647 : i32
      %add3A_1649 = arith.constant 0 : i32
      %add3A_1650 = arith.addi %sub3A_1646, %add3A_1649 : i32
      %add3A_1651 = vector.broadcast %add3A_1650 : i32 to vector<16xi32>
      %add3A_1652 = arith.addi %iota3A, %add3A_1651 : vector<16xi32>
      %ge3A_1653 = arith.constant 200 : i32
      %ge3A_1654 = vector.broadcast %ge3A_1653 : i32 to vector<16xi32>
      %ge3A_1655 = arith.cmpi sge, %add3A_1652, %ge3A_1654 : vector<16xi32>
      %jit3A_1656 = arith.constant 200 : i32
      %jit3A_1657 = arith.constant 0 : i32
      %broadcast_in_dim3A_1658 = vector.broadcast %jit3A_1656 : i32 to vector<16xi32>
      %broadcast_in_dim3A_1659 = vector.broadcast %jit3A_1657 : i32 to vector<16xi32>
      %select_n3A_1660 = arith.select %ge3A_1655, %broadcast_in_dim3A_1658, %broadcast_in_dim3A_1659 : vector<16xi1>, vector<16xi32>
      %sub3A_1661 = arith.subi %add3A_1652, %select_n3A_1660 : vector<16xi32>
      %get3A_1662 = arith.constant 832 : index
      %get3A_1663 = tpu.vector_load %arg5[%get3A_1662] {strides = array<i32>} : memref<1024xi32, #tpu.memory_space<vmem>>, vector<16xi32>,
      %get3A_1664 = vector.shape_cast %get3A_1663 : vector<16xi32> to vector<16xi32>
      %mul3A_1665 = arith.constant 1000 : i32
      %mul3A_1666 = vector.broadcast %mul3A_1665 : i32 to vector<16xi32>
      %mul3A_1667 = arith.muli %sub3A_1661, %mul3A_1666 : vector<16xi32>
      %add3A_1668 = arith.addi %get3A_1664, %mul3A_1667 : vector<16xi32>
      %swap3A_1669 = arith.constant 832 : index
      %swap3A_1670 = tpu.vector_load %arg5[%swap3A_1669] {strides = array<i32>} : memref<1024xi32, #tpu.memory_space<vmem>>, vector<16xi32>,
      %swap3A_1671 = vector.shape_cast %swap3A_1670 : vector<16xi32> to vector<16xi32>
      %swap3A_1672 = vector.shape_cast %add3A_1668 : vector<16xi32> to vector<16xi32>
      tpu.vector_store %arg5[%swap3A_1669], %swap3A_1672 {strides = array<i32>} : memref<1024xi32, #tpu.memory_space<vmem>>, vector<16xi32>,
      %add3A_1673 = arith.constant 16 : i32
      %add3A_1674 = arith.addi %sub3A_1646, %add3A_1673 : i32
      %add3A_1675 = vector.broadcast %add3A_1674 : i32 to vector<16xi32>
      %add3A_1676 = arith.addi %iota3A, %add3A_1675 : vector<16xi32>
      %ge3A_1677 = arith.constant 200 : i32
      %ge3A_1678 = vector.broadcast %ge3A_1677 : i32 to vector<16xi32>
      %ge3A_1679 = arith.cmpi sge, %add3A_1676, %ge3A_1678 : vector<16xi32>
      %jit3A_1680 = arith.constant 200 : i32
      %jit3A_1681 = arith.constant 0 : i32
      %broadcast_in_dim3A_1682 = vector.broadcast %jit3A_1680 : i32 to vector<16xi32>
      %broadcast_in_dim3A_1683 = vector.broadcast %jit3A_1681 : i32 to vector<16xi32>
      %select_n3A_1684 = arith.select %ge3A_1679, %broadcast_in_dim3A_1682, %broadcast_in_dim3A_1683 : vector<16xi1>, vector<16xi32>
      %sub3A_1685 = arith.subi %add3A_1676, %select_n3A_1684 : vector<16xi32>
      %get3A_1686 = arith.constant 848 : index
      %get3A_1687 = tpu.vector_load %arg5[%get3A_1686] {strides = array<i32>} : memref<1024xi32, #tpu.memory_space<vmem>>, vector<16xi32>,
      %get3A_1688 = vector.shape_cast %get3A_1687 : vector<16xi32> to vector<16xi32>
      %mul3A_1689 = arith.constant 1000 : i32
      %mul3A_1690 = vector.broadcast %mul3A_1689 : i32 to vector<16xi32>
      %mul3A_1691 = arith.muli %sub3A_1685, %mul3A_1690 : vector<16xi32>
      %add3A_1692 = arith.addi %get3A_1688, %mul3A_1691 : vector<16xi32>
      %swap3A_1693 = arith.constant 848 : index
      %swap3A_1694 = tpu.vector_load %arg5[%swap3A_1693] {strides = array<i32>} : memref<1024xi32, #tpu.memory_space<vmem>>, vector<16xi32>,
      %swap3A_1695 = vector.shape_cast %swap3A_1694 : vector<16xi32> to vector<16xi32>
      %swap3A_1696 = vector.shape_cast %add3A_1692 : vector<16xi32> to vector<16xi32>
      tpu.vector_store %arg5[%swap3A_1693], %swap3A_1696 {strides = array<i32>} : memref<1024xi32, #tpu.memory_space<vmem>>, vector<16xi32>,
      %add3A_1697 = arith.constant 32 : i32
      %add3A_1698 = arith.addi %sub3A_1646, %add3A_1697 : i32
      %add3A_1699 = vector.broadcast %add3A_1698 : i32 to vector<16xi32>
      %add3A_1700 = arith.addi %iota3A, %add3A_1699 : vector<16xi32>
      %ge3A_1701 = arith.constant 200 : i32
      %ge3A_1702 = vector.broadcast %ge3A_1701 : i32 to vector<16xi32>
      %ge3A_1703 = arith.cmpi sge, %add3A_1700, %ge3A_1702 : vector<16xi32>
      %jit3A_1704 = arith.constant 200 : i32
      %jit3A_1705 = arith.constant 0 : i32
      %broadcast_in_dim3A_1706 = vector.broadcast %jit3A_1704 : i32 to vector<16xi32>
      %broadcast_in_dim3A_1707 = vector.broadcast %jit3A_1705 : i32 to vector<16xi32>
      %select_n3A_1708 = arith.select %ge3A_1703, %broadcast_in_dim3A_1706, %broadcast_in_dim3A_1707 : vector<16xi1>, vector<16xi32>
      %sub3A_1709 = arith.subi %add3A_1700, %select_n3A_1708 : vector<16xi32>
      %get3A_1710 = arith.constant 864 : index
      %get3A_1711 = tpu.vector_load %arg5[%get3A_1710] {strides = array<i32>} : memref<1024xi32, #tpu.memory_space<vmem>>, vector<16xi32>,
      %get3A_1712 = vector.shape_cast %get3A_1711 : vector<16xi32> to vector<16xi32>
      %mul3A_1713 = arith.constant 1000 : i32
      %mul3A_1714 = vector.broadcast %mul3A_1713 : i32 to vector<16xi32>
      %mul3A_1715 = arith.muli %sub3A_1709, %mul3A_1714 : vector<16xi32>
      %add3A_1716 = arith.addi %get3A_1712, %mul3A_1715 : vector<16xi32>
      %swap3A_1717 = arith.constant 864 : index
      %swap3A_1718 = tpu.vector_load %arg5[%swap3A_1717] {strides = array<i32>} : memref<1024xi32, #tpu.memory_space<vmem>>, vector<16xi32>,
      %swap3A_1719 = vector.shape_cast %swap3A_1718 : vector<16xi32> to vector<16xi32>
      %swap3A_1720 = vector.shape_cast %add3A_1716 : vector<16xi32> to vector<16xi32>
      tpu.vector_store %arg5[%swap3A_1717], %swap3A_1720 {strides = array<i32>} : memref<1024xi32, #tpu.memory_space<vmem>>, vector<16xi32>,
      %add3A_1721 = arith.constant 48 : i32
      %add3A_1722 = arith.addi %sub3A_1646, %add3A_1721 : i32
      %add3A_1723 = vector.broadcast %add3A_1722 : i32 to vector<16xi32>
      %add3A_1724 = arith.addi %iota3A, %add3A_1723 : vector<16xi32>
      %ge3A_1725 = arith.constant 200 : i32
      %ge3A_1726 = vector.broadcast %ge3A_1725 : i32 to vector<16xi32>
      %ge3A_1727 = arith.cmpi sge, %add3A_1724, %ge3A_1726 : vector<16xi32>
      %jit3A_1728 = arith.constant 200 : i32
      %jit3A_1729 = arith.constant 0 : i32
      %broadcast_in_dim3A_1730 = vector.broadcast %jit3A_1728 : i32 to vector<16xi32>
      %broadcast_in_dim3A_1731 = vector.broadcast %jit3A_1729 : i32 to vector<16xi32>
      %select_n3A_1732 = arith.select %ge3A_1727, %broadcast_in_dim3A_1730, %broadcast_in_dim3A_1731 : vector<16xi1>, vector<16xi32>
      %sub3A_1733 = arith.subi %add3A_1724, %select_n3A_1732 : vector<16xi32>
      %get3A_1734 = arith.constant 880 : index
      %get3A_1735 = tpu.vector_load %arg5[%get3A_1734] {strides = array<i32>} : memref<1024xi32, #tpu.memory_space<vmem>>, vector<16xi32>,
      %get3A_1736 = vector.shape_cast %get3A_1735 : vector<16xi32> to vector<16xi32>
      %mul3A_1737 = arith.constant 1000 : i32
      %mul3A_1738 = vector.broadcast %mul3A_1737 : i32 to vector<16xi32>
      %mul3A_1739 = arith.muli %sub3A_1733, %mul3A_1738 : vector<16xi32>
      %add3A_1740 = arith.addi %get3A_1736, %mul3A_1739 : vector<16xi32>
      %swap3A_1741 = arith.constant 880 : index
      %swap3A_1742 = tpu.vector_load %arg5[%swap3A_1741] {strides = array<i32>} : memref<1024xi32, #tpu.memory_space<vmem>>, vector<16xi32>,
      %swap3A_1743 = vector.shape_cast %swap3A_1742 : vector<16xi32> to vector<16xi32>
      %swap3A_1744 = vector.shape_cast %add3A_1740 : vector<16xi32> to vector<16xi32>
      tpu.vector_store %arg5[%swap3A_1741], %swap3A_1744 {strides = array<i32>} : memref<1024xi32, #tpu.memory_space<vmem>>, vector<16xi32>,
      %dma_wait3A_1745 = arith.constant 0 : i32
      %dma_wait3A_1746 = arith.constant 0 : i32
      %dma_wait3A_1747 = tpu.memref_slice %arg4[%dma_wait3A_1745, %dma_wait3A_1746] : memref<3276800x256xf32, #tpu.memory_space<hbm>> -> memref<64x256xf32, #tpu.memory_space<hbm>>
      %dma_wait3A_1748 = arith.constant 0 : i32
      %dma_wait3A_1749 = arith.constant 0 : i32
      %dma_wait3A_1750 = tpu.memref_slice %arg4[%dma_wait3A_1748, %dma_wait3A_1749] : memref<3276800x256xf32, #tpu.memory_space<hbm>> -> memref<64x256xf32, #tpu.memory_space<hbm>>
      tpu.wait_dma2 semaphore(%arg18 : memref<!tpu.dma_semaphore, #tpu.memory_space<semaphore_mem>>) src(%arg8 : memref<64x256xf32, #tpu.memory_space<vmem>>) dst(%dma_wait3A_1750 : memref<64x256xf32, #tpu.memory_space<hbm>>)
      %rem3A_1751 = arith.constant 199936 : i32
      %rem3A_1752 = arith.remsi %add3A_1648, %rem3A_1751 : i32
      %dma_start3A_1753 = arith.constant 0 : i32
      %dma_start3A_1754 = tpu.memref_slice %arg3[%rem3A_1752, %dma_start3A_1753] : memref<200000x256xf32, #tpu.memory_space<hbm>> -> memref<64x256xf32, #tpu.memory_space<hbm>>
      %dma_start3A_1755 = arith.constant 0 : i32
      %dma_start3A_1756 = tpu.memref_slice %arg3[%rem3A_1752, %dma_start3A_1755] : memref<200000x256xf32, #tpu.memory_space<hbm>> -> memref<64x256xf32, #tpu.memory_space<hbm>>
      tpu.enqueue_dma source(%dma_start3A_1756 : memref<64x256xf32, #tpu.memory_space<hbm>>) target(%arg8 : memref<64x256xf32, #tpu.memory_space<vmem>>) target_semaphore(%arg14 : memref<!tpu.dma_semaphore, #tpu.memory_space<semaphore_mem>>)
      %dma_wait3A_1757 = arith.constant 0 : i32
      %dma_wait3A_1758 = arith.constant 0 : i32
      %dma_wait3A_1759 = tpu.memref_slice %arg3[%dma_wait3A_1757, %dma_wait3A_1758] : memref<200000x256xf32, #tpu.memory_space<hbm>> -> memref<64x256xf32, #tpu.memory_space<hbm>>
      %dma_wait3A_1760 = arith.constant 0 : i32
      %dma_wait3A_1761 = arith.constant 0 : i32
      %dma_wait3A_1762 = tpu.memref_slice %arg3[%dma_wait3A_1760, %dma_wait3A_1761] : memref<200000x256xf32, #tpu.memory_space<hbm>> -> memref<64x256xf32, #tpu.memory_space<hbm>>
      tpu.wait_dma2 semaphore(%arg16 : memref<!tpu.dma_semaphore, #tpu.memory_space<semaphore_mem>>) src(%dma_wait3A_1762 : memref<64x256xf32, #tpu.memory_space<hbm>>) dst(%arg10 : memref<64x256xf32, #tpu.memory_space<vmem>>)
      %dma_start3A_1763 = arith.constant 0 : i32
      %dma_start3A_1764 = tpu.memref_slice %arg4[%add3A_1648, %dma_start3A_1763] : memref<3276800x256xf32, #tpu.memory_space<hbm>> -> memref<64x256xf32, #tpu.memory_space<hbm>>
      %dma_start3A_1765 = arith.constant 0 : i32
      %dma_start3A_1766 = tpu.memref_slice %arg4[%add3A_1648, %dma_start3A_1765] : memref<3276800x256xf32, #tpu.memory_space<hbm>> -> memref<64x256xf32, #tpu.memory_space<hbm>>
      tpu.enqueue_dma source(%arg10 : memref<64x256xf32, #tpu.memory_space<vmem>>) target(%dma_start3A_1766 : memref<64x256xf32, #tpu.memory_space<hbm>>) target_semaphore(%arg20 : memref<!tpu.dma_semaphore, #tpu.memory_space<semaphore_mem>>)
      %add3A_1767 = arith.constant 64 : i32
      %add3A_1768 = arith.addi %sub3A_1646, %add3A_1767 : i32
      %ge3A_1769 = arith.constant 200 : i32
      %ge3A_1770 = arith.cmpi sge, %add3A_1768, %ge3A_1769 : i32
      %jit3A_1771 = arith.constant 200 : i32
      %jit3A_1772 = arith.constant 0 : i32
      %select_n3A_1773 = arith.select %ge3A_1770, %jit3A_1771, %jit3A_1772 : i32
      %sub3A_1774 = arith.subi %add3A_1768, %select_n3A_1773 : i32
      %add3A_1775 = arith.constant 768 : i32
      %add3A_1776 = arith.addi %add3A_240, %add3A_1775 : i32
      %add3A_1777 = arith.constant 0 : i32
      %add3A_1778 = arith.addi %sub3A_1774, %add3A_1777 : i32
      %add3A_1779 = vector.broadcast %add3A_1778 : i32 to vector<16xi32>
      %add3A_1780 = arith.addi %iota3A, %add3A_1779 : vector<16xi32>
      %ge3A_1781 = arith.constant 200 : i32
      %ge3A_1782 = vector.broadcast %ge3A_1781 : i32 to vector<16xi32>
      %ge3A_1783 = arith.cmpi sge, %add3A_1780, %ge3A_1782 : vector<16xi32>
      %jit3A_1784 = arith.constant 200 : i32
      %jit3A_1785 = arith.constant 0 : i32
      %broadcast_in_dim3A_1786 = vector.broadcast %jit3A_1784 : i32 to vector<16xi32>
      %broadcast_in_dim3A_1787 = vector.broadcast %jit3A_1785 : i32 to vector<16xi32>
      %select_n3A_1788 = arith.select %ge3A_1783, %broadcast_in_dim3A_1786, %broadcast_in_dim3A_1787 : vector<16xi1>, vector<16xi32>
      %sub3A_1789 = arith.subi %add3A_1780, %select_n3A_1788 : vector<16xi32>
      %get3A_1790 = arith.constant 896 : index
      %get3A_1791 = tpu.vector_load %arg5[%get3A_1790] {strides = array<i32>} : memref<1024xi32, #tpu.memory_space<vmem>>, vector<16xi32>,
      %get3A_1792 = vector.shape_cast %get3A_1791 : vector<16xi32> to vector<16xi32>
      %mul3A_1793 = arith.constant 1000 : i32
      %mul3A_1794 = vector.broadcast %mul3A_1793 : i32 to vector<16xi32>
      %mul3A_1795 = arith.muli %sub3A_1789, %mul3A_1794 : vector<16xi32>
      %add3A_1796 = arith.addi %get3A_1792, %mul3A_1795 : vector<16xi32>
      %swap3A_1797 = arith.constant 896 : index
      %swap3A_1798 = tpu.vector_load %arg5[%swap3A_1797] {strides = array<i32>} : memref<1024xi32, #tpu.memory_space<vmem>>, vector<16xi32>,
      %swap3A_1799 = vector.shape_cast %swap3A_1798 : vector<16xi32> to vector<16xi32>
      %swap3A_1800 = vector.shape_cast %add3A_1796 : vector<16xi32> to vector<16xi32>
      tpu.vector_store %arg5[%swap3A_1797], %swap3A_1800 {strides = array<i32>} : memref<1024xi32, #tpu.memory_space<vmem>>, vector<16xi32>,
      %add3A_1801 = arith.constant 16 : i32
      %add3A_1802 = arith.addi %sub3A_1774, %add3A_1801 : i32
      %add3A_1803 = vector.broadcast %add3A_1802 : i32 to vector<16xi32>
      %add3A_1804 = arith.addi %iota3A, %add3A_1803 : vector<16xi32>
      %ge3A_1805 = arith.constant 200 : i32
      %ge3A_1806 = vector.broadcast %ge3A_1805 : i32 to vector<16xi32>
      %ge3A_1807 = arith.cmpi sge, %add3A_1804, %ge3A_1806 : vector<16xi32>
      %jit3A_1808 = arith.constant 200 : i32
      %jit3A_1809 = arith.constant 0 : i32
      %broadcast_in_dim3A_1810 = vector.broadcast %jit3A_1808 : i32 to vector<16xi32>
      %broadcast_in_dim3A_1811 = vector.broadcast %jit3A_1809 : i32 to vector<16xi32>
      %select_n3A_1812 = arith.select %ge3A_1807, %broadcast_in_dim3A_1810, %broadcast_in_dim3A_1811 : vector<16xi1>, vector<16xi32>
      %sub3A_1813 = arith.subi %add3A_1804, %select_n3A_1812 : vector<16xi32>
      %get3A_1814 = arith.constant 912 : index
      %get3A_1815 = tpu.vector_load %arg5[%get3A_1814] {strides = array<i32>} : memref<1024xi32, #tpu.memory_space<vmem>>, vector<16xi32>,
      %get3A_1816 = vector.shape_cast %get3A_1815 : vector<16xi32> to vector<16xi32>
      %mul3A_1817 = arith.constant 1000 : i32
      %mul3A_1818 = vector.broadcast %mul3A_1817 : i32 to vector<16xi32>
      %mul3A_1819 = arith.muli %sub3A_1813, %mul3A_1818 : vector<16xi32>
      %add3A_1820 = arith.addi %get3A_1816, %mul3A_1819 : vector<16xi32>
      %swap3A_1821 = arith.constant 912 : index
      %swap3A_1822 = tpu.vector_load %arg5[%swap3A_1821] {strides = array<i32>} : memref<1024xi32, #tpu.memory_space<vmem>>, vector<16xi32>,
      %swap3A_1823 = vector.shape_cast %swap3A_1822 : vector<16xi32> to vector<16xi32>
      %swap3A_1824 = vector.shape_cast %add3A_1820 : vector<16xi32> to vector<16xi32>
      tpu.vector_store %arg5[%swap3A_1821], %swap3A_1824 {strides = array<i32>} : memref<1024xi32, #tpu.memory_space<vmem>>, vector<16xi32>,
      %add3A_1825 = arith.constant 32 : i32
      %add3A_1826 = arith.addi %sub3A_1774, %add3A_1825 : i32
      %add3A_1827 = vector.broadcast %add3A_1826 : i32 to vector<16xi32>
      %add3A_1828 = arith.addi %iota3A, %add3A_1827 : vector<16xi32>
      %ge3A_1829 = arith.constant 200 : i32
      %ge3A_1830 = vector.broadcast %ge3A_1829 : i32 to vector<16xi32>
      %ge3A_1831 = arith.cmpi sge, %add3A_1828, %ge3A_1830 : vector<16xi32>
      %jit3A_1832 = arith.constant 200 : i32
      %jit3A_1833 = arith.constant 0 : i32
      %broadcast_in_dim3A_1834 = vector.broadcast %jit3A_1832 : i32 to vector<16xi32>
      %broadcast_in_dim3A_1835 = vector.broadcast %jit3A_1833 : i32 to vector<16xi32>
      %select_n3A_1836 = arith.select %ge3A_1831, %broadcast_in_dim3A_1834, %broadcast_in_dim3A_1835 : vector<16xi1>, vector<16xi32>
      %sub3A_1837 = arith.subi %add3A_1828, %select_n3A_1836 : vector<16xi32>
      %get3A_1838 = arith.constant 928 : index
      %get3A_1839 = tpu.vector_load %arg5[%get3A_1838] {strides = array<i32>} : memref<1024xi32, #tpu.memory_space<vmem>>, vector<16xi32>,
      %get3A_1840 = vector.shape_cast %get3A_1839 : vector<16xi32> to vector<16xi32>
      %mul3A_1841 = arith.constant 1000 : i32
      %mul3A_1842 = vector.broadcast %mul3A_1841 : i32 to vector<16xi32>
      %mul3A_1843 = arith.muli %sub3A_1837, %mul3A_1842 : vector<16xi32>
      %add3A_1844 = arith.addi %get3A_1840, %mul3A_1843 : vector<16xi32>
      %swap3A_1845 = arith.constant 928 : index
      %swap3A_1846 = tpu.vector_load %arg5[%swap3A_1845] {strides = array<i32>} : memref<1024xi32, #tpu.memory_space<vmem>>, vector<16xi32>,
      %swap3A_1847 = vector.shape_cast %swap3A_1846 : vector<16xi32> to vector<16xi32>
      %swap3A_1848 = vector.shape_cast %add3A_1844 : vector<16xi32> to vector<16xi32>
      tpu.vector_store %arg5[%swap3A_1845], %swap3A_1848 {strides = array<i32>} : memref<1024xi32, #tpu.memory_space<vmem>>, vector<16xi32>,
      %add3A_1849 = arith.constant 48 : i32
      %add3A_1850 = arith.addi %sub3A_1774, %add3A_1849 : i32
      %add3A_1851 = vector.broadcast %add3A_1850 : i32 to vector<16xi32>
      %add3A_1852 = arith.addi %iota3A, %add3A_1851 : vector<16xi32>
      %ge3A_1853 = arith.constant 200 : i32
      %ge3A_1854 = vector.broadcast %ge3A_1853 : i32 to vector<16xi32>
      %ge3A_1855 = arith.cmpi sge, %add3A_1852, %ge3A_1854 : vector<16xi32>
      %jit3A_1856 = arith.constant 200 : i32
      %jit3A_1857 = arith.constant 0 : i32
      %broadcast_in_dim3A_1858 = vector.broadcast %jit3A_1856 : i32 to vector<16xi32>
      %broadcast_in_dim3A_1859 = vector.broadcast %jit3A_1857 : i32 to vector<16xi32>
      %select_n3A_1860 = arith.select %ge3A_1855, %broadcast_in_dim3A_1858, %broadcast_in_dim3A_1859 : vector<16xi1>, vector<16xi32>
      %sub3A_1861 = arith.subi %add3A_1852, %select_n3A_1860 : vector<16xi32>
      %get3A_1862 = arith.constant 944 : index
      %get3A_1863 = tpu.vector_load %arg5[%get3A_1862] {strides = array<i32>} : memref<1024xi32, #tpu.memory_space<vmem>>, vector<16xi32>,
      %get3A_1864 = vector.shape_cast %get3A_1863 : vector<16xi32> to vector<16xi32>
      %mul3A_1865 = arith.constant 1000 : i32
      %mul3A_1866 = vector.broadcast %mul3A_1865 : i32 to vector<16xi32>
      %mul3A_1867 = arith.muli %sub3A_1861, %mul3A_1866 : vector<16xi32>
      %add3A_1868 = arith.addi %get3A_1864, %mul3A_1867 : vector<16xi32>
      %swap3A_1869 = arith.constant 944 : index
      %swap3A_1870 = tpu.vector_load %arg5[%swap3A_1869] {strides = array<i32>} : memref<1024xi32, #tpu.memory_space<vmem>>, vector<16xi32>,
      %swap3A_1871 = vector.shape_cast %swap3A_1870 : vector<16xi32> to vector<16xi32>
      %swap3A_1872 = vector.shape_cast %add3A_1868 : vector<16xi32> to vector<16xi32>
      tpu.vector_store %arg5[%swap3A_1869], %swap3A_1872 {strides = array<i32>} : memref<1024xi32, #tpu.memory_space<vmem>>, vector<16xi32>,
      %dma_wait3A_1873 = arith.constant 0 : i32
      %dma_wait3A_1874 = arith.constant 0 : i32
      %dma_wait3A_1875 = tpu.memref_slice %arg4[%dma_wait3A_1873, %dma_wait3A_1874] : memref<3276800x256xf32, #tpu.memory_space<hbm>> -> memref<64x256xf32, #tpu.memory_space<hbm>>
      %dma_wait3A_1876 = arith.constant 0 : i32
      %dma_wait3A_1877 = arith.constant 0 : i32
      %dma_wait3A_1878 = tpu.memref_slice %arg4[%dma_wait3A_1876, %dma_wait3A_1877] : memref<3276800x256xf32, #tpu.memory_space<hbm>> -> memref<64x256xf32, #tpu.memory_space<hbm>>
      tpu.wait_dma2 semaphore(%arg19 : memref<!tpu.dma_semaphore, #tpu.memory_space<semaphore_mem>>) src(%arg9 : memref<64x256xf32, #tpu.memory_space<vmem>>) dst(%dma_wait3A_1878 : memref<64x256xf32, #tpu.memory_space<hbm>>)
      %rem3A_1879 = arith.constant 199936 : i32
      %rem3A_1880 = arith.remsi %add3A_1776, %rem3A_1879 : i32
      %dma_start3A_1881 = arith.constant 0 : i32
      %dma_start3A_1882 = tpu.memref_slice %arg3[%rem3A_1880, %dma_start3A_1881] : memref<200000x256xf32, #tpu.memory_space<hbm>> -> memref<64x256xf32, #tpu.memory_space<hbm>>
      %dma_start3A_1883 = arith.constant 0 : i32
      %dma_start3A_1884 = tpu.memref_slice %arg3[%rem3A_1880, %dma_start3A_1883] : memref<200000x256xf32, #tpu.memory_space<hbm>> -> memref<64x256xf32, #tpu.memory_space<hbm>>
      tpu.enqueue_dma source(%dma_start3A_1884 : memref<64x256xf32, #tpu.memory_space<hbm>>) target(%arg9 : memref<64x256xf32, #tpu.memory_space<vmem>>) target_semaphore(%arg15 : memref<!tpu.dma_semaphore, #tpu.memory_space<semaphore_mem>>)
      %dma_wait3A_1885 = arith.constant 0 : i32
      %dma_wait3A_1886 = arith.constant 0 : i32
      %dma_wait3A_1887 = tpu.memref_slice %arg3[%dma_wait3A_1885, %dma_wait3A_1886] : memref<200000x256xf32, #tpu.memory_space<hbm>> -> memref<64x256xf32, #tpu.memory_space<hbm>>
      %dma_wait3A_1888 = arith.constant 0 : i32
      %dma_wait3A_1889 = arith.constant 0 : i32
      %dma_wait3A_1890 = tpu.memref_slice %arg3[%dma_wait3A_1888, %dma_wait3A_1889] : memref<200000x256xf32, #tpu.memory_space<hbm>> -> memref<64x256xf32, #tpu.memory_space<hbm>>
      tpu.wait_dma2 semaphore(%arg13 : memref<!tpu.dma_semaphore, #tpu.memory_space<semaphore_mem>>) src(%dma_wait3A_1890 : memref<64x256xf32, #tpu.memory_space<hbm>>) dst(%arg7 : memref<64x256xf32, #tpu.memory_space<vmem>>)
      %dma_start3A_1891 = arith.constant 0 : i32
      %dma_start3A_1892 = tpu.memref_slice %arg4[%add3A_1776, %dma_start3A_1891] : memref<3276800x256xf32, #tpu.memory_space<hbm>> -> memref<64x256xf32, #tpu.memory_space<hbm>>
      %dma_start3A_1893 = arith.constant 0 : i32
      %dma_start3A_1894 = tpu.memref_slice %arg4[%add3A_1776, %dma_start3A_1893] : memref<3276800x256xf32, #tpu.memory_space<hbm>> -> memref<64x256xf32, #tpu.memory_space<hbm>>
      tpu.enqueue_dma source(%arg7 : memref<64x256xf32, #tpu.memory_space<vmem>>) target(%dma_start3A_1894 : memref<64x256xf32, #tpu.memory_space<hbm>>) target_semaphore(%arg17 : memref<!tpu.dma_semaphore, #tpu.memory_space<semaphore_mem>>)
      %add3A_1895 = arith.constant 64 : i32
      %add3A_1896 = arith.addi %sub3A_1774, %add3A_1895 : i32
      %ge3A_1897 = arith.constant 200 : i32
      %ge3A_1898 = arith.cmpi sge, %add3A_1896, %ge3A_1897 : i32
      %jit3A_1899 = arith.constant 200 : i32
      %jit3A_1900 = arith.constant 0 : i32
      %select_n3A_1901 = arith.select %ge3A_1898, %jit3A_1899, %jit3A_1900 : i32
      %sub3A_1902 = arith.subi %add3A_1896, %select_n3A_1901 : i32
      %add3A_1903 = arith.constant 832 : i32
      %add3A_1904 = arith.addi %add3A_240, %add3A_1903 : i32
      %add3A_1905 = arith.constant 0 : i32
      %add3A_1906 = arith.addi %sub3A_1902, %add3A_1905 : i32
      %add3A_1907 = vector.broadcast %add3A_1906 : i32 to vector<16xi32>
      %add3A_1908 = arith.addi %iota3A, %add3A_1907 : vector<16xi32>
      %ge3A_1909 = arith.constant 200 : i32
      %ge3A_1910 = vector.broadcast %ge3A_1909 : i32 to vector<16xi32>
      %ge3A_1911 = arith.cmpi sge, %add3A_1908, %ge3A_1910 : vector<16xi32>
      %jit3A_1912 = arith.constant 200 : i32
      %jit3A_1913 = arith.constant 0 : i32
      %broadcast_in_dim3A_1914 = vector.broadcast %jit3A_1912 : i32 to vector<16xi32>
      %broadcast_in_dim3A_1915 = vector.broadcast %jit3A_1913 : i32 to vector<16xi32>
      %select_n3A_1916 = arith.select %ge3A_1911, %broadcast_in_dim3A_1914, %broadcast_in_dim3A_1915 : vector<16xi1>, vector<16xi32>
      %sub3A_1917 = arith.subi %add3A_1908, %select_n3A_1916 : vector<16xi32>
      %get3A_1918 = arith.constant 960 : index
      %get3A_1919 = tpu.vector_load %arg5[%get3A_1918] {strides = array<i32>} : memref<1024xi32, #tpu.memory_space<vmem>>, vector<16xi32>,
      %get3A_1920 = vector.shape_cast %get3A_1919 : vector<16xi32> to vector<16xi32>
      %mul3A_1921 = arith.constant 1000 : i32
      %mul3A_1922 = vector.broadcast %mul3A_1921 : i32 to vector<16xi32>
      %mul3A_1923 = arith.muli %sub3A_1917, %mul3A_1922 : vector<16xi32>
      %add3A_1924 = arith.addi %get3A_1920, %mul3A_1923 : vector<16xi32>
      %swap3A_1925 = arith.constant 960 : index
      %swap3A_1926 = tpu.vector_load %arg5[%swap3A_1925] {strides = array<i32>} : memref<1024xi32, #tpu.memory_space<vmem>>, vector<16xi32>,
      %swap3A_1927 = vector.shape_cast %swap3A_1926 : vector<16xi32> to vector<16xi32>
      %swap3A_1928 = vector.shape_cast %add3A_1924 : vector<16xi32> to vector<16xi32>
      tpu.vector_store %arg5[%swap3A_1925], %swap3A_1928 {strides = array<i32>} : memref<1024xi32, #tpu.memory_space<vmem>>, vector<16xi32>,
      %add3A_1929 = arith.constant 16 : i32
      %add3A_1930 = arith.addi %sub3A_1902, %add3A_1929 : i32
      %add3A_1931 = vector.broadcast %add3A_1930 : i32 to vector<16xi32>
      %add3A_1932 = arith.addi %iota3A, %add3A_1931 : vector<16xi32>
      %ge3A_1933 = arith.constant 200 : i32
      %ge3A_1934 = vector.broadcast %ge3A_1933 : i32 to vector<16xi32>
      %ge3A_1935 = arith.cmpi sge, %add3A_1932, %ge3A_1934 : vector<16xi32>
      %jit3A_1936 = arith.constant 200 : i32
      %jit3A_1937 = arith.constant 0 : i32
      %broadcast_in_dim3A_1938 = vector.broadcast %jit3A_1936 : i32 to vector<16xi32>
      %broadcast_in_dim3A_1939 = vector.broadcast %jit3A_1937 : i32 to vector<16xi32>
      %select_n3A_1940 = arith.select %ge3A_1935, %broadcast_in_dim3A_1938, %broadcast_in_dim3A_1939 : vector<16xi1>, vector<16xi32>
      %sub3A_1941 = arith.subi %add3A_1932, %select_n3A_1940 : vector<16xi32>
      %get3A_1942 = arith.constant 976 : index
      %get3A_1943 = tpu.vector_load %arg5[%get3A_1942] {strides = array<i32>} : memref<1024xi32, #tpu.memory_space<vmem>>, vector<16xi32>,
      %get3A_1944 = vector.shape_cast %get3A_1943 : vector<16xi32> to vector<16xi32>
      %mul3A_1945 = arith.constant 1000 : i32
      %mul3A_1946 = vector.broadcast %mul3A_1945 : i32 to vector<16xi32>
      %mul3A_1947 = arith.muli %sub3A_1941, %mul3A_1946 : vector<16xi32>
      %add3A_1948 = arith.addi %get3A_1944, %mul3A_1947 : vector<16xi32>
      %swap3A_1949 = arith.constant 976 : index
      %swap3A_1950 = tpu.vector_load %arg5[%swap3A_1949] {strides = array<i32>} : memref<1024xi32, #tpu.memory_space<vmem>>, vector<16xi32>,
      %swap3A_1951 = vector.shape_cast %swap3A_1950 : vector<16xi32> to vector<16xi32>
      %swap3A_1952 = vector.shape_cast %add3A_1948 : vector<16xi32> to vector<16xi32>
      tpu.vector_store %arg5[%swap3A_1949], %swap3A_1952 {strides = array<i32>} : memref<1024xi32, #tpu.memory_space<vmem>>, vector<16xi32>,
      %add3A_1953 = arith.constant 32 : i32
      %add3A_1954 = arith.addi %sub3A_1902, %add3A_1953 : i32
      %add3A_1955 = vector.broadcast %add3A_1954 : i32 to vector<16xi32>
      %add3A_1956 = arith.addi %iota3A, %add3A_1955 : vector<16xi32>
      %ge3A_1957 = arith.constant 200 : i32
      %ge3A_1958 = vector.broadcast %ge3A_1957 : i32 to vector<16xi32>
      %ge3A_1959 = arith.cmpi sge, %add3A_1956, %ge3A_1958 : vector<16xi32>
      %jit3A_1960 = arith.constant 200 : i32
      %jit3A_1961 = arith.constant 0 : i32
      %broadcast_in_dim3A_1962 = vector.broadcast %jit3A_1960 : i32 to vector<16xi32>
      %broadcast_in_dim3A_1963 = vector.broadcast %jit3A_1961 : i32 to vector<16xi32>
      %select_n3A_1964 = arith.select %ge3A_1959, %broadcast_in_dim3A_1962, %broadcast_in_dim3A_1963 : vector<16xi1>, vector<16xi32>
      %sub3A_1965 = arith.subi %add3A_1956, %select_n3A_1964 : vector<16xi32>
      %get3A_1966 = arith.constant 992 : index
      %get3A_1967 = tpu.vector_load %arg5[%get3A_1966] {strides = array<i32>} : memref<1024xi32, #tpu.memory_space<vmem>>, vector<16xi32>,
      %get3A_1968 = vector.shape_cast %get3A_1967 : vector<16xi32> to vector<16xi32>
      %mul3A_1969 = arith.constant 1000 : i32
      %mul3A_1970 = vector.broadcast %mul3A_1969 : i32 to vector<16xi32>
      %mul3A_1971 = arith.muli %sub3A_1965, %mul3A_1970 : vector<16xi32>
      %add3A_1972 = arith.addi %get3A_1968, %mul3A_1971 : vector<16xi32>
      %swap3A_1973 = arith.constant 992 : index
      %swap3A_1974 = tpu.vector_load %arg5[%swap3A_1973] {strides = array<i32>} : memref<1024xi32, #tpu.memory_space<vmem>>, vector<16xi32>,
      %swap3A_1975 = vector.shape_cast %swap3A_1974 : vector<16xi32> to vector<16xi32>
      %swap3A_1976 = vector.shape_cast %add3A_1972 : vector<16xi32> to vector<16xi32>
      tpu.vector_store %arg5[%swap3A_1973], %swap3A_1976 {strides = array<i32>} : memref<1024xi32, #tpu.memory_space<vmem>>, vector<16xi32>,
      %add3A_1977 = arith.constant 48 : i32
      %add3A_1978 = arith.addi %sub3A_1902, %add3A_1977 : i32
      %add3A_1979 = vector.broadcast %add3A_1978 : i32 to vector<16xi32>
      %add3A_1980 = arith.addi %iota3A, %add3A_1979 : vector<16xi32>
      %ge3A_1981 = arith.constant 200 : i32
      %ge3A_1982 = vector.broadcast %ge3A_1981 : i32 to vector<16xi32>
      %ge3A_1983 = arith.cmpi sge, %add3A_1980, %ge3A_1982 : vector<16xi32>
      %jit3A_1984 = arith.constant 200 : i32
      %jit3A_1985 = arith.constant 0 : i32
      %broadcast_in_dim3A_1986 = vector.broadcast %jit3A_1984 : i32 to vector<16xi32>
      %broadcast_in_dim3A_1987 = vector.broadcast %jit3A_1985 : i32 to vector<16xi32>
      %select_n3A_1988 = arith.select %ge3A_1983, %broadcast_in_dim3A_1986, %broadcast_in_dim3A_1987 : vector<16xi1>, vector<16xi32>
      %sub3A_1989 = arith.subi %add3A_1980, %select_n3A_1988 : vector<16xi32>
      %get3A_1990 = arith.constant 1008 : index
      %get3A_1991 = tpu.vector_load %arg5[%get3A_1990] {strides = array<i32>} : memref<1024xi32, #tpu.memory_space<vmem>>, vector<16xi32>,
      %get3A_1992 = vector.shape_cast %get3A_1991 : vector<16xi32> to vector<16xi32>
      %mul3A_1993 = arith.constant 1000 : i32
      %mul3A_1994 = vector.broadcast %mul3A_1993 : i32 to vector<16xi32>
      %mul3A_1995 = arith.muli %sub3A_1989, %mul3A_1994 : vector<16xi32>
      %add3A_1996 = arith.addi %get3A_1992, %mul3A_1995 : vector<16xi32>
      %swap3A_1997 = arith.constant 1008 : index
      %swap3A_1998 = tpu.vector_load %arg5[%swap3A_1997] {strides = array<i32>} : memref<1024xi32, #tpu.memory_space<vmem>>, vector<16xi32>,
      %swap3A_1999 = vector.shape_cast %swap3A_1998 : vector<16xi32> to vector<16xi32>
      %swap3A_2000 = vector.shape_cast %add3A_1996 : vector<16xi32> to vector<16xi32>
      tpu.vector_store %arg5[%swap3A_1997], %swap3A_2000 {strides = array<i32>} : memref<1024xi32, #tpu.memory_space<vmem>>, vector<16xi32>,
      %dma_wait3A_2001 = arith.constant 0 : i32
      %dma_wait3A_2002 = arith.constant 0 : i32
      %dma_wait3A_2003 = tpu.memref_slice %arg4[%dma_wait3A_2001, %dma_wait3A_2002] : memref<3276800x256xf32, #tpu.memory_space<hbm>> -> memref<64x256xf32, #tpu.memory_space<hbm>>
      %dma_wait3A_2004 = arith.constant 0 : i32
      %dma_wait3A_2005 = arith.constant 0 : i32
      %dma_wait3A_2006 = tpu.memref_slice %arg4[%dma_wait3A_2004, %dma_wait3A_2005] : memref<3276800x256xf32, #tpu.memory_space<hbm>> -> memref<64x256xf32, #tpu.memory_space<hbm>>
      tpu.wait_dma2 semaphore(%arg20 : memref<!tpu.dma_semaphore, #tpu.memory_space<semaphore_mem>>) src(%arg10 : memref<64x256xf32, #tpu.memory_space<vmem>>) dst(%dma_wait3A_2006 : memref<64x256xf32, #tpu.memory_space<hbm>>)
      %rem3A_2007 = arith.constant 199936 : i32
      %rem3A_2008 = arith.remsi %add3A_1904, %rem3A_2007 : i32
      %dma_start3A_2009 = arith.constant 0 : i32
      %dma_start3A_2010 = tpu.memref_slice %arg3[%rem3A_2008, %dma_start3A_2009] : memref<200000x256xf32, #tpu.memory_space<hbm>> -> memref<64x256xf32, #tpu.memory_space<hbm>>
      %dma_start3A_2011 = arith.constant 0 : i32
      %dma_start3A_2012 = tpu.memref_slice %arg3[%rem3A_2008, %dma_start3A_2011] : memref<200000x256xf32, #tpu.memory_space<hbm>> -> memref<64x256xf32, #tpu.memory_space<hbm>>
      tpu.enqueue_dma source(%dma_start3A_2012 : memref<64x256xf32, #tpu.memory_space<hbm>>) target(%arg10 : memref<64x256xf32, #tpu.memory_space<vmem>>) target_semaphore(%arg16 : memref<!tpu.dma_semaphore, #tpu.memory_space<semaphore_mem>>)
      %dma_wait3A_2013 = arith.constant 0 : i32
      %dma_wait3A_2014 = arith.constant 0 : i32
      %dma_wait3A_2015 = tpu.memref_slice %arg3[%dma_wait3A_2013, %dma_wait3A_2014] : memref<200000x256xf32, #tpu.memory_space<hbm>> -> memref<64x256xf32, #tpu.memory_space<hbm>>
      %dma_wait3A_2016 = arith.constant 0 : i32
      %dma_wait3A_2017 = arith.constant 0 : i32
      %dma_wait3A_2018 = tpu.memref_slice %arg3[%dma_wait3A_2016, %dma_wait3A_2017] : memref<200000x256xf32, #tpu.memory_space<hbm>> -> memref<64x256xf32, #tpu.memory_space<hbm>>
      tpu.wait_dma2 semaphore(%arg14 : memref<!tpu.dma_semaphore, #tpu.memory_space<semaphore_mem>>) src(%dma_wait3A_2018 : memref<64x256xf32, #tpu.memory_space<hbm>>) dst(%arg8 : memref<64x256xf32, #tpu.memory_space<vmem>>)
      %dma_start3A_2019 = arith.constant 0 : i32
      %dma_start3A_2020 = tpu.memref_slice %arg4[%add3A_1904, %dma_start3A_2019] : memref<3276800x256xf32, #tpu.memory_space<hbm>> -> memref<64x256xf32, #tpu.memory_space<hbm>>
      %dma_start3A_2021 = arith.constant 0 : i32
      %dma_start3A_2022 = tpu.memref_slice %arg4[%add3A_1904, %dma_start3A_2021] : memref<3276800x256xf32, #tpu.memory_space<hbm>> -> memref<64x256xf32, #tpu.memory_space<hbm>>
      tpu.enqueue_dma source(%arg8 : memref<64x256xf32, #tpu.memory_space<vmem>>) target(%dma_start3A_2022 : memref<64x256xf32, #tpu.memory_space<hbm>>) target_semaphore(%arg18 : memref<!tpu.dma_semaphore, #tpu.memory_space<semaphore_mem>>)
      %add3A_2023 = arith.constant 64 : i32
      %add3A_2024 = arith.addi %sub3A_1902, %add3A_2023 : i32
      %ge3A_2025 = arith.constant 200 : i32
      %ge3A_2026 = arith.cmpi sge, %add3A_2024, %ge3A_2025 : i32
      %jit3A_2027 = arith.constant 200 : i32
      %jit3A_2028 = arith.constant 0 : i32
      %select_n3A_2029 = arith.select %ge3A_2026, %jit3A_2027, %jit3A_2028 : i32
      %sub3A_2030 = arith.subi %add3A_2024, %select_n3A_2029 : i32
      %add3A_2031 = arith.constant 896 : i32
      %add3A_2032 = arith.addi %add3A_240, %add3A_2031 : i32
      %dma_wait3A_2033 = arith.constant 0 : i32
      %dma_wait3A_2034 = tpu.memref_slice %arg2[%dma_wait3A_2033] : memref<3276800xi32, #tpu.memory_space<hbm>> -> memref<1024xi32, #tpu.memory_space<hbm>>
      %dma_wait3A_2035 = arith.constant 0 : i32
      %dma_wait3A_2036 = tpu.memref_slice %arg2[%dma_wait3A_2035] : memref<3276800xi32, #tpu.memory_space<hbm>> -> memref<1024xi32, #tpu.memory_space<hbm>>
      tpu.wait_dma2 semaphore(%arg12 : memref<!tpu.dma_semaphore, #tpu.memory_space<semaphore_mem>>) src(%dma_wait3A_2036 : memref<1024xi32, #tpu.memory_space<hbm>>) dst(%arg6 : memref<1024xi32, #tpu.memory_space<vmem>>)
      %add3A_2037 = arith.constant 0 : i32
      %add3A_2038 = arith.addi %sub3A_2030, %add3A_2037 : i32
      %add3A_2039 = vector.broadcast %add3A_2038 : i32 to vector<16xi32>
      %add3A_2040 = arith.addi %iota3A, %add3A_2039 : vector<16xi32>
      %ge3A_2041 = arith.constant 200 : i32
      %ge3A_2042 = vector.broadcast %ge3A_2041 : i32 to vector<16xi32>
      %ge3A_2043 = arith.cmpi sge, %add3A_2040, %ge3A_2042 : vector<16xi32>
      %jit3A_2044 = arith.constant 200 : i32
      %jit3A_2045 = arith.constant 0 : i32
      %broadcast_in_dim3A_2046 = vector.broadcast %jit3A_2044 : i32 to vector<16xi32>
      %broadcast_in_dim3A_2047 = vector.broadcast %jit3A_2045 : i32 to vector<16xi32>
      %select_n3A_2048 = arith.select %ge3A_2043, %broadcast_in_dim3A_2046, %broadcast_in_dim3A_2047 : vector<16xi1>, vector<16xi32>
      %sub3A_2049 = arith.subi %add3A_2040, %select_n3A_2048 : vector<16xi32>
      %get3A_2050 = arith.constant 0 : index
      %get3A_2051 = tpu.vector_load %arg6[%get3A_2050] {strides = array<i32>} : memref<1024xi32, #tpu.memory_space<vmem>>, vector<16xi32>,
      %get3A_2052 = vector.shape_cast %get3A_2051 : vector<16xi32> to vector<16xi32>
      %mul3A_2053 = arith.constant 1000 : i32
      %mul3A_2054 = vector.broadcast %mul3A_2053 : i32 to vector<16xi32>
      %mul3A_2055 = arith.muli %sub3A_2049, %mul3A_2054 : vector<16xi32>
      %add3A_2056 = arith.addi %get3A_2052, %mul3A_2055 : vector<16xi32>
      %swap3A_2057 = arith.constant 0 : index
      %swap3A_2058 = tpu.vector_load %arg6[%swap3A_2057] {strides = array<i32>} : memref<1024xi32, #tpu.memory_space<vmem>>, vector<16xi32>,
      %swap3A_2059 = vector.shape_cast %swap3A_2058 : vector<16xi32> to vector<16xi32>
      %swap3A_2060 = vector.shape_cast %add3A_2056 : vector<16xi32> to vector<16xi32>
      tpu.vector_store %arg6[%swap3A_2057], %swap3A_2060 {strides = array<i32>} : memref<1024xi32, #tpu.memory_space<vmem>>, vector<16xi32>,
      %add3A_2061 = arith.constant 16 : i32
      %add3A_2062 = arith.addi %sub3A_2030, %add3A_2061 : i32
      %add3A_2063 = vector.broadcast %add3A_2062 : i32 to vector<16xi32>
      %add3A_2064 = arith.addi %iota3A, %add3A_2063 : vector<16xi32>
      %ge3A_2065 = arith.constant 200 : i32
      %ge3A_2066 = vector.broadcast %ge3A_2065 : i32 to vector<16xi32>
      %ge3A_2067 = arith.cmpi sge, %add3A_2064, %ge3A_2066 : vector<16xi32>
      %jit3A_2068 = arith.constant 200 : i32
      %jit3A_2069 = arith.constant 0 : i32
      %broadcast_in_dim3A_2070 = vector.broadcast %jit3A_2068 : i32 to vector<16xi32>
      %broadcast_in_dim3A_2071 = vector.broadcast %jit3A_2069 : i32 to vector<16xi32>
      %select_n3A_2072 = arith.select %ge3A_2067, %broadcast_in_dim3A_2070, %broadcast_in_dim3A_2071 : vector<16xi1>, vector<16xi32>
      %sub3A_2073 = arith.subi %add3A_2064, %select_n3A_2072 : vector<16xi32>
      %get3A_2074 = arith.constant 16 : index
      %get3A_2075 = tpu.vector_load %arg6[%get3A_2074] {strides = array<i32>} : memref<1024xi32, #tpu.memory_space<vmem>>, vector<16xi32>,
      %get3A_2076 = vector.shape_cast %get3A_2075 : vector<16xi32> to vector<16xi32>
      %mul3A_2077 = arith.constant 1000 : i32
      %mul3A_2078 = vector.broadcast %mul3A_2077 : i32 to vector<16xi32>
      %mul3A_2079 = arith.muli %sub3A_2073, %mul3A_2078 : vector<16xi32>
      %add3A_2080 = arith.addi %get3A_2076, %mul3A_2079 : vector<16xi32>
      %swap3A_2081 = arith.constant 16 : index
      %swap3A_2082 = tpu.vector_load %arg6[%swap3A_2081] {strides = array<i32>} : memref<1024xi32, #tpu.memory_space<vmem>>, vector<16xi32>,
      %swap3A_2083 = vector.shape_cast %swap3A_2082 : vector<16xi32> to vector<16xi32>
      %swap3A_2084 = vector.shape_cast %add3A_2080 : vector<16xi32> to vector<16xi32>
      tpu.vector_store %arg6[%swap3A_2081], %swap3A_2084 {strides = array<i32>} : memref<1024xi32, #tpu.memory_space<vmem>>, vector<16xi32>,
      %add3A_2085 = arith.constant 32 : i32
      %add3A_2086 = arith.addi %sub3A_2030, %add3A_2085 : i32
      %add3A_2087 = vector.broadcast %add3A_2086 : i32 to vector<16xi32>
      %add3A_2088 = arith.addi %iota3A, %add3A_2087 : vector<16xi32>
      %ge3A_2089 = arith.constant 200 : i32
      %ge3A_2090 = vector.broadcast %ge3A_2089 : i32 to vector<16xi32>
      %ge3A_2091 = arith.cmpi sge, %add3A_2088, %ge3A_2090 : vector<16xi32>
      %jit3A_2092 = arith.constant 200 : i32
      %jit3A_2093 = arith.constant 0 : i32
      %broadcast_in_dim3A_2094 = vector.broadcast %jit3A_2092 : i32 to vector<16xi32>
      %broadcast_in_dim3A_2095 = vector.broadcast %jit3A_2093 : i32 to vector<16xi32>
      %select_n3A_2096 = arith.select %ge3A_2091, %broadcast_in_dim3A_2094, %broadcast_in_dim3A_2095 : vector<16xi1>, vector<16xi32>
      %sub3A_2097 = arith.subi %add3A_2088, %select_n3A_2096 : vector<16xi32>
      %get3A_2098 = arith.constant 32 : index
      %get3A_2099 = tpu.vector_load %arg6[%get3A_2098] {strides = array<i32>} : memref<1024xi32, #tpu.memory_space<vmem>>, vector<16xi32>,
      %get3A_2100 = vector.shape_cast %get3A_2099 : vector<16xi32> to vector<16xi32>
      %mul3A_2101 = arith.constant 1000 : i32
      %mul3A_2102 = vector.broadcast %mul3A_2101 : i32 to vector<16xi32>
      %mul3A_2103 = arith.muli %sub3A_2097, %mul3A_2102 : vector<16xi32>
      %add3A_2104 = arith.addi %get3A_2100, %mul3A_2103 : vector<16xi32>
      %swap3A_2105 = arith.constant 32 : index
      %swap3A_2106 = tpu.vector_load %arg6[%swap3A_2105] {strides = array<i32>} : memref<1024xi32, #tpu.memory_space<vmem>>, vector<16xi32>,
      %swap3A_2107 = vector.shape_cast %swap3A_2106 : vector<16xi32> to vector<16xi32>
      %swap3A_2108 = vector.shape_cast %add3A_2104 : vector<16xi32> to vector<16xi32>
      tpu.vector_store %arg6[%swap3A_2105], %swap3A_2108 {strides = array<i32>} : memref<1024xi32, #tpu.memory_space<vmem>>, vector<16xi32>,
      %add3A_2109 = arith.constant 48 : i32
      %add3A_2110 = arith.addi %sub3A_2030, %add3A_2109 : i32
      %add3A_2111 = vector.broadcast %add3A_2110 : i32 to vector<16xi32>
      %add3A_2112 = arith.addi %iota3A, %add3A_2111 : vector<16xi32>
      %ge3A_2113 = arith.constant 200 : i32
      %ge3A_2114 = vector.broadcast %ge3A_2113 : i32 to vector<16xi32>
      %ge3A_2115 = arith.cmpi sge, %add3A_2112, %ge3A_2114 : vector<16xi32>
      %jit3A_2116 = arith.constant 200 : i32
      %jit3A_2117 = arith.constant 0 : i32
      %broadcast_in_dim3A_2118 = vector.broadcast %jit3A_2116 : i32 to vector<16xi32>
      %broadcast_in_dim3A_2119 = vector.broadcast %jit3A_2117 : i32 to vector<16xi32>
      %select_n3A_2120 = arith.select %ge3A_2115, %broadcast_in_dim3A_2118, %broadcast_in_dim3A_2119 : vector<16xi1>, vector<16xi32>
      %sub3A_2121 = arith.subi %add3A_2112, %select_n3A_2120 : vector<16xi32>
      %get3A_2122 = arith.constant 48 : index
      %get3A_2123 = tpu.vector_load %arg6[%get3A_2122] {strides = array<i32>} : memref<1024xi32, #tpu.memory_space<vmem>>, vector<16xi32>,
      %get3A_2124 = vector.shape_cast %get3A_2123 : vector<16xi32> to vector<16xi32>
      %mul3A_2125 = arith.constant 1000 : i32
      %mul3A_2126 = vector.broadcast %mul3A_2125 : i32 to vector<16xi32>
      %mul3A_2127 = arith.muli %sub3A_2121, %mul3A_2126 : vector<16xi32>
      %add3A_2128 = arith.addi %get3A_2124, %mul3A_2127 : vector<16xi32>
      %swap3A_2129 = arith.constant 48 : index
      %swap3A_2130 = tpu.vector_load %arg6[%swap3A_2129] {strides = array<i32>} : memref<1024xi32, #tpu.memory_space<vmem>>, vector<16xi32>,
      %swap3A_2131 = vector.shape_cast %swap3A_2130 : vector<16xi32> to vector<16xi32>
      %swap3A_2132 = vector.shape_cast %add3A_2128 : vector<16xi32> to vector<16xi32>
      tpu.vector_store %arg6[%swap3A_2129], %swap3A_2132 {strides = array<i32>} : memref<1024xi32, #tpu.memory_space<vmem>>, vector<16xi32>,
      %dma_wait3A_2133 = arith.constant 0 : i32
      %dma_wait3A_2134 = arith.constant 0 : i32
      %dma_wait3A_2135 = tpu.memref_slice %arg4[%dma_wait3A_2133, %dma_wait3A_2134] : memref<3276800x256xf32, #tpu.memory_space<hbm>> -> memref<64x256xf32, #tpu.memory_space<hbm>>
      %dma_wait3A_2136 = arith.constant 0 : i32
      %dma_wait3A_2137 = arith.constant 0 : i32
      %dma_wait3A_2138 = tpu.memref_slice %arg4[%dma_wait3A_2136, %dma_wait3A_2137] : memref<3276800x256xf32, #tpu.memory_space<hbm>> -> memref<64x256xf32, #tpu.memory_space<hbm>>
      tpu.wait_dma2 semaphore(%arg17 : memref<!tpu.dma_semaphore, #tpu.memory_space<semaphore_mem>>) src(%arg7 : memref<64x256xf32, #tpu.memory_space<vmem>>) dst(%dma_wait3A_2138 : memref<64x256xf32, #tpu.memory_space<hbm>>)
      %rem3A_2139 = arith.constant 199936 : i32
      %rem3A_2140 = arith.remsi %add3A_2032, %rem3A_2139 : i32
      %dma_start3A_2141 = arith.constant 0 : i32
      %dma_start3A_2142 = tpu.memref_slice %arg3[%rem3A_2140, %dma_start3A_2141] : memref<200000x256xf32, #tpu.memory_space<hbm>> -> memref<64x256xf32, #tpu.memory_space<hbm>>
      %dma_start3A_2143 = arith.constant 0 : i32
      %dma_start3A_2144 = tpu.memref_slice %arg3[%rem3A_2140, %dma_start3A_2143] : memref<200000x256xf32, #tpu.memory_space<hbm>> -> memref<64x256xf32, #tpu.memory_space<hbm>>
      tpu.enqueue_dma source(%dma_start3A_2144 : memref<64x256xf32, #tpu.memory_space<hbm>>) target(%arg7 : memref<64x256xf32, #tpu.memory_space<vmem>>) target_semaphore(%arg13 : memref<!tpu.dma_semaphore, #tpu.memory_space<semaphore_mem>>)
      %dma_wait3A_2145 = arith.constant 0 : i32
      %dma_wait3A_2146 = arith.constant 0 : i32
      %dma_wait3A_2147 = tpu.memref_slice %arg3[%dma_wait3A_2145, %dma_wait3A_2146] : memref<200000x256xf32, #tpu.memory_space<hbm>> -> memref<64x256xf32, #tpu.memory_space<hbm>>
      %dma_wait3A_2148 = arith.constant 0 : i32
      %dma_wait3A_2149 = arith.constant 0 : i32
      %dma_wait3A_2150 = tpu.memref_slice %arg3[%dma_wait3A_2148, %dma_wait3A_2149] : memref<200000x256xf32, #tpu.memory_space<hbm>> -> memref<64x256xf32, #tpu.memory_space<hbm>>
      tpu.wait_dma2 semaphore(%arg15 : memref<!tpu.dma_semaphore, #tpu.memory_space<semaphore_mem>>) src(%dma_wait3A_2150 : memref<64x256xf32, #tpu.memory_space<hbm>>) dst(%arg9 : memref<64x256xf32, #tpu.memory_space<vmem>>)
      %dma_start3A_2151 = arith.constant 0 : i32
      %dma_start3A_2152 = tpu.memref_slice %arg4[%add3A_2032, %dma_start3A_2151] : memref<3276800x256xf32, #tpu.memory_space<hbm>> -> memref<64x256xf32, #tpu.memory_space<hbm>>
      %dma_start3A_2153 = arith.constant 0 : i32
      %dma_start3A_2154 = tpu.memref_slice %arg4[%add3A_2032, %dma_start3A_2153] : memref<3276800x256xf32, #tpu.memory_space<hbm>> -> memref<64x256xf32, #tpu.memory_space<hbm>>
      tpu.enqueue_dma source(%arg9 : memref<64x256xf32, #tpu.memory_space<vmem>>) target(%dma_start3A_2154 : memref<64x256xf32, #tpu.memory_space<hbm>>) target_semaphore(%arg19 : memref<!tpu.dma_semaphore, #tpu.memory_space<semaphore_mem>>)
      %add3A_2155 = arith.constant 64 : i32
      %add3A_2156 = arith.addi %sub3A_2030, %add3A_2155 : i32
      %ge3A_2157 = arith.constant 200 : i32
      %ge3A_2158 = arith.cmpi sge, %add3A_2156, %ge3A_2157 : i32
      %jit3A_2159 = arith.constant 200 : i32
      %jit3A_2160 = arith.constant 0 : i32
      %select_n3A_2161 = arith.select %ge3A_2158, %jit3A_2159, %jit3A_2160 : i32
      %sub3A_2162 = arith.subi %add3A_2156, %select_n3A_2161 : i32
      %add3A_2163 = arith.constant 960 : i32
      %add3A_2164 = arith.addi %add3A_240, %add3A_2163 : i32
      %add3A_2165 = arith.constant 0 : i32
      %add3A_2166 = arith.addi %sub3A_2162, %add3A_2165 : i32
      %add3A_2167 = vector.broadcast %add3A_2166 : i32 to vector<16xi32>
      %add3A_2168 = arith.addi %iota3A, %add3A_2167 : vector<16xi32>
      %ge3A_2169 = arith.constant 200 : i32
      %ge3A_2170 = vector.broadcast %ge3A_2169 : i32 to vector<16xi32>
      %ge3A_2171 = arith.cmpi sge, %add3A_2168, %ge3A_2170 : vector<16xi32>
      %jit3A_2172 = arith.constant 200 : i32
      %jit3A_2173 = arith.constant 0 : i32
      %broadcast_in_dim3A_2174 = vector.broadcast %jit3A_2172 : i32 to vector<16xi32>
      %broadcast_in_dim3A_2175 = vector.broadcast %jit3A_2173 : i32 to vector<16xi32>
      %select_n3A_2176 = arith.select %ge3A_2171, %broadcast_in_dim3A_2174, %broadcast_in_dim3A_2175 : vector<16xi1>, vector<16xi32>
      %sub3A_2177 = arith.subi %add3A_2168, %select_n3A_2176 : vector<16xi32>
      %get3A_2178 = arith.constant 64 : index
      %get3A_2179 = tpu.vector_load %arg6[%get3A_2178] {strides = array<i32>} : memref<1024xi32, #tpu.memory_space<vmem>>, vector<16xi32>,
      %get3A_2180 = vector.shape_cast %get3A_2179 : vector<16xi32> to vector<16xi32>
      %mul3A_2181 = arith.constant 1000 : i32
      %mul3A_2182 = vector.broadcast %mul3A_2181 : i32 to vector<16xi32>
      %mul3A_2183 = arith.muli %sub3A_2177, %mul3A_2182 : vector<16xi32>
      %add3A_2184 = arith.addi %get3A_2180, %mul3A_2183 : vector<16xi32>
      %swap3A_2185 = arith.constant 64 : index
      %swap3A_2186 = tpu.vector_load %arg6[%swap3A_2185] {strides = array<i32>} : memref<1024xi32, #tpu.memory_space<vmem>>, vector<16xi32>,
      %swap3A_2187 = vector.shape_cast %swap3A_2186 : vector<16xi32> to vector<16xi32>
      %swap3A_2188 = vector.shape_cast %add3A_2184 : vector<16xi32> to vector<16xi32>
      tpu.vector_store %arg6[%swap3A_2185], %swap3A_2188 {strides = array<i32>} : memref<1024xi32, #tpu.memory_space<vmem>>, vector<16xi32>,
      %add3A_2189 = arith.constant 16 : i32
      %add3A_2190 = arith.addi %sub3A_2162, %add3A_2189 : i32
      %add3A_2191 = vector.broadcast %add3A_2190 : i32 to vector<16xi32>
      %add3A_2192 = arith.addi %iota3A, %add3A_2191 : vector<16xi32>
      %ge3A_2193 = arith.constant 200 : i32
      %ge3A_2194 = vector.broadcast %ge3A_2193 : i32 to vector<16xi32>
      %ge3A_2195 = arith.cmpi sge, %add3A_2192, %ge3A_2194 : vector<16xi32>
      %jit3A_2196 = arith.constant 200 : i32
      %jit3A_2197 = arith.constant 0 : i32
      %broadcast_in_dim3A_2198 = vector.broadcast %jit3A_2196 : i32 to vector<16xi32>
      %broadcast_in_dim3A_2199 = vector.broadcast %jit3A_2197 : i32 to vector<16xi32>
      %select_n3A_2200 = arith.select %ge3A_2195, %broadcast_in_dim3A_2198, %broadcast_in_dim3A_2199 : vector<16xi1>, vector<16xi32>
      %sub3A_2201 = arith.subi %add3A_2192, %select_n3A_2200 : vector<16xi32>
      %get3A_2202 = arith.constant 80 : index
      %get3A_2203 = tpu.vector_load %arg6[%get3A_2202] {strides = array<i32>} : memref<1024xi32, #tpu.memory_space<vmem>>, vector<16xi32>,
      %get3A_2204 = vector.shape_cast %get3A_2203 : vector<16xi32> to vector<16xi32>
      %mul3A_2205 = arith.constant 1000 : i32
      %mul3A_2206 = vector.broadcast %mul3A_2205 : i32 to vector<16xi32>
      %mul3A_2207 = arith.muli %sub3A_2201, %mul3A_2206 : vector<16xi32>
      %add3A_2208 = arith.addi %get3A_2204, %mul3A_2207 : vector<16xi32>
      %swap3A_2209 = arith.constant 80 : index
      %swap3A_2210 = tpu.vector_load %arg6[%swap3A_2209] {strides = array<i32>} : memref<1024xi32, #tpu.memory_space<vmem>>, vector<16xi32>,
      %swap3A_2211 = vector.shape_cast %swap3A_2210 : vector<16xi32> to vector<16xi32>
      %swap3A_2212 = vector.shape_cast %add3A_2208 : vector<16xi32> to vector<16xi32>
      tpu.vector_store %arg6[%swap3A_2209], %swap3A_2212 {strides = array<i32>} : memref<1024xi32, #tpu.memory_space<vmem>>, vector<16xi32>,
      %add3A_2213 = arith.constant 32 : i32
      %add3A_2214 = arith.addi %sub3A_2162, %add3A_2213 : i32
      %add3A_2215 = vector.broadcast %add3A_2214 : i32 to vector<16xi32>
      %add3A_2216 = arith.addi %iota3A, %add3A_2215 : vector<16xi32>
      %ge3A_2217 = arith.constant 200 : i32
      %ge3A_2218 = vector.broadcast %ge3A_2217 : i32 to vector<16xi32>
      %ge3A_2219 = arith.cmpi sge, %add3A_2216, %ge3A_2218 : vector<16xi32>
      %jit3A_2220 = arith.constant 200 : i32
      %jit3A_2221 = arith.constant 0 : i32
      %broadcast_in_dim3A_2222 = vector.broadcast %jit3A_2220 : i32 to vector<16xi32>
      %broadcast_in_dim3A_2223 = vector.broadcast %jit3A_2221 : i32 to vector<16xi32>
      %select_n3A_2224 = arith.select %ge3A_2219, %broadcast_in_dim3A_2222, %broadcast_in_dim3A_2223 : vector<16xi1>, vector<16xi32>
      %sub3A_2225 = arith.subi %add3A_2216, %select_n3A_2224 : vector<16xi32>
      %get3A_2226 = arith.constant 96 : index
      %get3A_2227 = tpu.vector_load %arg6[%get3A_2226] {strides = array<i32>} : memref<1024xi32, #tpu.memory_space<vmem>>, vector<16xi32>,
      %get3A_2228 = vector.shape_cast %get3A_2227 : vector<16xi32> to vector<16xi32>
      %mul3A_2229 = arith.constant 1000 : i32
      %mul3A_2230 = vector.broadcast %mul3A_2229 : i32 to vector<16xi32>
      %mul3A_2231 = arith.muli %sub3A_2225, %mul3A_2230 : vector<16xi32>
      %add3A_2232 = arith.addi %get3A_2228, %mul3A_2231 : vector<16xi32>
      %swap3A_2233 = arith.constant 96 : index
      %swap3A_2234 = tpu.vector_load %arg6[%swap3A_2233] {strides = array<i32>} : memref<1024xi32, #tpu.memory_space<vmem>>, vector<16xi32>,
      %swap3A_2235 = vector.shape_cast %swap3A_2234 : vector<16xi32> to vector<16xi32>
      %swap3A_2236 = vector.shape_cast %add3A_2232 : vector<16xi32> to vector<16xi32>
      tpu.vector_store %arg6[%swap3A_2233], %swap3A_2236 {strides = array<i32>} : memref<1024xi32, #tpu.memory_space<vmem>>, vector<16xi32>,
      %add3A_2237 = arith.constant 48 : i32
      %add3A_2238 = arith.addi %sub3A_2162, %add3A_2237 : i32
      %add3A_2239 = vector.broadcast %add3A_2238 : i32 to vector<16xi32>
      %add3A_2240 = arith.addi %iota3A, %add3A_2239 : vector<16xi32>
      %ge3A_2241 = arith.constant 200 : i32
      %ge3A_2242 = vector.broadcast %ge3A_2241 : i32 to vector<16xi32>
      %ge3A_2243 = arith.cmpi sge, %add3A_2240, %ge3A_2242 : vector<16xi32>
      %jit3A_2244 = arith.constant 200 : i32
      %jit3A_2245 = arith.constant 0 : i32
      %broadcast_in_dim3A_2246 = vector.broadcast %jit3A_2244 : i32 to vector<16xi32>
      %broadcast_in_dim3A_2247 = vector.broadcast %jit3A_2245 : i32 to vector<16xi32>
      %select_n3A_2248 = arith.select %ge3A_2243, %broadcast_in_dim3A_2246, %broadcast_in_dim3A_2247 : vector<16xi1>, vector<16xi32>
      %sub3A_2249 = arith.subi %add3A_2240, %select_n3A_2248 : vector<16xi32>
      %get3A_2250 = arith.constant 112 : index
      %get3A_2251 = tpu.vector_load %arg6[%get3A_2250] {strides = array<i32>} : memref<1024xi32, #tpu.memory_space<vmem>>, vector<16xi32>,
      %get3A_2252 = vector.shape_cast %get3A_2251 : vector<16xi32> to vector<16xi32>
      %mul3A_2253 = arith.constant 1000 : i32
      %mul3A_2254 = vector.broadcast %mul3A_2253 : i32 to vector<16xi32>
      %mul3A_2255 = arith.muli %sub3A_2249, %mul3A_2254 : vector<16xi32>
      %add3A_2256 = arith.addi %get3A_2252, %mul3A_2255 : vector<16xi32>
      %swap3A_2257 = arith.constant 112 : index
      %swap3A_2258 = tpu.vector_load %arg6[%swap3A_2257] {strides = array<i32>} : memref<1024xi32, #tpu.memory_space<vmem>>, vector<16xi32>,
      %swap3A_2259 = vector.shape_cast %swap3A_2258 : vector<16xi32> to vector<16xi32>
      %swap3A_2260 = vector.shape_cast %add3A_2256 : vector<16xi32> to vector<16xi32>
      tpu.vector_store %arg6[%swap3A_2257], %swap3A_2260 {strides = array<i32>} : memref<1024xi32, #tpu.memory_space<vmem>>, vector<16xi32>,
      %dma_wait3A_2261 = arith.constant 0 : i32
      %dma_wait3A_2262 = arith.constant 0 : i32
      %dma_wait3A_2263 = tpu.memref_slice %arg4[%dma_wait3A_2261, %dma_wait3A_2262] : memref<3276800x256xf32, #tpu.memory_space<hbm>> -> memref<64x256xf32, #tpu.memory_space<hbm>>
      %dma_wait3A_2264 = arith.constant 0 : i32
      %dma_wait3A_2265 = arith.constant 0 : i32
      %dma_wait3A_2266 = tpu.memref_slice %arg4[%dma_wait3A_2264, %dma_wait3A_2265] : memref<3276800x256xf32, #tpu.memory_space<hbm>> -> memref<64x256xf32, #tpu.memory_space<hbm>>
      tpu.wait_dma2 semaphore(%arg18 : memref<!tpu.dma_semaphore, #tpu.memory_space<semaphore_mem>>) src(%arg8 : memref<64x256xf32, #tpu.memory_space<vmem>>) dst(%dma_wait3A_2266 : memref<64x256xf32, #tpu.memory_space<hbm>>)
      %rem3A_2267 = arith.constant 199936 : i32
      %rem3A_2268 = arith.remsi %add3A_2164, %rem3A_2267 : i32
      %dma_start3A_2269 = arith.constant 0 : i32
      %dma_start3A_2270 = tpu.memref_slice %arg3[%rem3A_2268, %dma_start3A_2269] : memref<200000x256xf32, #tpu.memory_space<hbm>> -> memref<64x256xf32, #tpu.memory_space<hbm>>
      %dma_start3A_2271 = arith.constant 0 : i32
      %dma_start3A_2272 = tpu.memref_slice %arg3[%rem3A_2268, %dma_start3A_2271] : memref<200000x256xf32, #tpu.memory_space<hbm>> -> memref<64x256xf32, #tpu.memory_space<hbm>>
      tpu.enqueue_dma source(%dma_start3A_2272 : memref<64x256xf32, #tpu.memory_space<hbm>>) target(%arg8 : memref<64x256xf32, #tpu.memory_space<vmem>>) target_semaphore(%arg14 : memref<!tpu.dma_semaphore, #tpu.memory_space<semaphore_mem>>)
      %dma_wait3A_2273 = arith.constant 0 : i32
      %dma_wait3A_2274 = arith.constant 0 : i32
      %dma_wait3A_2275 = tpu.memref_slice %arg3[%dma_wait3A_2273, %dma_wait3A_2274] : memref<200000x256xf32, #tpu.memory_space<hbm>> -> memref<64x256xf32, #tpu.memory_space<hbm>>
      %dma_wait3A_2276 = arith.constant 0 : i32
      %dma_wait3A_2277 = arith.constant 0 : i32
      %dma_wait3A_2278 = tpu.memref_slice %arg3[%dma_wait3A_2276, %dma_wait3A_2277] : memref<200000x256xf32, #tpu.memory_space<hbm>> -> memref<64x256xf32, #tpu.memory_space<hbm>>
      tpu.wait_dma2 semaphore(%arg16 : memref<!tpu.dma_semaphore, #tpu.memory_space<semaphore_mem>>) src(%dma_wait3A_2278 : memref<64x256xf32, #tpu.memory_space<hbm>>) dst(%arg10 : memref<64x256xf32, #tpu.memory_space<vmem>>)
      %dma_start3A_2279 = arith.constant 0 : i32
      %dma_start3A_2280 = tpu.memref_slice %arg4[%add3A_2164, %dma_start3A_2279] : memref<3276800x256xf32, #tpu.memory_space<hbm>> -> memref<64x256xf32, #tpu.memory_space<hbm>>
      %dma_start3A_2281 = arith.constant 0 : i32
      %dma_start3A_2282 = tpu.memref_slice %arg4[%add3A_2164, %dma_start3A_2281] : memref<3276800x256xf32, #tpu.memory_space<hbm>> -> memref<64x256xf32, #tpu.memory_space<hbm>>
      tpu.enqueue_dma source(%arg10 : memref<64x256xf32, #tpu.memory_space<vmem>>) target(%dma_start3A_2282 : memref<64x256xf32, #tpu.memory_space<hbm>>) target_semaphore(%arg20 : memref<!tpu.dma_semaphore, #tpu.memory_space<semaphore_mem>>)
      %add3A_2283 = arith.constant 64 : i32
      %add3A_2284 = arith.addi %sub3A_2162, %add3A_2283 : i32
      %ge3A_2285 = arith.constant 200 : i32
      %ge3A_2286 = arith.cmpi sge, %add3A_2284, %ge3A_2285 : i32
      %jit3A_2287 = arith.constant 200 : i32
      %jit3A_2288 = arith.constant 0 : i32
      %select_n3A_2289 = arith.select %ge3A_2286, %jit3A_2287, %jit3A_2288 : i32
      %sub3A_2290 = arith.subi %add3A_2284, %select_n3A_2289 : i32
      %add3A_2291 = arith.constant 1024 : i32
      %add3A_2292 = arith.addi %add3A_240, %add3A_2291 : i32
      %lt3A = arith.constant 49 : i32
      %lt3A_2293 = arith.cmpi slt, %scan3A_234, %lt3A : i32
      %convert_element_type3A_2294 = arith.extui %lt3A_2293 : i1 to i32
      %cond3A_2295 = arith.constant 0 : i32
      %cond3A_2296 = arith.cmpi ne, %convert_element_type3A_2294, %cond3A_2295 : i32
      scf.if %cond3A_2296 {
        %add3A_4137 = arith.constant 2048 : i32
        %add3A_4138 = arith.addi %add3A_240, %add3A_4137 : i32
        %dma_start3A_4139 = tpu.memref_slice %arg2[%add3A_4138] : memref<3276800xi32, #tpu.memory_space<hbm>> -> memref<1024xi32, #tpu.memory_space<hbm>>
        %dma_start3A_4140 = tpu.memref_slice %arg2[%add3A_4138] : memref<3276800xi32, #tpu.memory_space<hbm>> -> memref<1024xi32, #tpu.memory_space<hbm>>
        tpu.enqueue_dma source(%dma_start3A_4140 : memref<1024xi32, #tpu.memory_space<hbm>>) target(%arg5 : memref<1024xi32, #tpu.memory_space<vmem>>) target_semaphore(%arg11 : memref<!tpu.dma_semaphore, #tpu.memory_space<semaphore_mem>>)
      } else {
      }
      %add3A_2297 = arith.constant 0 : i32
      %add3A_2298 = arith.addi %sub3A_2290, %add3A_2297 : i32
      %add3A_2299 = vector.broadcast %add3A_2298 : i32 to vector<16xi32>
      %add3A_2300 = arith.addi %iota3A, %add3A_2299 : vector<16xi32>
      %ge3A_2301 = arith.constant 200 : i32
      %ge3A_2302 = vector.broadcast %ge3A_2301 : i32 to vector<16xi32>
      %ge3A_2303 = arith.cmpi sge, %add3A_2300, %ge3A_2302 : vector<16xi32>
      %jit3A_2304 = arith.constant 200 : i32
      %jit3A_2305 = arith.constant 0 : i32
      %broadcast_in_dim3A_2306 = vector.broadcast %jit3A_2304 : i32 to vector<16xi32>
      %broadcast_in_dim3A_2307 = vector.broadcast %jit3A_2305 : i32 to vector<16xi32>
      %select_n3A_2308 = arith.select %ge3A_2303, %broadcast_in_dim3A_2306, %broadcast_in_dim3A_2307 : vector<16xi1>, vector<16xi32>
      %sub3A_2309 = arith.subi %add3A_2300, %select_n3A_2308 : vector<16xi32>
      %get3A_2310 = arith.constant 128 : index
      %get3A_2311 = tpu.vector_load %arg6[%get3A_2310] {strides = array<i32>} : memref<1024xi32, #tpu.memory_space<vmem>>, vector<16xi32>,
      %get3A_2312 = vector.shape_cast %get3A_2311 : vector<16xi32> to vector<16xi32>
      %mul3A_2313 = arith.constant 1000 : i32
      %mul3A_2314 = vector.broadcast %mul3A_2313 : i32 to vector<16xi32>
      %mul3A_2315 = arith.muli %sub3A_2309, %mul3A_2314 : vector<16xi32>
      %add3A_2316 = arith.addi %get3A_2312, %mul3A_2315 : vector<16xi32>
      %swap3A_2317 = arith.constant 128 : index
      %swap3A_2318 = tpu.vector_load %arg6[%swap3A_2317] {strides = array<i32>} : memref<1024xi32, #tpu.memory_space<vmem>>, vector<16xi32>,
      %swap3A_2319 = vector.shape_cast %swap3A_2318 : vector<16xi32> to vector<16xi32>
      %swap3A_2320 = vector.shape_cast %add3A_2316 : vector<16xi32> to vector<16xi32>
      tpu.vector_store %arg6[%swap3A_2317], %swap3A_2320 {strides = array<i32>} : memref<1024xi32, #tpu.memory_space<vmem>>, vector<16xi32>,
      %add3A_2321 = arith.constant 16 : i32
      %add3A_2322 = arith.addi %sub3A_2290, %add3A_2321 : i32
      %add3A_2323 = vector.broadcast %add3A_2322 : i32 to vector<16xi32>
      %add3A_2324 = arith.addi %iota3A, %add3A_2323 : vector<16xi32>
      %ge3A_2325 = arith.constant 200 : i32
      %ge3A_2326 = vector.broadcast %ge3A_2325 : i32 to vector<16xi32>
      %ge3A_2327 = arith.cmpi sge, %add3A_2324, %ge3A_2326 : vector<16xi32>
      %jit3A_2328 = arith.constant 200 : i32
      %jit3A_2329 = arith.constant 0 : i32
      %broadcast_in_dim3A_2330 = vector.broadcast %jit3A_2328 : i32 to vector<16xi32>
      %broadcast_in_dim3A_2331 = vector.broadcast %jit3A_2329 : i32 to vector<16xi32>
      %select_n3A_2332 = arith.select %ge3A_2327, %broadcast_in_dim3A_2330, %broadcast_in_dim3A_2331 : vector<16xi1>, vector<16xi32>
      %sub3A_2333 = arith.subi %add3A_2324, %select_n3A_2332 : vector<16xi32>
      %get3A_2334 = arith.constant 144 : index
      %get3A_2335 = tpu.vector_load %arg6[%get3A_2334] {strides = array<i32>} : memref<1024xi32, #tpu.memory_space<vmem>>, vector<16xi32>,
      %get3A_2336 = vector.shape_cast %get3A_2335 : vector<16xi32> to vector<16xi32>
      %mul3A_2337 = arith.constant 1000 : i32
      %mul3A_2338 = vector.broadcast %mul3A_2337 : i32 to vector<16xi32>
      %mul3A_2339 = arith.muli %sub3A_2333, %mul3A_2338 : vector<16xi32>
      %add3A_2340 = arith.addi %get3A_2336, %mul3A_2339 : vector<16xi32>
      %swap3A_2341 = arith.constant 144 : index
      %swap3A_2342 = tpu.vector_load %arg6[%swap3A_2341] {strides = array<i32>} : memref<1024xi32, #tpu.memory_space<vmem>>, vector<16xi32>,
      %swap3A_2343 = vector.shape_cast %swap3A_2342 : vector<16xi32> to vector<16xi32>
      %swap3A_2344 = vector.shape_cast %add3A_2340 : vector<16xi32> to vector<16xi32>
      tpu.vector_store %arg6[%swap3A_2341], %swap3A_2344 {strides = array<i32>} : memref<1024xi32, #tpu.memory_space<vmem>>, vector<16xi32>,
      %add3A_2345 = arith.constant 32 : i32
      %add3A_2346 = arith.addi %sub3A_2290, %add3A_2345 : i32
      %add3A_2347 = vector.broadcast %add3A_2346 : i32 to vector<16xi32>
      %add3A_2348 = arith.addi %iota3A, %add3A_2347 : vector<16xi32>
      %ge3A_2349 = arith.constant 200 : i32
      %ge3A_2350 = vector.broadcast %ge3A_2349 : i32 to vector<16xi32>
      %ge3A_2351 = arith.cmpi sge, %add3A_2348, %ge3A_2350 : vector<16xi32>
      %jit3A_2352 = arith.constant 200 : i32
      %jit3A_2353 = arith.constant 0 : i32
      %broadcast_in_dim3A_2354 = vector.broadcast %jit3A_2352 : i32 to vector<16xi32>
      %broadcast_in_dim3A_2355 = vector.broadcast %jit3A_2353 : i32 to vector<16xi32>
      %select_n3A_2356 = arith.select %ge3A_2351, %broadcast_in_dim3A_2354, %broadcast_in_dim3A_2355 : vector<16xi1>, vector<16xi32>
      %sub3A_2357 = arith.subi %add3A_2348, %select_n3A_2356 : vector<16xi32>
      %get3A_2358 = arith.constant 160 : index
      %get3A_2359 = tpu.vector_load %arg6[%get3A_2358] {strides = array<i32>} : memref<1024xi32, #tpu.memory_space<vmem>>, vector<16xi32>,
      %get3A_2360 = vector.shape_cast %get3A_2359 : vector<16xi32> to vector<16xi32>
      %mul3A_2361 = arith.constant 1000 : i32
      %mul3A_2362 = vector.broadcast %mul3A_2361 : i32 to vector<16xi32>
      %mul3A_2363 = arith.muli %sub3A_2357, %mul3A_2362 : vector<16xi32>
      %add3A_2364 = arith.addi %get3A_2360, %mul3A_2363 : vector<16xi32>
      %swap3A_2365 = arith.constant 160 : index
      %swap3A_2366 = tpu.vector_load %arg6[%swap3A_2365] {strides = array<i32>} : memref<1024xi32, #tpu.memory_space<vmem>>, vector<16xi32>,
      %swap3A_2367 = vector.shape_cast %swap3A_2366 : vector<16xi32> to vector<16xi32>
      %swap3A_2368 = vector.shape_cast %add3A_2364 : vector<16xi32> to vector<16xi32>
      tpu.vector_store %arg6[%swap3A_2365], %swap3A_2368 {strides = array<i32>} : memref<1024xi32, #tpu.memory_space<vmem>>, vector<16xi32>,
      %add3A_2369 = arith.constant 48 : i32
      %add3A_2370 = arith.addi %sub3A_2290, %add3A_2369 : i32
      %add3A_2371 = vector.broadcast %add3A_2370 : i32 to vector<16xi32>
      %add3A_2372 = arith.addi %iota3A, %add3A_2371 : vector<16xi32>
      %ge3A_2373 = arith.constant 200 : i32
      %ge3A_2374 = vector.broadcast %ge3A_2373 : i32 to vector<16xi32>
      %ge3A_2375 = arith.cmpi sge, %add3A_2372, %ge3A_2374 : vector<16xi32>
      %jit3A_2376 = arith.constant 200 : i32
      %jit3A_2377 = arith.constant 0 : i32
      %broadcast_in_dim3A_2378 = vector.broadcast %jit3A_2376 : i32 to vector<16xi32>
      %broadcast_in_dim3A_2379 = vector.broadcast %jit3A_2377 : i32 to vector<16xi32>
      %select_n3A_2380 = arith.select %ge3A_2375, %broadcast_in_dim3A_2378, %broadcast_in_dim3A_2379 : vector<16xi1>, vector<16xi32>
      %sub3A_2381 = arith.subi %add3A_2372, %select_n3A_2380 : vector<16xi32>
      %get3A_2382 = arith.constant 176 : index
      %get3A_2383 = tpu.vector_load %arg6[%get3A_2382] {strides = array<i32>} : memref<1024xi32, #tpu.memory_space<vmem>>, vector<16xi32>,
      %get3A_2384 = vector.shape_cast %get3A_2383 : vector<16xi32> to vector<16xi32>
      %mul3A_2385 = arith.constant 1000 : i32
      %mul3A_2386 = vector.broadcast %mul3A_2385 : i32 to vector<16xi32>
      %mul3A_2387 = arith.muli %sub3A_2381, %mul3A_2386 : vector<16xi32>
      %add3A_2388 = arith.addi %get3A_2384, %mul3A_2387 : vector<16xi32>
      %swap3A_2389 = arith.constant 176 : index
      %swap3A_2390 = tpu.vector_load %arg6[%swap3A_2389] {strides = array<i32>} : memref<1024xi32, #tpu.memory_space<vmem>>, vector<16xi32>,
      %swap3A_2391 = vector.shape_cast %swap3A_2390 : vector<16xi32> to vector<16xi32>
      %swap3A_2392 = vector.shape_cast %add3A_2388 : vector<16xi32> to vector<16xi32>
      tpu.vector_store %arg6[%swap3A_2389], %swap3A_2392 {strides = array<i32>} : memref<1024xi32, #tpu.memory_space<vmem>>, vector<16xi32>,
      %dma_wait3A_2393 = arith.constant 0 : i32
      %dma_wait3A_2394 = arith.constant 0 : i32
      %dma_wait3A_2395 = tpu.memref_slice %arg4[%dma_wait3A_2393, %dma_wait3A_2394] : memref<3276800x256xf32, #tpu.memory_space<hbm>> -> memref<64x256xf32, #tpu.memory_space<hbm>>
      %dma_wait3A_2396 = arith.constant 0 : i32
      %dma_wait3A_2397 = arith.constant 0 : i32
      %dma_wait3A_2398 = tpu.memref_slice %arg4[%dma_wait3A_2396, %dma_wait3A_2397] : memref<3276800x256xf32, #tpu.memory_space<hbm>> -> memref<64x256xf32, #tpu.memory_space<hbm>>
      tpu.wait_dma2 semaphore(%arg19 : memref<!tpu.dma_semaphore, #tpu.memory_space<semaphore_mem>>) src(%arg9 : memref<64x256xf32, #tpu.memory_space<vmem>>) dst(%dma_wait3A_2398 : memref<64x256xf32, #tpu.memory_space<hbm>>)
      %rem3A_2399 = arith.constant 199936 : i32
      %rem3A_2400 = arith.remsi %add3A_2292, %rem3A_2399 : i32
      %dma_start3A_2401 = arith.constant 0 : i32
      %dma_start3A_2402 = tpu.memref_slice %arg3[%rem3A_2400, %dma_start3A_2401] : memref<200000x256xf32, #tpu.memory_space<hbm>> -> memref<64x256xf32, #tpu.memory_space<hbm>>
      %dma_start3A_2403 = arith.constant 0 : i32
      %dma_start3A_2404 = tpu.memref_slice %arg3[%rem3A_2400, %dma_start3A_2403] : memref<200000x256xf32, #tpu.memory_space<hbm>> -> memref<64x256xf32, #tpu.memory_space<hbm>>
      tpu.enqueue_dma source(%dma_start3A_2404 : memref<64x256xf32, #tpu.memory_space<hbm>>) target(%arg9 : memref<64x256xf32, #tpu.memory_space<vmem>>) target_semaphore(%arg15 : memref<!tpu.dma_semaphore, #tpu.memory_space<semaphore_mem>>)
      %dma_wait3A_2405 = arith.constant 0 : i32
      %dma_wait3A_2406 = arith.constant 0 : i32
      %dma_wait3A_2407 = tpu.memref_slice %arg3[%dma_wait3A_2405, %dma_wait3A_2406] : memref<200000x256xf32, #tpu.memory_space<hbm>> -> memref<64x256xf32, #tpu.memory_space<hbm>>
      %dma_wait3A_2408 = arith.constant 0 : i32
      %dma_wait3A_2409 = arith.constant 0 : i32
      %dma_wait3A_2410 = tpu.memref_slice %arg3[%dma_wait3A_2408, %dma_wait3A_2409] : memref<200000x256xf32, #tpu.memory_space<hbm>> -> memref<64x256xf32, #tpu.memory_space<hbm>>
      tpu.wait_dma2 semaphore(%arg13 : memref<!tpu.dma_semaphore, #tpu.memory_space<semaphore_mem>>) src(%dma_wait3A_2410 : memref<64x256xf32, #tpu.memory_space<hbm>>) dst(%arg7 : memref<64x256xf32, #tpu.memory_space<vmem>>)
      %dma_start3A_2411 = arith.constant 0 : i32
      %dma_start3A_2412 = tpu.memref_slice %arg4[%add3A_2292, %dma_start3A_2411] : memref<3276800x256xf32, #tpu.memory_space<hbm>> -> memref<64x256xf32, #tpu.memory_space<hbm>>
      %dma_start3A_2413 = arith.constant 0 : i32
      %dma_start3A_2414 = tpu.memref_slice %arg4[%add3A_2292, %dma_start3A_2413] : memref<3276800x256xf32, #tpu.memory_space<hbm>> -> memref<64x256xf32, #tpu.memory_space<hbm>>
      tpu.enqueue_dma source(%arg7 : memref<64x256xf32, #tpu.memory_space<vmem>>) target(%dma_start3A_2414 : memref<64x256xf32, #tpu.memory_space<hbm>>) target_semaphore(%arg17 : memref<!tpu.dma_semaphore, #tpu.memory_space<semaphore_mem>>)
      %add3A_2415 = arith.constant 64 : i32
      %add3A_2416 = arith.addi %sub3A_2290, %add3A_2415 : i32
      %ge3A_2417 = arith.constant 200 : i32
      %ge3A_2418 = arith.cmpi sge, %add3A_2416, %ge3A_2417 : i32
      %jit3A_2419 = arith.constant 200 : i32
      %jit3A_2420 = arith.constant 0 : i32
      %select_n3A_2421 = arith.select %ge3A_2418, %jit3A_2419, %jit3A_2420 : i32
      %sub3A_2422 = arith.subi %add3A_2416, %select_n3A_2421 : i32
      %add3A_2423 = arith.constant 1088 : i32
      %add3A_2424 = arith.addi %add3A_240, %add3A_2423 : i32
      %add3A_2425 = arith.constant 0 : i32
      %add3A_2426 = arith.addi %sub3A_2422, %add3A_2425 : i32
      %add3A_2427 = vector.broadcast %add3A_2426 : i32 to vector<16xi32>
      %add3A_2428 = arith.addi %iota3A, %add3A_2427 : vector<16xi32>
      %ge3A_2429 = arith.constant 200 : i32
      %ge3A_2430 = vector.broadcast %ge3A_2429 : i32 to vector<16xi32>
      %ge3A_2431 = arith.cmpi sge, %add3A_2428, %ge3A_2430 : vector<16xi32>
      %jit3A_2432 = arith.constant 200 : i32
      %jit3A_2433 = arith.constant 0 : i32
      %broadcast_in_dim3A_2434 = vector.broadcast %jit3A_2432 : i32 to vector<16xi32>
      %broadcast_in_dim3A_2435 = vector.broadcast %jit3A_2433 : i32 to vector<16xi32>
      %select_n3A_2436 = arith.select %ge3A_2431, %broadcast_in_dim3A_2434, %broadcast_in_dim3A_2435 : vector<16xi1>, vector<16xi32>
      %sub3A_2437 = arith.subi %add3A_2428, %select_n3A_2436 : vector<16xi32>
      %get3A_2438 = arith.constant 192 : index
      %get3A_2439 = tpu.vector_load %arg6[%get3A_2438] {strides = array<i32>} : memref<1024xi32, #tpu.memory_space<vmem>>, vector<16xi32>,
      %get3A_2440 = vector.shape_cast %get3A_2439 : vector<16xi32> to vector<16xi32>
      %mul3A_2441 = arith.constant 1000 : i32
      %mul3A_2442 = vector.broadcast %mul3A_2441 : i32 to vector<16xi32>
      %mul3A_2443 = arith.muli %sub3A_2437, %mul3A_2442 : vector<16xi32>
      %add3A_2444 = arith.addi %get3A_2440, %mul3A_2443 : vector<16xi32>
      %swap3A_2445 = arith.constant 192 : index
      %swap3A_2446 = tpu.vector_load %arg6[%swap3A_2445] {strides = array<i32>} : memref<1024xi32, #tpu.memory_space<vmem>>, vector<16xi32>,
      %swap3A_2447 = vector.shape_cast %swap3A_2446 : vector<16xi32> to vector<16xi32>
      %swap3A_2448 = vector.shape_cast %add3A_2444 : vector<16xi32> to vector<16xi32>
      tpu.vector_store %arg6[%swap3A_2445], %swap3A_2448 {strides = array<i32>} : memref<1024xi32, #tpu.memory_space<vmem>>, vector<16xi32>,
      %add3A_2449 = arith.constant 16 : i32
      %add3A_2450 = arith.addi %sub3A_2422, %add3A_2449 : i32
      %add3A_2451 = vector.broadcast %add3A_2450 : i32 to vector<16xi32>
      %add3A_2452 = arith.addi %iota3A, %add3A_2451 : vector<16xi32>
      %ge3A_2453 = arith.constant 200 : i32
      %ge3A_2454 = vector.broadcast %ge3A_2453 : i32 to vector<16xi32>
      %ge3A_2455 = arith.cmpi sge, %add3A_2452, %ge3A_2454 : vector<16xi32>
      %jit3A_2456 = arith.constant 200 : i32
      %jit3A_2457 = arith.constant 0 : i32
      %broadcast_in_dim3A_2458 = vector.broadcast %jit3A_2456 : i32 to vector<16xi32>
      %broadcast_in_dim3A_2459 = vector.broadcast %jit3A_2457 : i32 to vector<16xi32>
      %select_n3A_2460 = arith.select %ge3A_2455, %broadcast_in_dim3A_2458, %broadcast_in_dim3A_2459 : vector<16xi1>, vector<16xi32>
      %sub3A_2461 = arith.subi %add3A_2452, %select_n3A_2460 : vector<16xi32>
      %get3A_2462 = arith.constant 208 : index
      %get3A_2463 = tpu.vector_load %arg6[%get3A_2462] {strides = array<i32>} : memref<1024xi32, #tpu.memory_space<vmem>>, vector<16xi32>,
      %get3A_2464 = vector.shape_cast %get3A_2463 : vector<16xi32> to vector<16xi32>
      %mul3A_2465 = arith.constant 1000 : i32
      %mul3A_2466 = vector.broadcast %mul3A_2465 : i32 to vector<16xi32>
      %mul3A_2467 = arith.muli %sub3A_2461, %mul3A_2466 : vector<16xi32>
      %add3A_2468 = arith.addi %get3A_2464, %mul3A_2467 : vector<16xi32>
      %swap3A_2469 = arith.constant 208 : index
      %swap3A_2470 = tpu.vector_load %arg6[%swap3A_2469] {strides = array<i32>} : memref<1024xi32, #tpu.memory_space<vmem>>, vector<16xi32>,
      %swap3A_2471 = vector.shape_cast %swap3A_2470 : vector<16xi32> to vector<16xi32>
      %swap3A_2472 = vector.shape_cast %add3A_2468 : vector<16xi32> to vector<16xi32>
      tpu.vector_store %arg6[%swap3A_2469], %swap3A_2472 {strides = array<i32>} : memref<1024xi32, #tpu.memory_space<vmem>>, vector<16xi32>,
      %add3A_2473 = arith.constant 32 : i32
      %add3A_2474 = arith.addi %sub3A_2422, %add3A_2473 : i32
      %add3A_2475 = vector.broadcast %add3A_2474 : i32 to vector<16xi32>
      %add3A_2476 = arith.addi %iota3A, %add3A_2475 : vector<16xi32>
      %ge3A_2477 = arith.constant 200 : i32
      %ge3A_2478 = vector.broadcast %ge3A_2477 : i32 to vector<16xi32>
      %ge3A_2479 = arith.cmpi sge, %add3A_2476, %ge3A_2478 : vector<16xi32>
      %jit3A_2480 = arith.constant 200 : i32
      %jit3A_2481 = arith.constant 0 : i32
      %broadcast_in_dim3A_2482 = vector.broadcast %jit3A_2480 : i32 to vector<16xi32>
      %broadcast_in_dim3A_2483 = vector.broadcast %jit3A_2481 : i32 to vector<16xi32>
      %select_n3A_2484 = arith.select %ge3A_2479, %broadcast_in_dim3A_2482, %broadcast_in_dim3A_2483 : vector<16xi1>, vector<16xi32>
      %sub3A_2485 = arith.subi %add3A_2476, %select_n3A_2484 : vector<16xi32>
      %get3A_2486 = arith.constant 224 : index
      %get3A_2487 = tpu.vector_load %arg6[%get3A_2486] {strides = array<i32>} : memref<1024xi32, #tpu.memory_space<vmem>>, vector<16xi32>,
      %get3A_2488 = vector.shape_cast %get3A_2487 : vector<16xi32> to vector<16xi32>
      %mul3A_2489 = arith.constant 1000 : i32
      %mul3A_2490 = vector.broadcast %mul3A_2489 : i32 to vector<16xi32>
      %mul3A_2491 = arith.muli %sub3A_2485, %mul3A_2490 : vector<16xi32>
      %add3A_2492 = arith.addi %get3A_2488, %mul3A_2491 : vector<16xi32>
      %swap3A_2493 = arith.constant 224 : index
      %swap3A_2494 = tpu.vector_load %arg6[%swap3A_2493] {strides = array<i32>} : memref<1024xi32, #tpu.memory_space<vmem>>, vector<16xi32>,
      %swap3A_2495 = vector.shape_cast %swap3A_2494 : vector<16xi32> to vector<16xi32>
      %swap3A_2496 = vector.shape_cast %add3A_2492 : vector<16xi32> to vector<16xi32>
      tpu.vector_store %arg6[%swap3A_2493], %swap3A_2496 {strides = array<i32>} : memref<1024xi32, #tpu.memory_space<vmem>>, vector<16xi32>,
      %add3A_2497 = arith.constant 48 : i32
      %add3A_2498 = arith.addi %sub3A_2422, %add3A_2497 : i32
      %add3A_2499 = vector.broadcast %add3A_2498 : i32 to vector<16xi32>
      %add3A_2500 = arith.addi %iota3A, %add3A_2499 : vector<16xi32>
      %ge3A_2501 = arith.constant 200 : i32
      %ge3A_2502 = vector.broadcast %ge3A_2501 : i32 to vector<16xi32>
      %ge3A_2503 = arith.cmpi sge, %add3A_2500, %ge3A_2502 : vector<16xi32>
      %jit3A_2504 = arith.constant 200 : i32
      %jit3A_2505 = arith.constant 0 : i32
      %broadcast_in_dim3A_2506 = vector.broadcast %jit3A_2504 : i32 to vector<16xi32>
      %broadcast_in_dim3A_2507 = vector.broadcast %jit3A_2505 : i32 to vector<16xi32>
      %select_n3A_2508 = arith.select %ge3A_2503, %broadcast_in_dim3A_2506, %broadcast_in_dim3A_2507 : vector<16xi1>, vector<16xi32>
      %sub3A_2509 = arith.subi %add3A_2500, %select_n3A_2508 : vector<16xi32>
      %get3A_2510 = arith.constant 240 : index
      %get3A_2511 = tpu.vector_load %arg6[%get3A_2510] {strides = array<i32>} : memref<1024xi32, #tpu.memory_space<vmem>>, vector<16xi32>,
      %get3A_2512 = vector.shape_cast %get3A_2511 : vector<16xi32> to vector<16xi32>
      %mul3A_2513 = arith.constant 1000 : i32
      %mul3A_2514 = vector.broadcast %mul3A_2513 : i32 to vector<16xi32>
      %mul3A_2515 = arith.muli %sub3A_2509, %mul3A_2514 : vector<16xi32>
      %add3A_2516 = arith.addi %get3A_2512, %mul3A_2515 : vector<16xi32>
      %swap3A_2517 = arith.constant 240 : index
      %swap3A_2518 = tpu.vector_load %arg6[%swap3A_2517] {strides = array<i32>} : memref<1024xi32, #tpu.memory_space<vmem>>, vector<16xi32>,
      %swap3A_2519 = vector.shape_cast %swap3A_2518 : vector<16xi32> to vector<16xi32>
      %swap3A_2520 = vector.shape_cast %add3A_2516 : vector<16xi32> to vector<16xi32>
      tpu.vector_store %arg6[%swap3A_2517], %swap3A_2520 {strides = array<i32>} : memref<1024xi32, #tpu.memory_space<vmem>>, vector<16xi32>,
      %dma_wait3A_2521 = arith.constant 0 : i32
      %dma_wait3A_2522 = arith.constant 0 : i32
      %dma_wait3A_2523 = tpu.memref_slice %arg4[%dma_wait3A_2521, %dma_wait3A_2522] : memref<3276800x256xf32, #tpu.memory_space<hbm>> -> memref<64x256xf32, #tpu.memory_space<hbm>>
      %dma_wait3A_2524 = arith.constant 0 : i32
      %dma_wait3A_2525 = arith.constant 0 : i32
      %dma_wait3A_2526 = tpu.memref_slice %arg4[%dma_wait3A_2524, %dma_wait3A_2525] : memref<3276800x256xf32, #tpu.memory_space<hbm>> -> memref<64x256xf32, #tpu.memory_space<hbm>>
      tpu.wait_dma2 semaphore(%arg20 : memref<!tpu.dma_semaphore, #tpu.memory_space<semaphore_mem>>) src(%arg10 : memref<64x256xf32, #tpu.memory_space<vmem>>) dst(%dma_wait3A_2526 : memref<64x256xf32, #tpu.memory_space<hbm>>)
      %rem3A_2527 = arith.constant 199936 : i32
      %rem3A_2528 = arith.remsi %add3A_2424, %rem3A_2527 : i32
      %dma_start3A_2529 = arith.constant 0 : i32
      %dma_start3A_2530 = tpu.memref_slice %arg3[%rem3A_2528, %dma_start3A_2529] : memref<200000x256xf32, #tpu.memory_space<hbm>> -> memref<64x256xf32, #tpu.memory_space<hbm>>
      %dma_start3A_2531 = arith.constant 0 : i32
      %dma_start3A_2532 = tpu.memref_slice %arg3[%rem3A_2528, %dma_start3A_2531] : memref<200000x256xf32, #tpu.memory_space<hbm>> -> memref<64x256xf32, #tpu.memory_space<hbm>>
      tpu.enqueue_dma source(%dma_start3A_2532 : memref<64x256xf32, #tpu.memory_space<hbm>>) target(%arg10 : memref<64x256xf32, #tpu.memory_space<vmem>>) target_semaphore(%arg16 : memref<!tpu.dma_semaphore, #tpu.memory_space<semaphore_mem>>)
      %dma_wait3A_2533 = arith.constant 0 : i32
      %dma_wait3A_2534 = arith.constant 0 : i32
      %dma_wait3A_2535 = tpu.memref_slice %arg3[%dma_wait3A_2533, %dma_wait3A_2534] : memref<200000x256xf32, #tpu.memory_space<hbm>> -> memref<64x256xf32, #tpu.memory_space<hbm>>
      %dma_wait3A_2536 = arith.constant 0 : i32
      %dma_wait3A_2537 = arith.constant 0 : i32
      %dma_wait3A_2538 = tpu.memref_slice %arg3[%dma_wait3A_2536, %dma_wait3A_2537] : memref<200000x256xf32, #tpu.memory_space<hbm>> -> memref<64x256xf32, #tpu.memory_space<hbm>>
      tpu.wait_dma2 semaphore(%arg14 : memref<!tpu.dma_semaphore, #tpu.memory_space<semaphore_mem>>) src(%dma_wait3A_2538 : memref<64x256xf32, #tpu.memory_space<hbm>>) dst(%arg8 : memref<64x256xf32, #tpu.memory_space<vmem>>)
      %dma_start3A_2539 = arith.constant 0 : i32
      %dma_start3A_2540 = tpu.memref_slice %arg4[%add3A_2424, %dma_start3A_2539] : memref<3276800x256xf32, #tpu.memory_space<hbm>> -> memref<64x256xf32, #tpu.memory_space<hbm>>
      %dma_start3A_2541 = arith.constant 0 : i32
      %dma_start3A_2542 = tpu.memref_slice %arg4[%add3A_2424, %dma_start3A_2541] : memref<3276800x256xf32, #tpu.memory_space<hbm>> -> memref<64x256xf32, #tpu.memory_space<hbm>>
      tpu.enqueue_dma source(%arg8 : memref<64x256xf32, #tpu.memory_space<vmem>>) target(%dma_start3A_2542 : memref<64x256xf32, #tpu.memory_space<hbm>>) target_semaphore(%arg18 : memref<!tpu.dma_semaphore, #tpu.memory_space<semaphore_mem>>)
      %add3A_2543 = arith.constant 64 : i32
      %add3A_2544 = arith.addi %sub3A_2422, %add3A_2543 : i32
      %ge3A_2545 = arith.constant 200 : i32
      %ge3A_2546 = arith.cmpi sge, %add3A_2544, %ge3A_2545 : i32
      %jit3A_2547 = arith.constant 200 : i32
      %jit3A_2548 = arith.constant 0 : i32
      %select_n3A_2549 = arith.select %ge3A_2546, %jit3A_2547, %jit3A_2548 : i32
      %sub3A_2550 = arith.subi %add3A_2544, %select_n3A_2549 : i32
      %add3A_2551 = arith.constant 1152 : i32
      %add3A_2552 = arith.addi %add3A_240, %add3A_2551 : i32
      %add3A_2553 = arith.constant 0 : i32
      %add3A_2554 = arith.addi %sub3A_2550, %add3A_2553 : i32
      %add3A_2555 = vector.broadcast %add3A_2554 : i32 to vector<16xi32>
      %add3A_2556 = arith.addi %iota3A, %add3A_2555 : vector<16xi32>
      %ge3A_2557 = arith.constant 200 : i32
      %ge3A_2558 = vector.broadcast %ge3A_2557 : i32 to vector<16xi32>
      %ge3A_2559 = arith.cmpi sge, %add3A_2556, %ge3A_2558 : vector<16xi32>
      %jit3A_2560 = arith.constant 200 : i32
      %jit3A_2561 = arith.constant 0 : i32
      %broadcast_in_dim3A_2562 = vector.broadcast %jit3A_2560 : i32 to vector<16xi32>
      %broadcast_in_dim3A_2563 = vector.broadcast %jit3A_2561 : i32 to vector<16xi32>
      %select_n3A_2564 = arith.select %ge3A_2559, %broadcast_in_dim3A_2562, %broadcast_in_dim3A_2563 : vector<16xi1>, vector<16xi32>
      %sub3A_2565 = arith.subi %add3A_2556, %select_n3A_2564 : vector<16xi32>
      %get3A_2566 = arith.constant 256 : index
      %get3A_2567 = tpu.vector_load %arg6[%get3A_2566] {strides = array<i32>} : memref<1024xi32, #tpu.memory_space<vmem>>, vector<16xi32>,
      %get3A_2568 = vector.shape_cast %get3A_2567 : vector<16xi32> to vector<16xi32>
      %mul3A_2569 = arith.constant 1000 : i32
      %mul3A_2570 = vector.broadcast %mul3A_2569 : i32 to vector<16xi32>
      %mul3A_2571 = arith.muli %sub3A_2565, %mul3A_2570 : vector<16xi32>
      %add3A_2572 = arith.addi %get3A_2568, %mul3A_2571 : vector<16xi32>
      %swap3A_2573 = arith.constant 256 : index
      %swap3A_2574 = tpu.vector_load %arg6[%swap3A_2573] {strides = array<i32>} : memref<1024xi32, #tpu.memory_space<vmem>>, vector<16xi32>,
      %swap3A_2575 = vector.shape_cast %swap3A_2574 : vector<16xi32> to vector<16xi32>
      %swap3A_2576 = vector.shape_cast %add3A_2572 : vector<16xi32> to vector<16xi32>
      tpu.vector_store %arg6[%swap3A_2573], %swap3A_2576 {strides = array<i32>} : memref<1024xi32, #tpu.memory_space<vmem>>, vector<16xi32>,
      %add3A_2577 = arith.constant 16 : i32
      %add3A_2578 = arith.addi %sub3A_2550, %add3A_2577 : i32
      %add3A_2579 = vector.broadcast %add3A_2578 : i32 to vector<16xi32>
      %add3A_2580 = arith.addi %iota3A, %add3A_2579 : vector<16xi32>
      %ge3A_2581 = arith.constant 200 : i32
      %ge3A_2582 = vector.broadcast %ge3A_2581 : i32 to vector<16xi32>
      %ge3A_2583 = arith.cmpi sge, %add3A_2580, %ge3A_2582 : vector<16xi32>
      %jit3A_2584 = arith.constant 200 : i32
      %jit3A_2585 = arith.constant 0 : i32
      %broadcast_in_dim3A_2586 = vector.broadcast %jit3A_2584 : i32 to vector<16xi32>
      %broadcast_in_dim3A_2587 = vector.broadcast %jit3A_2585 : i32 to vector<16xi32>
      %select_n3A_2588 = arith.select %ge3A_2583, %broadcast_in_dim3A_2586, %broadcast_in_dim3A_2587 : vector<16xi1>, vector<16xi32>
      %sub3A_2589 = arith.subi %add3A_2580, %select_n3A_2588 : vector<16xi32>
      %get3A_2590 = arith.constant 272 : index
      %get3A_2591 = tpu.vector_load %arg6[%get3A_2590] {strides = array<i32>} : memref<1024xi32, #tpu.memory_space<vmem>>, vector<16xi32>,
      %get3A_2592 = vector.shape_cast %get3A_2591 : vector<16xi32> to vector<16xi32>
      %mul3A_2593 = arith.constant 1000 : i32
      %mul3A_2594 = vector.broadcast %mul3A_2593 : i32 to vector<16xi32>
      %mul3A_2595 = arith.muli %sub3A_2589, %mul3A_2594 : vector<16xi32>
      %add3A_2596 = arith.addi %get3A_2592, %mul3A_2595 : vector<16xi32>
      %swap3A_2597 = arith.constant 272 : index
      %swap3A_2598 = tpu.vector_load %arg6[%swap3A_2597] {strides = array<i32>} : memref<1024xi32, #tpu.memory_space<vmem>>, vector<16xi32>,
      %swap3A_2599 = vector.shape_cast %swap3A_2598 : vector<16xi32> to vector<16xi32>
      %swap3A_2600 = vector.shape_cast %add3A_2596 : vector<16xi32> to vector<16xi32>
      tpu.vector_store %arg6[%swap3A_2597], %swap3A_2600 {strides = array<i32>} : memref<1024xi32, #tpu.memory_space<vmem>>, vector<16xi32>,
      %add3A_2601 = arith.constant 32 : i32
      %add3A_2602 = arith.addi %sub3A_2550, %add3A_2601 : i32
      %add3A_2603 = vector.broadcast %add3A_2602 : i32 to vector<16xi32>
      %add3A_2604 = arith.addi %iota3A, %add3A_2603 : vector<16xi32>
      %ge3A_2605 = arith.constant 200 : i32
      %ge3A_2606 = vector.broadcast %ge3A_2605 : i32 to vector<16xi32>
      %ge3A_2607 = arith.cmpi sge, %add3A_2604, %ge3A_2606 : vector<16xi32>
      %jit3A_2608 = arith.constant 200 : i32
      %jit3A_2609 = arith.constant 0 : i32
      %broadcast_in_dim3A_2610 = vector.broadcast %jit3A_2608 : i32 to vector<16xi32>
      %broadcast_in_dim3A_2611 = vector.broadcast %jit3A_2609 : i32 to vector<16xi32>
      %select_n3A_2612 = arith.select %ge3A_2607, %broadcast_in_dim3A_2610, %broadcast_in_dim3A_2611 : vector<16xi1>, vector<16xi32>
      %sub3A_2613 = arith.subi %add3A_2604, %select_n3A_2612 : vector<16xi32>
      %get3A_2614 = arith.constant 288 : index
      %get3A_2615 = tpu.vector_load %arg6[%get3A_2614] {strides = array<i32>} : memref<1024xi32, #tpu.memory_space<vmem>>, vector<16xi32>,
      %get3A_2616 = vector.shape_cast %get3A_2615 : vector<16xi32> to vector<16xi32>
      %mul3A_2617 = arith.constant 1000 : i32
      %mul3A_2618 = vector.broadcast %mul3A_2617 : i32 to vector<16xi32>
      %mul3A_2619 = arith.muli %sub3A_2613, %mul3A_2618 : vector<16xi32>
      %add3A_2620 = arith.addi %get3A_2616, %mul3A_2619 : vector<16xi32>
      %swap3A_2621 = arith.constant 288 : index
      %swap3A_2622 = tpu.vector_load %arg6[%swap3A_2621] {strides = array<i32>} : memref<1024xi32, #tpu.memory_space<vmem>>, vector<16xi32>,
      %swap3A_2623 = vector.shape_cast %swap3A_2622 : vector<16xi32> to vector<16xi32>
      %swap3A_2624 = vector.shape_cast %add3A_2620 : vector<16xi32> to vector<16xi32>
      tpu.vector_store %arg6[%swap3A_2621], %swap3A_2624 {strides = array<i32>} : memref<1024xi32, #tpu.memory_space<vmem>>, vector<16xi32>,
      %add3A_2625 = arith.constant 48 : i32
      %add3A_2626 = arith.addi %sub3A_2550, %add3A_2625 : i32
      %add3A_2627 = vector.broadcast %add3A_2626 : i32 to vector<16xi32>
      %add3A_2628 = arith.addi %iota3A, %add3A_2627 : vector<16xi32>
      %ge3A_2629 = arith.constant 200 : i32
      %ge3A_2630 = vector.broadcast %ge3A_2629 : i32 to vector<16xi32>
      %ge3A_2631 = arith.cmpi sge, %add3A_2628, %ge3A_2630 : vector<16xi32>
      %jit3A_2632 = arith.constant 200 : i32
      %jit3A_2633 = arith.constant 0 : i32
      %broadcast_in_dim3A_2634 = vector.broadcast %jit3A_2632 : i32 to vector<16xi32>
      %broadcast_in_dim3A_2635 = vector.broadcast %jit3A_2633 : i32 to vector<16xi32>
      %select_n3A_2636 = arith.select %ge3A_2631, %broadcast_in_dim3A_2634, %broadcast_in_dim3A_2635 : vector<16xi1>, vector<16xi32>
      %sub3A_2637 = arith.subi %add3A_2628, %select_n3A_2636 : vector<16xi32>
      %get3A_2638 = arith.constant 304 : index
      %get3A_2639 = tpu.vector_load %arg6[%get3A_2638] {strides = array<i32>} : memref<1024xi32, #tpu.memory_space<vmem>>, vector<16xi32>,
      %get3A_2640 = vector.shape_cast %get3A_2639 : vector<16xi32> to vector<16xi32>
      %mul3A_2641 = arith.constant 1000 : i32
      %mul3A_2642 = vector.broadcast %mul3A_2641 : i32 to vector<16xi32>
      %mul3A_2643 = arith.muli %sub3A_2637, %mul3A_2642 : vector<16xi32>
      %add3A_2644 = arith.addi %get3A_2640, %mul3A_2643 : vector<16xi32>
      %swap3A_2645 = arith.constant 304 : index
      %swap3A_2646 = tpu.vector_load %arg6[%swap3A_2645] {strides = array<i32>} : memref<1024xi32, #tpu.memory_space<vmem>>, vector<16xi32>,
      %swap3A_2647 = vector.shape_cast %swap3A_2646 : vector<16xi32> to vector<16xi32>
      %swap3A_2648 = vector.shape_cast %add3A_2644 : vector<16xi32> to vector<16xi32>
      tpu.vector_store %arg6[%swap3A_2645], %swap3A_2648 {strides = array<i32>} : memref<1024xi32, #tpu.memory_space<vmem>>, vector<16xi32>,
      %dma_wait3A_2649 = arith.constant 0 : i32
      %dma_wait3A_2650 = arith.constant 0 : i32
      %dma_wait3A_2651 = tpu.memref_slice %arg4[%dma_wait3A_2649, %dma_wait3A_2650] : memref<3276800x256xf32, #tpu.memory_space<hbm>> -> memref<64x256xf32, #tpu.memory_space<hbm>>
      %dma_wait3A_2652 = arith.constant 0 : i32
      %dma_wait3A_2653 = arith.constant 0 : i32
      %dma_wait3A_2654 = tpu.memref_slice %arg4[%dma_wait3A_2652, %dma_wait3A_2653] : memref<3276800x256xf32, #tpu.memory_space<hbm>> -> memref<64x256xf32, #tpu.memory_space<hbm>>
      tpu.wait_dma2 semaphore(%arg17 : memref<!tpu.dma_semaphore, #tpu.memory_space<semaphore_mem>>) src(%arg7 : memref<64x256xf32, #tpu.memory_space<vmem>>) dst(%dma_wait3A_2654 : memref<64x256xf32, #tpu.memory_space<hbm>>)
      %rem3A_2655 = arith.constant 199936 : i32
      %rem3A_2656 = arith.remsi %add3A_2552, %rem3A_2655 : i32
      %dma_start3A_2657 = arith.constant 0 : i32
      %dma_start3A_2658 = tpu.memref_slice %arg3[%rem3A_2656, %dma_start3A_2657] : memref<200000x256xf32, #tpu.memory_space<hbm>> -> memref<64x256xf32, #tpu.memory_space<hbm>>
      %dma_start3A_2659 = arith.constant 0 : i32
      %dma_start3A_2660 = tpu.memref_slice %arg3[%rem3A_2656, %dma_start3A_2659] : memref<200000x256xf32, #tpu.memory_space<hbm>> -> memref<64x256xf32, #tpu.memory_space<hbm>>
      tpu.enqueue_dma source(%dma_start3A_2660 : memref<64x256xf32, #tpu.memory_space<hbm>>) target(%arg7 : memref<64x256xf32, #tpu.memory_space<vmem>>) target_semaphore(%arg13 : memref<!tpu.dma_semaphore, #tpu.memory_space<semaphore_mem>>)
      %dma_wait3A_2661 = arith.constant 0 : i32
      %dma_wait3A_2662 = arith.constant 0 : i32
      %dma_wait3A_2663 = tpu.memref_slice %arg3[%dma_wait3A_2661, %dma_wait3A_2662] : memref<200000x256xf32, #tpu.memory_space<hbm>> -> memref<64x256xf32, #tpu.memory_space<hbm>>
      %dma_wait3A_2664 = arith.constant 0 : i32
      %dma_wait3A_2665 = arith.constant 0 : i32
      %dma_wait3A_2666 = tpu.memref_slice %arg3[%dma_wait3A_2664, %dma_wait3A_2665] : memref<200000x256xf32, #tpu.memory_space<hbm>> -> memref<64x256xf32, #tpu.memory_space<hbm>>
      tpu.wait_dma2 semaphore(%arg15 : memref<!tpu.dma_semaphore, #tpu.memory_space<semaphore_mem>>) src(%dma_wait3A_2666 : memref<64x256xf32, #tpu.memory_space<hbm>>) dst(%arg9 : memref<64x256xf32, #tpu.memory_space<vmem>>)
      %dma_start3A_2667 = arith.constant 0 : i32
      %dma_start3A_2668 = tpu.memref_slice %arg4[%add3A_2552, %dma_start3A_2667] : memref<3276800x256xf32, #tpu.memory_space<hbm>> -> memref<64x256xf32, #tpu.memory_space<hbm>>
      %dma_start3A_2669 = arith.constant 0 : i32
      %dma_start3A_2670 = tpu.memref_slice %arg4[%add3A_2552, %dma_start3A_2669] : memref<3276800x256xf32, #tpu.memory_space<hbm>> -> memref<64x256xf32, #tpu.memory_space<hbm>>
      tpu.enqueue_dma source(%arg9 : memref<64x256xf32, #tpu.memory_space<vmem>>) target(%dma_start3A_2670 : memref<64x256xf32, #tpu.memory_space<hbm>>) target_semaphore(%arg19 : memref<!tpu.dma_semaphore, #tpu.memory_space<semaphore_mem>>)
      %add3A_2671 = arith.constant 64 : i32
      %add3A_2672 = arith.addi %sub3A_2550, %add3A_2671 : i32
      %ge3A_2673 = arith.constant 200 : i32
      %ge3A_2674 = arith.cmpi sge, %add3A_2672, %ge3A_2673 : i32
      %jit3A_2675 = arith.constant 200 : i32
      %jit3A_2676 = arith.constant 0 : i32
      %select_n3A_2677 = arith.select %ge3A_2674, %jit3A_2675, %jit3A_2676 : i32
      %sub3A_2678 = arith.subi %add3A_2672, %select_n3A_2677 : i32
      %add3A_2679 = arith.constant 1216 : i32
      %add3A_2680 = arith.addi %add3A_240, %add3A_2679 : i32
      %add3A_2681 = arith.constant 0 : i32
      %add3A_2682 = arith.addi %sub3A_2678, %add3A_2681 : i32
      %add3A_2683 = vector.broadcast %add3A_2682 : i32 to vector<16xi32>
      %add3A_2684 = arith.addi %iota3A, %add3A_2683 : vector<16xi32>
      %ge3A_2685 = arith.constant 200 : i32
      %ge3A_2686 = vector.broadcast %ge3A_2685 : i32 to vector<16xi32>
      %ge3A_2687 = arith.cmpi sge, %add3A_2684, %ge3A_2686 : vector<16xi32>
      %jit3A_2688 = arith.constant 200 : i32
      %jit3A_2689 = arith.constant 0 : i32
      %broadcast_in_dim3A_2690 = vector.broadcast %jit3A_2688 : i32 to vector<16xi32>
      %broadcast_in_dim3A_2691 = vector.broadcast %jit3A_2689 : i32 to vector<16xi32>
      %select_n3A_2692 = arith.select %ge3A_2687, %broadcast_in_dim3A_2690, %broadcast_in_dim3A_2691 : vector<16xi1>, vector<16xi32>
      %sub3A_2693 = arith.subi %add3A_2684, %select_n3A_2692 : vector<16xi32>
      %get3A_2694 = arith.constant 320 : index
      %get3A_2695 = tpu.vector_load %arg6[%get3A_2694] {strides = array<i32>} : memref<1024xi32, #tpu.memory_space<vmem>>, vector<16xi32>,
      %get3A_2696 = vector.shape_cast %get3A_2695 : vector<16xi32> to vector<16xi32>
      %mul3A_2697 = arith.constant 1000 : i32
      %mul3A_2698 = vector.broadcast %mul3A_2697 : i32 to vector<16xi32>
      %mul3A_2699 = arith.muli %sub3A_2693, %mul3A_2698 : vector<16xi32>
      %add3A_2700 = arith.addi %get3A_2696, %mul3A_2699 : vector<16xi32>
      %swap3A_2701 = arith.constant 320 : index
      %swap3A_2702 = tpu.vector_load %arg6[%swap3A_2701] {strides = array<i32>} : memref<1024xi32, #tpu.memory_space<vmem>>, vector<16xi32>,
      %swap3A_2703 = vector.shape_cast %swap3A_2702 : vector<16xi32> to vector<16xi32>
      %swap3A_2704 = vector.shape_cast %add3A_2700 : vector<16xi32> to vector<16xi32>
      tpu.vector_store %arg6[%swap3A_2701], %swap3A_2704 {strides = array<i32>} : memref<1024xi32, #tpu.memory_space<vmem>>, vector<16xi32>,
      %add3A_2705 = arith.constant 16 : i32
      %add3A_2706 = arith.addi %sub3A_2678, %add3A_2705 : i32
      %add3A_2707 = vector.broadcast %add3A_2706 : i32 to vector<16xi32>
      %add3A_2708 = arith.addi %iota3A, %add3A_2707 : vector<16xi32>
      %ge3A_2709 = arith.constant 200 : i32
      %ge3A_2710 = vector.broadcast %ge3A_2709 : i32 to vector<16xi32>
      %ge3A_2711 = arith.cmpi sge, %add3A_2708, %ge3A_2710 : vector<16xi32>
      %jit3A_2712 = arith.constant 200 : i32
      %jit3A_2713 = arith.constant 0 : i32
      %broadcast_in_dim3A_2714 = vector.broadcast %jit3A_2712 : i32 to vector<16xi32>
      %broadcast_in_dim3A_2715 = vector.broadcast %jit3A_2713 : i32 to vector<16xi32>
      %select_n3A_2716 = arith.select %ge3A_2711, %broadcast_in_dim3A_2714, %broadcast_in_dim3A_2715 : vector<16xi1>, vector<16xi32>
      %sub3A_2717 = arith.subi %add3A_2708, %select_n3A_2716 : vector<16xi32>
      %get3A_2718 = arith.constant 336 : index
      %get3A_2719 = tpu.vector_load %arg6[%get3A_2718] {strides = array<i32>} : memref<1024xi32, #tpu.memory_space<vmem>>, vector<16xi32>,
      %get3A_2720 = vector.shape_cast %get3A_2719 : vector<16xi32> to vector<16xi32>
      %mul3A_2721 = arith.constant 1000 : i32
      %mul3A_2722 = vector.broadcast %mul3A_2721 : i32 to vector<16xi32>
      %mul3A_2723 = arith.muli %sub3A_2717, %mul3A_2722 : vector<16xi32>
      %add3A_2724 = arith.addi %get3A_2720, %mul3A_2723 : vector<16xi32>
      %swap3A_2725 = arith.constant 336 : index
      %swap3A_2726 = tpu.vector_load %arg6[%swap3A_2725] {strides = array<i32>} : memref<1024xi32, #tpu.memory_space<vmem>>, vector<16xi32>,
      %swap3A_2727 = vector.shape_cast %swap3A_2726 : vector<16xi32> to vector<16xi32>
      %swap3A_2728 = vector.shape_cast %add3A_2724 : vector<16xi32> to vector<16xi32>
      tpu.vector_store %arg6[%swap3A_2725], %swap3A_2728 {strides = array<i32>} : memref<1024xi32, #tpu.memory_space<vmem>>, vector<16xi32>,
      %add3A_2729 = arith.constant 32 : i32
      %add3A_2730 = arith.addi %sub3A_2678, %add3A_2729 : i32
      %add3A_2731 = vector.broadcast %add3A_2730 : i32 to vector<16xi32>
      %add3A_2732 = arith.addi %iota3A, %add3A_2731 : vector<16xi32>
      %ge3A_2733 = arith.constant 200 : i32
      %ge3A_2734 = vector.broadcast %ge3A_2733 : i32 to vector<16xi32>
      %ge3A_2735 = arith.cmpi sge, %add3A_2732, %ge3A_2734 : vector<16xi32>
      %jit3A_2736 = arith.constant 200 : i32
      %jit3A_2737 = arith.constant 0 : i32
      %broadcast_in_dim3A_2738 = vector.broadcast %jit3A_2736 : i32 to vector<16xi32>
      %broadcast_in_dim3A_2739 = vector.broadcast %jit3A_2737 : i32 to vector<16xi32>
      %select_n3A_2740 = arith.select %ge3A_2735, %broadcast_in_dim3A_2738, %broadcast_in_dim3A_2739 : vector<16xi1>, vector<16xi32>
      %sub3A_2741 = arith.subi %add3A_2732, %select_n3A_2740 : vector<16xi32>
      %get3A_2742 = arith.constant 352 : index
      %get3A_2743 = tpu.vector_load %arg6[%get3A_2742] {strides = array<i32>} : memref<1024xi32, #tpu.memory_space<vmem>>, vector<16xi32>,
      %get3A_2744 = vector.shape_cast %get3A_2743 : vector<16xi32> to vector<16xi32>
      %mul3A_2745 = arith.constant 1000 : i32
      %mul3A_2746 = vector.broadcast %mul3A_2745 : i32 to vector<16xi32>
      %mul3A_2747 = arith.muli %sub3A_2741, %mul3A_2746 : vector<16xi32>
      %add3A_2748 = arith.addi %get3A_2744, %mul3A_2747 : vector<16xi32>
      %swap3A_2749 = arith.constant 352 : index
      %swap3A_2750 = tpu.vector_load %arg6[%swap3A_2749] {strides = array<i32>} : memref<1024xi32, #tpu.memory_space<vmem>>, vector<16xi32>,
      %swap3A_2751 = vector.shape_cast %swap3A_2750 : vector<16xi32> to vector<16xi32>
      %swap3A_2752 = vector.shape_cast %add3A_2748 : vector<16xi32> to vector<16xi32>
      tpu.vector_store %arg6[%swap3A_2749], %swap3A_2752 {strides = array<i32>} : memref<1024xi32, #tpu.memory_space<vmem>>, vector<16xi32>,
      %add3A_2753 = arith.constant 48 : i32
      %add3A_2754 = arith.addi %sub3A_2678, %add3A_2753 : i32
      %add3A_2755 = vector.broadcast %add3A_2754 : i32 to vector<16xi32>
      %add3A_2756 = arith.addi %iota3A, %add3A_2755 : vector<16xi32>
      %ge3A_2757 = arith.constant 200 : i32
      %ge3A_2758 = vector.broadcast %ge3A_2757 : i32 to vector<16xi32>
      %ge3A_2759 = arith.cmpi sge, %add3A_2756, %ge3A_2758 : vector<16xi32>
      %jit3A_2760 = arith.constant 200 : i32
      %jit3A_2761 = arith.constant 0 : i32
      %broadcast_in_dim3A_2762 = vector.broadcast %jit3A_2760 : i32 to vector<16xi32>
      %broadcast_in_dim3A_2763 = vector.broadcast %jit3A_2761 : i32 to vector<16xi32>
      %select_n3A_2764 = arith.select %ge3A_2759, %broadcast_in_dim3A_2762, %broadcast_in_dim3A_2763 : vector<16xi1>, vector<16xi32>
      %sub3A_2765 = arith.subi %add3A_2756, %select_n3A_2764 : vector<16xi32>
      %get3A_2766 = arith.constant 368 : index
      %get3A_2767 = tpu.vector_load %arg6[%get3A_2766] {strides = array<i32>} : memref<1024xi32, #tpu.memory_space<vmem>>, vector<16xi32>,
      %get3A_2768 = vector.shape_cast %get3A_2767 : vector<16xi32> to vector<16xi32>
      %mul3A_2769 = arith.constant 1000 : i32
      %mul3A_2770 = vector.broadcast %mul3A_2769 : i32 to vector<16xi32>
      %mul3A_2771 = arith.muli %sub3A_2765, %mul3A_2770 : vector<16xi32>
      %add3A_2772 = arith.addi %get3A_2768, %mul3A_2771 : vector<16xi32>
      %swap3A_2773 = arith.constant 368 : index
      %swap3A_2774 = tpu.vector_load %arg6[%swap3A_2773] {strides = array<i32>} : memref<1024xi32, #tpu.memory_space<vmem>>, vector<16xi32>,
      %swap3A_2775 = vector.shape_cast %swap3A_2774 : vector<16xi32> to vector<16xi32>
      %swap3A_2776 = vector.shape_cast %add3A_2772 : vector<16xi32> to vector<16xi32>
      tpu.vector_store %arg6[%swap3A_2773], %swap3A_2776 {strides = array<i32>} : memref<1024xi32, #tpu.memory_space<vmem>>, vector<16xi32>,
      %dma_wait3A_2777 = arith.constant 0 : i32
      %dma_wait3A_2778 = arith.constant 0 : i32
      %dma_wait3A_2779 = tpu.memref_slice %arg4[%dma_wait3A_2777, %dma_wait3A_2778] : memref<3276800x256xf32, #tpu.memory_space<hbm>> -> memref<64x256xf32, #tpu.memory_space<hbm>>
      %dma_wait3A_2780 = arith.constant 0 : i32
      %dma_wait3A_2781 = arith.constant 0 : i32
      %dma_wait3A_2782 = tpu.memref_slice %arg4[%dma_wait3A_2780, %dma_wait3A_2781] : memref<3276800x256xf32, #tpu.memory_space<hbm>> -> memref<64x256xf32, #tpu.memory_space<hbm>>
      tpu.wait_dma2 semaphore(%arg18 : memref<!tpu.dma_semaphore, #tpu.memory_space<semaphore_mem>>) src(%arg8 : memref<64x256xf32, #tpu.memory_space<vmem>>) dst(%dma_wait3A_2782 : memref<64x256xf32, #tpu.memory_space<hbm>>)
      %rem3A_2783 = arith.constant 199936 : i32
      %rem3A_2784 = arith.remsi %add3A_2680, %rem3A_2783 : i32
      %dma_start3A_2785 = arith.constant 0 : i32
      %dma_start3A_2786 = tpu.memref_slice %arg3[%rem3A_2784, %dma_start3A_2785] : memref<200000x256xf32, #tpu.memory_space<hbm>> -> memref<64x256xf32, #tpu.memory_space<hbm>>
      %dma_start3A_2787 = arith.constant 0 : i32
      %dma_start3A_2788 = tpu.memref_slice %arg3[%rem3A_2784, %dma_start3A_2787] : memref<200000x256xf32, #tpu.memory_space<hbm>> -> memref<64x256xf32, #tpu.memory_space<hbm>>
      tpu.enqueue_dma source(%dma_start3A_2788 : memref<64x256xf32, #tpu.memory_space<hbm>>) target(%arg8 : memref<64x256xf32, #tpu.memory_space<vmem>>) target_semaphore(%arg14 : memref<!tpu.dma_semaphore, #tpu.memory_space<semaphore_mem>>)
      %dma_wait3A_2789 = arith.constant 0 : i32
      %dma_wait3A_2790 = arith.constant 0 : i32
      %dma_wait3A_2791 = tpu.memref_slice %arg3[%dma_wait3A_2789, %dma_wait3A_2790] : memref<200000x256xf32, #tpu.memory_space<hbm>> -> memref<64x256xf32, #tpu.memory_space<hbm>>
      %dma_wait3A_2792 = arith.constant 0 : i32
      %dma_wait3A_2793 = arith.constant 0 : i32
      %dma_wait3A_2794 = tpu.memref_slice %arg3[%dma_wait3A_2792, %dma_wait3A_2793] : memref<200000x256xf32, #tpu.memory_space<hbm>> -> memref<64x256xf32, #tpu.memory_space<hbm>>
      tpu.wait_dma2 semaphore(%arg16 : memref<!tpu.dma_semaphore, #tpu.memory_space<semaphore_mem>>) src(%dma_wait3A_2794 : memref<64x256xf32, #tpu.memory_space<hbm>>) dst(%arg10 : memref<64x256xf32, #tpu.memory_space<vmem>>)
      %dma_start3A_2795 = arith.constant 0 : i32
      %dma_start3A_2796 = tpu.memref_slice %arg4[%add3A_2680, %dma_start3A_2795] : memref<3276800x256xf32, #tpu.memory_space<hbm>> -> memref<64x256xf32, #tpu.memory_space<hbm>>
      %dma_start3A_2797 = arith.constant 0 : i32
      %dma_start3A_2798 = tpu.memref_slice %arg4[%add3A_2680, %dma_start3A_2797] : memref<3276800x256xf32, #tpu.memory_space<hbm>> -> memref<64x256xf32, #tpu.memory_space<hbm>>
      tpu.enqueue_dma source(%arg10 : memref<64x256xf32, #tpu.memory_space<vmem>>) target(%dma_start3A_2798 : memref<64x256xf32, #tpu.memory_space<hbm>>) target_semaphore(%arg20 : memref<!tpu.dma_semaphore, #tpu.memory_space<semaphore_mem>>)
      %add3A_2799 = arith.constant 64 : i32
      %add3A_2800 = arith.addi %sub3A_2678, %add3A_2799 : i32
      %ge3A_2801 = arith.constant 200 : i32
      %ge3A_2802 = arith.cmpi sge, %add3A_2800, %ge3A_2801 : i32
      %jit3A_2803 = arith.constant 200 : i32
      %jit3A_2804 = arith.constant 0 : i32
      %select_n3A_2805 = arith.select %ge3A_2802, %jit3A_2803, %jit3A_2804 : i32
      %sub3A_2806 = arith.subi %add3A_2800, %select_n3A_2805 : i32
      %add3A_2807 = arith.constant 1280 : i32
      %add3A_2808 = arith.addi %add3A_240, %add3A_2807 : i32
      %add3A_2809 = arith.constant 0 : i32
      %add3A_2810 = arith.addi %sub3A_2806, %add3A_2809 : i32
      %add3A_2811 = vector.broadcast %add3A_2810 : i32 to vector<16xi32>
      %add3A_2812 = arith.addi %iota3A, %add3A_2811 : vector<16xi32>
      %ge3A_2813 = arith.constant 200 : i32
      %ge3A_2814 = vector.broadcast %ge3A_2813 : i32 to vector<16xi32>
      %ge3A_2815 = arith.cmpi sge, %add3A_2812, %ge3A_2814 : vector<16xi32>
      %jit3A_2816 = arith.constant 200 : i32
      %jit3A_2817 = arith.constant 0 : i32
      %broadcast_in_dim3A_2818 = vector.broadcast %jit3A_2816 : i32 to vector<16xi32>
      %broadcast_in_dim3A_2819 = vector.broadcast %jit3A_2817 : i32 to vector<16xi32>
      %select_n3A_2820 = arith.select %ge3A_2815, %broadcast_in_dim3A_2818, %broadcast_in_dim3A_2819 : vector<16xi1>, vector<16xi32>
      %sub3A_2821 = arith.subi %add3A_2812, %select_n3A_2820 : vector<16xi32>
      %get3A_2822 = arith.constant 384 : index
      %get3A_2823 = tpu.vector_load %arg6[%get3A_2822] {strides = array<i32>} : memref<1024xi32, #tpu.memory_space<vmem>>, vector<16xi32>,
      %get3A_2824 = vector.shape_cast %get3A_2823 : vector<16xi32> to vector<16xi32>
      %mul3A_2825 = arith.constant 1000 : i32
      %mul3A_2826 = vector.broadcast %mul3A_2825 : i32 to vector<16xi32>
      %mul3A_2827 = arith.muli %sub3A_2821, %mul3A_2826 : vector<16xi32>
      %add3A_2828 = arith.addi %get3A_2824, %mul3A_2827 : vector<16xi32>
      %swap3A_2829 = arith.constant 384 : index
      %swap3A_2830 = tpu.vector_load %arg6[%swap3A_2829] {strides = array<i32>} : memref<1024xi32, #tpu.memory_space<vmem>>, vector<16xi32>,
      %swap3A_2831 = vector.shape_cast %swap3A_2830 : vector<16xi32> to vector<16xi32>
      %swap3A_2832 = vector.shape_cast %add3A_2828 : vector<16xi32> to vector<16xi32>
      tpu.vector_store %arg6[%swap3A_2829], %swap3A_2832 {strides = array<i32>} : memref<1024xi32, #tpu.memory_space<vmem>>, vector<16xi32>,
      %add3A_2833 = arith.constant 16 : i32
      %add3A_2834 = arith.addi %sub3A_2806, %add3A_2833 : i32
      %add3A_2835 = vector.broadcast %add3A_2834 : i32 to vector<16xi32>
      %add3A_2836 = arith.addi %iota3A, %add3A_2835 : vector<16xi32>
      %ge3A_2837 = arith.constant 200 : i32
      %ge3A_2838 = vector.broadcast %ge3A_2837 : i32 to vector<16xi32>
      %ge3A_2839 = arith.cmpi sge, %add3A_2836, %ge3A_2838 : vector<16xi32>
      %jit3A_2840 = arith.constant 200 : i32
      %jit3A_2841 = arith.constant 0 : i32
      %broadcast_in_dim3A_2842 = vector.broadcast %jit3A_2840 : i32 to vector<16xi32>
      %broadcast_in_dim3A_2843 = vector.broadcast %jit3A_2841 : i32 to vector<16xi32>
      %select_n3A_2844 = arith.select %ge3A_2839, %broadcast_in_dim3A_2842, %broadcast_in_dim3A_2843 : vector<16xi1>, vector<16xi32>
      %sub3A_2845 = arith.subi %add3A_2836, %select_n3A_2844 : vector<16xi32>
      %get3A_2846 = arith.constant 400 : index
      %get3A_2847 = tpu.vector_load %arg6[%get3A_2846] {strides = array<i32>} : memref<1024xi32, #tpu.memory_space<vmem>>, vector<16xi32>,
      %get3A_2848 = vector.shape_cast %get3A_2847 : vector<16xi32> to vector<16xi32>
      %mul3A_2849 = arith.constant 1000 : i32
      %mul3A_2850 = vector.broadcast %mul3A_2849 : i32 to vector<16xi32>
      %mul3A_2851 = arith.muli %sub3A_2845, %mul3A_2850 : vector<16xi32>
      %add3A_2852 = arith.addi %get3A_2848, %mul3A_2851 : vector<16xi32>
      %swap3A_2853 = arith.constant 400 : index
      %swap3A_2854 = tpu.vector_load %arg6[%swap3A_2853] {strides = array<i32>} : memref<1024xi32, #tpu.memory_space<vmem>>, vector<16xi32>,
      %swap3A_2855 = vector.shape_cast %swap3A_2854 : vector<16xi32> to vector<16xi32>
      %swap3A_2856 = vector.shape_cast %add3A_2852 : vector<16xi32> to vector<16xi32>
      tpu.vector_store %arg6[%swap3A_2853], %swap3A_2856 {strides = array<i32>} : memref<1024xi32, #tpu.memory_space<vmem>>, vector<16xi32>,
      %add3A_2857 = arith.constant 32 : i32
      %add3A_2858 = arith.addi %sub3A_2806, %add3A_2857 : i32
      %add3A_2859 = vector.broadcast %add3A_2858 : i32 to vector<16xi32>
      %add3A_2860 = arith.addi %iota3A, %add3A_2859 : vector<16xi32>
      %ge3A_2861 = arith.constant 200 : i32
      %ge3A_2862 = vector.broadcast %ge3A_2861 : i32 to vector<16xi32>
      %ge3A_2863 = arith.cmpi sge, %add3A_2860, %ge3A_2862 : vector<16xi32>
      %jit3A_2864 = arith.constant 200 : i32
      %jit3A_2865 = arith.constant 0 : i32
      %broadcast_in_dim3A_2866 = vector.broadcast %jit3A_2864 : i32 to vector<16xi32>
      %broadcast_in_dim3A_2867 = vector.broadcast %jit3A_2865 : i32 to vector<16xi32>
      %select_n3A_2868 = arith.select %ge3A_2863, %broadcast_in_dim3A_2866, %broadcast_in_dim3A_2867 : vector<16xi1>, vector<16xi32>
      %sub3A_2869 = arith.subi %add3A_2860, %select_n3A_2868 : vector<16xi32>
      %get3A_2870 = arith.constant 416 : index
      %get3A_2871 = tpu.vector_load %arg6[%get3A_2870] {strides = array<i32>} : memref<1024xi32, #tpu.memory_space<vmem>>, vector<16xi32>,
      %get3A_2872 = vector.shape_cast %get3A_2871 : vector<16xi32> to vector<16xi32>
      %mul3A_2873 = arith.constant 1000 : i32
      %mul3A_2874 = vector.broadcast %mul3A_2873 : i32 to vector<16xi32>
      %mul3A_2875 = arith.muli %sub3A_2869, %mul3A_2874 : vector<16xi32>
      %add3A_2876 = arith.addi %get3A_2872, %mul3A_2875 : vector<16xi32>
      %swap3A_2877 = arith.constant 416 : index
      %swap3A_2878 = tpu.vector_load %arg6[%swap3A_2877] {strides = array<i32>} : memref<1024xi32, #tpu.memory_space<vmem>>, vector<16xi32>,
      %swap3A_2879 = vector.shape_cast %swap3A_2878 : vector<16xi32> to vector<16xi32>
      %swap3A_2880 = vector.shape_cast %add3A_2876 : vector<16xi32> to vector<16xi32>
      tpu.vector_store %arg6[%swap3A_2877], %swap3A_2880 {strides = array<i32>} : memref<1024xi32, #tpu.memory_space<vmem>>, vector<16xi32>,
      %add3A_2881 = arith.constant 48 : i32
      %add3A_2882 = arith.addi %sub3A_2806, %add3A_2881 : i32
      %add3A_2883 = vector.broadcast %add3A_2882 : i32 to vector<16xi32>
      %add3A_2884 = arith.addi %iota3A, %add3A_2883 : vector<16xi32>
      %ge3A_2885 = arith.constant 200 : i32
      %ge3A_2886 = vector.broadcast %ge3A_2885 : i32 to vector<16xi32>
      %ge3A_2887 = arith.cmpi sge, %add3A_2884, %ge3A_2886 : vector<16xi32>
      %jit3A_2888 = arith.constant 200 : i32
      %jit3A_2889 = arith.constant 0 : i32
      %broadcast_in_dim3A_2890 = vector.broadcast %jit3A_2888 : i32 to vector<16xi32>
      %broadcast_in_dim3A_2891 = vector.broadcast %jit3A_2889 : i32 to vector<16xi32>
      %select_n3A_2892 = arith.select %ge3A_2887, %broadcast_in_dim3A_2890, %broadcast_in_dim3A_2891 : vector<16xi1>, vector<16xi32>
      %sub3A_2893 = arith.subi %add3A_2884, %select_n3A_2892 : vector<16xi32>
      %get3A_2894 = arith.constant 432 : index
      %get3A_2895 = tpu.vector_load %arg6[%get3A_2894] {strides = array<i32>} : memref<1024xi32, #tpu.memory_space<vmem>>, vector<16xi32>,
      %get3A_2896 = vector.shape_cast %get3A_2895 : vector<16xi32> to vector<16xi32>
      %mul3A_2897 = arith.constant 1000 : i32
      %mul3A_2898 = vector.broadcast %mul3A_2897 : i32 to vector<16xi32>
      %mul3A_2899 = arith.muli %sub3A_2893, %mul3A_2898 : vector<16xi32>
      %add3A_2900 = arith.addi %get3A_2896, %mul3A_2899 : vector<16xi32>
      %swap3A_2901 = arith.constant 432 : index
      %swap3A_2902 = tpu.vector_load %arg6[%swap3A_2901] {strides = array<i32>} : memref<1024xi32, #tpu.memory_space<vmem>>, vector<16xi32>,
      %swap3A_2903 = vector.shape_cast %swap3A_2902 : vector<16xi32> to vector<16xi32>
      %swap3A_2904 = vector.shape_cast %add3A_2900 : vector<16xi32> to vector<16xi32>
      tpu.vector_store %arg6[%swap3A_2901], %swap3A_2904 {strides = array<i32>} : memref<1024xi32, #tpu.memory_space<vmem>>, vector<16xi32>,
      %dma_wait3A_2905 = arith.constant 0 : i32
      %dma_wait3A_2906 = arith.constant 0 : i32
      %dma_wait3A_2907 = tpu.memref_slice %arg4[%dma_wait3A_2905, %dma_wait3A_2906] : memref<3276800x256xf32, #tpu.memory_space<hbm>> -> memref<64x256xf32, #tpu.memory_space<hbm>>
      %dma_wait3A_2908 = arith.constant 0 : i32
      %dma_wait3A_2909 = arith.constant 0 : i32
      %dma_wait3A_2910 = tpu.memref_slice %arg4[%dma_wait3A_2908, %dma_wait3A_2909] : memref<3276800x256xf32, #tpu.memory_space<hbm>> -> memref<64x256xf32, #tpu.memory_space<hbm>>
      tpu.wait_dma2 semaphore(%arg19 : memref<!tpu.dma_semaphore, #tpu.memory_space<semaphore_mem>>) src(%arg9 : memref<64x256xf32, #tpu.memory_space<vmem>>) dst(%dma_wait3A_2910 : memref<64x256xf32, #tpu.memory_space<hbm>>)
      %rem3A_2911 = arith.constant 199936 : i32
      %rem3A_2912 = arith.remsi %add3A_2808, %rem3A_2911 : i32
      %dma_start3A_2913 = arith.constant 0 : i32
      %dma_start3A_2914 = tpu.memref_slice %arg3[%rem3A_2912, %dma_start3A_2913] : memref<200000x256xf32, #tpu.memory_space<hbm>> -> memref<64x256xf32, #tpu.memory_space<hbm>>
      %dma_start3A_2915 = arith.constant 0 : i32
      %dma_start3A_2916 = tpu.memref_slice %arg3[%rem3A_2912, %dma_start3A_2915] : memref<200000x256xf32, #tpu.memory_space<hbm>> -> memref<64x256xf32, #tpu.memory_space<hbm>>
      tpu.enqueue_dma source(%dma_start3A_2916 : memref<64x256xf32, #tpu.memory_space<hbm>>) target(%arg9 : memref<64x256xf32, #tpu.memory_space<vmem>>) target_semaphore(%arg15 : memref<!tpu.dma_semaphore, #tpu.memory_space<semaphore_mem>>)
      %dma_wait3A_2917 = arith.constant 0 : i32
      %dma_wait3A_2918 = arith.constant 0 : i32
      %dma_wait3A_2919 = tpu.memref_slice %arg3[%dma_wait3A_2917, %dma_wait3A_2918] : memref<200000x256xf32, #tpu.memory_space<hbm>> -> memref<64x256xf32, #tpu.memory_space<hbm>>
      %dma_wait3A_2920 = arith.constant 0 : i32
      %dma_wait3A_2921 = arith.constant 0 : i32
      %dma_wait3A_2922 = tpu.memref_slice %arg3[%dma_wait3A_2920, %dma_wait3A_2921] : memref<200000x256xf32, #tpu.memory_space<hbm>> -> memref<64x256xf32, #tpu.memory_space<hbm>>
      tpu.wait_dma2 semaphore(%arg13 : memref<!tpu.dma_semaphore, #tpu.memory_space<semaphore_mem>>) src(%dma_wait3A_2922 : memref<64x256xf32, #tpu.memory_space<hbm>>) dst(%arg7 : memref<64x256xf32, #tpu.memory_space<vmem>>)
      %dma_start3A_2923 = arith.constant 0 : i32
      %dma_start3A_2924 = tpu.memref_slice %arg4[%add3A_2808, %dma_start3A_2923] : memref<3276800x256xf32, #tpu.memory_space<hbm>> -> memref<64x256xf32, #tpu.memory_space<hbm>>
      %dma_start3A_2925 = arith.constant 0 : i32
      %dma_start3A_2926 = tpu.memref_slice %arg4[%add3A_2808, %dma_start3A_2925] : memref<3276800x256xf32, #tpu.memory_space<hbm>> -> memref<64x256xf32, #tpu.memory_space<hbm>>
      tpu.enqueue_dma source(%arg7 : memref<64x256xf32, #tpu.memory_space<vmem>>) target(%dma_start3A_2926 : memref<64x256xf32, #tpu.memory_space<hbm>>) target_semaphore(%arg17 : memref<!tpu.dma_semaphore, #tpu.memory_space<semaphore_mem>>)
      %add3A_2927 = arith.constant 64 : i32
      %add3A_2928 = arith.addi %sub3A_2806, %add3A_2927 : i32
      %ge3A_2929 = arith.constant 200 : i32
      %ge3A_2930 = arith.cmpi sge, %add3A_2928, %ge3A_2929 : i32
      %jit3A_2931 = arith.constant 200 : i32
      %jit3A_2932 = arith.constant 0 : i32
      %select_n3A_2933 = arith.select %ge3A_2930, %jit3A_2931, %jit3A_2932 : i32
      %sub3A_2934 = arith.subi %add3A_2928, %select_n3A_2933 : i32
      %add3A_2935 = arith.constant 1344 : i32
      %add3A_2936 = arith.addi %add3A_240, %add3A_2935 : i32
      %add3A_2937 = arith.constant 0 : i32
      %add3A_2938 = arith.addi %sub3A_2934, %add3A_2937 : i32
      %add3A_2939 = vector.broadcast %add3A_2938 : i32 to vector<16xi32>
      %add3A_2940 = arith.addi %iota3A, %add3A_2939 : vector<16xi32>
      %ge3A_2941 = arith.constant 200 : i32
      %ge3A_2942 = vector.broadcast %ge3A_2941 : i32 to vector<16xi32>
      %ge3A_2943 = arith.cmpi sge, %add3A_2940, %ge3A_2942 : vector<16xi32>
      %jit3A_2944 = arith.constant 200 : i32
      %jit3A_2945 = arith.constant 0 : i32
      %broadcast_in_dim3A_2946 = vector.broadcast %jit3A_2944 : i32 to vector<16xi32>
      %broadcast_in_dim3A_2947 = vector.broadcast %jit3A_2945 : i32 to vector<16xi32>
      %select_n3A_2948 = arith.select %ge3A_2943, %broadcast_in_dim3A_2946, %broadcast_in_dim3A_2947 : vector<16xi1>, vector<16xi32>
      %sub3A_2949 = arith.subi %add3A_2940, %select_n3A_2948 : vector<16xi32>
      %get3A_2950 = arith.constant 448 : index
      %get3A_2951 = tpu.vector_load %arg6[%get3A_2950] {strides = array<i32>} : memref<1024xi32, #tpu.memory_space<vmem>>, vector<16xi32>,
      %get3A_2952 = vector.shape_cast %get3A_2951 : vector<16xi32> to vector<16xi32>
      %mul3A_2953 = arith.constant 1000 : i32
      %mul3A_2954 = vector.broadcast %mul3A_2953 : i32 to vector<16xi32>
      %mul3A_2955 = arith.muli %sub3A_2949, %mul3A_2954 : vector<16xi32>
      %add3A_2956 = arith.addi %get3A_2952, %mul3A_2955 : vector<16xi32>
      %swap3A_2957 = arith.constant 448 : index
      %swap3A_2958 = tpu.vector_load %arg6[%swap3A_2957] {strides = array<i32>} : memref<1024xi32, #tpu.memory_space<vmem>>, vector<16xi32>,
      %swap3A_2959 = vector.shape_cast %swap3A_2958 : vector<16xi32> to vector<16xi32>
      %swap3A_2960 = vector.shape_cast %add3A_2956 : vector<16xi32> to vector<16xi32>
      tpu.vector_store %arg6[%swap3A_2957], %swap3A_2960 {strides = array<i32>} : memref<1024xi32, #tpu.memory_space<vmem>>, vector<16xi32>,
      %add3A_2961 = arith.constant 16 : i32
      %add3A_2962 = arith.addi %sub3A_2934, %add3A_2961 : i32
      %add3A_2963 = vector.broadcast %add3A_2962 : i32 to vector<16xi32>
      %add3A_2964 = arith.addi %iota3A, %add3A_2963 : vector<16xi32>
      %ge3A_2965 = arith.constant 200 : i32
      %ge3A_2966 = vector.broadcast %ge3A_2965 : i32 to vector<16xi32>
      %ge3A_2967 = arith.cmpi sge, %add3A_2964, %ge3A_2966 : vector<16xi32>
      %jit3A_2968 = arith.constant 200 : i32
      %jit3A_2969 = arith.constant 0 : i32
      %broadcast_in_dim3A_2970 = vector.broadcast %jit3A_2968 : i32 to vector<16xi32>
      %broadcast_in_dim3A_2971 = vector.broadcast %jit3A_2969 : i32 to vector<16xi32>
      %select_n3A_2972 = arith.select %ge3A_2967, %broadcast_in_dim3A_2970, %broadcast_in_dim3A_2971 : vector<16xi1>, vector<16xi32>
      %sub3A_2973 = arith.subi %add3A_2964, %select_n3A_2972 : vector<16xi32>
      %get3A_2974 = arith.constant 464 : index
      %get3A_2975 = tpu.vector_load %arg6[%get3A_2974] {strides = array<i32>} : memref<1024xi32, #tpu.memory_space<vmem>>, vector<16xi32>,
      %get3A_2976 = vector.shape_cast %get3A_2975 : vector<16xi32> to vector<16xi32>
      %mul3A_2977 = arith.constant 1000 : i32
      %mul3A_2978 = vector.broadcast %mul3A_2977 : i32 to vector<16xi32>
      %mul3A_2979 = arith.muli %sub3A_2973, %mul3A_2978 : vector<16xi32>
      %add3A_2980 = arith.addi %get3A_2976, %mul3A_2979 : vector<16xi32>
      %swap3A_2981 = arith.constant 464 : index
      %swap3A_2982 = tpu.vector_load %arg6[%swap3A_2981] {strides = array<i32>} : memref<1024xi32, #tpu.memory_space<vmem>>, vector<16xi32>,
      %swap3A_2983 = vector.shape_cast %swap3A_2982 : vector<16xi32> to vector<16xi32>
      %swap3A_2984 = vector.shape_cast %add3A_2980 : vector<16xi32> to vector<16xi32>
      tpu.vector_store %arg6[%swap3A_2981], %swap3A_2984 {strides = array<i32>} : memref<1024xi32, #tpu.memory_space<vmem>>, vector<16xi32>,
      %add3A_2985 = arith.constant 32 : i32
      %add3A_2986 = arith.addi %sub3A_2934, %add3A_2985 : i32
      %add3A_2987 = vector.broadcast %add3A_2986 : i32 to vector<16xi32>
      %add3A_2988 = arith.addi %iota3A, %add3A_2987 : vector<16xi32>
      %ge3A_2989 = arith.constant 200 : i32
      %ge3A_2990 = vector.broadcast %ge3A_2989 : i32 to vector<16xi32>
      %ge3A_2991 = arith.cmpi sge, %add3A_2988, %ge3A_2990 : vector<16xi32>
      %jit3A_2992 = arith.constant 200 : i32
      %jit3A_2993 = arith.constant 0 : i32
      %broadcast_in_dim3A_2994 = vector.broadcast %jit3A_2992 : i32 to vector<16xi32>
      %broadcast_in_dim3A_2995 = vector.broadcast %jit3A_2993 : i32 to vector<16xi32>
      %select_n3A_2996 = arith.select %ge3A_2991, %broadcast_in_dim3A_2994, %broadcast_in_dim3A_2995 : vector<16xi1>, vector<16xi32>
      %sub3A_2997 = arith.subi %add3A_2988, %select_n3A_2996 : vector<16xi32>
      %get3A_2998 = arith.constant 480 : index
      %get3A_2999 = tpu.vector_load %arg6[%get3A_2998] {strides = array<i32>} : memref<1024xi32, #tpu.memory_space<vmem>>, vector<16xi32>,
      %get3A_3000 = vector.shape_cast %get3A_2999 : vector<16xi32> to vector<16xi32>
      %mul3A_3001 = arith.constant 1000 : i32
      %mul3A_3002 = vector.broadcast %mul3A_3001 : i32 to vector<16xi32>
      %mul3A_3003 = arith.muli %sub3A_2997, %mul3A_3002 : vector<16xi32>
      %add3A_3004 = arith.addi %get3A_3000, %mul3A_3003 : vector<16xi32>
      %swap3A_3005 = arith.constant 480 : index
      %swap3A_3006 = tpu.vector_load %arg6[%swap3A_3005] {strides = array<i32>} : memref<1024xi32, #tpu.memory_space<vmem>>, vector<16xi32>,
      %swap3A_3007 = vector.shape_cast %swap3A_3006 : vector<16xi32> to vector<16xi32>
      %swap3A_3008 = vector.shape_cast %add3A_3004 : vector<16xi32> to vector<16xi32>
      tpu.vector_store %arg6[%swap3A_3005], %swap3A_3008 {strides = array<i32>} : memref<1024xi32, #tpu.memory_space<vmem>>, vector<16xi32>,
      %add3A_3009 = arith.constant 48 : i32
      %add3A_3010 = arith.addi %sub3A_2934, %add3A_3009 : i32
      %add3A_3011 = vector.broadcast %add3A_3010 : i32 to vector<16xi32>
      %add3A_3012 = arith.addi %iota3A, %add3A_3011 : vector<16xi32>
      %ge3A_3013 = arith.constant 200 : i32
      %ge3A_3014 = vector.broadcast %ge3A_3013 : i32 to vector<16xi32>
      %ge3A_3015 = arith.cmpi sge, %add3A_3012, %ge3A_3014 : vector<16xi32>
      %jit3A_3016 = arith.constant 200 : i32
      %jit3A_3017 = arith.constant 0 : i32
      %broadcast_in_dim3A_3018 = vector.broadcast %jit3A_3016 : i32 to vector<16xi32>
      %broadcast_in_dim3A_3019 = vector.broadcast %jit3A_3017 : i32 to vector<16xi32>
      %select_n3A_3020 = arith.select %ge3A_3015, %broadcast_in_dim3A_3018, %broadcast_in_dim3A_3019 : vector<16xi1>, vector<16xi32>
      %sub3A_3021 = arith.subi %add3A_3012, %select_n3A_3020 : vector<16xi32>
      %get3A_3022 = arith.constant 496 : index
      %get3A_3023 = tpu.vector_load %arg6[%get3A_3022] {strides = array<i32>} : memref<1024xi32, #tpu.memory_space<vmem>>, vector<16xi32>,
      %get3A_3024 = vector.shape_cast %get3A_3023 : vector<16xi32> to vector<16xi32>
      %mul3A_3025 = arith.constant 1000 : i32
      %mul3A_3026 = vector.broadcast %mul3A_3025 : i32 to vector<16xi32>
      %mul3A_3027 = arith.muli %sub3A_3021, %mul3A_3026 : vector<16xi32>
      %add3A_3028 = arith.addi %get3A_3024, %mul3A_3027 : vector<16xi32>
      %swap3A_3029 = arith.constant 496 : index
      %swap3A_3030 = tpu.vector_load %arg6[%swap3A_3029] {strides = array<i32>} : memref<1024xi32, #tpu.memory_space<vmem>>, vector<16xi32>,
      %swap3A_3031 = vector.shape_cast %swap3A_3030 : vector<16xi32> to vector<16xi32>
      %swap3A_3032 = vector.shape_cast %add3A_3028 : vector<16xi32> to vector<16xi32>
      tpu.vector_store %arg6[%swap3A_3029], %swap3A_3032 {strides = array<i32>} : memref<1024xi32, #tpu.memory_space<vmem>>, vector<16xi32>,
      %dma_wait3A_3033 = arith.constant 0 : i32
      %dma_wait3A_3034 = arith.constant 0 : i32
      %dma_wait3A_3035 = tpu.memref_slice %arg4[%dma_wait3A_3033, %dma_wait3A_3034] : memref<3276800x256xf32, #tpu.memory_space<hbm>> -> memref<64x256xf32, #tpu.memory_space<hbm>>
      %dma_wait3A_3036 = arith.constant 0 : i32
      %dma_wait3A_3037 = arith.constant 0 : i32
      %dma_wait3A_3038 = tpu.memref_slice %arg4[%dma_wait3A_3036, %dma_wait3A_3037] : memref<3276800x256xf32, #tpu.memory_space<hbm>> -> memref<64x256xf32, #tpu.memory_space<hbm>>
      tpu.wait_dma2 semaphore(%arg20 : memref<!tpu.dma_semaphore, #tpu.memory_space<semaphore_mem>>) src(%arg10 : memref<64x256xf32, #tpu.memory_space<vmem>>) dst(%dma_wait3A_3038 : memref<64x256xf32, #tpu.memory_space<hbm>>)
      %rem3A_3039 = arith.constant 199936 : i32
      %rem3A_3040 = arith.remsi %add3A_2936, %rem3A_3039 : i32
      %dma_start3A_3041 = arith.constant 0 : i32
      %dma_start3A_3042 = tpu.memref_slice %arg3[%rem3A_3040, %dma_start3A_3041] : memref<200000x256xf32, #tpu.memory_space<hbm>> -> memref<64x256xf32, #tpu.memory_space<hbm>>
      %dma_start3A_3043 = arith.constant 0 : i32
      %dma_start3A_3044 = tpu.memref_slice %arg3[%rem3A_3040, %dma_start3A_3043] : memref<200000x256xf32, #tpu.memory_space<hbm>> -> memref<64x256xf32, #tpu.memory_space<hbm>>
      tpu.enqueue_dma source(%dma_start3A_3044 : memref<64x256xf32, #tpu.memory_space<hbm>>) target(%arg10 : memref<64x256xf32, #tpu.memory_space<vmem>>) target_semaphore(%arg16 : memref<!tpu.dma_semaphore, #tpu.memory_space<semaphore_mem>>)
      %dma_wait3A_3045 = arith.constant 0 : i32
      %dma_wait3A_3046 = arith.constant 0 : i32
      %dma_wait3A_3047 = tpu.memref_slice %arg3[%dma_wait3A_3045, %dma_wait3A_3046] : memref<200000x256xf32, #tpu.memory_space<hbm>> -> memref<64x256xf32, #tpu.memory_space<hbm>>
      %dma_wait3A_3048 = arith.constant 0 : i32
      %dma_wait3A_3049 = arith.constant 0 : i32
      %dma_wait3A_3050 = tpu.memref_slice %arg3[%dma_wait3A_3048, %dma_wait3A_3049] : memref<200000x256xf32, #tpu.memory_space<hbm>> -> memref<64x256xf32, #tpu.memory_space<hbm>>
      tpu.wait_dma2 semaphore(%arg14 : memref<!tpu.dma_semaphore, #tpu.memory_space<semaphore_mem>>) src(%dma_wait3A_3050 : memref<64x256xf32, #tpu.memory_space<hbm>>) dst(%arg8 : memref<64x256xf32, #tpu.memory_space<vmem>>)
      %dma_start3A_3051 = arith.constant 0 : i32
      %dma_start3A_3052 = tpu.memref_slice %arg4[%add3A_2936, %dma_start3A_3051] : memref<3276800x256xf32, #tpu.memory_space<hbm>> -> memref<64x256xf32, #tpu.memory_space<hbm>>
      %dma_start3A_3053 = arith.constant 0 : i32
      %dma_start3A_3054 = tpu.memref_slice %arg4[%add3A_2936, %dma_start3A_3053] : memref<3276800x256xf32, #tpu.memory_space<hbm>> -> memref<64x256xf32, #tpu.memory_space<hbm>>
      tpu.enqueue_dma source(%arg8 : memref<64x256xf32, #tpu.memory_space<vmem>>) target(%dma_start3A_3054 : memref<64x256xf32, #tpu.memory_space<hbm>>) target_semaphore(%arg18 : memref<!tpu.dma_semaphore, #tpu.memory_space<semaphore_mem>>)
      %add3A_3055 = arith.constant 64 : i32
      %add3A_3056 = arith.addi %sub3A_2934, %add3A_3055 : i32
      %ge3A_3057 = arith.constant 200 : i32
      %ge3A_3058 = arith.cmpi sge, %add3A_3056, %ge3A_3057 : i32
      %jit3A_3059 = arith.constant 200 : i32
      %jit3A_3060 = arith.constant 0 : i32
      %select_n3A_3061 = arith.select %ge3A_3058, %jit3A_3059, %jit3A_3060 : i32
      %sub3A_3062 = arith.subi %add3A_3056, %select_n3A_3061 : i32
      %add3A_3063 = arith.constant 1408 : i32
      %add3A_3064 = arith.addi %add3A_240, %add3A_3063 : i32
      %add3A_3065 = arith.constant 0 : i32
      %add3A_3066 = arith.addi %sub3A_3062, %add3A_3065 : i32
      %add3A_3067 = vector.broadcast %add3A_3066 : i32 to vector<16xi32>
      %add3A_3068 = arith.addi %iota3A, %add3A_3067 : vector<16xi32>
      %ge3A_3069 = arith.constant 200 : i32
      %ge3A_3070 = vector.broadcast %ge3A_3069 : i32 to vector<16xi32>
      %ge3A_3071 = arith.cmpi sge, %add3A_3068, %ge3A_3070 : vector<16xi32>
      %jit3A_3072 = arith.constant 200 : i32
      %jit3A_3073 = arith.constant 0 : i32
      %broadcast_in_dim3A_3074 = vector.broadcast %jit3A_3072 : i32 to vector<16xi32>
      %broadcast_in_dim3A_3075 = vector.broadcast %jit3A_3073 : i32 to vector<16xi32>
      %select_n3A_3076 = arith.select %ge3A_3071, %broadcast_in_dim3A_3074, %broadcast_in_dim3A_3075 : vector<16xi1>, vector<16xi32>
      %sub3A_3077 = arith.subi %add3A_3068, %select_n3A_3076 : vector<16xi32>
      %get3A_3078 = arith.constant 512 : index
      %get3A_3079 = tpu.vector_load %arg6[%get3A_3078] {strides = array<i32>} : memref<1024xi32, #tpu.memory_space<vmem>>, vector<16xi32>,
      %get3A_3080 = vector.shape_cast %get3A_3079 : vector<16xi32> to vector<16xi32>
      %mul3A_3081 = arith.constant 1000 : i32
      %mul3A_3082 = vector.broadcast %mul3A_3081 : i32 to vector<16xi32>
      %mul3A_3083 = arith.muli %sub3A_3077, %mul3A_3082 : vector<16xi32>
      %add3A_3084 = arith.addi %get3A_3080, %mul3A_3083 : vector<16xi32>
      %swap3A_3085 = arith.constant 512 : index
      %swap3A_3086 = tpu.vector_load %arg6[%swap3A_3085] {strides = array<i32>} : memref<1024xi32, #tpu.memory_space<vmem>>, vector<16xi32>,
      %swap3A_3087 = vector.shape_cast %swap3A_3086 : vector<16xi32> to vector<16xi32>
      %swap3A_3088 = vector.shape_cast %add3A_3084 : vector<16xi32> to vector<16xi32>
      tpu.vector_store %arg6[%swap3A_3085], %swap3A_3088 {strides = array<i32>} : memref<1024xi32, #tpu.memory_space<vmem>>, vector<16xi32>,
      %add3A_3089 = arith.constant 16 : i32
      %add3A_3090 = arith.addi %sub3A_3062, %add3A_3089 : i32
      %add3A_3091 = vector.broadcast %add3A_3090 : i32 to vector<16xi32>
      %add3A_3092 = arith.addi %iota3A, %add3A_3091 : vector<16xi32>
      %ge3A_3093 = arith.constant 200 : i32
      %ge3A_3094 = vector.broadcast %ge3A_3093 : i32 to vector<16xi32>
      %ge3A_3095 = arith.cmpi sge, %add3A_3092, %ge3A_3094 : vector<16xi32>
      %jit3A_3096 = arith.constant 200 : i32
      %jit3A_3097 = arith.constant 0 : i32
      %broadcast_in_dim3A_3098 = vector.broadcast %jit3A_3096 : i32 to vector<16xi32>
      %broadcast_in_dim3A_3099 = vector.broadcast %jit3A_3097 : i32 to vector<16xi32>
      %select_n3A_3100 = arith.select %ge3A_3095, %broadcast_in_dim3A_3098, %broadcast_in_dim3A_3099 : vector<16xi1>, vector<16xi32>
      %sub3A_3101 = arith.subi %add3A_3092, %select_n3A_3100 : vector<16xi32>
      %get3A_3102 = arith.constant 528 : index
      %get3A_3103 = tpu.vector_load %arg6[%get3A_3102] {strides = array<i32>} : memref<1024xi32, #tpu.memory_space<vmem>>, vector<16xi32>,
      %get3A_3104 = vector.shape_cast %get3A_3103 : vector<16xi32> to vector<16xi32>
      %mul3A_3105 = arith.constant 1000 : i32
      %mul3A_3106 = vector.broadcast %mul3A_3105 : i32 to vector<16xi32>
      %mul3A_3107 = arith.muli %sub3A_3101, %mul3A_3106 : vector<16xi32>
      %add3A_3108 = arith.addi %get3A_3104, %mul3A_3107 : vector<16xi32>
      %swap3A_3109 = arith.constant 528 : index
      %swap3A_3110 = tpu.vector_load %arg6[%swap3A_3109] {strides = array<i32>} : memref<1024xi32, #tpu.memory_space<vmem>>, vector<16xi32>,
      %swap3A_3111 = vector.shape_cast %swap3A_3110 : vector<16xi32> to vector<16xi32>
      %swap3A_3112 = vector.shape_cast %add3A_3108 : vector<16xi32> to vector<16xi32>
      tpu.vector_store %arg6[%swap3A_3109], %swap3A_3112 {strides = array<i32>} : memref<1024xi32, #tpu.memory_space<vmem>>, vector<16xi32>,
      %add3A_3113 = arith.constant 32 : i32
      %add3A_3114 = arith.addi %sub3A_3062, %add3A_3113 : i32
      %add3A_3115 = vector.broadcast %add3A_3114 : i32 to vector<16xi32>
      %add3A_3116 = arith.addi %iota3A, %add3A_3115 : vector<16xi32>
      %ge3A_3117 = arith.constant 200 : i32
      %ge3A_3118 = vector.broadcast %ge3A_3117 : i32 to vector<16xi32>
      %ge3A_3119 = arith.cmpi sge, %add3A_3116, %ge3A_3118 : vector<16xi32>
      %jit3A_3120 = arith.constant 200 : i32
      %jit3A_3121 = arith.constant 0 : i32
      %broadcast_in_dim3A_3122 = vector.broadcast %jit3A_3120 : i32 to vector<16xi32>
      %broadcast_in_dim3A_3123 = vector.broadcast %jit3A_3121 : i32 to vector<16xi32>
      %select_n3A_3124 = arith.select %ge3A_3119, %broadcast_in_dim3A_3122, %broadcast_in_dim3A_3123 : vector<16xi1>, vector<16xi32>
      %sub3A_3125 = arith.subi %add3A_3116, %select_n3A_3124 : vector<16xi32>
      %get3A_3126 = arith.constant 544 : index
      %get3A_3127 = tpu.vector_load %arg6[%get3A_3126] {strides = array<i32>} : memref<1024xi32, #tpu.memory_space<vmem>>, vector<16xi32>,
      %get3A_3128 = vector.shape_cast %get3A_3127 : vector<16xi32> to vector<16xi32>
      %mul3A_3129 = arith.constant 1000 : i32
      %mul3A_3130 = vector.broadcast %mul3A_3129 : i32 to vector<16xi32>
      %mul3A_3131 = arith.muli %sub3A_3125, %mul3A_3130 : vector<16xi32>
      %add3A_3132 = arith.addi %get3A_3128, %mul3A_3131 : vector<16xi32>
      %swap3A_3133 = arith.constant 544 : index
      %swap3A_3134 = tpu.vector_load %arg6[%swap3A_3133] {strides = array<i32>} : memref<1024xi32, #tpu.memory_space<vmem>>, vector<16xi32>,
      %swap3A_3135 = vector.shape_cast %swap3A_3134 : vector<16xi32> to vector<16xi32>
      %swap3A_3136 = vector.shape_cast %add3A_3132 : vector<16xi32> to vector<16xi32>
      tpu.vector_store %arg6[%swap3A_3133], %swap3A_3136 {strides = array<i32>} : memref<1024xi32, #tpu.memory_space<vmem>>, vector<16xi32>,
      %add3A_3137 = arith.constant 48 : i32
      %add3A_3138 = arith.addi %sub3A_3062, %add3A_3137 : i32
      %add3A_3139 = vector.broadcast %add3A_3138 : i32 to vector<16xi32>
      %add3A_3140 = arith.addi %iota3A, %add3A_3139 : vector<16xi32>
      %ge3A_3141 = arith.constant 200 : i32
      %ge3A_3142 = vector.broadcast %ge3A_3141 : i32 to vector<16xi32>
      %ge3A_3143 = arith.cmpi sge, %add3A_3140, %ge3A_3142 : vector<16xi32>
      %jit3A_3144 = arith.constant 200 : i32
      %jit3A_3145 = arith.constant 0 : i32
      %broadcast_in_dim3A_3146 = vector.broadcast %jit3A_3144 : i32 to vector<16xi32>
      %broadcast_in_dim3A_3147 = vector.broadcast %jit3A_3145 : i32 to vector<16xi32>
      %select_n3A_3148 = arith.select %ge3A_3143, %broadcast_in_dim3A_3146, %broadcast_in_dim3A_3147 : vector<16xi1>, vector<16xi32>
      %sub3A_3149 = arith.subi %add3A_3140, %select_n3A_3148 : vector<16xi32>
      %get3A_3150 = arith.constant 560 : index
      %get3A_3151 = tpu.vector_load %arg6[%get3A_3150] {strides = array<i32>} : memref<1024xi32, #tpu.memory_space<vmem>>, vector<16xi32>,
      %get3A_3152 = vector.shape_cast %get3A_3151 : vector<16xi32> to vector<16xi32>
      %mul3A_3153 = arith.constant 1000 : i32
      %mul3A_3154 = vector.broadcast %mul3A_3153 : i32 to vector<16xi32>
      %mul3A_3155 = arith.muli %sub3A_3149, %mul3A_3154 : vector<16xi32>
      %add3A_3156 = arith.addi %get3A_3152, %mul3A_3155 : vector<16xi32>
      %swap3A_3157 = arith.constant 560 : index
      %swap3A_3158 = tpu.vector_load %arg6[%swap3A_3157] {strides = array<i32>} : memref<1024xi32, #tpu.memory_space<vmem>>, vector<16xi32>,
      %swap3A_3159 = vector.shape_cast %swap3A_3158 : vector<16xi32> to vector<16xi32>
      %swap3A_3160 = vector.shape_cast %add3A_3156 : vector<16xi32> to vector<16xi32>
      tpu.vector_store %arg6[%swap3A_3157], %swap3A_3160 {strides = array<i32>} : memref<1024xi32, #tpu.memory_space<vmem>>, vector<16xi32>,
      %dma_wait3A_3161 = arith.constant 0 : i32
      %dma_wait3A_3162 = arith.constant 0 : i32
      %dma_wait3A_3163 = tpu.memref_slice %arg4[%dma_wait3A_3161, %dma_wait3A_3162] : memref<3276800x256xf32, #tpu.memory_space<hbm>> -> memref<64x256xf32, #tpu.memory_space<hbm>>
      %dma_wait3A_3164 = arith.constant 0 : i32
      %dma_wait3A_3165 = arith.constant 0 : i32
      %dma_wait3A_3166 = tpu.memref_slice %arg4[%dma_wait3A_3164, %dma_wait3A_3165] : memref<3276800x256xf32, #tpu.memory_space<hbm>> -> memref<64x256xf32, #tpu.memory_space<hbm>>
      tpu.wait_dma2 semaphore(%arg17 : memref<!tpu.dma_semaphore, #tpu.memory_space<semaphore_mem>>) src(%arg7 : memref<64x256xf32, #tpu.memory_space<vmem>>) dst(%dma_wait3A_3166 : memref<64x256xf32, #tpu.memory_space<hbm>>)
      %rem3A_3167 = arith.constant 199936 : i32
      %rem3A_3168 = arith.remsi %add3A_3064, %rem3A_3167 : i32
      %dma_start3A_3169 = arith.constant 0 : i32
      %dma_start3A_3170 = tpu.memref_slice %arg3[%rem3A_3168, %dma_start3A_3169] : memref<200000x256xf32, #tpu.memory_space<hbm>> -> memref<64x256xf32, #tpu.memory_space<hbm>>
      %dma_start3A_3171 = arith.constant 0 : i32
      %dma_start3A_3172 = tpu.memref_slice %arg3[%rem3A_3168, %dma_start3A_3171] : memref<200000x256xf32, #tpu.memory_space<hbm>> -> memref<64x256xf32, #tpu.memory_space<hbm>>
      tpu.enqueue_dma source(%dma_start3A_3172 : memref<64x256xf32, #tpu.memory_space<hbm>>) target(%arg7 : memref<64x256xf32, #tpu.memory_space<vmem>>) target_semaphore(%arg13 : memref<!tpu.dma_semaphore, #tpu.memory_space<semaphore_mem>>)
      %dma_wait3A_3173 = arith.constant 0 : i32
      %dma_wait3A_3174 = arith.constant 0 : i32
      %dma_wait3A_3175 = tpu.memref_slice %arg3[%dma_wait3A_3173, %dma_wait3A_3174] : memref<200000x256xf32, #tpu.memory_space<hbm>> -> memref<64x256xf32, #tpu.memory_space<hbm>>
      %dma_wait3A_3176 = arith.constant 0 : i32
      %dma_wait3A_3177 = arith.constant 0 : i32
      %dma_wait3A_3178 = tpu.memref_slice %arg3[%dma_wait3A_3176, %dma_wait3A_3177] : memref<200000x256xf32, #tpu.memory_space<hbm>> -> memref<64x256xf32, #tpu.memory_space<hbm>>
      tpu.wait_dma2 semaphore(%arg15 : memref<!tpu.dma_semaphore, #tpu.memory_space<semaphore_mem>>) src(%dma_wait3A_3178 : memref<64x256xf32, #tpu.memory_space<hbm>>) dst(%arg9 : memref<64x256xf32, #tpu.memory_space<vmem>>)
      %dma_start3A_3179 = arith.constant 0 : i32
      %dma_start3A_3180 = tpu.memref_slice %arg4[%add3A_3064, %dma_start3A_3179] : memref<3276800x256xf32, #tpu.memory_space<hbm>> -> memref<64x256xf32, #tpu.memory_space<hbm>>
      %dma_start3A_3181 = arith.constant 0 : i32
      %dma_start3A_3182 = tpu.memref_slice %arg4[%add3A_3064, %dma_start3A_3181] : memref<3276800x256xf32, #tpu.memory_space<hbm>> -> memref<64x256xf32, #tpu.memory_space<hbm>>
      tpu.enqueue_dma source(%arg9 : memref<64x256xf32, #tpu.memory_space<vmem>>) target(%dma_start3A_3182 : memref<64x256xf32, #tpu.memory_space<hbm>>) target_semaphore(%arg19 : memref<!tpu.dma_semaphore, #tpu.memory_space<semaphore_mem>>)
      %add3A_3183 = arith.constant 64 : i32
      %add3A_3184 = arith.addi %sub3A_3062, %add3A_3183 : i32
      %ge3A_3185 = arith.constant 200 : i32
      %ge3A_3186 = arith.cmpi sge, %add3A_3184, %ge3A_3185 : i32
      %jit3A_3187 = arith.constant 200 : i32
      %jit3A_3188 = arith.constant 0 : i32
      %select_n3A_3189 = arith.select %ge3A_3186, %jit3A_3187, %jit3A_3188 : i32
      %sub3A_3190 = arith.subi %add3A_3184, %select_n3A_3189 : i32
      %add3A_3191 = arith.constant 1472 : i32
      %add3A_3192 = arith.addi %add3A_240, %add3A_3191 : i32
      %add3A_3193 = arith.constant 0 : i32
      %add3A_3194 = arith.addi %sub3A_3190, %add3A_3193 : i32
      %add3A_3195 = vector.broadcast %add3A_3194 : i32 to vector<16xi32>
      %add3A_3196 = arith.addi %iota3A, %add3A_3195 : vector<16xi32>
      %ge3A_3197 = arith.constant 200 : i32
      %ge3A_3198 = vector.broadcast %ge3A_3197 : i32 to vector<16xi32>
      %ge3A_3199 = arith.cmpi sge, %add3A_3196, %ge3A_3198 : vector<16xi32>
      %jit3A_3200 = arith.constant 200 : i32
      %jit3A_3201 = arith.constant 0 : i32
      %broadcast_in_dim3A_3202 = vector.broadcast %jit3A_3200 : i32 to vector<16xi32>
      %broadcast_in_dim3A_3203 = vector.broadcast %jit3A_3201 : i32 to vector<16xi32>
      %select_n3A_3204 = arith.select %ge3A_3199, %broadcast_in_dim3A_3202, %broadcast_in_dim3A_3203 : vector<16xi1>, vector<16xi32>
      %sub3A_3205 = arith.subi %add3A_3196, %select_n3A_3204 : vector<16xi32>
      %get3A_3206 = arith.constant 576 : index
      %get3A_3207 = tpu.vector_load %arg6[%get3A_3206] {strides = array<i32>} : memref<1024xi32, #tpu.memory_space<vmem>>, vector<16xi32>,
      %get3A_3208 = vector.shape_cast %get3A_3207 : vector<16xi32> to vector<16xi32>
      %mul3A_3209 = arith.constant 1000 : i32
      %mul3A_3210 = vector.broadcast %mul3A_3209 : i32 to vector<16xi32>
      %mul3A_3211 = arith.muli %sub3A_3205, %mul3A_3210 : vector<16xi32>
      %add3A_3212 = arith.addi %get3A_3208, %mul3A_3211 : vector<16xi32>
      %swap3A_3213 = arith.constant 576 : index
      %swap3A_3214 = tpu.vector_load %arg6[%swap3A_3213] {strides = array<i32>} : memref<1024xi32, #tpu.memory_space<vmem>>, vector<16xi32>,
      %swap3A_3215 = vector.shape_cast %swap3A_3214 : vector<16xi32> to vector<16xi32>
      %swap3A_3216 = vector.shape_cast %add3A_3212 : vector<16xi32> to vector<16xi32>
      tpu.vector_store %arg6[%swap3A_3213], %swap3A_3216 {strides = array<i32>} : memref<1024xi32, #tpu.memory_space<vmem>>, vector<16xi32>,
      %add3A_3217 = arith.constant 16 : i32
      %add3A_3218 = arith.addi %sub3A_3190, %add3A_3217 : i32
      %add3A_3219 = vector.broadcast %add3A_3218 : i32 to vector<16xi32>
      %add3A_3220 = arith.addi %iota3A, %add3A_3219 : vector<16xi32>
      %ge3A_3221 = arith.constant 200 : i32
      %ge3A_3222 = vector.broadcast %ge3A_3221 : i32 to vector<16xi32>
      %ge3A_3223 = arith.cmpi sge, %add3A_3220, %ge3A_3222 : vector<16xi32>
      %jit3A_3224 = arith.constant 200 : i32
      %jit3A_3225 = arith.constant 0 : i32
      %broadcast_in_dim3A_3226 = vector.broadcast %jit3A_3224 : i32 to vector<16xi32>
      %broadcast_in_dim3A_3227 = vector.broadcast %jit3A_3225 : i32 to vector<16xi32>
      %select_n3A_3228 = arith.select %ge3A_3223, %broadcast_in_dim3A_3226, %broadcast_in_dim3A_3227 : vector<16xi1>, vector<16xi32>
      %sub3A_3229 = arith.subi %add3A_3220, %select_n3A_3228 : vector<16xi32>
      %get3A_3230 = arith.constant 592 : index
      %get3A_3231 = tpu.vector_load %arg6[%get3A_3230] {strides = array<i32>} : memref<1024xi32, #tpu.memory_space<vmem>>, vector<16xi32>,
      %get3A_3232 = vector.shape_cast %get3A_3231 : vector<16xi32> to vector<16xi32>
      %mul3A_3233 = arith.constant 1000 : i32
      %mul3A_3234 = vector.broadcast %mul3A_3233 : i32 to vector<16xi32>
      %mul3A_3235 = arith.muli %sub3A_3229, %mul3A_3234 : vector<16xi32>
      %add3A_3236 = arith.addi %get3A_3232, %mul3A_3235 : vector<16xi32>
      %swap3A_3237 = arith.constant 592 : index
      %swap3A_3238 = tpu.vector_load %arg6[%swap3A_3237] {strides = array<i32>} : memref<1024xi32, #tpu.memory_space<vmem>>, vector<16xi32>,
      %swap3A_3239 = vector.shape_cast %swap3A_3238 : vector<16xi32> to vector<16xi32>
      %swap3A_3240 = vector.shape_cast %add3A_3236 : vector<16xi32> to vector<16xi32>
      tpu.vector_store %arg6[%swap3A_3237], %swap3A_3240 {strides = array<i32>} : memref<1024xi32, #tpu.memory_space<vmem>>, vector<16xi32>,
      %add3A_3241 = arith.constant 32 : i32
      %add3A_3242 = arith.addi %sub3A_3190, %add3A_3241 : i32
      %add3A_3243 = vector.broadcast %add3A_3242 : i32 to vector<16xi32>
      %add3A_3244 = arith.addi %iota3A, %add3A_3243 : vector<16xi32>
      %ge3A_3245 = arith.constant 200 : i32
      %ge3A_3246 = vector.broadcast %ge3A_3245 : i32 to vector<16xi32>
      %ge3A_3247 = arith.cmpi sge, %add3A_3244, %ge3A_3246 : vector<16xi32>
      %jit3A_3248 = arith.constant 200 : i32
      %jit3A_3249 = arith.constant 0 : i32
      %broadcast_in_dim3A_3250 = vector.broadcast %jit3A_3248 : i32 to vector<16xi32>
      %broadcast_in_dim3A_3251 = vector.broadcast %jit3A_3249 : i32 to vector<16xi32>
      %select_n3A_3252 = arith.select %ge3A_3247, %broadcast_in_dim3A_3250, %broadcast_in_dim3A_3251 : vector<16xi1>, vector<16xi32>
      %sub3A_3253 = arith.subi %add3A_3244, %select_n3A_3252 : vector<16xi32>
      %get3A_3254 = arith.constant 608 : index
      %get3A_3255 = tpu.vector_load %arg6[%get3A_3254] {strides = array<i32>} : memref<1024xi32, #tpu.memory_space<vmem>>, vector<16xi32>,
      %get3A_3256 = vector.shape_cast %get3A_3255 : vector<16xi32> to vector<16xi32>
      %mul3A_3257 = arith.constant 1000 : i32
      %mul3A_3258 = vector.broadcast %mul3A_3257 : i32 to vector<16xi32>
      %mul3A_3259 = arith.muli %sub3A_3253, %mul3A_3258 : vector<16xi32>
      %add3A_3260 = arith.addi %get3A_3256, %mul3A_3259 : vector<16xi32>
      %swap3A_3261 = arith.constant 608 : index
      %swap3A_3262 = tpu.vector_load %arg6[%swap3A_3261] {strides = array<i32>} : memref<1024xi32, #tpu.memory_space<vmem>>, vector<16xi32>,
      %swap3A_3263 = vector.shape_cast %swap3A_3262 : vector<16xi32> to vector<16xi32>
      %swap3A_3264 = vector.shape_cast %add3A_3260 : vector<16xi32> to vector<16xi32>
      tpu.vector_store %arg6[%swap3A_3261], %swap3A_3264 {strides = array<i32>} : memref<1024xi32, #tpu.memory_space<vmem>>, vector<16xi32>,
      %add3A_3265 = arith.constant 48 : i32
      %add3A_3266 = arith.addi %sub3A_3190, %add3A_3265 : i32
      %add3A_3267 = vector.broadcast %add3A_3266 : i32 to vector<16xi32>
      %add3A_3268 = arith.addi %iota3A, %add3A_3267 : vector<16xi32>
      %ge3A_3269 = arith.constant 200 : i32
      %ge3A_3270 = vector.broadcast %ge3A_3269 : i32 to vector<16xi32>
      %ge3A_3271 = arith.cmpi sge, %add3A_3268, %ge3A_3270 : vector<16xi32>
      %jit3A_3272 = arith.constant 200 : i32
      %jit3A_3273 = arith.constant 0 : i32
      %broadcast_in_dim3A_3274 = vector.broadcast %jit3A_3272 : i32 to vector<16xi32>
      %broadcast_in_dim3A_3275 = vector.broadcast %jit3A_3273 : i32 to vector<16xi32>
      %select_n3A_3276 = arith.select %ge3A_3271, %broadcast_in_dim3A_3274, %broadcast_in_dim3A_3275 : vector<16xi1>, vector<16xi32>
      %sub3A_3277 = arith.subi %add3A_3268, %select_n3A_3276 : vector<16xi32>
      %get3A_3278 = arith.constant 624 : index
      %get3A_3279 = tpu.vector_load %arg6[%get3A_3278] {strides = array<i32>} : memref<1024xi32, #tpu.memory_space<vmem>>, vector<16xi32>,
      %get3A_3280 = vector.shape_cast %get3A_3279 : vector<16xi32> to vector<16xi32>
      %mul3A_3281 = arith.constant 1000 : i32
      %mul3A_3282 = vector.broadcast %mul3A_3281 : i32 to vector<16xi32>
      %mul3A_3283 = arith.muli %sub3A_3277, %mul3A_3282 : vector<16xi32>
      %add3A_3284 = arith.addi %get3A_3280, %mul3A_3283 : vector<16xi32>
      %swap3A_3285 = arith.constant 624 : index
      %swap3A_3286 = tpu.vector_load %arg6[%swap3A_3285] {strides = array<i32>} : memref<1024xi32, #tpu.memory_space<vmem>>, vector<16xi32>,
      %swap3A_3287 = vector.shape_cast %swap3A_3286 : vector<16xi32> to vector<16xi32>
      %swap3A_3288 = vector.shape_cast %add3A_3284 : vector<16xi32> to vector<16xi32>
      tpu.vector_store %arg6[%swap3A_3285], %swap3A_3288 {strides = array<i32>} : memref<1024xi32, #tpu.memory_space<vmem>>, vector<16xi32>,
      %dma_wait3A_3289 = arith.constant 0 : i32
      %dma_wait3A_3290 = arith.constant 0 : i32
      %dma_wait3A_3291 = tpu.memref_slice %arg4[%dma_wait3A_3289, %dma_wait3A_3290] : memref<3276800x256xf32, #tpu.memory_space<hbm>> -> memref<64x256xf32, #tpu.memory_space<hbm>>
      %dma_wait3A_3292 = arith.constant 0 : i32
      %dma_wait3A_3293 = arith.constant 0 : i32
      %dma_wait3A_3294 = tpu.memref_slice %arg4[%dma_wait3A_3292, %dma_wait3A_3293] : memref<3276800x256xf32, #tpu.memory_space<hbm>> -> memref<64x256xf32, #tpu.memory_space<hbm>>
      tpu.wait_dma2 semaphore(%arg18 : memref<!tpu.dma_semaphore, #tpu.memory_space<semaphore_mem>>) src(%arg8 : memref<64x256xf32, #tpu.memory_space<vmem>>) dst(%dma_wait3A_3294 : memref<64x256xf32, #tpu.memory_space<hbm>>)
      %rem3A_3295 = arith.constant 199936 : i32
      %rem3A_3296 = arith.remsi %add3A_3192, %rem3A_3295 : i32
      %dma_start3A_3297 = arith.constant 0 : i32
      %dma_start3A_3298 = tpu.memref_slice %arg3[%rem3A_3296, %dma_start3A_3297] : memref<200000x256xf32, #tpu.memory_space<hbm>> -> memref<64x256xf32, #tpu.memory_space<hbm>>
      %dma_start3A_3299 = arith.constant 0 : i32
      %dma_start3A_3300 = tpu.memref_slice %arg3[%rem3A_3296, %dma_start3A_3299] : memref<200000x256xf32, #tpu.memory_space<hbm>> -> memref<64x256xf32, #tpu.memory_space<hbm>>
      tpu.enqueue_dma source(%dma_start3A_3300 : memref<64x256xf32, #tpu.memory_space<hbm>>) target(%arg8 : memref<64x256xf32, #tpu.memory_space<vmem>>) target_semaphore(%arg14 : memref<!tpu.dma_semaphore, #tpu.memory_space<semaphore_mem>>)
      %dma_wait3A_3301 = arith.constant 0 : i32
      %dma_wait3A_3302 = arith.constant 0 : i32
      %dma_wait3A_3303 = tpu.memref_slice %arg3[%dma_wait3A_3301, %dma_wait3A_3302] : memref<200000x256xf32, #tpu.memory_space<hbm>> -> memref<64x256xf32, #tpu.memory_space<hbm>>
      %dma_wait3A_3304 = arith.constant 0 : i32
      %dma_wait3A_3305 = arith.constant 0 : i32
      %dma_wait3A_3306 = tpu.memref_slice %arg3[%dma_wait3A_3304, %dma_wait3A_3305] : memref<200000x256xf32, #tpu.memory_space<hbm>> -> memref<64x256xf32, #tpu.memory_space<hbm>>
      tpu.wait_dma2 semaphore(%arg16 : memref<!tpu.dma_semaphore, #tpu.memory_space<semaphore_mem>>) src(%dma_wait3A_3306 : memref<64x256xf32, #tpu.memory_space<hbm>>) dst(%arg10 : memref<64x256xf32, #tpu.memory_space<vmem>>)
      %dma_start3A_3307 = arith.constant 0 : i32
      %dma_start3A_3308 = tpu.memref_slice %arg4[%add3A_3192, %dma_start3A_3307] : memref<3276800x256xf32, #tpu.memory_space<hbm>> -> memref<64x256xf32, #tpu.memory_space<hbm>>
      %dma_start3A_3309 = arith.constant 0 : i32
      %dma_start3A_3310 = tpu.memref_slice %arg4[%add3A_3192, %dma_start3A_3309] : memref<3276800x256xf32, #tpu.memory_space<hbm>> -> memref<64x256xf32, #tpu.memory_space<hbm>>
      tpu.enqueue_dma source(%arg10 : memref<64x256xf32, #tpu.memory_space<vmem>>) target(%dma_start3A_3310 : memref<64x256xf32, #tpu.memory_space<hbm>>) target_semaphore(%arg20 : memref<!tpu.dma_semaphore, #tpu.memory_space<semaphore_mem>>)
      %add3A_3311 = arith.constant 64 : i32
      %add3A_3312 = arith.addi %sub3A_3190, %add3A_3311 : i32
      %ge3A_3313 = arith.constant 200 : i32
      %ge3A_3314 = arith.cmpi sge, %add3A_3312, %ge3A_3313 : i32
      %jit3A_3315 = arith.constant 200 : i32
      %jit3A_3316 = arith.constant 0 : i32
      %select_n3A_3317 = arith.select %ge3A_3314, %jit3A_3315, %jit3A_3316 : i32
      %sub3A_3318 = arith.subi %add3A_3312, %select_n3A_3317 : i32
      %add3A_3319 = arith.constant 1536 : i32
      %add3A_3320 = arith.addi %add3A_240, %add3A_3319 : i32
      %add3A_3321 = arith.constant 0 : i32
      %add3A_3322 = arith.addi %sub3A_3318, %add3A_3321 : i32
      %add3A_3323 = vector.broadcast %add3A_3322 : i32 to vector<16xi32>
      %add3A_3324 = arith.addi %iota3A, %add3A_3323 : vector<16xi32>
      %ge3A_3325 = arith.constant 200 : i32
      %ge3A_3326 = vector.broadcast %ge3A_3325 : i32 to vector<16xi32>
      %ge3A_3327 = arith.cmpi sge, %add3A_3324, %ge3A_3326 : vector<16xi32>
      %jit3A_3328 = arith.constant 200 : i32
      %jit3A_3329 = arith.constant 0 : i32
      %broadcast_in_dim3A_3330 = vector.broadcast %jit3A_3328 : i32 to vector<16xi32>
      %broadcast_in_dim3A_3331 = vector.broadcast %jit3A_3329 : i32 to vector<16xi32>
      %select_n3A_3332 = arith.select %ge3A_3327, %broadcast_in_dim3A_3330, %broadcast_in_dim3A_3331 : vector<16xi1>, vector<16xi32>
      %sub3A_3333 = arith.subi %add3A_3324, %select_n3A_3332 : vector<16xi32>
      %get3A_3334 = arith.constant 640 : index
      %get3A_3335 = tpu.vector_load %arg6[%get3A_3334] {strides = array<i32>} : memref<1024xi32, #tpu.memory_space<vmem>>, vector<16xi32>,
      %get3A_3336 = vector.shape_cast %get3A_3335 : vector<16xi32> to vector<16xi32>
      %mul3A_3337 = arith.constant 1000 : i32
      %mul3A_3338 = vector.broadcast %mul3A_3337 : i32 to vector<16xi32>
      %mul3A_3339 = arith.muli %sub3A_3333, %mul3A_3338 : vector<16xi32>
      %add3A_3340 = arith.addi %get3A_3336, %mul3A_3339 : vector<16xi32>
      %swap3A_3341 = arith.constant 640 : index
      %swap3A_3342 = tpu.vector_load %arg6[%swap3A_3341] {strides = array<i32>} : memref<1024xi32, #tpu.memory_space<vmem>>, vector<16xi32>,
      %swap3A_3343 = vector.shape_cast %swap3A_3342 : vector<16xi32> to vector<16xi32>
      %swap3A_3344 = vector.shape_cast %add3A_3340 : vector<16xi32> to vector<16xi32>
      tpu.vector_store %arg6[%swap3A_3341], %swap3A_3344 {strides = array<i32>} : memref<1024xi32, #tpu.memory_space<vmem>>, vector<16xi32>,
      %add3A_3345 = arith.constant 16 : i32
      %add3A_3346 = arith.addi %sub3A_3318, %add3A_3345 : i32
      %add3A_3347 = vector.broadcast %add3A_3346 : i32 to vector<16xi32>
      %add3A_3348 = arith.addi %iota3A, %add3A_3347 : vector<16xi32>
      %ge3A_3349 = arith.constant 200 : i32
      %ge3A_3350 = vector.broadcast %ge3A_3349 : i32 to vector<16xi32>
      %ge3A_3351 = arith.cmpi sge, %add3A_3348, %ge3A_3350 : vector<16xi32>
      %jit3A_3352 = arith.constant 200 : i32
      %jit3A_3353 = arith.constant 0 : i32
      %broadcast_in_dim3A_3354 = vector.broadcast %jit3A_3352 : i32 to vector<16xi32>
      %broadcast_in_dim3A_3355 = vector.broadcast %jit3A_3353 : i32 to vector<16xi32>
      %select_n3A_3356 = arith.select %ge3A_3351, %broadcast_in_dim3A_3354, %broadcast_in_dim3A_3355 : vector<16xi1>, vector<16xi32>
      %sub3A_3357 = arith.subi %add3A_3348, %select_n3A_3356 : vector<16xi32>
      %get3A_3358 = arith.constant 656 : index
      %get3A_3359 = tpu.vector_load %arg6[%get3A_3358] {strides = array<i32>} : memref<1024xi32, #tpu.memory_space<vmem>>, vector<16xi32>,
      %get3A_3360 = vector.shape_cast %get3A_3359 : vector<16xi32> to vector<16xi32>
      %mul3A_3361 = arith.constant 1000 : i32
      %mul3A_3362 = vector.broadcast %mul3A_3361 : i32 to vector<16xi32>
      %mul3A_3363 = arith.muli %sub3A_3357, %mul3A_3362 : vector<16xi32>
      %add3A_3364 = arith.addi %get3A_3360, %mul3A_3363 : vector<16xi32>
      %swap3A_3365 = arith.constant 656 : index
      %swap3A_3366 = tpu.vector_load %arg6[%swap3A_3365] {strides = array<i32>} : memref<1024xi32, #tpu.memory_space<vmem>>, vector<16xi32>,
      %swap3A_3367 = vector.shape_cast %swap3A_3366 : vector<16xi32> to vector<16xi32>
      %swap3A_3368 = vector.shape_cast %add3A_3364 : vector<16xi32> to vector<16xi32>
      tpu.vector_store %arg6[%swap3A_3365], %swap3A_3368 {strides = array<i32>} : memref<1024xi32, #tpu.memory_space<vmem>>, vector<16xi32>,
      %add3A_3369 = arith.constant 32 : i32
      %add3A_3370 = arith.addi %sub3A_3318, %add3A_3369 : i32
      %add3A_3371 = vector.broadcast %add3A_3370 : i32 to vector<16xi32>
      %add3A_3372 = arith.addi %iota3A, %add3A_3371 : vector<16xi32>
      %ge3A_3373 = arith.constant 200 : i32
      %ge3A_3374 = vector.broadcast %ge3A_3373 : i32 to vector<16xi32>
      %ge3A_3375 = arith.cmpi sge, %add3A_3372, %ge3A_3374 : vector<16xi32>
      %jit3A_3376 = arith.constant 200 : i32
      %jit3A_3377 = arith.constant 0 : i32
      %broadcast_in_dim3A_3378 = vector.broadcast %jit3A_3376 : i32 to vector<16xi32>
      %broadcast_in_dim3A_3379 = vector.broadcast %jit3A_3377 : i32 to vector<16xi32>
      %select_n3A_3380 = arith.select %ge3A_3375, %broadcast_in_dim3A_3378, %broadcast_in_dim3A_3379 : vector<16xi1>, vector<16xi32>
      %sub3A_3381 = arith.subi %add3A_3372, %select_n3A_3380 : vector<16xi32>
      %get3A_3382 = arith.constant 672 : index
      %get3A_3383 = tpu.vector_load %arg6[%get3A_3382] {strides = array<i32>} : memref<1024xi32, #tpu.memory_space<vmem>>, vector<16xi32>,
      %get3A_3384 = vector.shape_cast %get3A_3383 : vector<16xi32> to vector<16xi32>
      %mul3A_3385 = arith.constant 1000 : i32
      %mul3A_3386 = vector.broadcast %mul3A_3385 : i32 to vector<16xi32>
      %mul3A_3387 = arith.muli %sub3A_3381, %mul3A_3386 : vector<16xi32>
      %add3A_3388 = arith.addi %get3A_3384, %mul3A_3387 : vector<16xi32>
      %swap3A_3389 = arith.constant 672 : index
      %swap3A_3390 = tpu.vector_load %arg6[%swap3A_3389] {strides = array<i32>} : memref<1024xi32, #tpu.memory_space<vmem>>, vector<16xi32>,
      %swap3A_3391 = vector.shape_cast %swap3A_3390 : vector<16xi32> to vector<16xi32>
      %swap3A_3392 = vector.shape_cast %add3A_3388 : vector<16xi32> to vector<16xi32>
      tpu.vector_store %arg6[%swap3A_3389], %swap3A_3392 {strides = array<i32>} : memref<1024xi32, #tpu.memory_space<vmem>>, vector<16xi32>,
      %add3A_3393 = arith.constant 48 : i32
      %add3A_3394 = arith.addi %sub3A_3318, %add3A_3393 : i32
      %add3A_3395 = vector.broadcast %add3A_3394 : i32 to vector<16xi32>
      %add3A_3396 = arith.addi %iota3A, %add3A_3395 : vector<16xi32>
      %ge3A_3397 = arith.constant 200 : i32
      %ge3A_3398 = vector.broadcast %ge3A_3397 : i32 to vector<16xi32>
      %ge3A_3399 = arith.cmpi sge, %add3A_3396, %ge3A_3398 : vector<16xi32>
      %jit3A_3400 = arith.constant 200 : i32
      %jit3A_3401 = arith.constant 0 : i32
      %broadcast_in_dim3A_3402 = vector.broadcast %jit3A_3400 : i32 to vector<16xi32>
      %broadcast_in_dim3A_3403 = vector.broadcast %jit3A_3401 : i32 to vector<16xi32>
      %select_n3A_3404 = arith.select %ge3A_3399, %broadcast_in_dim3A_3402, %broadcast_in_dim3A_3403 : vector<16xi1>, vector<16xi32>
      %sub3A_3405 = arith.subi %add3A_3396, %select_n3A_3404 : vector<16xi32>
      %get3A_3406 = arith.constant 688 : index
      %get3A_3407 = tpu.vector_load %arg6[%get3A_3406] {strides = array<i32>} : memref<1024xi32, #tpu.memory_space<vmem>>, vector<16xi32>,
      %get3A_3408 = vector.shape_cast %get3A_3407 : vector<16xi32> to vector<16xi32>
      %mul3A_3409 = arith.constant 1000 : i32
      %mul3A_3410 = vector.broadcast %mul3A_3409 : i32 to vector<16xi32>
      %mul3A_3411 = arith.muli %sub3A_3405, %mul3A_3410 : vector<16xi32>
      %add3A_3412 = arith.addi %get3A_3408, %mul3A_3411 : vector<16xi32>
      %swap3A_3413 = arith.constant 688 : index
      %swap3A_3414 = tpu.vector_load %arg6[%swap3A_3413] {strides = array<i32>} : memref<1024xi32, #tpu.memory_space<vmem>>, vector<16xi32>,
      %swap3A_3415 = vector.shape_cast %swap3A_3414 : vector<16xi32> to vector<16xi32>
      %swap3A_3416 = vector.shape_cast %add3A_3412 : vector<16xi32> to vector<16xi32>
      tpu.vector_store %arg6[%swap3A_3413], %swap3A_3416 {strides = array<i32>} : memref<1024xi32, #tpu.memory_space<vmem>>, vector<16xi32>,
      %dma_wait3A_3417 = arith.constant 0 : i32
      %dma_wait3A_3418 = arith.constant 0 : i32
      %dma_wait3A_3419 = tpu.memref_slice %arg4[%dma_wait3A_3417, %dma_wait3A_3418] : memref<3276800x256xf32, #tpu.memory_space<hbm>> -> memref<64x256xf32, #tpu.memory_space<hbm>>
      %dma_wait3A_3420 = arith.constant 0 : i32
      %dma_wait3A_3421 = arith.constant 0 : i32
      %dma_wait3A_3422 = tpu.memref_slice %arg4[%dma_wait3A_3420, %dma_wait3A_3421] : memref<3276800x256xf32, #tpu.memory_space<hbm>> -> memref<64x256xf32, #tpu.memory_space<hbm>>
      tpu.wait_dma2 semaphore(%arg19 : memref<!tpu.dma_semaphore, #tpu.memory_space<semaphore_mem>>) src(%arg9 : memref<64x256xf32, #tpu.memory_space<vmem>>) dst(%dma_wait3A_3422 : memref<64x256xf32, #tpu.memory_space<hbm>>)
      %rem3A_3423 = arith.constant 199936 : i32
      %rem3A_3424 = arith.remsi %add3A_3320, %rem3A_3423 : i32
      %dma_start3A_3425 = arith.constant 0 : i32
      %dma_start3A_3426 = tpu.memref_slice %arg3[%rem3A_3424, %dma_start3A_3425] : memref<200000x256xf32, #tpu.memory_space<hbm>> -> memref<64x256xf32, #tpu.memory_space<hbm>>
      %dma_start3A_3427 = arith.constant 0 : i32
      %dma_start3A_3428 = tpu.memref_slice %arg3[%rem3A_3424, %dma_start3A_3427] : memref<200000x256xf32, #tpu.memory_space<hbm>> -> memref<64x256xf32, #tpu.memory_space<hbm>>
      tpu.enqueue_dma source(%dma_start3A_3428 : memref<64x256xf32, #tpu.memory_space<hbm>>) target(%arg9 : memref<64x256xf32, #tpu.memory_space<vmem>>) target_semaphore(%arg15 : memref<!tpu.dma_semaphore, #tpu.memory_space<semaphore_mem>>)
      %dma_wait3A_3429 = arith.constant 0 : i32
      %dma_wait3A_3430 = arith.constant 0 : i32
      %dma_wait3A_3431 = tpu.memref_slice %arg3[%dma_wait3A_3429, %dma_wait3A_3430] : memref<200000x256xf32, #tpu.memory_space<hbm>> -> memref<64x256xf32, #tpu.memory_space<hbm>>
      %dma_wait3A_3432 = arith.constant 0 : i32
      %dma_wait3A_3433 = arith.constant 0 : i32
      %dma_wait3A_3434 = tpu.memref_slice %arg3[%dma_wait3A_3432, %dma_wait3A_3433] : memref<200000x256xf32, #tpu.memory_space<hbm>> -> memref<64x256xf32, #tpu.memory_space<hbm>>
      tpu.wait_dma2 semaphore(%arg13 : memref<!tpu.dma_semaphore, #tpu.memory_space<semaphore_mem>>) src(%dma_wait3A_3434 : memref<64x256xf32, #tpu.memory_space<hbm>>) dst(%arg7 : memref<64x256xf32, #tpu.memory_space<vmem>>)
      %dma_start3A_3435 = arith.constant 0 : i32
      %dma_start3A_3436 = tpu.memref_slice %arg4[%add3A_3320, %dma_start3A_3435] : memref<3276800x256xf32, #tpu.memory_space<hbm>> -> memref<64x256xf32, #tpu.memory_space<hbm>>
      %dma_start3A_3437 = arith.constant 0 : i32
      %dma_start3A_3438 = tpu.memref_slice %arg4[%add3A_3320, %dma_start3A_3437] : memref<3276800x256xf32, #tpu.memory_space<hbm>> -> memref<64x256xf32, #tpu.memory_space<hbm>>
      tpu.enqueue_dma source(%arg7 : memref<64x256xf32, #tpu.memory_space<vmem>>) target(%dma_start3A_3438 : memref<64x256xf32, #tpu.memory_space<hbm>>) target_semaphore(%arg17 : memref<!tpu.dma_semaphore, #tpu.memory_space<semaphore_mem>>)
      %add3A_3439 = arith.constant 64 : i32
      %add3A_3440 = arith.addi %sub3A_3318, %add3A_3439 : i32
      %ge3A_3441 = arith.constant 200 : i32
      %ge3A_3442 = arith.cmpi sge, %add3A_3440, %ge3A_3441 : i32
      %jit3A_3443 = arith.constant 200 : i32
      %jit3A_3444 = arith.constant 0 : i32
      %select_n3A_3445 = arith.select %ge3A_3442, %jit3A_3443, %jit3A_3444 : i32
      %sub3A_3446 = arith.subi %add3A_3440, %select_n3A_3445 : i32
      %add3A_3447 = arith.constant 1600 : i32
      %add3A_3448 = arith.addi %add3A_240, %add3A_3447 : i32
      %add3A_3449 = arith.constant 0 : i32
      %add3A_3450 = arith.addi %sub3A_3446, %add3A_3449 : i32
      %add3A_3451 = vector.broadcast %add3A_3450 : i32 to vector<16xi32>
      %add3A_3452 = arith.addi %iota3A, %add3A_3451 : vector<16xi32>
      %ge3A_3453 = arith.constant 200 : i32
      %ge3A_3454 = vector.broadcast %ge3A_3453 : i32 to vector<16xi32>
      %ge3A_3455 = arith.cmpi sge, %add3A_3452, %ge3A_3454 : vector<16xi32>
      %jit3A_3456 = arith.constant 200 : i32
      %jit3A_3457 = arith.constant 0 : i32
      %broadcast_in_dim3A_3458 = vector.broadcast %jit3A_3456 : i32 to vector<16xi32>
      %broadcast_in_dim3A_3459 = vector.broadcast %jit3A_3457 : i32 to vector<16xi32>
      %select_n3A_3460 = arith.select %ge3A_3455, %broadcast_in_dim3A_3458, %broadcast_in_dim3A_3459 : vector<16xi1>, vector<16xi32>
      %sub3A_3461 = arith.subi %add3A_3452, %select_n3A_3460 : vector<16xi32>
      %get3A_3462 = arith.constant 704 : index
      %get3A_3463 = tpu.vector_load %arg6[%get3A_3462] {strides = array<i32>} : memref<1024xi32, #tpu.memory_space<vmem>>, vector<16xi32>,
      %get3A_3464 = vector.shape_cast %get3A_3463 : vector<16xi32> to vector<16xi32>
      %mul3A_3465 = arith.constant 1000 : i32
      %mul3A_3466 = vector.broadcast %mul3A_3465 : i32 to vector<16xi32>
      %mul3A_3467 = arith.muli %sub3A_3461, %mul3A_3466 : vector<16xi32>
      %add3A_3468 = arith.addi %get3A_3464, %mul3A_3467 : vector<16xi32>
      %swap3A_3469 = arith.constant 704 : index
      %swap3A_3470 = tpu.vector_load %arg6[%swap3A_3469] {strides = array<i32>} : memref<1024xi32, #tpu.memory_space<vmem>>, vector<16xi32>,
      %swap3A_3471 = vector.shape_cast %swap3A_3470 : vector<16xi32> to vector<16xi32>
      %swap3A_3472 = vector.shape_cast %add3A_3468 : vector<16xi32> to vector<16xi32>
      tpu.vector_store %arg6[%swap3A_3469], %swap3A_3472 {strides = array<i32>} : memref<1024xi32, #tpu.memory_space<vmem>>, vector<16xi32>,
      %add3A_3473 = arith.constant 16 : i32
      %add3A_3474 = arith.addi %sub3A_3446, %add3A_3473 : i32
      %add3A_3475 = vector.broadcast %add3A_3474 : i32 to vector<16xi32>
      %add3A_3476 = arith.addi %iota3A, %add3A_3475 : vector<16xi32>
      %ge3A_3477 = arith.constant 200 : i32
      %ge3A_3478 = vector.broadcast %ge3A_3477 : i32 to vector<16xi32>
      %ge3A_3479 = arith.cmpi sge, %add3A_3476, %ge3A_3478 : vector<16xi32>
      %jit3A_3480 = arith.constant 200 : i32
      %jit3A_3481 = arith.constant 0 : i32
      %broadcast_in_dim3A_3482 = vector.broadcast %jit3A_3480 : i32 to vector<16xi32>
      %broadcast_in_dim3A_3483 = vector.broadcast %jit3A_3481 : i32 to vector<16xi32>
      %select_n3A_3484 = arith.select %ge3A_3479, %broadcast_in_dim3A_3482, %broadcast_in_dim3A_3483 : vector<16xi1>, vector<16xi32>
      %sub3A_3485 = arith.subi %add3A_3476, %select_n3A_3484 : vector<16xi32>
      %get3A_3486 = arith.constant 720 : index
      %get3A_3487 = tpu.vector_load %arg6[%get3A_3486] {strides = array<i32>} : memref<1024xi32, #tpu.memory_space<vmem>>, vector<16xi32>,
      %get3A_3488 = vector.shape_cast %get3A_3487 : vector<16xi32> to vector<16xi32>
      %mul3A_3489 = arith.constant 1000 : i32
      %mul3A_3490 = vector.broadcast %mul3A_3489 : i32 to vector<16xi32>
      %mul3A_3491 = arith.muli %sub3A_3485, %mul3A_3490 : vector<16xi32>
      %add3A_3492 = arith.addi %get3A_3488, %mul3A_3491 : vector<16xi32>
      %swap3A_3493 = arith.constant 720 : index
      %swap3A_3494 = tpu.vector_load %arg6[%swap3A_3493] {strides = array<i32>} : memref<1024xi32, #tpu.memory_space<vmem>>, vector<16xi32>,
      %swap3A_3495 = vector.shape_cast %swap3A_3494 : vector<16xi32> to vector<16xi32>
      %swap3A_3496 = vector.shape_cast %add3A_3492 : vector<16xi32> to vector<16xi32>
      tpu.vector_store %arg6[%swap3A_3493], %swap3A_3496 {strides = array<i32>} : memref<1024xi32, #tpu.memory_space<vmem>>, vector<16xi32>,
      %add3A_3497 = arith.constant 32 : i32
      %add3A_3498 = arith.addi %sub3A_3446, %add3A_3497 : i32
      %add3A_3499 = vector.broadcast %add3A_3498 : i32 to vector<16xi32>
      %add3A_3500 = arith.addi %iota3A, %add3A_3499 : vector<16xi32>
      %ge3A_3501 = arith.constant 200 : i32
      %ge3A_3502 = vector.broadcast %ge3A_3501 : i32 to vector<16xi32>
      %ge3A_3503 = arith.cmpi sge, %add3A_3500, %ge3A_3502 : vector<16xi32>
      %jit3A_3504 = arith.constant 200 : i32
      %jit3A_3505 = arith.constant 0 : i32
      %broadcast_in_dim3A_3506 = vector.broadcast %jit3A_3504 : i32 to vector<16xi32>
      %broadcast_in_dim3A_3507 = vector.broadcast %jit3A_3505 : i32 to vector<16xi32>
      %select_n3A_3508 = arith.select %ge3A_3503, %broadcast_in_dim3A_3506, %broadcast_in_dim3A_3507 : vector<16xi1>, vector<16xi32>
      %sub3A_3509 = arith.subi %add3A_3500, %select_n3A_3508 : vector<16xi32>
      %get3A_3510 = arith.constant 736 : index
      %get3A_3511 = tpu.vector_load %arg6[%get3A_3510] {strides = array<i32>} : memref<1024xi32, #tpu.memory_space<vmem>>, vector<16xi32>,
      %get3A_3512 = vector.shape_cast %get3A_3511 : vector<16xi32> to vector<16xi32>
      %mul3A_3513 = arith.constant 1000 : i32
      %mul3A_3514 = vector.broadcast %mul3A_3513 : i32 to vector<16xi32>
      %mul3A_3515 = arith.muli %sub3A_3509, %mul3A_3514 : vector<16xi32>
      %add3A_3516 = arith.addi %get3A_3512, %mul3A_3515 : vector<16xi32>
      %swap3A_3517 = arith.constant 736 : index
      %swap3A_3518 = tpu.vector_load %arg6[%swap3A_3517] {strides = array<i32>} : memref<1024xi32, #tpu.memory_space<vmem>>, vector<16xi32>,
      %swap3A_3519 = vector.shape_cast %swap3A_3518 : vector<16xi32> to vector<16xi32>
      %swap3A_3520 = vector.shape_cast %add3A_3516 : vector<16xi32> to vector<16xi32>
      tpu.vector_store %arg6[%swap3A_3517], %swap3A_3520 {strides = array<i32>} : memref<1024xi32, #tpu.memory_space<vmem>>, vector<16xi32>,
      %add3A_3521 = arith.constant 48 : i32
      %add3A_3522 = arith.addi %sub3A_3446, %add3A_3521 : i32
      %add3A_3523 = vector.broadcast %add3A_3522 : i32 to vector<16xi32>
      %add3A_3524 = arith.addi %iota3A, %add3A_3523 : vector<16xi32>
      %ge3A_3525 = arith.constant 200 : i32
      %ge3A_3526 = vector.broadcast %ge3A_3525 : i32 to vector<16xi32>
      %ge3A_3527 = arith.cmpi sge, %add3A_3524, %ge3A_3526 : vector<16xi32>
      %jit3A_3528 = arith.constant 200 : i32
      %jit3A_3529 = arith.constant 0 : i32
      %broadcast_in_dim3A_3530 = vector.broadcast %jit3A_3528 : i32 to vector<16xi32>
      %broadcast_in_dim3A_3531 = vector.broadcast %jit3A_3529 : i32 to vector<16xi32>
      %select_n3A_3532 = arith.select %ge3A_3527, %broadcast_in_dim3A_3530, %broadcast_in_dim3A_3531 : vector<16xi1>, vector<16xi32>
      %sub3A_3533 = arith.subi %add3A_3524, %select_n3A_3532 : vector<16xi32>
      %get3A_3534 = arith.constant 752 : index
      %get3A_3535 = tpu.vector_load %arg6[%get3A_3534] {strides = array<i32>} : memref<1024xi32, #tpu.memory_space<vmem>>, vector<16xi32>,
      %get3A_3536 = vector.shape_cast %get3A_3535 : vector<16xi32> to vector<16xi32>
      %mul3A_3537 = arith.constant 1000 : i32
      %mul3A_3538 = vector.broadcast %mul3A_3537 : i32 to vector<16xi32>
      %mul3A_3539 = arith.muli %sub3A_3533, %mul3A_3538 : vector<16xi32>
      %add3A_3540 = arith.addi %get3A_3536, %mul3A_3539 : vector<16xi32>
      %swap3A_3541 = arith.constant 752 : index
      %swap3A_3542 = tpu.vector_load %arg6[%swap3A_3541] {strides = array<i32>} : memref<1024xi32, #tpu.memory_space<vmem>>, vector<16xi32>,
      %swap3A_3543 = vector.shape_cast %swap3A_3542 : vector<16xi32> to vector<16xi32>
      %swap3A_3544 = vector.shape_cast %add3A_3540 : vector<16xi32> to vector<16xi32>
      tpu.vector_store %arg6[%swap3A_3541], %swap3A_3544 {strides = array<i32>} : memref<1024xi32, #tpu.memory_space<vmem>>, vector<16xi32>,
      %dma_wait3A_3545 = arith.constant 0 : i32
      %dma_wait3A_3546 = arith.constant 0 : i32
      %dma_wait3A_3547 = tpu.memref_slice %arg4[%dma_wait3A_3545, %dma_wait3A_3546] : memref<3276800x256xf32, #tpu.memory_space<hbm>> -> memref<64x256xf32, #tpu.memory_space<hbm>>
      %dma_wait3A_3548 = arith.constant 0 : i32
      %dma_wait3A_3549 = arith.constant 0 : i32
      %dma_wait3A_3550 = tpu.memref_slice %arg4[%dma_wait3A_3548, %dma_wait3A_3549] : memref<3276800x256xf32, #tpu.memory_space<hbm>> -> memref<64x256xf32, #tpu.memory_space<hbm>>
      tpu.wait_dma2 semaphore(%arg20 : memref<!tpu.dma_semaphore, #tpu.memory_space<semaphore_mem>>) src(%arg10 : memref<64x256xf32, #tpu.memory_space<vmem>>) dst(%dma_wait3A_3550 : memref<64x256xf32, #tpu.memory_space<hbm>>)
      %rem3A_3551 = arith.constant 199936 : i32
      %rem3A_3552 = arith.remsi %add3A_3448, %rem3A_3551 : i32
      %dma_start3A_3553 = arith.constant 0 : i32
      %dma_start3A_3554 = tpu.memref_slice %arg3[%rem3A_3552, %dma_start3A_3553] : memref<200000x256xf32, #tpu.memory_space<hbm>> -> memref<64x256xf32, #tpu.memory_space<hbm>>
      %dma_start3A_3555 = arith.constant 0 : i32
      %dma_start3A_3556 = tpu.memref_slice %arg3[%rem3A_3552, %dma_start3A_3555] : memref<200000x256xf32, #tpu.memory_space<hbm>> -> memref<64x256xf32, #tpu.memory_space<hbm>>
      tpu.enqueue_dma source(%dma_start3A_3556 : memref<64x256xf32, #tpu.memory_space<hbm>>) target(%arg10 : memref<64x256xf32, #tpu.memory_space<vmem>>) target_semaphore(%arg16 : memref<!tpu.dma_semaphore, #tpu.memory_space<semaphore_mem>>)
      %dma_wait3A_3557 = arith.constant 0 : i32
      %dma_wait3A_3558 = arith.constant 0 : i32
      %dma_wait3A_3559 = tpu.memref_slice %arg3[%dma_wait3A_3557, %dma_wait3A_3558] : memref<200000x256xf32, #tpu.memory_space<hbm>> -> memref<64x256xf32, #tpu.memory_space<hbm>>
      %dma_wait3A_3560 = arith.constant 0 : i32
      %dma_wait3A_3561 = arith.constant 0 : i32
      %dma_wait3A_3562 = tpu.memref_slice %arg3[%dma_wait3A_3560, %dma_wait3A_3561] : memref<200000x256xf32, #tpu.memory_space<hbm>> -> memref<64x256xf32, #tpu.memory_space<hbm>>
      tpu.wait_dma2 semaphore(%arg14 : memref<!tpu.dma_semaphore, #tpu.memory_space<semaphore_mem>>) src(%dma_wait3A_3562 : memref<64x256xf32, #tpu.memory_space<hbm>>) dst(%arg8 : memref<64x256xf32, #tpu.memory_space<vmem>>)
      %dma_start3A_3563 = arith.constant 0 : i32
      %dma_start3A_3564 = tpu.memref_slice %arg4[%add3A_3448, %dma_start3A_3563] : memref<3276800x256xf32, #tpu.memory_space<hbm>> -> memref<64x256xf32, #tpu.memory_space<hbm>>
      %dma_start3A_3565 = arith.constant 0 : i32
      %dma_start3A_3566 = tpu.memref_slice %arg4[%add3A_3448, %dma_start3A_3565] : memref<3276800x256xf32, #tpu.memory_space<hbm>> -> memref<64x256xf32, #tpu.memory_space<hbm>>
      tpu.enqueue_dma source(%arg8 : memref<64x256xf32, #tpu.memory_space<vmem>>) target(%dma_start3A_3566 : memref<64x256xf32, #tpu.memory_space<hbm>>) target_semaphore(%arg18 : memref<!tpu.dma_semaphore, #tpu.memory_space<semaphore_mem>>)
      %add3A_3567 = arith.constant 64 : i32
      %add3A_3568 = arith.addi %sub3A_3446, %add3A_3567 : i32
      %ge3A_3569 = arith.constant 200 : i32
      %ge3A_3570 = arith.cmpi sge, %add3A_3568, %ge3A_3569 : i32
      %jit3A_3571 = arith.constant 200 : i32
      %jit3A_3572 = arith.constant 0 : i32
      %select_n3A_3573 = arith.select %ge3A_3570, %jit3A_3571, %jit3A_3572 : i32
      %sub3A_3574 = arith.subi %add3A_3568, %select_n3A_3573 : i32
      %add3A_3575 = arith.constant 1664 : i32
      %add3A_3576 = arith.addi %add3A_240, %add3A_3575 : i32
      %add3A_3577 = arith.constant 0 : i32
      %add3A_3578 = arith.addi %sub3A_3574, %add3A_3577 : i32
      %add3A_3579 = vector.broadcast %add3A_3578 : i32 to vector<16xi32>
      %add3A_3580 = arith.addi %iota3A, %add3A_3579 : vector<16xi32>
      %ge3A_3581 = arith.constant 200 : i32
      %ge3A_3582 = vector.broadcast %ge3A_3581 : i32 to vector<16xi32>
      %ge3A_3583 = arith.cmpi sge, %add3A_3580, %ge3A_3582 : vector<16xi32>
      %jit3A_3584 = arith.constant 200 : i32
      %jit3A_3585 = arith.constant 0 : i32
      %broadcast_in_dim3A_3586 = vector.broadcast %jit3A_3584 : i32 to vector<16xi32>
      %broadcast_in_dim3A_3587 = vector.broadcast %jit3A_3585 : i32 to vector<16xi32>
      %select_n3A_3588 = arith.select %ge3A_3583, %broadcast_in_dim3A_3586, %broadcast_in_dim3A_3587 : vector<16xi1>, vector<16xi32>
      %sub3A_3589 = arith.subi %add3A_3580, %select_n3A_3588 : vector<16xi32>
      %get3A_3590 = arith.constant 768 : index
      %get3A_3591 = tpu.vector_load %arg6[%get3A_3590] {strides = array<i32>} : memref<1024xi32, #tpu.memory_space<vmem>>, vector<16xi32>,
      %get3A_3592 = vector.shape_cast %get3A_3591 : vector<16xi32> to vector<16xi32>
      %mul3A_3593 = arith.constant 1000 : i32
      %mul3A_3594 = vector.broadcast %mul3A_3593 : i32 to vector<16xi32>
      %mul3A_3595 = arith.muli %sub3A_3589, %mul3A_3594 : vector<16xi32>
      %add3A_3596 = arith.addi %get3A_3592, %mul3A_3595 : vector<16xi32>
      %swap3A_3597 = arith.constant 768 : index
      %swap3A_3598 = tpu.vector_load %arg6[%swap3A_3597] {strides = array<i32>} : memref<1024xi32, #tpu.memory_space<vmem>>, vector<16xi32>,
      %swap3A_3599 = vector.shape_cast %swap3A_3598 : vector<16xi32> to vector<16xi32>
      %swap3A_3600 = vector.shape_cast %add3A_3596 : vector<16xi32> to vector<16xi32>
      tpu.vector_store %arg6[%swap3A_3597], %swap3A_3600 {strides = array<i32>} : memref<1024xi32, #tpu.memory_space<vmem>>, vector<16xi32>,
      %add3A_3601 = arith.constant 16 : i32
      %add3A_3602 = arith.addi %sub3A_3574, %add3A_3601 : i32
      %add3A_3603 = vector.broadcast %add3A_3602 : i32 to vector<16xi32>
      %add3A_3604 = arith.addi %iota3A, %add3A_3603 : vector<16xi32>
      %ge3A_3605 = arith.constant 200 : i32
      %ge3A_3606 = vector.broadcast %ge3A_3605 : i32 to vector<16xi32>
      %ge3A_3607 = arith.cmpi sge, %add3A_3604, %ge3A_3606 : vector<16xi32>
      %jit3A_3608 = arith.constant 200 : i32
      %jit3A_3609 = arith.constant 0 : i32
      %broadcast_in_dim3A_3610 = vector.broadcast %jit3A_3608 : i32 to vector<16xi32>
      %broadcast_in_dim3A_3611 = vector.broadcast %jit3A_3609 : i32 to vector<16xi32>
      %select_n3A_3612 = arith.select %ge3A_3607, %broadcast_in_dim3A_3610, %broadcast_in_dim3A_3611 : vector<16xi1>, vector<16xi32>
      %sub3A_3613 = arith.subi %add3A_3604, %select_n3A_3612 : vector<16xi32>
      %get3A_3614 = arith.constant 784 : index
      %get3A_3615 = tpu.vector_load %arg6[%get3A_3614] {strides = array<i32>} : memref<1024xi32, #tpu.memory_space<vmem>>, vector<16xi32>,
      %get3A_3616 = vector.shape_cast %get3A_3615 : vector<16xi32> to vector<16xi32>
      %mul3A_3617 = arith.constant 1000 : i32
      %mul3A_3618 = vector.broadcast %mul3A_3617 : i32 to vector<16xi32>
      %mul3A_3619 = arith.muli %sub3A_3613, %mul3A_3618 : vector<16xi32>
      %add3A_3620 = arith.addi %get3A_3616, %mul3A_3619 : vector<16xi32>
      %swap3A_3621 = arith.constant 784 : index
      %swap3A_3622 = tpu.vector_load %arg6[%swap3A_3621] {strides = array<i32>} : memref<1024xi32, #tpu.memory_space<vmem>>, vector<16xi32>,
      %swap3A_3623 = vector.shape_cast %swap3A_3622 : vector<16xi32> to vector<16xi32>
      %swap3A_3624 = vector.shape_cast %add3A_3620 : vector<16xi32> to vector<16xi32>
      tpu.vector_store %arg6[%swap3A_3621], %swap3A_3624 {strides = array<i32>} : memref<1024xi32, #tpu.memory_space<vmem>>, vector<16xi32>,
      %add3A_3625 = arith.constant 32 : i32
      %add3A_3626 = arith.addi %sub3A_3574, %add3A_3625 : i32
      %add3A_3627 = vector.broadcast %add3A_3626 : i32 to vector<16xi32>
      %add3A_3628 = arith.addi %iota3A, %add3A_3627 : vector<16xi32>
      %ge3A_3629 = arith.constant 200 : i32
      %ge3A_3630 = vector.broadcast %ge3A_3629 : i32 to vector<16xi32>
      %ge3A_3631 = arith.cmpi sge, %add3A_3628, %ge3A_3630 : vector<16xi32>
      %jit3A_3632 = arith.constant 200 : i32
      %jit3A_3633 = arith.constant 0 : i32
      %broadcast_in_dim3A_3634 = vector.broadcast %jit3A_3632 : i32 to vector<16xi32>
      %broadcast_in_dim3A_3635 = vector.broadcast %jit3A_3633 : i32 to vector<16xi32>
      %select_n3A_3636 = arith.select %ge3A_3631, %broadcast_in_dim3A_3634, %broadcast_in_dim3A_3635 : vector<16xi1>, vector<16xi32>
      %sub3A_3637 = arith.subi %add3A_3628, %select_n3A_3636 : vector<16xi32>
      %get3A_3638 = arith.constant 800 : index
      %get3A_3639 = tpu.vector_load %arg6[%get3A_3638] {strides = array<i32>} : memref<1024xi32, #tpu.memory_space<vmem>>, vector<16xi32>,
      %get3A_3640 = vector.shape_cast %get3A_3639 : vector<16xi32> to vector<16xi32>
      %mul3A_3641 = arith.constant 1000 : i32
      %mul3A_3642 = vector.broadcast %mul3A_3641 : i32 to vector<16xi32>
      %mul3A_3643 = arith.muli %sub3A_3637, %mul3A_3642 : vector<16xi32>
      %add3A_3644 = arith.addi %get3A_3640, %mul3A_3643 : vector<16xi32>
      %swap3A_3645 = arith.constant 800 : index
      %swap3A_3646 = tpu.vector_load %arg6[%swap3A_3645] {strides = array<i32>} : memref<1024xi32, #tpu.memory_space<vmem>>, vector<16xi32>,
      %swap3A_3647 = vector.shape_cast %swap3A_3646 : vector<16xi32> to vector<16xi32>
      %swap3A_3648 = vector.shape_cast %add3A_3644 : vector<16xi32> to vector<16xi32>
      tpu.vector_store %arg6[%swap3A_3645], %swap3A_3648 {strides = array<i32>} : memref<1024xi32, #tpu.memory_space<vmem>>, vector<16xi32>,
      %add3A_3649 = arith.constant 48 : i32
      %add3A_3650 = arith.addi %sub3A_3574, %add3A_3649 : i32
      %add3A_3651 = vector.broadcast %add3A_3650 : i32 to vector<16xi32>
      %add3A_3652 = arith.addi %iota3A, %add3A_3651 : vector<16xi32>
      %ge3A_3653 = arith.constant 200 : i32
      %ge3A_3654 = vector.broadcast %ge3A_3653 : i32 to vector<16xi32>
      %ge3A_3655 = arith.cmpi sge, %add3A_3652, %ge3A_3654 : vector<16xi32>
      %jit3A_3656 = arith.constant 200 : i32
      %jit3A_3657 = arith.constant 0 : i32
      %broadcast_in_dim3A_3658 = vector.broadcast %jit3A_3656 : i32 to vector<16xi32>
      %broadcast_in_dim3A_3659 = vector.broadcast %jit3A_3657 : i32 to vector<16xi32>
      %select_n3A_3660 = arith.select %ge3A_3655, %broadcast_in_dim3A_3658, %broadcast_in_dim3A_3659 : vector<16xi1>, vector<16xi32>
      %sub3A_3661 = arith.subi %add3A_3652, %select_n3A_3660 : vector<16xi32>
      %get3A_3662 = arith.constant 816 : index
      %get3A_3663 = tpu.vector_load %arg6[%get3A_3662] {strides = array<i32>} : memref<1024xi32, #tpu.memory_space<vmem>>, vector<16xi32>,
      %get3A_3664 = vector.shape_cast %get3A_3663 : vector<16xi32> to vector<16xi32>
      %mul3A_3665 = arith.constant 1000 : i32
      %mul3A_3666 = vector.broadcast %mul3A_3665 : i32 to vector<16xi32>
      %mul3A_3667 = arith.muli %sub3A_3661, %mul3A_3666 : vector<16xi32>
      %add3A_3668 = arith.addi %get3A_3664, %mul3A_3667 : vector<16xi32>
      %swap3A_3669 = arith.constant 816 : index
      %swap3A_3670 = tpu.vector_load %arg6[%swap3A_3669] {strides = array<i32>} : memref<1024xi32, #tpu.memory_space<vmem>>, vector<16xi32>,
      %swap3A_3671 = vector.shape_cast %swap3A_3670 : vector<16xi32> to vector<16xi32>
      %swap3A_3672 = vector.shape_cast %add3A_3668 : vector<16xi32> to vector<16xi32>
      tpu.vector_store %arg6[%swap3A_3669], %swap3A_3672 {strides = array<i32>} : memref<1024xi32, #tpu.memory_space<vmem>>, vector<16xi32>,
      %dma_wait3A_3673 = arith.constant 0 : i32
      %dma_wait3A_3674 = arith.constant 0 : i32
      %dma_wait3A_3675 = tpu.memref_slice %arg4[%dma_wait3A_3673, %dma_wait3A_3674] : memref<3276800x256xf32, #tpu.memory_space<hbm>> -> memref<64x256xf32, #tpu.memory_space<hbm>>
      %dma_wait3A_3676 = arith.constant 0 : i32
      %dma_wait3A_3677 = arith.constant 0 : i32
      %dma_wait3A_3678 = tpu.memref_slice %arg4[%dma_wait3A_3676, %dma_wait3A_3677] : memref<3276800x256xf32, #tpu.memory_space<hbm>> -> memref<64x256xf32, #tpu.memory_space<hbm>>
      tpu.wait_dma2 semaphore(%arg17 : memref<!tpu.dma_semaphore, #tpu.memory_space<semaphore_mem>>) src(%arg7 : memref<64x256xf32, #tpu.memory_space<vmem>>) dst(%dma_wait3A_3678 : memref<64x256xf32, #tpu.memory_space<hbm>>)
      %rem3A_3679 = arith.constant 199936 : i32
      %rem3A_3680 = arith.remsi %add3A_3576, %rem3A_3679 : i32
      %dma_start3A_3681 = arith.constant 0 : i32
      %dma_start3A_3682 = tpu.memref_slice %arg3[%rem3A_3680, %dma_start3A_3681] : memref<200000x256xf32, #tpu.memory_space<hbm>> -> memref<64x256xf32, #tpu.memory_space<hbm>>
      %dma_start3A_3683 = arith.constant 0 : i32
      %dma_start3A_3684 = tpu.memref_slice %arg3[%rem3A_3680, %dma_start3A_3683] : memref<200000x256xf32, #tpu.memory_space<hbm>> -> memref<64x256xf32, #tpu.memory_space<hbm>>
      tpu.enqueue_dma source(%dma_start3A_3684 : memref<64x256xf32, #tpu.memory_space<hbm>>) target(%arg7 : memref<64x256xf32, #tpu.memory_space<vmem>>) target_semaphore(%arg13 : memref<!tpu.dma_semaphore, #tpu.memory_space<semaphore_mem>>)
      %dma_wait3A_3685 = arith.constant 0 : i32
      %dma_wait3A_3686 = arith.constant 0 : i32
      %dma_wait3A_3687 = tpu.memref_slice %arg3[%dma_wait3A_3685, %dma_wait3A_3686] : memref<200000x256xf32, #tpu.memory_space<hbm>> -> memref<64x256xf32, #tpu.memory_space<hbm>>
      %dma_wait3A_3688 = arith.constant 0 : i32
      %dma_wait3A_3689 = arith.constant 0 : i32
      %dma_wait3A_3690 = tpu.memref_slice %arg3[%dma_wait3A_3688, %dma_wait3A_3689] : memref<200000x256xf32, #tpu.memory_space<hbm>> -> memref<64x256xf32, #tpu.memory_space<hbm>>
      tpu.wait_dma2 semaphore(%arg15 : memref<!tpu.dma_semaphore, #tpu.memory_space<semaphore_mem>>) src(%dma_wait3A_3690 : memref<64x256xf32, #tpu.memory_space<hbm>>) dst(%arg9 : memref<64x256xf32, #tpu.memory_space<vmem>>)
      %dma_start3A_3691 = arith.constant 0 : i32
      %dma_start3A_3692 = tpu.memref_slice %arg4[%add3A_3576, %dma_start3A_3691] : memref<3276800x256xf32, #tpu.memory_space<hbm>> -> memref<64x256xf32, #tpu.memory_space<hbm>>
      %dma_start3A_3693 = arith.constant 0 : i32
      %dma_start3A_3694 = tpu.memref_slice %arg4[%add3A_3576, %dma_start3A_3693] : memref<3276800x256xf32, #tpu.memory_space<hbm>> -> memref<64x256xf32, #tpu.memory_space<hbm>>
      tpu.enqueue_dma source(%arg9 : memref<64x256xf32, #tpu.memory_space<vmem>>) target(%dma_start3A_3694 : memref<64x256xf32, #tpu.memory_space<hbm>>) target_semaphore(%arg19 : memref<!tpu.dma_semaphore, #tpu.memory_space<semaphore_mem>>)
      %add3A_3695 = arith.constant 64 : i32
      %add3A_3696 = arith.addi %sub3A_3574, %add3A_3695 : i32
      %ge3A_3697 = arith.constant 200 : i32
      %ge3A_3698 = arith.cmpi sge, %add3A_3696, %ge3A_3697 : i32
      %jit3A_3699 = arith.constant 200 : i32
      %jit3A_3700 = arith.constant 0 : i32
      %select_n3A_3701 = arith.select %ge3A_3698, %jit3A_3699, %jit3A_3700 : i32
      %sub3A_3702 = arith.subi %add3A_3696, %select_n3A_3701 : i32
      %add3A_3703 = arith.constant 1728 : i32
      %add3A_3704 = arith.addi %add3A_240, %add3A_3703 : i32
      %add3A_3705 = arith.constant 0 : i32
      %add3A_3706 = arith.addi %sub3A_3702, %add3A_3705 : i32
      %add3A_3707 = vector.broadcast %add3A_3706 : i32 to vector<16xi32>
      %add3A_3708 = arith.addi %iota3A, %add3A_3707 : vector<16xi32>
      %ge3A_3709 = arith.constant 200 : i32
      %ge3A_3710 = vector.broadcast %ge3A_3709 : i32 to vector<16xi32>
      %ge3A_3711 = arith.cmpi sge, %add3A_3708, %ge3A_3710 : vector<16xi32>
      %jit3A_3712 = arith.constant 200 : i32
      %jit3A_3713 = arith.constant 0 : i32
      %broadcast_in_dim3A_3714 = vector.broadcast %jit3A_3712 : i32 to vector<16xi32>
      %broadcast_in_dim3A_3715 = vector.broadcast %jit3A_3713 : i32 to vector<16xi32>
      %select_n3A_3716 = arith.select %ge3A_3711, %broadcast_in_dim3A_3714, %broadcast_in_dim3A_3715 : vector<16xi1>, vector<16xi32>
      %sub3A_3717 = arith.subi %add3A_3708, %select_n3A_3716 : vector<16xi32>
      %get3A_3718 = arith.constant 832 : index
      %get3A_3719 = tpu.vector_load %arg6[%get3A_3718] {strides = array<i32>} : memref<1024xi32, #tpu.memory_space<vmem>>, vector<16xi32>,
      %get3A_3720 = vector.shape_cast %get3A_3719 : vector<16xi32> to vector<16xi32>
      %mul3A_3721 = arith.constant 1000 : i32
      %mul3A_3722 = vector.broadcast %mul3A_3721 : i32 to vector<16xi32>
      %mul3A_3723 = arith.muli %sub3A_3717, %mul3A_3722 : vector<16xi32>
      %add3A_3724 = arith.addi %get3A_3720, %mul3A_3723 : vector<16xi32>
      %swap3A_3725 = arith.constant 832 : index
      %swap3A_3726 = tpu.vector_load %arg6[%swap3A_3725] {strides = array<i32>} : memref<1024xi32, #tpu.memory_space<vmem>>, vector<16xi32>,
      %swap3A_3727 = vector.shape_cast %swap3A_3726 : vector<16xi32> to vector<16xi32>
      %swap3A_3728 = vector.shape_cast %add3A_3724 : vector<16xi32> to vector<16xi32>
      tpu.vector_store %arg6[%swap3A_3725], %swap3A_3728 {strides = array<i32>} : memref<1024xi32, #tpu.memory_space<vmem>>, vector<16xi32>,
      %add3A_3729 = arith.constant 16 : i32
      %add3A_3730 = arith.addi %sub3A_3702, %add3A_3729 : i32
      %add3A_3731 = vector.broadcast %add3A_3730 : i32 to vector<16xi32>
      %add3A_3732 = arith.addi %iota3A, %add3A_3731 : vector<16xi32>
      %ge3A_3733 = arith.constant 200 : i32
      %ge3A_3734 = vector.broadcast %ge3A_3733 : i32 to vector<16xi32>
      %ge3A_3735 = arith.cmpi sge, %add3A_3732, %ge3A_3734 : vector<16xi32>
      %jit3A_3736 = arith.constant 200 : i32
      %jit3A_3737 = arith.constant 0 : i32
      %broadcast_in_dim3A_3738 = vector.broadcast %jit3A_3736 : i32 to vector<16xi32>
      %broadcast_in_dim3A_3739 = vector.broadcast %jit3A_3737 : i32 to vector<16xi32>
      %select_n3A_3740 = arith.select %ge3A_3735, %broadcast_in_dim3A_3738, %broadcast_in_dim3A_3739 : vector<16xi1>, vector<16xi32>
      %sub3A_3741 = arith.subi %add3A_3732, %select_n3A_3740 : vector<16xi32>
      %get3A_3742 = arith.constant 848 : index
      %get3A_3743 = tpu.vector_load %arg6[%get3A_3742] {strides = array<i32>} : memref<1024xi32, #tpu.memory_space<vmem>>, vector<16xi32>,
      %get3A_3744 = vector.shape_cast %get3A_3743 : vector<16xi32> to vector<16xi32>
      %mul3A_3745 = arith.constant 1000 : i32
      %mul3A_3746 = vector.broadcast %mul3A_3745 : i32 to vector<16xi32>
      %mul3A_3747 = arith.muli %sub3A_3741, %mul3A_3746 : vector<16xi32>
      %add3A_3748 = arith.addi %get3A_3744, %mul3A_3747 : vector<16xi32>
      %swap3A_3749 = arith.constant 848 : index
      %swap3A_3750 = tpu.vector_load %arg6[%swap3A_3749] {strides = array<i32>} : memref<1024xi32, #tpu.memory_space<vmem>>, vector<16xi32>,
      %swap3A_3751 = vector.shape_cast %swap3A_3750 : vector<16xi32> to vector<16xi32>
      %swap3A_3752 = vector.shape_cast %add3A_3748 : vector<16xi32> to vector<16xi32>
      tpu.vector_store %arg6[%swap3A_3749], %swap3A_3752 {strides = array<i32>} : memref<1024xi32, #tpu.memory_space<vmem>>, vector<16xi32>,
      %add3A_3753 = arith.constant 32 : i32
      %add3A_3754 = arith.addi %sub3A_3702, %add3A_3753 : i32
      %add3A_3755 = vector.broadcast %add3A_3754 : i32 to vector<16xi32>
      %add3A_3756 = arith.addi %iota3A, %add3A_3755 : vector<16xi32>
      %ge3A_3757 = arith.constant 200 : i32
      %ge3A_3758 = vector.broadcast %ge3A_3757 : i32 to vector<16xi32>
      %ge3A_3759 = arith.cmpi sge, %add3A_3756, %ge3A_3758 : vector<16xi32>
      %jit3A_3760 = arith.constant 200 : i32
      %jit3A_3761 = arith.constant 0 : i32
      %broadcast_in_dim3A_3762 = vector.broadcast %jit3A_3760 : i32 to vector<16xi32>
      %broadcast_in_dim3A_3763 = vector.broadcast %jit3A_3761 : i32 to vector<16xi32>
      %select_n3A_3764 = arith.select %ge3A_3759, %broadcast_in_dim3A_3762, %broadcast_in_dim3A_3763 : vector<16xi1>, vector<16xi32>
      %sub3A_3765 = arith.subi %add3A_3756, %select_n3A_3764 : vector<16xi32>
      %get3A_3766 = arith.constant 864 : index
      %get3A_3767 = tpu.vector_load %arg6[%get3A_3766] {strides = array<i32>} : memref<1024xi32, #tpu.memory_space<vmem>>, vector<16xi32>,
      %get3A_3768 = vector.shape_cast %get3A_3767 : vector<16xi32> to vector<16xi32>
      %mul3A_3769 = arith.constant 1000 : i32
      %mul3A_3770 = vector.broadcast %mul3A_3769 : i32 to vector<16xi32>
      %mul3A_3771 = arith.muli %sub3A_3765, %mul3A_3770 : vector<16xi32>
      %add3A_3772 = arith.addi %get3A_3768, %mul3A_3771 : vector<16xi32>
      %swap3A_3773 = arith.constant 864 : index
      %swap3A_3774 = tpu.vector_load %arg6[%swap3A_3773] {strides = array<i32>} : memref<1024xi32, #tpu.memory_space<vmem>>, vector<16xi32>,
      %swap3A_3775 = vector.shape_cast %swap3A_3774 : vector<16xi32> to vector<16xi32>
      %swap3A_3776 = vector.shape_cast %add3A_3772 : vector<16xi32> to vector<16xi32>
      tpu.vector_store %arg6[%swap3A_3773], %swap3A_3776 {strides = array<i32>} : memref<1024xi32, #tpu.memory_space<vmem>>, vector<16xi32>,
      %add3A_3777 = arith.constant 48 : i32
      %add3A_3778 = arith.addi %sub3A_3702, %add3A_3777 : i32
      %add3A_3779 = vector.broadcast %add3A_3778 : i32 to vector<16xi32>
      %add3A_3780 = arith.addi %iota3A, %add3A_3779 : vector<16xi32>
      %ge3A_3781 = arith.constant 200 : i32
      %ge3A_3782 = vector.broadcast %ge3A_3781 : i32 to vector<16xi32>
      %ge3A_3783 = arith.cmpi sge, %add3A_3780, %ge3A_3782 : vector<16xi32>
      %jit3A_3784 = arith.constant 200 : i32
      %jit3A_3785 = arith.constant 0 : i32
      %broadcast_in_dim3A_3786 = vector.broadcast %jit3A_3784 : i32 to vector<16xi32>
      %broadcast_in_dim3A_3787 = vector.broadcast %jit3A_3785 : i32 to vector<16xi32>
      %select_n3A_3788 = arith.select %ge3A_3783, %broadcast_in_dim3A_3786, %broadcast_in_dim3A_3787 : vector<16xi1>, vector<16xi32>
      %sub3A_3789 = arith.subi %add3A_3780, %select_n3A_3788 : vector<16xi32>
      %get3A_3790 = arith.constant 880 : index
      %get3A_3791 = tpu.vector_load %arg6[%get3A_3790] {strides = array<i32>} : memref<1024xi32, #tpu.memory_space<vmem>>, vector<16xi32>,
      %get3A_3792 = vector.shape_cast %get3A_3791 : vector<16xi32> to vector<16xi32>
      %mul3A_3793 = arith.constant 1000 : i32
      %mul3A_3794 = vector.broadcast %mul3A_3793 : i32 to vector<16xi32>
      %mul3A_3795 = arith.muli %sub3A_3789, %mul3A_3794 : vector<16xi32>
      %add3A_3796 = arith.addi %get3A_3792, %mul3A_3795 : vector<16xi32>
      %swap3A_3797 = arith.constant 880 : index
      %swap3A_3798 = tpu.vector_load %arg6[%swap3A_3797] {strides = array<i32>} : memref<1024xi32, #tpu.memory_space<vmem>>, vector<16xi32>,
      %swap3A_3799 = vector.shape_cast %swap3A_3798 : vector<16xi32> to vector<16xi32>
      %swap3A_3800 = vector.shape_cast %add3A_3796 : vector<16xi32> to vector<16xi32>
      tpu.vector_store %arg6[%swap3A_3797], %swap3A_3800 {strides = array<i32>} : memref<1024xi32, #tpu.memory_space<vmem>>, vector<16xi32>,
      %dma_wait3A_3801 = arith.constant 0 : i32
      %dma_wait3A_3802 = arith.constant 0 : i32
      %dma_wait3A_3803 = tpu.memref_slice %arg4[%dma_wait3A_3801, %dma_wait3A_3802] : memref<3276800x256xf32, #tpu.memory_space<hbm>> -> memref<64x256xf32, #tpu.memory_space<hbm>>
      %dma_wait3A_3804 = arith.constant 0 : i32
      %dma_wait3A_3805 = arith.constant 0 : i32
      %dma_wait3A_3806 = tpu.memref_slice %arg4[%dma_wait3A_3804, %dma_wait3A_3805] : memref<3276800x256xf32, #tpu.memory_space<hbm>> -> memref<64x256xf32, #tpu.memory_space<hbm>>
      tpu.wait_dma2 semaphore(%arg18 : memref<!tpu.dma_semaphore, #tpu.memory_space<semaphore_mem>>) src(%arg8 : memref<64x256xf32, #tpu.memory_space<vmem>>) dst(%dma_wait3A_3806 : memref<64x256xf32, #tpu.memory_space<hbm>>)
      %rem3A_3807 = arith.constant 199936 : i32
      %rem3A_3808 = arith.remsi %add3A_3704, %rem3A_3807 : i32
      %dma_start3A_3809 = arith.constant 0 : i32
      %dma_start3A_3810 = tpu.memref_slice %arg3[%rem3A_3808, %dma_start3A_3809] : memref<200000x256xf32, #tpu.memory_space<hbm>> -> memref<64x256xf32, #tpu.memory_space<hbm>>
      %dma_start3A_3811 = arith.constant 0 : i32
      %dma_start3A_3812 = tpu.memref_slice %arg3[%rem3A_3808, %dma_start3A_3811] : memref<200000x256xf32, #tpu.memory_space<hbm>> -> memref<64x256xf32, #tpu.memory_space<hbm>>
      tpu.enqueue_dma source(%dma_start3A_3812 : memref<64x256xf32, #tpu.memory_space<hbm>>) target(%arg8 : memref<64x256xf32, #tpu.memory_space<vmem>>) target_semaphore(%arg14 : memref<!tpu.dma_semaphore, #tpu.memory_space<semaphore_mem>>)
      %dma_wait3A_3813 = arith.constant 0 : i32
      %dma_wait3A_3814 = arith.constant 0 : i32
      %dma_wait3A_3815 = tpu.memref_slice %arg3[%dma_wait3A_3813, %dma_wait3A_3814] : memref<200000x256xf32, #tpu.memory_space<hbm>> -> memref<64x256xf32, #tpu.memory_space<hbm>>
      %dma_wait3A_3816 = arith.constant 0 : i32
      %dma_wait3A_3817 = arith.constant 0 : i32
      %dma_wait3A_3818 = tpu.memref_slice %arg3[%dma_wait3A_3816, %dma_wait3A_3817] : memref<200000x256xf32, #tpu.memory_space<hbm>> -> memref<64x256xf32, #tpu.memory_space<hbm>>
      tpu.wait_dma2 semaphore(%arg16 : memref<!tpu.dma_semaphore, #tpu.memory_space<semaphore_mem>>) src(%dma_wait3A_3818 : memref<64x256xf32, #tpu.memory_space<hbm>>) dst(%arg10 : memref<64x256xf32, #tpu.memory_space<vmem>>)
      %dma_start3A_3819 = arith.constant 0 : i32
      %dma_start3A_3820 = tpu.memref_slice %arg4[%add3A_3704, %dma_start3A_3819] : memref<3276800x256xf32, #tpu.memory_space<hbm>> -> memref<64x256xf32, #tpu.memory_space<hbm>>
      %dma_start3A_3821 = arith.constant 0 : i32
      %dma_start3A_3822 = tpu.memref_slice %arg4[%add3A_3704, %dma_start3A_3821] : memref<3276800x256xf32, #tpu.memory_space<hbm>> -> memref<64x256xf32, #tpu.memory_space<hbm>>
      tpu.enqueue_dma source(%arg10 : memref<64x256xf32, #tpu.memory_space<vmem>>) target(%dma_start3A_3822 : memref<64x256xf32, #tpu.memory_space<hbm>>) target_semaphore(%arg20 : memref<!tpu.dma_semaphore, #tpu.memory_space<semaphore_mem>>)
      %add3A_3823 = arith.constant 64 : i32
      %add3A_3824 = arith.addi %sub3A_3702, %add3A_3823 : i32
      %ge3A_3825 = arith.constant 200 : i32
      %ge3A_3826 = arith.cmpi sge, %add3A_3824, %ge3A_3825 : i32
      %jit3A_3827 = arith.constant 200 : i32
      %jit3A_3828 = arith.constant 0 : i32
      %select_n3A_3829 = arith.select %ge3A_3826, %jit3A_3827, %jit3A_3828 : i32
      %sub3A_3830 = arith.subi %add3A_3824, %select_n3A_3829 : i32
      %add3A_3831 = arith.constant 1792 : i32
      %add3A_3832 = arith.addi %add3A_240, %add3A_3831 : i32
      %add3A_3833 = arith.constant 0 : i32
      %add3A_3834 = arith.addi %sub3A_3830, %add3A_3833 : i32
      %add3A_3835 = vector.broadcast %add3A_3834 : i32 to vector<16xi32>
      %add3A_3836 = arith.addi %iota3A, %add3A_3835 : vector<16xi32>
      %ge3A_3837 = arith.constant 200 : i32
      %ge3A_3838 = vector.broadcast %ge3A_3837 : i32 to vector<16xi32>
      %ge3A_3839 = arith.cmpi sge, %add3A_3836, %ge3A_3838 : vector<16xi32>
      %jit3A_3840 = arith.constant 200 : i32
      %jit3A_3841 = arith.constant 0 : i32
      %broadcast_in_dim3A_3842 = vector.broadcast %jit3A_3840 : i32 to vector<16xi32>
      %broadcast_in_dim3A_3843 = vector.broadcast %jit3A_3841 : i32 to vector<16xi32>
      %select_n3A_3844 = arith.select %ge3A_3839, %broadcast_in_dim3A_3842, %broadcast_in_dim3A_3843 : vector<16xi1>, vector<16xi32>
      %sub3A_3845 = arith.subi %add3A_3836, %select_n3A_3844 : vector<16xi32>
      %get3A_3846 = arith.constant 896 : index
      %get3A_3847 = tpu.vector_load %arg6[%get3A_3846] {strides = array<i32>} : memref<1024xi32, #tpu.memory_space<vmem>>, vector<16xi32>,
      %get3A_3848 = vector.shape_cast %get3A_3847 : vector<16xi32> to vector<16xi32>
      %mul3A_3849 = arith.constant 1000 : i32
      %mul3A_3850 = vector.broadcast %mul3A_3849 : i32 to vector<16xi32>
      %mul3A_3851 = arith.muli %sub3A_3845, %mul3A_3850 : vector<16xi32>
      %add3A_3852 = arith.addi %get3A_3848, %mul3A_3851 : vector<16xi32>
      %swap3A_3853 = arith.constant 896 : index
      %swap3A_3854 = tpu.vector_load %arg6[%swap3A_3853] {strides = array<i32>} : memref<1024xi32, #tpu.memory_space<vmem>>, vector<16xi32>,
      %swap3A_3855 = vector.shape_cast %swap3A_3854 : vector<16xi32> to vector<16xi32>
      %swap3A_3856 = vector.shape_cast %add3A_3852 : vector<16xi32> to vector<16xi32>
      tpu.vector_store %arg6[%swap3A_3853], %swap3A_3856 {strides = array<i32>} : memref<1024xi32, #tpu.memory_space<vmem>>, vector<16xi32>,
      %add3A_3857 = arith.constant 16 : i32
      %add3A_3858 = arith.addi %sub3A_3830, %add3A_3857 : i32
      %add3A_3859 = vector.broadcast %add3A_3858 : i32 to vector<16xi32>
      %add3A_3860 = arith.addi %iota3A, %add3A_3859 : vector<16xi32>
      %ge3A_3861 = arith.constant 200 : i32
      %ge3A_3862 = vector.broadcast %ge3A_3861 : i32 to vector<16xi32>
      %ge3A_3863 = arith.cmpi sge, %add3A_3860, %ge3A_3862 : vector<16xi32>
      %jit3A_3864 = arith.constant 200 : i32
      %jit3A_3865 = arith.constant 0 : i32
      %broadcast_in_dim3A_3866 = vector.broadcast %jit3A_3864 : i32 to vector<16xi32>
      %broadcast_in_dim3A_3867 = vector.broadcast %jit3A_3865 : i32 to vector<16xi32>
      %select_n3A_3868 = arith.select %ge3A_3863, %broadcast_in_dim3A_3866, %broadcast_in_dim3A_3867 : vector<16xi1>, vector<16xi32>
      %sub3A_3869 = arith.subi %add3A_3860, %select_n3A_3868 : vector<16xi32>
      %get3A_3870 = arith.constant 912 : index
      %get3A_3871 = tpu.vector_load %arg6[%get3A_3870] {strides = array<i32>} : memref<1024xi32, #tpu.memory_space<vmem>>, vector<16xi32>,
      %get3A_3872 = vector.shape_cast %get3A_3871 : vector<16xi32> to vector<16xi32>
      %mul3A_3873 = arith.constant 1000 : i32
      %mul3A_3874 = vector.broadcast %mul3A_3873 : i32 to vector<16xi32>
      %mul3A_3875 = arith.muli %sub3A_3869, %mul3A_3874 : vector<16xi32>
      %add3A_3876 = arith.addi %get3A_3872, %mul3A_3875 : vector<16xi32>
      %swap3A_3877 = arith.constant 912 : index
      %swap3A_3878 = tpu.vector_load %arg6[%swap3A_3877] {strides = array<i32>} : memref<1024xi32, #tpu.memory_space<vmem>>, vector<16xi32>,
      %swap3A_3879 = vector.shape_cast %swap3A_3878 : vector<16xi32> to vector<16xi32>
      %swap3A_3880 = vector.shape_cast %add3A_3876 : vector<16xi32> to vector<16xi32>
      tpu.vector_store %arg6[%swap3A_3877], %swap3A_3880 {strides = array<i32>} : memref<1024xi32, #tpu.memory_space<vmem>>, vector<16xi32>,
      %add3A_3881 = arith.constant 32 : i32
      %add3A_3882 = arith.addi %sub3A_3830, %add3A_3881 : i32
      %add3A_3883 = vector.broadcast %add3A_3882 : i32 to vector<16xi32>
      %add3A_3884 = arith.addi %iota3A, %add3A_3883 : vector<16xi32>
      %ge3A_3885 = arith.constant 200 : i32
      %ge3A_3886 = vector.broadcast %ge3A_3885 : i32 to vector<16xi32>
      %ge3A_3887 = arith.cmpi sge, %add3A_3884, %ge3A_3886 : vector<16xi32>
      %jit3A_3888 = arith.constant 200 : i32
      %jit3A_3889 = arith.constant 0 : i32
      %broadcast_in_dim3A_3890 = vector.broadcast %jit3A_3888 : i32 to vector<16xi32>
      %broadcast_in_dim3A_3891 = vector.broadcast %jit3A_3889 : i32 to vector<16xi32>
      %select_n3A_3892 = arith.select %ge3A_3887, %broadcast_in_dim3A_3890, %broadcast_in_dim3A_3891 : vector<16xi1>, vector<16xi32>
      %sub3A_3893 = arith.subi %add3A_3884, %select_n3A_3892 : vector<16xi32>
      %get3A_3894 = arith.constant 928 : index
      %get3A_3895 = tpu.vector_load %arg6[%get3A_3894] {strides = array<i32>} : memref<1024xi32, #tpu.memory_space<vmem>>, vector<16xi32>,
      %get3A_3896 = vector.shape_cast %get3A_3895 : vector<16xi32> to vector<16xi32>
      %mul3A_3897 = arith.constant 1000 : i32
      %mul3A_3898 = vector.broadcast %mul3A_3897 : i32 to vector<16xi32>
      %mul3A_3899 = arith.muli %sub3A_3893, %mul3A_3898 : vector<16xi32>
      %add3A_3900 = arith.addi %get3A_3896, %mul3A_3899 : vector<16xi32>
      %swap3A_3901 = arith.constant 928 : index
      %swap3A_3902 = tpu.vector_load %arg6[%swap3A_3901] {strides = array<i32>} : memref<1024xi32, #tpu.memory_space<vmem>>, vector<16xi32>,
      %swap3A_3903 = vector.shape_cast %swap3A_3902 : vector<16xi32> to vector<16xi32>
      %swap3A_3904 = vector.shape_cast %add3A_3900 : vector<16xi32> to vector<16xi32>
      tpu.vector_store %arg6[%swap3A_3901], %swap3A_3904 {strides = array<i32>} : memref<1024xi32, #tpu.memory_space<vmem>>, vector<16xi32>,
      %add3A_3905 = arith.constant 48 : i32
      %add3A_3906 = arith.addi %sub3A_3830, %add3A_3905 : i32
      %add3A_3907 = vector.broadcast %add3A_3906 : i32 to vector<16xi32>
      %add3A_3908 = arith.addi %iota3A, %add3A_3907 : vector<16xi32>
      %ge3A_3909 = arith.constant 200 : i32
      %ge3A_3910 = vector.broadcast %ge3A_3909 : i32 to vector<16xi32>
      %ge3A_3911 = arith.cmpi sge, %add3A_3908, %ge3A_3910 : vector<16xi32>
      %jit3A_3912 = arith.constant 200 : i32
      %jit3A_3913 = arith.constant 0 : i32
      %broadcast_in_dim3A_3914 = vector.broadcast %jit3A_3912 : i32 to vector<16xi32>
      %broadcast_in_dim3A_3915 = vector.broadcast %jit3A_3913 : i32 to vector<16xi32>
      %select_n3A_3916 = arith.select %ge3A_3911, %broadcast_in_dim3A_3914, %broadcast_in_dim3A_3915 : vector<16xi1>, vector<16xi32>
      %sub3A_3917 = arith.subi %add3A_3908, %select_n3A_3916 : vector<16xi32>
      %get3A_3918 = arith.constant 944 : index
      %get3A_3919 = tpu.vector_load %arg6[%get3A_3918] {strides = array<i32>} : memref<1024xi32, #tpu.memory_space<vmem>>, vector<16xi32>,
      %get3A_3920 = vector.shape_cast %get3A_3919 : vector<16xi32> to vector<16xi32>
      %mul3A_3921 = arith.constant 1000 : i32
      %mul3A_3922 = vector.broadcast %mul3A_3921 : i32 to vector<16xi32>
      %mul3A_3923 = arith.muli %sub3A_3917, %mul3A_3922 : vector<16xi32>
      %add3A_3924 = arith.addi %get3A_3920, %mul3A_3923 : vector<16xi32>
      %swap3A_3925 = arith.constant 944 : index
      %swap3A_3926 = tpu.vector_load %arg6[%swap3A_3925] {strides = array<i32>} : memref<1024xi32, #tpu.memory_space<vmem>>, vector<16xi32>,
      %swap3A_3927 = vector.shape_cast %swap3A_3926 : vector<16xi32> to vector<16xi32>
      %swap3A_3928 = vector.shape_cast %add3A_3924 : vector<16xi32> to vector<16xi32>
      tpu.vector_store %arg6[%swap3A_3925], %swap3A_3928 {strides = array<i32>} : memref<1024xi32, #tpu.memory_space<vmem>>, vector<16xi32>,
      %dma_wait3A_3929 = arith.constant 0 : i32
      %dma_wait3A_3930 = arith.constant 0 : i32
      %dma_wait3A_3931 = tpu.memref_slice %arg4[%dma_wait3A_3929, %dma_wait3A_3930] : memref<3276800x256xf32, #tpu.memory_space<hbm>> -> memref<64x256xf32, #tpu.memory_space<hbm>>
      %dma_wait3A_3932 = arith.constant 0 : i32
      %dma_wait3A_3933 = arith.constant 0 : i32
      %dma_wait3A_3934 = tpu.memref_slice %arg4[%dma_wait3A_3932, %dma_wait3A_3933] : memref<3276800x256xf32, #tpu.memory_space<hbm>> -> memref<64x256xf32, #tpu.memory_space<hbm>>
      tpu.wait_dma2 semaphore(%arg19 : memref<!tpu.dma_semaphore, #tpu.memory_space<semaphore_mem>>) src(%arg9 : memref<64x256xf32, #tpu.memory_space<vmem>>) dst(%dma_wait3A_3934 : memref<64x256xf32, #tpu.memory_space<hbm>>)
      %rem3A_3935 = arith.constant 199936 : i32
      %rem3A_3936 = arith.remsi %add3A_3832, %rem3A_3935 : i32
      %dma_start3A_3937 = arith.constant 0 : i32
      %dma_start3A_3938 = tpu.memref_slice %arg3[%rem3A_3936, %dma_start3A_3937] : memref<200000x256xf32, #tpu.memory_space<hbm>> -> memref<64x256xf32, #tpu.memory_space<hbm>>
      %dma_start3A_3939 = arith.constant 0 : i32
      %dma_start3A_3940 = tpu.memref_slice %arg3[%rem3A_3936, %dma_start3A_3939] : memref<200000x256xf32, #tpu.memory_space<hbm>> -> memref<64x256xf32, #tpu.memory_space<hbm>>
      tpu.enqueue_dma source(%dma_start3A_3940 : memref<64x256xf32, #tpu.memory_space<hbm>>) target(%arg9 : memref<64x256xf32, #tpu.memory_space<vmem>>) target_semaphore(%arg15 : memref<!tpu.dma_semaphore, #tpu.memory_space<semaphore_mem>>)
      %dma_wait3A_3941 = arith.constant 0 : i32
      %dma_wait3A_3942 = arith.constant 0 : i32
      %dma_wait3A_3943 = tpu.memref_slice %arg3[%dma_wait3A_3941, %dma_wait3A_3942] : memref<200000x256xf32, #tpu.memory_space<hbm>> -> memref<64x256xf32, #tpu.memory_space<hbm>>
      %dma_wait3A_3944 = arith.constant 0 : i32
      %dma_wait3A_3945 = arith.constant 0 : i32
      %dma_wait3A_3946 = tpu.memref_slice %arg3[%dma_wait3A_3944, %dma_wait3A_3945] : memref<200000x256xf32, #tpu.memory_space<hbm>> -> memref<64x256xf32, #tpu.memory_space<hbm>>
      tpu.wait_dma2 semaphore(%arg13 : memref<!tpu.dma_semaphore, #tpu.memory_space<semaphore_mem>>) src(%dma_wait3A_3946 : memref<64x256xf32, #tpu.memory_space<hbm>>) dst(%arg7 : memref<64x256xf32, #tpu.memory_space<vmem>>)
      %dma_start3A_3947 = arith.constant 0 : i32
      %dma_start3A_3948 = tpu.memref_slice %arg4[%add3A_3832, %dma_start3A_3947] : memref<3276800x256xf32, #tpu.memory_space<hbm>> -> memref<64x256xf32, #tpu.memory_space<hbm>>
      %dma_start3A_3949 = arith.constant 0 : i32
      %dma_start3A_3950 = tpu.memref_slice %arg4[%add3A_3832, %dma_start3A_3949] : memref<3276800x256xf32, #tpu.memory_space<hbm>> -> memref<64x256xf32, #tpu.memory_space<hbm>>
      tpu.enqueue_dma source(%arg7 : memref<64x256xf32, #tpu.memory_space<vmem>>) target(%dma_start3A_3950 : memref<64x256xf32, #tpu.memory_space<hbm>>) target_semaphore(%arg17 : memref<!tpu.dma_semaphore, #tpu.memory_space<semaphore_mem>>)
      %add3A_3951 = arith.constant 64 : i32
      %add3A_3952 = arith.addi %sub3A_3830, %add3A_3951 : i32
      %ge3A_3953 = arith.constant 200 : i32
      %ge3A_3954 = arith.cmpi sge, %add3A_3952, %ge3A_3953 : i32
      %jit3A_3955 = arith.constant 200 : i32
      %jit3A_3956 = arith.constant 0 : i32
      %select_n3A_3957 = arith.select %ge3A_3954, %jit3A_3955, %jit3A_3956 : i32
      %sub3A_3958 = arith.subi %add3A_3952, %select_n3A_3957 : i32
      %add3A_3959 = arith.constant 1856 : i32
      %add3A_3960 = arith.addi %add3A_240, %add3A_3959 : i32
      %add3A_3961 = arith.constant 0 : i32
      %add3A_3962 = arith.addi %sub3A_3958, %add3A_3961 : i32
      %add3A_3963 = vector.broadcast %add3A_3962 : i32 to vector<16xi32>
      %add3A_3964 = arith.addi %iota3A, %add3A_3963 : vector<16xi32>
      %ge3A_3965 = arith.constant 200 : i32
      %ge3A_3966 = vector.broadcast %ge3A_3965 : i32 to vector<16xi32>
      %ge3A_3967 = arith.cmpi sge, %add3A_3964, %ge3A_3966 : vector<16xi32>
      %jit3A_3968 = arith.constant 200 : i32
      %jit3A_3969 = arith.constant 0 : i32
      %broadcast_in_dim3A_3970 = vector.broadcast %jit3A_3968 : i32 to vector<16xi32>
      %broadcast_in_dim3A_3971 = vector.broadcast %jit3A_3969 : i32 to vector<16xi32>
      %select_n3A_3972 = arith.select %ge3A_3967, %broadcast_in_dim3A_3970, %broadcast_in_dim3A_3971 : vector<16xi1>, vector<16xi32>
      %sub3A_3973 = arith.subi %add3A_3964, %select_n3A_3972 : vector<16xi32>
      %get3A_3974 = arith.constant 960 : index
      %get3A_3975 = tpu.vector_load %arg6[%get3A_3974] {strides = array<i32>} : memref<1024xi32, #tpu.memory_space<vmem>>, vector<16xi32>,
      %get3A_3976 = vector.shape_cast %get3A_3975 : vector<16xi32> to vector<16xi32>
      %mul3A_3977 = arith.constant 1000 : i32
      %mul3A_3978 = vector.broadcast %mul3A_3977 : i32 to vector<16xi32>
      %mul3A_3979 = arith.muli %sub3A_3973, %mul3A_3978 : vector<16xi32>
      %add3A_3980 = arith.addi %get3A_3976, %mul3A_3979 : vector<16xi32>
      %swap3A_3981 = arith.constant 960 : index
      %swap3A_3982 = tpu.vector_load %arg6[%swap3A_3981] {strides = array<i32>} : memref<1024xi32, #tpu.memory_space<vmem>>, vector<16xi32>,
      %swap3A_3983 = vector.shape_cast %swap3A_3982 : vector<16xi32> to vector<16xi32>
      %swap3A_3984 = vector.shape_cast %add3A_3980 : vector<16xi32> to vector<16xi32>
      tpu.vector_store %arg6[%swap3A_3981], %swap3A_3984 {strides = array<i32>} : memref<1024xi32, #tpu.memory_space<vmem>>, vector<16xi32>,
      %add3A_3985 = arith.constant 16 : i32
      %add3A_3986 = arith.addi %sub3A_3958, %add3A_3985 : i32
      %add3A_3987 = vector.broadcast %add3A_3986 : i32 to vector<16xi32>
      %add3A_3988 = arith.addi %iota3A, %add3A_3987 : vector<16xi32>
      %ge3A_3989 = arith.constant 200 : i32
      %ge3A_3990 = vector.broadcast %ge3A_3989 : i32 to vector<16xi32>
      %ge3A_3991 = arith.cmpi sge, %add3A_3988, %ge3A_3990 : vector<16xi32>
      %jit3A_3992 = arith.constant 200 : i32
      %jit3A_3993 = arith.constant 0 : i32
      %broadcast_in_dim3A_3994 = vector.broadcast %jit3A_3992 : i32 to vector<16xi32>
      %broadcast_in_dim3A_3995 = vector.broadcast %jit3A_3993 : i32 to vector<16xi32>
      %select_n3A_3996 = arith.select %ge3A_3991, %broadcast_in_dim3A_3994, %broadcast_in_dim3A_3995 : vector<16xi1>, vector<16xi32>
      %sub3A_3997 = arith.subi %add3A_3988, %select_n3A_3996 : vector<16xi32>
      %get3A_3998 = arith.constant 976 : index
      %get3A_3999 = tpu.vector_load %arg6[%get3A_3998] {strides = array<i32>} : memref<1024xi32, #tpu.memory_space<vmem>>, vector<16xi32>,
      %get3A_4000 = vector.shape_cast %get3A_3999 : vector<16xi32> to vector<16xi32>
      %mul3A_4001 = arith.constant 1000 : i32
      %mul3A_4002 = vector.broadcast %mul3A_4001 : i32 to vector<16xi32>
      %mul3A_4003 = arith.muli %sub3A_3997, %mul3A_4002 : vector<16xi32>
      %add3A_4004 = arith.addi %get3A_4000, %mul3A_4003 : vector<16xi32>
      %swap3A_4005 = arith.constant 976 : index
      %swap3A_4006 = tpu.vector_load %arg6[%swap3A_4005] {strides = array<i32>} : memref<1024xi32, #tpu.memory_space<vmem>>, vector<16xi32>,
      %swap3A_4007 = vector.shape_cast %swap3A_4006 : vector<16xi32> to vector<16xi32>
      %swap3A_4008 = vector.shape_cast %add3A_4004 : vector<16xi32> to vector<16xi32>
      tpu.vector_store %arg6[%swap3A_4005], %swap3A_4008 {strides = array<i32>} : memref<1024xi32, #tpu.memory_space<vmem>>, vector<16xi32>,
      %add3A_4009 = arith.constant 32 : i32
      %add3A_4010 = arith.addi %sub3A_3958, %add3A_4009 : i32
      %add3A_4011 = vector.broadcast %add3A_4010 : i32 to vector<16xi32>
      %add3A_4012 = arith.addi %iota3A, %add3A_4011 : vector<16xi32>
      %ge3A_4013 = arith.constant 200 : i32
      %ge3A_4014 = vector.broadcast %ge3A_4013 : i32 to vector<16xi32>
      %ge3A_4015 = arith.cmpi sge, %add3A_4012, %ge3A_4014 : vector<16xi32>
      %jit3A_4016 = arith.constant 200 : i32
      %jit3A_4017 = arith.constant 0 : i32
      %broadcast_in_dim3A_4018 = vector.broadcast %jit3A_4016 : i32 to vector<16xi32>
      %broadcast_in_dim3A_4019 = vector.broadcast %jit3A_4017 : i32 to vector<16xi32>
      %select_n3A_4020 = arith.select %ge3A_4015, %broadcast_in_dim3A_4018, %broadcast_in_dim3A_4019 : vector<16xi1>, vector<16xi32>
      %sub3A_4021 = arith.subi %add3A_4012, %select_n3A_4020 : vector<16xi32>
      %get3A_4022 = arith.constant 992 : index
      %get3A_4023 = tpu.vector_load %arg6[%get3A_4022] {strides = array<i32>} : memref<1024xi32, #tpu.memory_space<vmem>>, vector<16xi32>,
      %get3A_4024 = vector.shape_cast %get3A_4023 : vector<16xi32> to vector<16xi32>
      %mul3A_4025 = arith.constant 1000 : i32
      %mul3A_4026 = vector.broadcast %mul3A_4025 : i32 to vector<16xi32>
      %mul3A_4027 = arith.muli %sub3A_4021, %mul3A_4026 : vector<16xi32>
      %add3A_4028 = arith.addi %get3A_4024, %mul3A_4027 : vector<16xi32>
      %swap3A_4029 = arith.constant 992 : index
      %swap3A_4030 = tpu.vector_load %arg6[%swap3A_4029] {strides = array<i32>} : memref<1024xi32, #tpu.memory_space<vmem>>, vector<16xi32>,
      %swap3A_4031 = vector.shape_cast %swap3A_4030 : vector<16xi32> to vector<16xi32>
      %swap3A_4032 = vector.shape_cast %add3A_4028 : vector<16xi32> to vector<16xi32>
      tpu.vector_store %arg6[%swap3A_4029], %swap3A_4032 {strides = array<i32>} : memref<1024xi32, #tpu.memory_space<vmem>>, vector<16xi32>,
      %add3A_4033 = arith.constant 48 : i32
      %add3A_4034 = arith.addi %sub3A_3958, %add3A_4033 : i32
      %add3A_4035 = vector.broadcast %add3A_4034 : i32 to vector<16xi32>
      %add3A_4036 = arith.addi %iota3A, %add3A_4035 : vector<16xi32>
      %ge3A_4037 = arith.constant 200 : i32
      %ge3A_4038 = vector.broadcast %ge3A_4037 : i32 to vector<16xi32>
      %ge3A_4039 = arith.cmpi sge, %add3A_4036, %ge3A_4038 : vector<16xi32>
      %jit3A_4040 = arith.constant 200 : i32
      %jit3A_4041 = arith.constant 0 : i32
      %broadcast_in_dim3A_4042 = vector.broadcast %jit3A_4040 : i32 to vector<16xi32>
      %broadcast_in_dim3A_4043 = vector.broadcast %jit3A_4041 : i32 to vector<16xi32>
      %select_n3A_4044 = arith.select %ge3A_4039, %broadcast_in_dim3A_4042, %broadcast_in_dim3A_4043 : vector<16xi1>, vector<16xi32>
      %sub3A_4045 = arith.subi %add3A_4036, %select_n3A_4044 : vector<16xi32>
      %get3A_4046 = arith.constant 1008 : index
      %get3A_4047 = tpu.vector_load %arg6[%get3A_4046] {strides = array<i32>} : memref<1024xi32, #tpu.memory_space<vmem>>, vector<16xi32>,
      %get3A_4048 = vector.shape_cast %get3A_4047 : vector<16xi32> to vector<16xi32>
      %mul3A_4049 = arith.constant 1000 : i32
      %mul3A_4050 = vector.broadcast %mul3A_4049 : i32 to vector<16xi32>
      %mul3A_4051 = arith.muli %sub3A_4045, %mul3A_4050 : vector<16xi32>
      %add3A_4052 = arith.addi %get3A_4048, %mul3A_4051 : vector<16xi32>
      %swap3A_4053 = arith.constant 1008 : index
      %swap3A_4054 = tpu.vector_load %arg6[%swap3A_4053] {strides = array<i32>} : memref<1024xi32, #tpu.memory_space<vmem>>, vector<16xi32>,
      %swap3A_4055 = vector.shape_cast %swap3A_4054 : vector<16xi32> to vector<16xi32>
      %swap3A_4056 = vector.shape_cast %add3A_4052 : vector<16xi32> to vector<16xi32>
      tpu.vector_store %arg6[%swap3A_4053], %swap3A_4056 {strides = array<i32>} : memref<1024xi32, #tpu.memory_space<vmem>>, vector<16xi32>,
      %dma_wait3A_4057 = arith.constant 0 : i32
      %dma_wait3A_4058 = arith.constant 0 : i32
      %dma_wait3A_4059 = tpu.memref_slice %arg4[%dma_wait3A_4057, %dma_wait3A_4058] : memref<3276800x256xf32, #tpu.memory_space<hbm>> -> memref<64x256xf32, #tpu.memory_space<hbm>>
      %dma_wait3A_4060 = arith.constant 0 : i32
      %dma_wait3A_4061 = arith.constant 0 : i32
      %dma_wait3A_4062 = tpu.memref_slice %arg4[%dma_wait3A_4060, %dma_wait3A_4061] : memref<3276800x256xf32, #tpu.memory_space<hbm>> -> memref<64x256xf32, #tpu.memory_space<hbm>>
      tpu.wait_dma2 semaphore(%arg20 : memref<!tpu.dma_semaphore, #tpu.memory_space<semaphore_mem>>) src(%arg10 : memref<64x256xf32, #tpu.memory_space<vmem>>) dst(%dma_wait3A_4062 : memref<64x256xf32, #tpu.memory_space<hbm>>)
      %rem3A_4063 = arith.constant 199936 : i32
      %rem3A_4064 = arith.remsi %add3A_3960, %rem3A_4063 : i32
      %dma_start3A_4065 = arith.constant 0 : i32
      %dma_start3A_4066 = tpu.memref_slice %arg3[%rem3A_4064, %dma_start3A_4065] : memref<200000x256xf32, #tpu.memory_space<hbm>> -> memref<64x256xf32, #tpu.memory_space<hbm>>
      %dma_start3A_4067 = arith.constant 0 : i32
      %dma_start3A_4068 = tpu.memref_slice %arg3[%rem3A_4064, %dma_start3A_4067] : memref<200000x256xf32, #tpu.memory_space<hbm>> -> memref<64x256xf32, #tpu.memory_space<hbm>>
      tpu.enqueue_dma source(%dma_start3A_4068 : memref<64x256xf32, #tpu.memory_space<hbm>>) target(%arg10 : memref<64x256xf32, #tpu.memory_space<vmem>>) target_semaphore(%arg16 : memref<!tpu.dma_semaphore, #tpu.memory_space<semaphore_mem>>)
      %dma_wait3A_4069 = arith.constant 0 : i32
      %dma_wait3A_4070 = arith.constant 0 : i32
      %dma_wait3A_4071 = tpu.memref_slice %arg3[%dma_wait3A_4069, %dma_wait3A_4070] : memref<200000x256xf32, #tpu.memory_space<hbm>> -> memref<64x256xf32, #tpu.memory_space<hbm>>
      %dma_wait3A_4072 = arith.constant 0 : i32
      %dma_wait3A_4073 = arith.constant 0 : i32
      %dma_wait3A_4074 = tpu.memref_slice %arg3[%dma_wait3A_4072, %dma_wait3A_4073] : memref<200000x256xf32, #tpu.memory_space<hbm>> -> memref<64x256xf32, #tpu.memory_space<hbm>>
      tpu.wait_dma2 semaphore(%arg14 : memref<!tpu.dma_semaphore, #tpu.memory_space<semaphore_mem>>) src(%dma_wait3A_4074 : memref<64x256xf32, #tpu.memory_space<hbm>>) dst(%arg8 : memref<64x256xf32, #tpu.memory_space<vmem>>)
      %dma_start3A_4075 = arith.constant 0 : i32
      %dma_start3A_4076 = tpu.memref_slice %arg4[%add3A_3960, %dma_start3A_4075] : memref<3276800x256xf32, #tpu.memory_space<hbm>> -> memref<64x256xf32, #tpu.memory_space<hbm>>
      %dma_start3A_4077 = arith.constant 0 : i32
      %dma_start3A_4078 = tpu.memref_slice %arg4[%add3A_3960, %dma_start3A_4077] : memref<3276800x256xf32, #tpu.memory_space<hbm>> -> memref<64x256xf32, #tpu.memory_space<hbm>>
      tpu.enqueue_dma source(%arg8 : memref<64x256xf32, #tpu.memory_space<vmem>>) target(%dma_start3A_4078 : memref<64x256xf32, #tpu.memory_space<hbm>>) target_semaphore(%arg18 : memref<!tpu.dma_semaphore, #tpu.memory_space<semaphore_mem>>)
      %add3A_4079 = arith.constant 64 : i32
      %add3A_4080 = arith.addi %sub3A_3958, %add3A_4079 : i32
      %ge3A_4081 = arith.constant 200 : i32
      %ge3A_4082 = arith.cmpi sge, %add3A_4080, %ge3A_4081 : i32
      %jit3A_4083 = arith.constant 200 : i32
      %jit3A_4084 = arith.constant 0 : i32
      %select_n3A_4085 = arith.select %ge3A_4082, %jit3A_4083, %jit3A_4084 : i32
      %sub3A_4086 = arith.subi %add3A_4080, %select_n3A_4085 : i32
      %add3A_4087 = arith.constant 1920 : i32
      %add3A_4088 = arith.addi %add3A_240, %add3A_4087 : i32
      %lt3A_4089 = arith.constant 49 : i32
      %lt3A_4090 = arith.cmpi slt, %scan3A_234, %lt3A_4089 : i32
      %convert_element_type3A_4091 = arith.extui %lt3A_4090 : i1 to i32
      %cond3A_4092 = arith.constant 0 : i32
      %cond3A_4093 = arith.cmpi ne, %convert_element_type3A_4091, %cond3A_4092 : i32
      scf.if %cond3A_4093 {
        %dma_wait3A_4137 = arith.constant 0 : i32
        %dma_wait3A_4138 = tpu.memref_slice %arg2[%dma_wait3A_4137] : memref<3276800xi32, #tpu.memory_space<hbm>> -> memref<1024xi32, #tpu.memory_space<hbm>>
        %dma_wait3A_4139 = arith.constant 0 : i32
        %dma_wait3A_4140 = tpu.memref_slice %arg2[%dma_wait3A_4139] : memref<3276800xi32, #tpu.memory_space<hbm>> -> memref<1024xi32, #tpu.memory_space<hbm>>
        tpu.wait_dma2 semaphore(%arg11 : memref<!tpu.dma_semaphore, #tpu.memory_space<semaphore_mem>>) src(%dma_wait3A_4140 : memref<1024xi32, #tpu.memory_space<hbm>>) dst(%arg5 : memref<1024xi32, #tpu.memory_space<vmem>>)
        %add3A_4141 = arith.constant 0 : i32
        %add3A_4142 = arith.addi %sub3A_4086, %add3A_4141 : i32
        %add3A_4143 = vector.broadcast %add3A_4142 : i32 to vector<16xi32>
        %add3A_4144 = arith.addi %iota3A, %add3A_4143 : vector<16xi32>
        %ge3A_4145 = arith.constant 200 : i32
        %ge3A_4146 = vector.broadcast %ge3A_4145 : i32 to vector<16xi32>
        %ge3A_4147 = arith.cmpi sge, %add3A_4144, %ge3A_4146 : vector<16xi32>
        %jit3A_4148 = arith.constant 200 : i32
        %jit3A_4149 = arith.constant 0 : i32
        %broadcast_in_dim3A_4150 = vector.broadcast %jit3A_4148 : i32 to vector<16xi32>
        %broadcast_in_dim3A_4151 = vector.broadcast %jit3A_4149 : i32 to vector<16xi32>
        %select_n3A_4152 = arith.select %ge3A_4147, %broadcast_in_dim3A_4150, %broadcast_in_dim3A_4151 : vector<16xi1>, vector<16xi32>
        %sub3A_4153 = arith.subi %add3A_4144, %select_n3A_4152 : vector<16xi32>
        %get3A_4154 = arith.constant 0 : index
        %get3A_4155 = tpu.vector_load %arg5[%get3A_4154] {strides = array<i32>} : memref<1024xi32, #tpu.memory_space<vmem>>, vector<16xi32>,
        %get3A_4156 = vector.shape_cast %get3A_4155 : vector<16xi32> to vector<16xi32>
        %mul3A_4157 = arith.constant 1000 : i32
        %mul3A_4158 = vector.broadcast %mul3A_4157 : i32 to vector<16xi32>
        %mul3A_4159 = arith.muli %sub3A_4153, %mul3A_4158 : vector<16xi32>
        %add3A_4160 = arith.addi %get3A_4156, %mul3A_4159 : vector<16xi32>
        %swap3A_4161 = arith.constant 0 : index
        %swap3A_4162 = tpu.vector_load %arg5[%swap3A_4161] {strides = array<i32>} : memref<1024xi32, #tpu.memory_space<vmem>>, vector<16xi32>,
        %swap3A_4163 = vector.shape_cast %swap3A_4162 : vector<16xi32> to vector<16xi32>
        %swap3A_4164 = vector.shape_cast %add3A_4160 : vector<16xi32> to vector<16xi32>
        tpu.vector_store %arg5[%swap3A_4161], %swap3A_4164 {strides = array<i32>} : memref<1024xi32, #tpu.memory_space<vmem>>, vector<16xi32>,
        %add3A_4165 = arith.constant 16 : i32
        %add3A_4166 = arith.addi %sub3A_4086, %add3A_4165 : i32
        %add3A_4167 = vector.broadcast %add3A_4166 : i32 to vector<16xi32>
        %add3A_4168 = arith.addi %iota3A, %add3A_4167 : vector<16xi32>
        %ge3A_4169 = arith.constant 200 : i32
        %ge3A_4170 = vector.broadcast %ge3A_4169 : i32 to vector<16xi32>
        %ge3A_4171 = arith.cmpi sge, %add3A_4168, %ge3A_4170 : vector<16xi32>
        %jit3A_4172 = arith.constant 200 : i32
        %jit3A_4173 = arith.constant 0 : i32
        %broadcast_in_dim3A_4174 = vector.broadcast %jit3A_4172 : i32 to vector<16xi32>
        %broadcast_in_dim3A_4175 = vector.broadcast %jit3A_4173 : i32 to vector<16xi32>
        %select_n3A_4176 = arith.select %ge3A_4171, %broadcast_in_dim3A_4174, %broadcast_in_dim3A_4175 : vector<16xi1>, vector<16xi32>
        %sub3A_4177 = arith.subi %add3A_4168, %select_n3A_4176 : vector<16xi32>
        %get3A_4178 = arith.constant 16 : index
        %get3A_4179 = tpu.vector_load %arg5[%get3A_4178] {strides = array<i32>} : memref<1024xi32, #tpu.memory_space<vmem>>, vector<16xi32>,
        %get3A_4180 = vector.shape_cast %get3A_4179 : vector<16xi32> to vector<16xi32>
        %mul3A_4181 = arith.constant 1000 : i32
        %mul3A_4182 = vector.broadcast %mul3A_4181 : i32 to vector<16xi32>
        %mul3A_4183 = arith.muli %sub3A_4177, %mul3A_4182 : vector<16xi32>
        %add3A_4184 = arith.addi %get3A_4180, %mul3A_4183 : vector<16xi32>
        %swap3A_4185 = arith.constant 16 : index
        %swap3A_4186 = tpu.vector_load %arg5[%swap3A_4185] {strides = array<i32>} : memref<1024xi32, #tpu.memory_space<vmem>>, vector<16xi32>,
        %swap3A_4187 = vector.shape_cast %swap3A_4186 : vector<16xi32> to vector<16xi32>
        %swap3A_4188 = vector.shape_cast %add3A_4184 : vector<16xi32> to vector<16xi32>
        tpu.vector_store %arg5[%swap3A_4185], %swap3A_4188 {strides = array<i32>} : memref<1024xi32, #tpu.memory_space<vmem>>, vector<16xi32>,
        %add3A_4189 = arith.constant 32 : i32
        %add3A_4190 = arith.addi %sub3A_4086, %add3A_4189 : i32
        %add3A_4191 = vector.broadcast %add3A_4190 : i32 to vector<16xi32>
        %add3A_4192 = arith.addi %iota3A, %add3A_4191 : vector<16xi32>
        %ge3A_4193 = arith.constant 200 : i32
        %ge3A_4194 = vector.broadcast %ge3A_4193 : i32 to vector<16xi32>
        %ge3A_4195 = arith.cmpi sge, %add3A_4192, %ge3A_4194 : vector<16xi32>
        %jit3A_4196 = arith.constant 200 : i32
        %jit3A_4197 = arith.constant 0 : i32
        %broadcast_in_dim3A_4198 = vector.broadcast %jit3A_4196 : i32 to vector<16xi32>
        %broadcast_in_dim3A_4199 = vector.broadcast %jit3A_4197 : i32 to vector<16xi32>
        %select_n3A_4200 = arith.select %ge3A_4195, %broadcast_in_dim3A_4198, %broadcast_in_dim3A_4199 : vector<16xi1>, vector<16xi32>
        %sub3A_4201 = arith.subi %add3A_4192, %select_n3A_4200 : vector<16xi32>
        %get3A_4202 = arith.constant 32 : index
        %get3A_4203 = tpu.vector_load %arg5[%get3A_4202] {strides = array<i32>} : memref<1024xi32, #tpu.memory_space<vmem>>, vector<16xi32>,
        %get3A_4204 = vector.shape_cast %get3A_4203 : vector<16xi32> to vector<16xi32>
        %mul3A_4205 = arith.constant 1000 : i32
        %mul3A_4206 = vector.broadcast %mul3A_4205 : i32 to vector<16xi32>
        %mul3A_4207 = arith.muli %sub3A_4201, %mul3A_4206 : vector<16xi32>
        %add3A_4208 = arith.addi %get3A_4204, %mul3A_4207 : vector<16xi32>
        %swap3A_4209 = arith.constant 32 : index
        %swap3A_4210 = tpu.vector_load %arg5[%swap3A_4209] {strides = array<i32>} : memref<1024xi32, #tpu.memory_space<vmem>>, vector<16xi32>,
        %swap3A_4211 = vector.shape_cast %swap3A_4210 : vector<16xi32> to vector<16xi32>
        %swap3A_4212 = vector.shape_cast %add3A_4208 : vector<16xi32> to vector<16xi32>
        tpu.vector_store %arg5[%swap3A_4209], %swap3A_4212 {strides = array<i32>} : memref<1024xi32, #tpu.memory_space<vmem>>, vector<16xi32>,
        %add3A_4213 = arith.constant 48 : i32
        %add3A_4214 = arith.addi %sub3A_4086, %add3A_4213 : i32
        %add3A_4215 = vector.broadcast %add3A_4214 : i32 to vector<16xi32>
        %add3A_4216 = arith.addi %iota3A, %add3A_4215 : vector<16xi32>
        %ge3A_4217 = arith.constant 200 : i32
        %ge3A_4218 = vector.broadcast %ge3A_4217 : i32 to vector<16xi32>
        %ge3A_4219 = arith.cmpi sge, %add3A_4216, %ge3A_4218 : vector<16xi32>
        %jit3A_4220 = arith.constant 200 : i32
        %jit3A_4221 = arith.constant 0 : i32
        %broadcast_in_dim3A_4222 = vector.broadcast %jit3A_4220 : i32 to vector<16xi32>
        %broadcast_in_dim3A_4223 = vector.broadcast %jit3A_4221 : i32 to vector<16xi32>
        %select_n3A_4224 = arith.select %ge3A_4219, %broadcast_in_dim3A_4222, %broadcast_in_dim3A_4223 : vector<16xi1>, vector<16xi32>
        %sub3A_4225 = arith.subi %add3A_4216, %select_n3A_4224 : vector<16xi32>
        %get3A_4226 = arith.constant 48 : index
        %get3A_4227 = tpu.vector_load %arg5[%get3A_4226] {strides = array<i32>} : memref<1024xi32, #tpu.memory_space<vmem>>, vector<16xi32>,
        %get3A_4228 = vector.shape_cast %get3A_4227 : vector<16xi32> to vector<16xi32>
        %mul3A_4229 = arith.constant 1000 : i32
        %mul3A_4230 = vector.broadcast %mul3A_4229 : i32 to vector<16xi32>
        %mul3A_4231 = arith.muli %sub3A_4225, %mul3A_4230 : vector<16xi32>
        %add3A_4232 = arith.addi %get3A_4228, %mul3A_4231 : vector<16xi32>
        %swap3A_4233 = arith.constant 48 : index
        %swap3A_4234 = tpu.vector_load %arg5[%swap3A_4233] {strides = array<i32>} : memref<1024xi32, #tpu.memory_space<vmem>>, vector<16xi32>,
        %swap3A_4235 = vector.shape_cast %swap3A_4234 : vector<16xi32> to vector<16xi32>
        %swap3A_4236 = vector.shape_cast %add3A_4232 : vector<16xi32> to vector<16xi32>
        tpu.vector_store %arg5[%swap3A_4233], %swap3A_4236 {strides = array<i32>} : memref<1024xi32, #tpu.memory_space<vmem>>, vector<16xi32>,
        %dma_wait3A_4237 = arith.constant 0 : i32
        %dma_wait3A_4238 = arith.constant 0 : i32
        %dma_wait3A_4239 = tpu.memref_slice %arg4[%dma_wait3A_4237, %dma_wait3A_4238] : memref<3276800x256xf32, #tpu.memory_space<hbm>> -> memref<64x256xf32, #tpu.memory_space<hbm>>
        %dma_wait3A_4240 = arith.constant 0 : i32
        %dma_wait3A_4241 = arith.constant 0 : i32
        %dma_wait3A_4242 = tpu.memref_slice %arg4[%dma_wait3A_4240, %dma_wait3A_4241] : memref<3276800x256xf32, #tpu.memory_space<hbm>> -> memref<64x256xf32, #tpu.memory_space<hbm>>
        tpu.wait_dma2 semaphore(%arg17 : memref<!tpu.dma_semaphore, #tpu.memory_space<semaphore_mem>>) src(%arg7 : memref<64x256xf32, #tpu.memory_space<vmem>>) dst(%dma_wait3A_4242 : memref<64x256xf32, #tpu.memory_space<hbm>>)
        %rem3A_4243 = arith.constant 199936 : i32
        %rem3A_4244 = arith.remsi %add3A_4088, %rem3A_4243 : i32
        %dma_start3A_4245 = arith.constant 0 : i32
        %dma_start3A_4246 = tpu.memref_slice %arg3[%rem3A_4244, %dma_start3A_4245] : memref<200000x256xf32, #tpu.memory_space<hbm>> -> memref<64x256xf32, #tpu.memory_space<hbm>>
        %dma_start3A_4247 = arith.constant 0 : i32
        %dma_start3A_4248 = tpu.memref_slice %arg3[%rem3A_4244, %dma_start3A_4247] : memref<200000x256xf32, #tpu.memory_space<hbm>> -> memref<64x256xf32, #tpu.memory_space<hbm>>
        tpu.enqueue_dma source(%dma_start3A_4248 : memref<64x256xf32, #tpu.memory_space<hbm>>) target(%arg7 : memref<64x256xf32, #tpu.memory_space<vmem>>) target_semaphore(%arg13 : memref<!tpu.dma_semaphore, #tpu.memory_space<semaphore_mem>>)
      } else {
      }
      %dma_wait3A_4094 = arith.constant 0 : i32
      %dma_wait3A_4095 = arith.constant 0 : i32
      %dma_wait3A_4096 = tpu.memref_slice %arg3[%dma_wait3A_4094, %dma_wait3A_4095] : memref<200000x256xf32, #tpu.memory_space<hbm>> -> memref<64x256xf32, #tpu.memory_space<hbm>>
      %dma_wait3A_4097 = arith.constant 0 : i32
      %dma_wait3A_4098 = arith.constant 0 : i32
      %dma_wait3A_4099 = tpu.memref_slice %arg3[%dma_wait3A_4097, %dma_wait3A_4098] : memref<200000x256xf32, #tpu.memory_space<hbm>> -> memref<64x256xf32, #tpu.memory_space<hbm>>
      tpu.wait_dma2 semaphore(%arg15 : memref<!tpu.dma_semaphore, #tpu.memory_space<semaphore_mem>>) src(%dma_wait3A_4099 : memref<64x256xf32, #tpu.memory_space<hbm>>) dst(%arg9 : memref<64x256xf32, #tpu.memory_space<vmem>>)
      %dma_start3A_4100 = arith.constant 0 : i32
      %dma_start3A_4101 = tpu.memref_slice %arg4[%add3A_4088, %dma_start3A_4100] : memref<3276800x256xf32, #tpu.memory_space<hbm>> -> memref<64x256xf32, #tpu.memory_space<hbm>>
      %dma_start3A_4102 = arith.constant 0 : i32
      %dma_start3A_4103 = tpu.memref_slice %arg4[%add3A_4088, %dma_start3A_4102] : memref<3276800x256xf32, #tpu.memory_space<hbm>> -> memref<64x256xf32, #tpu.memory_space<hbm>>
      tpu.enqueue_dma source(%arg9 : memref<64x256xf32, #tpu.memory_space<vmem>>) target(%dma_start3A_4103 : memref<64x256xf32, #tpu.memory_space<hbm>>) target_semaphore(%arg19 : memref<!tpu.dma_semaphore, #tpu.memory_space<semaphore_mem>>)
      %add3A_4104 = arith.constant 64 : i32
      %add3A_4105 = arith.addi %sub3A_4086, %add3A_4104 : i32
      %ge3A_4106 = arith.constant 200 : i32
      %ge3A_4107 = arith.cmpi sge, %add3A_4105, %ge3A_4106 : i32
      %jit3A_4108 = arith.constant 200 : i32
      %jit3A_4109 = arith.constant 0 : i32
      %select_n3A_4110 = arith.select %ge3A_4107, %jit3A_4108, %jit3A_4109 : i32
      %sub3A_4111 = arith.subi %add3A_4105, %select_n3A_4110 : i32
      %add3A_4112 = arith.constant 1984 : i32
      %add3A_4113 = arith.addi %add3A_240, %add3A_4112 : i32
      %lt3A_4114 = arith.constant 49 : i32
      %lt3A_4115 = arith.cmpi slt, %scan3A_234, %lt3A_4114 : i32
      %convert_element_type3A_4116 = arith.extui %lt3A_4115 : i1 to i32
      %cond3A_4117 = arith.constant 0 : i32
      %cond3A_4118 = arith.cmpi ne, %convert_element_type3A_4116, %cond3A_4117 : i32
      scf.if %cond3A_4118 {
        %add3A_4137 = arith.constant 0 : i32
        %add3A_4138 = arith.addi %sub3A_4111, %add3A_4137 : i32
        %add3A_4139 = vector.broadcast %add3A_4138 : i32 to vector<16xi32>
        %add3A_4140 = arith.addi %iota3A, %add3A_4139 : vector<16xi32>
        %ge3A_4141 = arith.constant 200 : i32
        %ge3A_4142 = vector.broadcast %ge3A_4141 : i32 to vector<16xi32>
        %ge3A_4143 = arith.cmpi sge, %add3A_4140, %ge3A_4142 : vector<16xi32>
        %jit3A_4144 = arith.constant 200 : i32
        %jit3A_4145 = arith.constant 0 : i32
        %broadcast_in_dim3A_4146 = vector.broadcast %jit3A_4144 : i32 to vector<16xi32>
        %broadcast_in_dim3A_4147 = vector.broadcast %jit3A_4145 : i32 to vector<16xi32>
        %select_n3A_4148 = arith.select %ge3A_4143, %broadcast_in_dim3A_4146, %broadcast_in_dim3A_4147 : vector<16xi1>, vector<16xi32>
        %sub3A_4149 = arith.subi %add3A_4140, %select_n3A_4148 : vector<16xi32>
        %get3A_4150 = arith.constant 64 : index
        %get3A_4151 = tpu.vector_load %arg5[%get3A_4150] {strides = array<i32>} : memref<1024xi32, #tpu.memory_space<vmem>>, vector<16xi32>,
        %get3A_4152 = vector.shape_cast %get3A_4151 : vector<16xi32> to vector<16xi32>
        %mul3A_4153 = arith.constant 1000 : i32
        %mul3A_4154 = vector.broadcast %mul3A_4153 : i32 to vector<16xi32>
        %mul3A_4155 = arith.muli %sub3A_4149, %mul3A_4154 : vector<16xi32>
        %add3A_4156 = arith.addi %get3A_4152, %mul3A_4155 : vector<16xi32>
        %swap3A_4157 = arith.constant 64 : index
        %swap3A_4158 = tpu.vector_load %arg5[%swap3A_4157] {strides = array<i32>} : memref<1024xi32, #tpu.memory_space<vmem>>, vector<16xi32>,
        %swap3A_4159 = vector.shape_cast %swap3A_4158 : vector<16xi32> to vector<16xi32>
        %swap3A_4160 = vector.shape_cast %add3A_4156 : vector<16xi32> to vector<16xi32>
        tpu.vector_store %arg5[%swap3A_4157], %swap3A_4160 {strides = array<i32>} : memref<1024xi32, #tpu.memory_space<vmem>>, vector<16xi32>,
        %add3A_4161 = arith.constant 16 : i32
        %add3A_4162 = arith.addi %sub3A_4111, %add3A_4161 : i32
        %add3A_4163 = vector.broadcast %add3A_4162 : i32 to vector<16xi32>
        %add3A_4164 = arith.addi %iota3A, %add3A_4163 : vector<16xi32>
        %ge3A_4165 = arith.constant 200 : i32
        %ge3A_4166 = vector.broadcast %ge3A_4165 : i32 to vector<16xi32>
        %ge3A_4167 = arith.cmpi sge, %add3A_4164, %ge3A_4166 : vector<16xi32>
        %jit3A_4168 = arith.constant 200 : i32
        %jit3A_4169 = arith.constant 0 : i32
        %broadcast_in_dim3A_4170 = vector.broadcast %jit3A_4168 : i32 to vector<16xi32>
        %broadcast_in_dim3A_4171 = vector.broadcast %jit3A_4169 : i32 to vector<16xi32>
        %select_n3A_4172 = arith.select %ge3A_4167, %broadcast_in_dim3A_4170, %broadcast_in_dim3A_4171 : vector<16xi1>, vector<16xi32>
        %sub3A_4173 = arith.subi %add3A_4164, %select_n3A_4172 : vector<16xi32>
        %get3A_4174 = arith.constant 80 : index
        %get3A_4175 = tpu.vector_load %arg5[%get3A_4174] {strides = array<i32>} : memref<1024xi32, #tpu.memory_space<vmem>>, vector<16xi32>,
        %get3A_4176 = vector.shape_cast %get3A_4175 : vector<16xi32> to vector<16xi32>
        %mul3A_4177 = arith.constant 1000 : i32
        %mul3A_4178 = vector.broadcast %mul3A_4177 : i32 to vector<16xi32>
        %mul3A_4179 = arith.muli %sub3A_4173, %mul3A_4178 : vector<16xi32>
        %add3A_4180 = arith.addi %get3A_4176, %mul3A_4179 : vector<16xi32>
        %swap3A_4181 = arith.constant 80 : index
        %swap3A_4182 = tpu.vector_load %arg5[%swap3A_4181] {strides = array<i32>} : memref<1024xi32, #tpu.memory_space<vmem>>, vector<16xi32>,
        %swap3A_4183 = vector.shape_cast %swap3A_4182 : vector<16xi32> to vector<16xi32>
        %swap3A_4184 = vector.shape_cast %add3A_4180 : vector<16xi32> to vector<16xi32>
        tpu.vector_store %arg5[%swap3A_4181], %swap3A_4184 {strides = array<i32>} : memref<1024xi32, #tpu.memory_space<vmem>>, vector<16xi32>,
        %add3A_4185 = arith.constant 32 : i32
        %add3A_4186 = arith.addi %sub3A_4111, %add3A_4185 : i32
        %add3A_4187 = vector.broadcast %add3A_4186 : i32 to vector<16xi32>
        %add3A_4188 = arith.addi %iota3A, %add3A_4187 : vector<16xi32>
        %ge3A_4189 = arith.constant 200 : i32
        %ge3A_4190 = vector.broadcast %ge3A_4189 : i32 to vector<16xi32>
        %ge3A_4191 = arith.cmpi sge, %add3A_4188, %ge3A_4190 : vector<16xi32>
        %jit3A_4192 = arith.constant 200 : i32
        %jit3A_4193 = arith.constant 0 : i32
        %broadcast_in_dim3A_4194 = vector.broadcast %jit3A_4192 : i32 to vector<16xi32>
        %broadcast_in_dim3A_4195 = vector.broadcast %jit3A_4193 : i32 to vector<16xi32>
        %select_n3A_4196 = arith.select %ge3A_4191, %broadcast_in_dim3A_4194, %broadcast_in_dim3A_4195 : vector<16xi1>, vector<16xi32>
        %sub3A_4197 = arith.subi %add3A_4188, %select_n3A_4196 : vector<16xi32>
        %get3A_4198 = arith.constant 96 : index
        %get3A_4199 = tpu.vector_load %arg5[%get3A_4198] {strides = array<i32>} : memref<1024xi32, #tpu.memory_space<vmem>>, vector<16xi32>,
        %get3A_4200 = vector.shape_cast %get3A_4199 : vector<16xi32> to vector<16xi32>
        %mul3A_4201 = arith.constant 1000 : i32
        %mul3A_4202 = vector.broadcast %mul3A_4201 : i32 to vector<16xi32>
        %mul3A_4203 = arith.muli %sub3A_4197, %mul3A_4202 : vector<16xi32>
        %add3A_4204 = arith.addi %get3A_4200, %mul3A_4203 : vector<16xi32>
        %swap3A_4205 = arith.constant 96 : index
        %swap3A_4206 = tpu.vector_load %arg5[%swap3A_4205] {strides = array<i32>} : memref<1024xi32, #tpu.memory_space<vmem>>, vector<16xi32>,
        %swap3A_4207 = vector.shape_cast %swap3A_4206 : vector<16xi32> to vector<16xi32>
        %swap3A_4208 = vector.shape_cast %add3A_4204 : vector<16xi32> to vector<16xi32>
        tpu.vector_store %arg5[%swap3A_4205], %swap3A_4208 {strides = array<i32>} : memref<1024xi32, #tpu.memory_space<vmem>>, vector<16xi32>,
        %add3A_4209 = arith.constant 48 : i32
        %add3A_4210 = arith.addi %sub3A_4111, %add3A_4209 : i32
        %add3A_4211 = vector.broadcast %add3A_4210 : i32 to vector<16xi32>
        %add3A_4212 = arith.addi %iota3A, %add3A_4211 : vector<16xi32>
        %ge3A_4213 = arith.constant 200 : i32
        %ge3A_4214 = vector.broadcast %ge3A_4213 : i32 to vector<16xi32>
        %ge3A_4215 = arith.cmpi sge, %add3A_4212, %ge3A_4214 : vector<16xi32>
        %jit3A_4216 = arith.constant 200 : i32
        %jit3A_4217 = arith.constant 0 : i32
        %broadcast_in_dim3A_4218 = vector.broadcast %jit3A_4216 : i32 to vector<16xi32>
        %broadcast_in_dim3A_4219 = vector.broadcast %jit3A_4217 : i32 to vector<16xi32>
        %select_n3A_4220 = arith.select %ge3A_4215, %broadcast_in_dim3A_4218, %broadcast_in_dim3A_4219 : vector<16xi1>, vector<16xi32>
        %sub3A_4221 = arith.subi %add3A_4212, %select_n3A_4220 : vector<16xi32>
        %get3A_4222 = arith.constant 112 : index
        %get3A_4223 = tpu.vector_load %arg5[%get3A_4222] {strides = array<i32>} : memref<1024xi32, #tpu.memory_space<vmem>>, vector<16xi32>,
        %get3A_4224 = vector.shape_cast %get3A_4223 : vector<16xi32> to vector<16xi32>
        %mul3A_4225 = arith.constant 1000 : i32
        %mul3A_4226 = vector.broadcast %mul3A_4225 : i32 to vector<16xi32>
        %mul3A_4227 = arith.muli %sub3A_4221, %mul3A_4226 : vector<16xi32>
        %add3A_4228 = arith.addi %get3A_4224, %mul3A_4227 : vector<16xi32>
        %swap3A_4229 = arith.constant 112 : index
        %swap3A_4230 = tpu.vector_load %arg5[%swap3A_4229] {strides = array<i32>} : memref<1024xi32, #tpu.memory_space<vmem>>, vector<16xi32>,
        %swap3A_4231 = vector.shape_cast %swap3A_4230 : vector<16xi32> to vector<16xi32>
        %swap3A_4232 = vector.shape_cast %add3A_4228 : vector<16xi32> to vector<16xi32>
        tpu.vector_store %arg5[%swap3A_4229], %swap3A_4232 {strides = array<i32>} : memref<1024xi32, #tpu.memory_space<vmem>>, vector<16xi32>,
        %dma_wait3A_4233 = arith.constant 0 : i32
        %dma_wait3A_4234 = arith.constant 0 : i32
        %dma_wait3A_4235 = tpu.memref_slice %arg4[%dma_wait3A_4233, %dma_wait3A_4234] : memref<3276800x256xf32, #tpu.memory_space<hbm>> -> memref<64x256xf32, #tpu.memory_space<hbm>>
        %dma_wait3A_4236 = arith.constant 0 : i32
        %dma_wait3A_4237 = arith.constant 0 : i32
        %dma_wait3A_4238 = tpu.memref_slice %arg4[%dma_wait3A_4236, %dma_wait3A_4237] : memref<3276800x256xf32, #tpu.memory_space<hbm>> -> memref<64x256xf32, #tpu.memory_space<hbm>>
        tpu.wait_dma2 semaphore(%arg18 : memref<!tpu.dma_semaphore, #tpu.memory_space<semaphore_mem>>) src(%arg8 : memref<64x256xf32, #tpu.memory_space<vmem>>) dst(%dma_wait3A_4238 : memref<64x256xf32, #tpu.memory_space<hbm>>)
        %rem3A_4239 = arith.constant 199936 : i32
        %rem3A_4240 = arith.remsi %add3A_4113, %rem3A_4239 : i32
        %dma_start3A_4241 = arith.constant 0 : i32
        %dma_start3A_4242 = tpu.memref_slice %arg3[%rem3A_4240, %dma_start3A_4241] : memref<200000x256xf32, #tpu.memory_space<hbm>> -> memref<64x256xf32, #tpu.memory_space<hbm>>
        %dma_start3A_4243 = arith.constant 0 : i32
        %dma_start3A_4244 = tpu.memref_slice %arg3[%rem3A_4240, %dma_start3A_4243] : memref<200000x256xf32, #tpu.memory_space<hbm>> -> memref<64x256xf32, #tpu.memory_space<hbm>>
        tpu.enqueue_dma source(%dma_start3A_4244 : memref<64x256xf32, #tpu.memory_space<hbm>>) target(%arg8 : memref<64x256xf32, #tpu.memory_space<vmem>>) target_semaphore(%arg14 : memref<!tpu.dma_semaphore, #tpu.memory_space<semaphore_mem>>)
      } else {
      }
      %dma_wait3A_4119 = arith.constant 0 : i32
      %dma_wait3A_4120 = arith.constant 0 : i32
      %dma_wait3A_4121 = tpu.memref_slice %arg3[%dma_wait3A_4119, %dma_wait3A_4120] : memref<200000x256xf32, #tpu.memory_space<hbm>> -> memref<64x256xf32, #tpu.memory_space<hbm>>
      %dma_wait3A_4122 = arith.constant 0 : i32
      %dma_wait3A_4123 = arith.constant 0 : i32
      %dma_wait3A_4124 = tpu.memref_slice %arg3[%dma_wait3A_4122, %dma_wait3A_4123] : memref<200000x256xf32, #tpu.memory_space<hbm>> -> memref<64x256xf32, #tpu.memory_space<hbm>>
      tpu.wait_dma2 semaphore(%arg16 : memref<!tpu.dma_semaphore, #tpu.memory_space<semaphore_mem>>) src(%dma_wait3A_4124 : memref<64x256xf32, #tpu.memory_space<hbm>>) dst(%arg10 : memref<64x256xf32, #tpu.memory_space<vmem>>)
      %dma_start3A_4125 = arith.constant 0 : i32
      %dma_start3A_4126 = tpu.memref_slice %arg4[%add3A_4113, %dma_start3A_4125] : memref<3276800x256xf32, #tpu.memory_space<hbm>> -> memref<64x256xf32, #tpu.memory_space<hbm>>
      %dma_start3A_4127 = arith.constant 0 : i32
      %dma_start3A_4128 = tpu.memref_slice %arg4[%add3A_4113, %dma_start3A_4127] : memref<3276800x256xf32, #tpu.memory_space<hbm>> -> memref<64x256xf32, #tpu.memory_space<hbm>>
      tpu.enqueue_dma source(%arg10 : memref<64x256xf32, #tpu.memory_space<vmem>>) target(%dma_start3A_4128 : memref<64x256xf32, #tpu.memory_space<hbm>>) target_semaphore(%arg20 : memref<!tpu.dma_semaphore, #tpu.memory_space<semaphore_mem>>)
      %add3A_4129 = arith.constant 64 : i32
      %add3A_4130 = arith.addi %sub3A_4111, %add3A_4129 : i32
      %ge3A_4131 = arith.constant 200 : i32
      %ge3A_4132 = arith.cmpi sge, %add3A_4130, %ge3A_4131 : i32
      %jit3A_4133 = arith.constant 200 : i32
      %jit3A_4134 = arith.constant 0 : i32
      %select_n3A_4135 = arith.select %ge3A_4132, %jit3A_4133, %jit3A_4134 : i32
      %sub3A_4136 = arith.subi %add3A_4130, %select_n3A_4135 : i32
      scf.yield %sub3A_4136 : i32
    }
    %scan3A_210 = arith.constant 50 : i32
    %dma_wait3A = arith.constant 0 : i32
    %dma_wait3A_211 = arith.constant 0 : i32
    %dma_wait3A_212 = tpu.memref_slice %arg4[%dma_wait3A, %dma_wait3A_211] : memref<3276800x256xf32, #tpu.memory_space<hbm>> -> memref<64x256xf32, #tpu.memory_space<hbm>>
    %dma_wait3A_213 = arith.constant 0 : i32
    %dma_wait3A_214 = arith.constant 0 : i32
    %dma_wait3A_215 = tpu.memref_slice %arg4[%dma_wait3A_213, %dma_wait3A_214] : memref<3276800x256xf32, #tpu.memory_space<hbm>> -> memref<64x256xf32, #tpu.memory_space<hbm>>
    tpu.wait_dma2 semaphore(%arg17 : memref<!tpu.dma_semaphore, #tpu.memory_space<semaphore_mem>>) src(%arg7 : memref<64x256xf32, #tpu.memory_space<vmem>>) dst(%dma_wait3A_215 : memref<64x256xf32, #tpu.memory_space<hbm>>)
    %dma_wait3A_216 = arith.constant 0 : i32
    %dma_wait3A_217 = arith.constant 0 : i32
    %dma_wait3A_218 = tpu.memref_slice %arg4[%dma_wait3A_216, %dma_wait3A_217] : memref<3276800x256xf32, #tpu.memory_space<hbm>> -> memref<64x256xf32, #tpu.memory_space<hbm>>
    %dma_wait3A_219 = arith.constant 0 : i32
    %dma_wait3A_220 = arith.constant 0 : i32
    %dma_wait3A_221 = tpu.memref_slice %arg4[%dma_wait3A_219, %dma_wait3A_220] : memref<3276800x256xf32, #tpu.memory_space<hbm>> -> memref<64x256xf32, #tpu.memory_space<hbm>>
    tpu.wait_dma2 semaphore(%arg18 : memref<!tpu.dma_semaphore, #tpu.memory_space<semaphore_mem>>) src(%arg8 : memref<64x256xf32, #tpu.memory_space<vmem>>) dst(%dma_wait3A_221 : memref<64x256xf32, #tpu.memory_space<hbm>>)
    %dma_wait3A_222 = arith.constant 0 : i32
    %dma_wait3A_223 = arith.constant 0 : i32
    %dma_wait3A_224 = tpu.memref_slice %arg4[%dma_wait3A_222, %dma_wait3A_223] : memref<3276800x256xf32, #tpu.memory_space<hbm>> -> memref<64x256xf32, #tpu.memory_space<hbm>>
    %dma_wait3A_225 = arith.constant 0 : i32
    %dma_wait3A_226 = arith.constant 0 : i32
    %dma_wait3A_227 = tpu.memref_slice %arg4[%dma_wait3A_225, %dma_wait3A_226] : memref<3276800x256xf32, #tpu.memory_space<hbm>> -> memref<64x256xf32, #tpu.memory_space<hbm>>
    tpu.wait_dma2 semaphore(%arg19 : memref<!tpu.dma_semaphore, #tpu.memory_space<semaphore_mem>>) src(%arg9 : memref<64x256xf32, #tpu.memory_space<vmem>>) dst(%dma_wait3A_227 : memref<64x256xf32, #tpu.memory_space<hbm>>)
    %dma_wait3A_228 = arith.constant 0 : i32
    %dma_wait3A_229 = arith.constant 0 : i32
    %dma_wait3A_230 = tpu.memref_slice %arg4[%dma_wait3A_228, %dma_wait3A_229] : memref<3276800x256xf32, #tpu.memory_space<hbm>> -> memref<64x256xf32, #tpu.memory_space<hbm>>
    %dma_wait3A_231 = arith.constant 0 : i32
    %dma_wait3A_232 = arith.constant 0 : i32
    %dma_wait3A_233 = tpu.memref_slice %arg4[%dma_wait3A_231, %dma_wait3A_232] : memref<3276800x256xf32, #tpu.memory_space<hbm>> -> memref<64x256xf32, #tpu.memory_space<hbm>>
    tpu.wait_dma2 semaphore(%arg20 : memref<!tpu.dma_semaphore, #tpu.memory_space<semaphore_mem>>) src(%arg10 : memref<64x256xf32, #tpu.memory_space<vmem>>) dst(%dma_wait3A_233 : memref<64x256xf32, #tpu.memory_space<hbm>>)
    return
  }
}

module attributes {stable_mosaic.version = 14 : i64} {
  func.func @_fuse_body(%arg0: i32, %arg1: memref<1000x256xf32, #tpu.memory_space<vmem>>, %arg2: memref<8x256xf32, #tpu.memory_space<vmem>>, %arg3: memref<8x1000x256xf32, #tpu.memory_space<vmem>>) attributes {dimension_semantics = [#tpu.dimension_semantics<arbitrary>], iteration_bounds = array<i64: 25>, scalar_prefetch = 0 : i64, scratch_operands = 0 : i64, tpu.core_type = #tpu.core_type<tc>, window_params = [{pipeline_mode = #tpu.pipeline_mode<synchronous>, transform_indices = @transform_0, window_bounds = array<i64: 1000, 256>}, {transform_indices = @transform_1, window_bounds = array<i64: 8, 256>}, {transform_indices = @transform_2, window_bounds = array<i64: 8, 1000, 256>}]} {
    %get3A = arith.constant 0 : index
    %get3A_0 = arith.constant 0 : index
    %get3A_1 = vector.load %arg1[%get3A, %get3A_0] : memref<1000x256xf32, #tpu.memory_space<vmem>>, vector<1000x256xf32>
    %broadcast_in_dim3A = vector.shape_cast %get3A_1 : vector<1000x256xf32> to vector<1x1000x256xf32>
    %get3A_2 = arith.constant 0 : index
    %get3A_3 = arith.constant 0 : index
    %get3A_4 = vector.load %arg2[%get3A_2, %get3A_3] : memref<8x256xf32, #tpu.memory_space<vmem>>, vector<8x256xf32>
    %broadcast_in_dim3A_5 = vector.shape_cast %get3A_4 : vector<8x256xf32> to vector<8x1x256xf32>
    %add3A = vector.broadcast %broadcast_in_dim3A : vector<1x1000x256xf32> to vector<8x1000x256xf32>
    %add3A_6 = vector.broadcast %broadcast_in_dim3A_5 : vector<8x1x256xf32> to vector<8x1000x256xf32>
    %add3A_7 = arith.addf %add3A, %add3A_6 : vector<8x1000x256xf32>
    %swap3A = arith.constant 0 : index
    %swap3A_8 = arith.constant 0 : index
    %swap3A_9 = arith.constant 0 : index
    %swap3A_10 = vector.load %arg3[%swap3A, %swap3A_8, %swap3A_9] : memref<8x1000x256xf32, #tpu.memory_space<vmem>>, vector<8x1000x256xf32>
    tpu.vector_store %arg3[%swap3A, %swap3A_8, %swap3A_9], %add3A_7 {strides = array<i32>} : memref<8x1000x256xf32, #tpu.memory_space<vmem>>, vector<8x1000x256xf32>,
    return
  }
  func.func @transform_0(%arg0: i32) -> (i32, i32) {
    %c0_i32 = arith.constant 0 : i32
    %c0_i32_0 = arith.constant 0 : i32
    %c0_i32_1 = arith.constant 0 : i32
    return %c0_i32, %c0_i32_0 : i32, i32
  }
  func.func @transform_1(%arg0: i32) -> (i32, i32) {
    %c0_i32 = arith.constant 0 : i32
    %c0_i32_0 = arith.constant 0 : i32
    return %arg0, %c0_i32 : i32, i32
  }
  func.func @transform_2(%arg0: i32) -> (i32, i32, i32) {
    %c0_i32 = arith.constant 0 : i32
    %c0_i32_0 = arith.constant 0 : i32
    %c0_i32_1 = arith.constant 0 : i32
    return %arg0, %c0_i32, %c0_i32_0 : i32, i32, i32
  }
}

</mosaic_0001>

<sc_bundles>
// kernel: _run.4.cloned.1.call-start
scs
__scs_entry_jumppad:
0x0: {  	(pc) =	sbr.rel $0x88, $3  }
0x1: {  	(tag) =	ssettag $0x0;
	lr =	simm.s32 $0x1  }
0x2: {  	[smem:$0x3F9E] =	sst lr;
	_ =	strace $0xD0000000  }
0x3: {  	_ = 	snop  }
0x4: {  	_ = 	snop  }
0x5: {  	_ = 	snop  }
0x6: {  	_ = 	snop  }
0x7: {  	_ = 	snop  }
__scs_overlays_trampoline_lowered:
0x8: {  	[smem:$0x3FAD] =	sst s0  }
0x9: {  	[smem:$0x3FAE] =	sst s1  }
0xa: {  	[smem:$0x3FAF] =	sst s2  }
0xb: {  	[smem:$0x3FB0] =	sst s3  }
0xc: {  	[smem:$0x3FB1] =	sst s4  }
0xd: {  	[smem:$0x3FB2] =	sst s5  }
0xe: {  	[smem:$0x3FB3] =	sst s6  }
0xf: {  	[smem:$0x3FB4] =	sst s7  }
0x10: {  	[smem:$0x3FB5] =	sst s8  }
0x11: {  	[smem:$0x3FB6] =	sst s9;
	s0 =	simm.s32 @!p0 $0x0  }
0x12: {  	s1 =	sld [smem:$0x3F9C];
	s0 =	simm.s32 @p0 $0x1  }
0x13: {  	[smem:$0x3FB7] =	sst s0;
	s0 =	simm.s32 @!p1 $0x0  }
0x14: {  	s2 =	sld [smem:$0x3F9B];
	s0 =	simm.s32 @p1 $0x1  }
0x15: {  	[smem:$0x3FB8] =	sst s0;
	s0 =	simm.s32 @!p2 $0x0  }
0x16: {  	s3 =	sld [smem:$0x3FDB];
	s0 =	simm.s32 @p2 $0x1  }
0x17: {  	s4 =	simm.s32 $0x1BF5;
	[smem:$0x3FBA] =	sst s0  }
0x18: {  	s0 =	sld [smem:$0x3F9D];
	_ =	swait.ge [sflag:s4], $0x0  }
0x19: {  	s7 =	sld [smem:$0x3F9E]  }
0x1a: {  	s8 =	sadd.s32 $0xFFFFE003, lr  }
0x1b: {  	s9 =	sadd.s32 $0xFFFFFEF7, lr;
	s5 =	simm.s32 $0xFFFFFFFF;
	p2 =	slt.u32 s8, $0xFFFFF086  }
0x1c: {  	p1 =	slt.u32 s9, $0xF7A;
	s5 =	simm.s32 @!p2 $0x0  }
0x1d: {  	s5 =	simm.s32 @p1 $0x1;
	p0 =	seq.s32 s7, s2  }
0x1e: {  	s7 =	smul.u32 @!p0 $0xF7A, s2;
	p2 =	seq.s32 @!p0 s5, $0x0  }
0x1f: {  	s9 =	smul.u32 $0xF7A, s1;
	s8 =	simm.s32 @!p0 $0x1BF5;
	p2 =	por !p2, p0  }
0x20: {  	[sflag:s8] =	ssyncset.s32 @!p0 $0xFFFFF086;
	s6 =	sadd.s32 @!p0 s3, s7;
	s7 =	simm.s32 @!p0 $0x108  }
0x21: {  	s3 =	sadd.s32 s3, s9;
	s6 =	sadd.s32 @!p0 $0x88, s6;
	s7 =	simm.s32 @p2 $0x1082  }
0x22: {  	[simem:s7], [sflag:s8] =	dma.local @!p0 [hbm:s6], $0xF7A  }
0x23: {  	s9 =	sor.u32 $0xD0000000, s2;
	s6 =	simm.s32 $0x108;
	_ =	swait.ge @!p0 [sflag:s8], $0x0  }
0x24: {  	s3 =	sadd.s32 $0x88, s3;
	s6 =	simm.s32 @!p1 $0x1082;
	[sflag:s4] =	ssyncset.s32 $0xFFFFF086  }
0x25: {  	[simem:s6], [sflag:s4] =	dma.local [hbm:s3], $0xF7A  }
0x26: {  	[smem:$0x3F9E] =	sst s1;
	(tag) =	ssettag s2;
	_ =	strace s9  }
0x27: {  	s1 =	sld [smem:$0x3FAE]  }
0x28: {  	s2 =	sld [smem:$0x3FAF]  }
0x29: {  	s4 =	sld [smem:$0x3FB1]  }
0x2a: {  	p0 =	seq.s32 s5, $0x0;
	s5 =	sld [smem:$0x3FB2]  }
0x2b: {  	s6 =	sld [smem:$0x3FB3]  }
0x2c: {  	s7 =	sld [smem:$0x3FB4]  }
0x2d: {  	s3 =	simm.s32 $0x108;
	s8 =	sld [smem:$0x3FB5]  }
0x2e: {  	s3 =	simm.s32 @!p0 $0x1082;
	s9 =	sld [smem:$0x3FB6]  }
0x2f: {  	lr =	sadd.s32 s0, s3;
	s0 =	sld [smem:$0x3FAD]  }
0x30: {  	s3 =	sld [smem:$0x3FB0]  }
0x31: {  	[smem:$0x3FB9] =	sst s10  }
0x32: {  	s10 =	sld [smem:$0x3FB7];
	_ =	sdelay $0x3  }
0x33: {  	p0 =	seq.s32 s10, $0x1;
	s10 =	sld [smem:$0x3FB9];
	_ =	sdelay $0x3  }
0x34: {  	[smem:$0x3FB9] =	sst s10  }
0x35: {  	s10 =	sld [smem:$0x3FB8];
	_ =	sdelay $0x3  }
0x36: {  	p1 =	seq.s32 s10, $0x1;
	s10 =	sld [smem:$0x3FB9];
	_ =	sdelay $0x3  }
0x37: {  	[smem:$0x3FB9] =	sst s10  }
0x38: {  	s10 =	sld [smem:$0x3FBA]  }
0x39: {  	_ = 	snop;
	(pc) =	sbr.ind lr, $3  }
0x3a: {  	_ = 	snop  }
0x3b: {  	_ = 	snop  }
0x3c: {  	p2 =	seq.s32 s10, $0x1;
	s10 =	sld [smem:$0x3FB9]  }
0x3d: {  	_ =	shalt  }
0x3e: {  	_ =	shalt  }
0x3f: {  	_ =	shalt  }
0x40: {  	_ =	shalt  }
0x41: {  	_ =	shalt  }
0x42: {  	_ =	shalt  }
0x43: {  	_ =	shalt  }
0x44: {  	_ =	shalt  }
0x45: {  	_ =	shalt  }
0x46: {  	_ =	shalt  }
0x47: {  	_ =	shalt  }
0x48: {  	_ =	shalt  }
0x49: {  	_ =	shalt  }
0x4a: {  	_ =	shalt  }
0x4b: {  	_ =	shalt  }
0x4c: {  	_ =	shalt  }
0x4d: {  	_ =	shalt  }
0x4e: {  	_ =	shalt  }
0x4f: {  	_ =	shalt  }
0x50: {  	_ =	shalt  }
0x51: {  	_ =	shalt  }
0x52: {  	_ =	shalt  }
0x53: {  	_ =	shalt  }
0x54: {  	_ =	shalt  }
0x55: {  	_ =	shalt  }
0x56: {  	_ =	shalt  }
0x57: {  	_ =	shalt  }
0x58: {  	_ =	shalt  }
0x59: {  	_ =	shalt  }
0x5a: {  	_ =	shalt  }
0x5b: {  	_ =	shalt  }
0x5c: {  	_ =	shalt  }
0x5d: {  	_ =	shalt  }
0x5e: {  	_ =	shalt  }
0x5f: {  	_ =	shalt  }
0x60: {  	_ =	shalt  }
0x61: {  	_ =	shalt  }
0x62: {  	_ =	shalt  }
0x63: {  	_ =	shalt  }
0x64: {  	_ =	shalt  }
0x65: {  	_ =	shalt  }
0x66: {  	_ =	shalt  }
0x67: {  	_ =	shalt  }
0x68: {  	_ =	shalt  }
0x69: {  	_ =	shalt  }
0x6a: {  	_ =	shalt  }
0x6b: {  	_ =	shalt  }
0x6c: {  	_ =	shalt  }
0x6d: {  	_ =	shalt  }
0x6e: {  	_ =	shalt  }
0x6f: {  	_ =	shalt  }
0x70: {  	_ =	shalt  }
0x71: {  	_ =	shalt  }
0x72: {  	_ =	shalt  }
0x73: {  	_ =	shalt  }
0x74: {  	_ =	shalt  }
0x75: {  	_ =	shalt  }
0x76: {  	_ =	shalt  }
0x77: {  	_ =	shalt  }
0x78: {  	_ =	shalt  }
0x79: {  	_ =	shalt  }
0x7a: {  	_ =	shalt  }
0x7b: {  	_ =	shalt  }
0x7c: {  	_ =	shalt  }
0x7d: {  	_ =	shalt  }
0x7e: {  	_ =	shalt  }
0x7f: {  	_ =	shalt  }
0x80: {  	_ =	shalt  }
0x81: {  	_ =	shalt  }
0x82: {  	_ =	shalt  }
0x83: {  	_ =	shalt  }
0x84: {  	_ =	shalt  }
0x85: {  	_ =	shalt  }
0x86: {  	_ =	shalt  }
0x87: {  	_ =	shalt  }
.Lfunc_end0:
.L_simem_size_0:
called_computation_lowered:
.L_overlay_start_0:
0x88: {  	s2 =	sld [smem:$0x3FD9]  }
0x89: {  	s3 =	sld [smem:$0x3FFE];
	_ =	sdelay $0x1  }
0x8a: {  	s1 =	srdreg.scid  }
0x8b: {  	s0 =	sand.u32 $0x1, s1  }
0x8c: {  	s17 =	sshll.u32 s0, $0xA;
	s2 =	sadd.s32 s3, s2  }
0x8d: {  	s2 =	sadd.s32 s2, s17  }
0x8e: {  	[smem:$0x3FC5] =	sst s2  }
0x8f: {  	_ = 	snop  }
0x90: {  	s2 =	sld [smem:$0x3FC9]  }
0x91: {  	s18 =	sld [smem:$0x3FD0];
	(tm) =	ssettm $0x1  }
0x92: {  	s4 =	sld [smem:$0x3FFB];
	_ =	sdelay $0x3  }
0x93: {  	_ =	strace s4  }
0x94: {  	s4 =	sld [smem:$0x3FFC];
	_ =	sdelay $0x3  }
0x95: {  	_ =	strace s4  }
0x96: {  	s4 =	sld [smem:$0x3FFD];
	_ =	sdelay $0x3  }
0x97: {  	_ =	strace s4  }
0x98: {  	_ =	strace $0x8FFFFFFF  }
0x99: {  	s19 =	sld [smem:$0x3FDB];
	_ =	sdelay $0x1  }
0x9a: {  	s5 =	simm.s32 $_scs_section_size  }
0x9b: {  	s6 =	simm.s32 $_size__tile_overlayer_lowered;
	s7 =	simm.s32 $_tile_overlayer_lowered  }
0x9c: {  	s22 =	simm.s32 $0x1BFF;
	s21 =	sshll.u32 s7, $0x1;
	s4 =	sadd.s32 s5, s19  }
0x9d: {  	s8 =	simm.s32 $0x0;
	s20 =	sshll.u32 s6, $0x1;
	s6 =	sadd.s32 s21, s4  }
0x9e: {  	[timem:s8], [sflag:s22] =	dma.local [hbm:s6], s20  }
0x9f: {  	_ =	swait.ge [sflag:s22], s20  }
0xa0: {  	s5 =	ssub.s32 $0x0, s20;
	[sflag:s22] =	ssyncset.done $0x0  }
0xa1: {  	[sflag:s22] =	ssyncadd.s32 s5;
	_ =	sdelay $0x1  }
0xa2: {  	s23 =	simm.s32 $0x1B8B  }
0xa3: {  	_ =	swait.ge [sflag:s23], $0x1  }
0xa4: {  	[sflag:s23] =	ssyncset.done $0x0  }
0xa5: {  	s25 =	simm.s32 $0x1B8E;
	s24 =	sld [smem:$0x3FFE];
	[sflag:s23] =	ssyncadd.s32 $0xFFFFFFFF  }
0xa6: {  	s26 =	simm.s32 $execute0_lowered;
	[smem:$0x3FD2] =	sst s25  }
0xa7: {  	s6 =	sshll.u32 s26, $0x1;
	_ =	strace $0x80000046;
	[dreg:$0x1] =	wrdreg $0xFFFFFFFF  }
0xa8: {  	s28 =	simm.s32 $_size_execute0_lowered;
	s4 =	sadd.s32 s4, s6;
	[dreg:$0x0] =	wrdreg $0x0  }
0xa9: {  	s6 =	sshll.u32 s28, $0x1;
	[dreg:$0x2] =	wrdreg s4  }
0xaa: {  	[dreg:$0x3] =	wrdreg s6  }
0xab: {  	[dreg:$0x4] =	wrdreg $0xC0  }
0xac: {  	_ =	task [dreg:s8], $0x5FFFF  }
0xad: {  	[dreg:$0x1] =	wrdreg $0xFFFFFFFF  }
0xae: {  	[dreg:$0x0] =	wrdreg $0x60  }
0xaf: {  	[dreg:$0x2] =	wrdreg s2  }
0xb0: {  	[dreg:$0x3] =	wrdreg s24  }
0xb1: {  	[dreg:$0x4] =	wrdreg s18  }
0xb2: {  	[dreg:$0x5] =	wrdreg $0x9  }
0xb3: {  	_ =	task.clear_ibuf [dreg:s8], $0x6FFFF;
	_ =	strace $0x90000046  }
0xb4: {  	s29 =	simm.s32 $0x9;
	_ =	strace $0x80000048  }
0xb5: {  	_ =	swait.ge [sflag:s29], $0x1  }
0xb6: {  	[sflag:s29] =	ssyncadd.s32 $0xFFFFFFFF  }
0xb7: {  	_ =	strace $0x90000048  }
0xb8: {  	_ =	sfence  }
0xb9: {  	s30 =	sld [smem:$0x0];
	_ =	sdelay $0x2  }
0xba: {  	s31 =	sshll.u32 s1, $0xD;
	s1 =	sshrl.u32 s1, $0x2  }
0xbb: {  	s3 =	sand.u32 $0x4000, s31;
	s1 =	sadd.s32 s1, s30  }
0xbc: {  	s0 =	sor.u32 s3, s0;
	s1 =	sshll.u32 s1, $0x11  }
0xbd: {  	s0 =	sor.u32 s1, s0  }
0xbe: {  	s0 =	sadd.s32 $0x8F2B, s0  }
0xbf: {  	[sflag:s0] =	ssyncadd.remote.s32 $0x1  }
0xc0: {  	_ =	sfence.sel $0xFFFF  }
0xc1: {  	[dreg:$0x0] =	wrdreg $0xFFFFFFFF;
	(pc) =	sbr.abs _section_cstart, $3  }
0xc2: {  	[dreg:$0x1] =	wrdreg $0xFFFFFFFF  }
0xc3: {  	_ =	task.clear_ibuf [dreg:s8], $0x2FFFF;
	_ =	strace $0x9FFFFFFF  }
0xc4: {  	(tm) =	ssettm $0x7FFFFFFF  }
0xc5: {  	_ =	shalt  }
tec
execute0_lowered:
.L_overlay_start_1:
0x0: {  	(tag) =	ssettag $0x1  }
0x1: {  	s0 =	rddreg [dreg:$0x0]  }
0x2: {  	s2 =	srdreg.scid;
	s1 =	rddreg [dreg:$0x1]  }
0x3: {  	s5 =	rddreg [dreg:$0x2];
	s3 =	sand.u32 $0x1, s2;
	s2 =	simm.s32 $0x0  }
0x4: {  	s7 =	sadd.s32 $0xF800, s1;
	[smem:$0x7FF] =	sst s2  }
0x5: {  	s10 =	sadd.s32 $0xF000, s1;
	_ =	strace $0x80000047;
	[dreg:$0x6] =	wrdreg s7  }
0x6: {  	s11 =	sadd.s32 $0xE800, s1;
	[dreg:$0x7] =	wrdreg s10  }
0x7: {  	s12 =	sadd.s32 $0xE000, s1;
	[dreg:$0x8] =	wrdreg s11  }
0x8: {  	s14 =	sadd.s32 $0xD800, s1;
	[dreg:$0x9] =	wrdreg s12  }
0x9: {  	s16 =	sadd.s32 $0xD000, s1;
	[dreg:$0xa] =	wrdreg s14  }
0xa: {  	s17 =	sadd.s32 $0xC800, s1;
	[dreg:$0xb] =	wrdreg s16  }
0xb: {  	s18 =	sadd.s32 $0xC000, s1;
	[dreg:$0xc] =	wrdreg s17  }
0xc: {  	s19 =	sadd.s32 $0xB800, s1;
	[dreg:$0xd] =	wrdreg s18  }
0xd: {  	s20 =	sadd.s32 $0xB000, s1;
	[dreg:$0xe] =	wrdreg s19  }
0xe: {  	s22 =	sadd.s32 $0xA800, s1;
	[dreg:$0xf] =	wrdreg s20  }
0xf: {  	s23 =	sadd.s32 $0xA000, s1;
	[dreg:$0x10] =	wrdreg s22  }
0x10: {  	s25 =	sadd.s32 $0x9800, s1;
	[dreg:$0x11] =	wrdreg s23  }
0x11: {  	s26 =	sadd.s32 $0x9000, s1;
	[dreg:$0x12] =	wrdreg s25  }
0x12: {  	s28 =	sadd.s32 $0x8000, s1;
	[dreg:$0x13] =	wrdreg s26  }
0x13: {  	s29 =	sadd.s32 $0x7800, s1;
	[dreg:$0x14] =	wrdreg s28  }
0x14: {  	s31 =	sadd.s32 $0x7000, s1;
	[dreg:$0x15] =	wrdreg s29  }
0x15: {  	[dreg:$0x16] =	wrdreg s31;
	s11 =	sadd.s32 $0x6000, s1  }
0x16: {  	s17 =	sadd.s32 $0x4800, s1;
	[dreg:$0x18] =	wrdreg s11  }
0x17: {  	s19 =	sadd.s32 $0x4000, s1;
	[dreg:$0x1b] =	wrdreg s17  }
0x18: {  	s8 =	stileid.u32;
	s23 =	sadd.s32 $0x3000, s1;
	[dreg:$0x1c] =	wrdreg s19  }
0x19: {  	s4 =	smul.u32 $0x640000, s8;
	s25 =	sadd.s32 $0x2800, s1;
	[dreg:$0x1e] =	wrdreg s23  }
0x1a: {  	s6 =	smul.u32 $0x320000, s3;
	s28 =	sadd.s32 $0x2000, s1;
	[dreg:$0x1f] =	wrdreg s25  }
0x1b: {  	s13 =	ssub.s32 $0x2, s3;
	s10 =	sadd.s32 $0x800, s1;
	[smem:$0x7E1] =	sst s28  }
0x1c: {  	s9 =	sadd.s32 s6, s4;
	s6 =	sadd.s32 $0x10000, s1;
	[smem:$0x7FD] =	sst s10  }
0x1d: {  	s24 =	smul.u32 $0x32000, s8;
	s15 =	sshrl.u32 s13, $0x1;
	[dreg:$0x5] =	wrdreg s6  }
0x1e: {  	s7 =	sshll.u32 s8, $0x1;
	s4 =	sadd.s32 s5, s9;
	[smem:$0x7FC] =	sst s9  }
0x1f: {  	s5 =	ssub.s32 s13, s15;
	s13 =	sadd.s32 $0x5800, s1;
	[dreg:$0x4] =	wrdreg s4  }
0x20: {  	s7 =	sor.u32 s3, s7;
	s15 =	sadd.s32 $0x5000, s1;
	[dreg:$0x19] =	wrdreg s13  }
0x21: {  	s7 =	smul.u32 $0x19000, s7;
	s5 =	smax.u32 s5, $0x1;
	[dreg:$0x1a] =	wrdreg s15  }
0x22: {  	s3 =	smul.u32 $0x19000, s3;
	s13 =	simm.s32 $0x400;
	[smem:$0x7D4] =	sst s5  }
0x23: {  	s21 =	sshrl.u32 s7, $0x3;
	s7 =	sadd.s32 $0x6800, s1;
	[smem:$0x7EA] =	sst s13  }
0x24: {  	s5 =	sadd.s32 s3, s24;
	[dreg:$0x17] =	wrdreg s7  }
0x25: {  	s6 =	sadd.s32 s0, s21;
	[smem:$0x7FA] =	sst s5  }
0x26: {  	s30 =	sor.u32 $0x7C0, s5;
	[smem:$0x7D3] =	sst s6  }
0x27: {  	s8 =	sor.u32 $0x740, s5;
	[smem:$0x7D5] =	sst s30  }
0x28: {  	s12 =	sor.u32 $0x700, s5;
	[smem:$0x7D7] =	sst s8  }
0x29: {  	s14 =	sor.u32 $0x6C0, s5;
	[smem:$0x7D8] =	sst s12  }
0x2a: {  	s16 =	sor.u32 $0x680, s5;
	[smem:$0x7D9] =	sst s14  }
0x2b: {  	s18 =	sor.u32 $0x640, s5;
	[smem:$0x7DA] =	sst s16  }
0x2c: {  	s20 =	sor.u32 $0x600, s5;
	[smem:$0x7DB] =	sst s18  }
0x2d: {  	s22 =	sor.u32 $0x5C0, s5;
	[smem:$0x7DC] =	sst s20  }
0x2e: {  	s21 =	sadd.s32 $0x3800, s1;
	[smem:$0x7DD] =	sst s22  }
0x2f: {  	s24 =	sor.u32 $0x580, s5;
	[dreg:$0x1d] =	wrdreg s21  }
0x30: {  	s26 =	sor.u32 $0x540, s5;
	[smem:$0x7DE] =	sst s24  }
0x31: {  	s29 =	sor.u32 $0x500, s5;
	[smem:$0x7DF] =	sst s26  }
0x32: {  	s31 =	sor.u32 $0x4C0, s5;
	[smem:$0x7E0] =	sst s29  }
0x33: {  	s7 =	sor.u32 $0x400, s5;
	[smem:$0x7E2] =	sst s31  }
0x34: {  	s15 =	sor.u32 $0x440, s5;
	[smem:$0x7E6] =	sst s7  }
0x35: {  	s17 =	sor.u32 $0x380, s5;
	[smem:$0x7EB] =	sst s15  }
0x36: {  	s19 =	sor.u32 $0x300, s5;
	[smem:$0x7ED] =	sst s17  }
0x37: {  	s23 =	sor.u32 $0x200, s5;
	[smem:$0x7EF] =	sst s19  }
0x38: {  	s25 =	sor.u32 $0x180, s5;
	[smem:$0x7F3] =	sst s23  }
0x39: {  	s28 =	sor.u32 $0x100, s5;
	[smem:$0x7F5] =	sst s25  }
0x3a: {  	s6 =	sor.u32 $0x780, s5;
	[smem:$0x7F7] =	sst s28  }
0x3b: {  	s30 =	sadd.s32 $0x1800, s1;
	[smem:$0x7D6] =	sst s6  }
0x3c: {  	s14 =	sor.u32 $0x480, s5;
	[smem:$0x7E3] =	sst s30  }
0x3d: {  	s16 =	sor.u32 $0x3C0, s5;
	[smem:$0x7E9] =	sst s14  }
0x3e: {  	s18 =	sor.u32 $0x340, s5;
	[smem:$0x7EC] =	sst s16  }
0x3f: {  	s20 =	sor.u32 $0x2C0, s5;
	[smem:$0x7EE] =	sst s18  }
0x40: {  	s21 =	sor.u32 $0x280, s5;
	[smem:$0x7F0] =	sst s20  }
0x41: {  	s22 =	sor.u32 $0x240, s5;
	[smem:$0x7F1] =	sst s21  }
0x42: {  	s24 =	sor.u32 $0x1C0, s5;
	[smem:$0x7F2] =	sst s22  }
0x43: {  	s3 =	simm.s32 $0x0;
	s26 =	sor.u32 $0x140, s5;
	[smem:$0x7F4] =	sst s24  }
0x44: {  	s11 =	sor.u32 $0x800, s5;
	s29 =	sor.u32 $0xC0, s5;
	[smem:$0x7F6] =	sst s26  }
0x45: {  	s8 =	sshrl.u32 s7, $0x3;
	s31 =	sor.u32 $0x40, s5;
	[smem:$0x7F8] =	sst s29  }
0x46: {  	v0 =	vlaneseq.u32;
	s12 =	sshrl.u32 s11, $0x3;
	s6 =	sadd.s32 $0x1000, s1;
	[smem:$0x7FB] =	sst s31  }
0x47: {  	vm0 =	vmmov $0xffff;
	v1 =	vmul.u32 $0x3E8, v0;
	s25 =	simm.s32 $0x6;
	s1 =	sadd.s32 $0x8800, s1;
	[smem:$0x7E4] =	sst s6  }
0x48: {  	v12 =	vimm.s32 $0xFFFFFF38;
	v6 =	vshrl.u32 v0, $0x3;
	v5 =	vand.u32 $0x7, v0;
	s30 =	sor.u32 $0x80, s5;
	s18 =	simm.s32 $0x3;
	[smem:$0x7E5] =	sst s1  }
0x49: {  	v7 =	vor.u32 $0x8, v0;
	v6 =	vmul.u32 $0x8, v6;
	v2 =	vadd.s32 $0x3E80, v1;
	s20 =	simm.s32 $0x4;
	s1 =	sadd.s32 s8, s0;
	[smem:$0x7F9] =	sst s30  }
0x4a: {  	v3 =	vadd.s32 $0x7D00, v1;
	v4 =	vadd.s32 $0xBB80, v1;
	v8 =	vadd.s32 $0xFA00, v1;
	s24 =	simm.s32 $0x5;
	s0 =	sadd.s32 s12, s0;
	[smem:$0x7E7] =	sst s1  }
0x4b: {  	v9 =	vadd.s32 $0x13880, v1;
	v10 =	vadd.s32 $0x17700, v1;
	v11 =	vadd.s32 $0x1B580, v1;
	s12 =	simm.s32 $0x4800;
	[smem:$0x7E8] =	sst s0;
	s1 =	simm.s32 $0x800  }
.LBB2_1:
0x4c: {  	s0 =	sld [smem:$0x7D3];
	_ =	sdelay $0x1  }
0x4d: {  	[smem:$0x7C0] =	sst s3;
	s4 =	simm.s32 $0xB  }
0x4e: {  	[tilespmem:s2], [sflag:$0xB] =	stream.linear.gather [hbm4b:s0+s2], $0x400, $0x38;
	[tilespmem:$0x10800] =	vst v63  }
0x4f: {  	_ =	swait.ge [sflag:s4], $0x400  }
0x50: {  	[sflag:s4] =	ssyncset.done $0x0  }
0x51: {  	[sflag:s4] =	ssyncadd.s32 $0xFFFFFC00  }
0x52: {  	v13 =	vld [tilespmem:$0x0];
	_ =	sdelay $0x4  }
0x53: {  	v14 =	vadd.s32 v1, v13  }
0x54: {  	v15 =	vshll.u32 v14, $0x1  }
0x55: {  	v16 =	vld [tilespmem:$0x10];
	v13 =	vand.u32 $0x7, v13;
	v15 =	vand.u32 $0xFFFFFFF0, v15  }
0x56: {  	v17 =	vld [tilespmem:$0x20];
	v13 =	vor.u32 v13, v15  }
0x57: {  	v15 =	vld [tilespmem:$0x30];
	v18 =	vperm.xlane v13, v5;
	_ =	sdelay $0x1  }
0x58: {  	v13 =	vperm.xlane v13, v7;
	v18 =	vadd.s32 v6, v18  }
0x59: {  	[tilespmem:$0x0] =	vst v14;
	v14 =	vadd.s32 v2, v16  }
0x5a: {  	[tilespmem:$0x10] =	vst v14;
	v14 =	vadd.s32 v3, v17;
	v13 =	vadd.s32 v6, v13  }
0x5b: {  	[tilespmem:$0x20] =	vst v14;
	v14 =	vadd.s32 v4, v15  }
0x5c: {  	[tilespmem:$0x30] =	vst v14  }
0x5d: {  	[tilespmem:s1], [sflag:$0x3] =	stream.indirect_vreg.gather [hbm4b:s10+s2], $0x80, v18, vm0, $0xb8;
	[tilespmem:$0x10800] =	vst v63  }
0x5e: {  	s5 =	simm.s32 $0x1000  }
0x5f: {  	[tilespmem:s5], [sflag:$0x3] =	stream.indirect_vreg.gather [hbm4b:s10+s2], $0x80, v13, vm0, $0xb8;
	[tilespmem:$0x10800] =	vst v63  }
0x60: {  	v13 =	vld [tilespmem:$0x10];
	_ =	sdelay $0x4  }
0x61: {  	v14 =	vshll.u32 v13, $0x1  }
0x62: {  	v13 =	vand.u32 $0x7, v13;
	v14 =	vand.u32 $0xFFFFFFF0, v14  }
0x63: {  	v13 =	vor.u32 v13, v14  }
0x64: {  	v14 =	vperm.xlane v13, v5;
	_ =	sdelay $0x1  }
0x65: {  	v13 =	vperm.xlane v13, v7;
	v14 =	vadd.s32 v6, v14;
	_ =	sdelay $0x1  }
0x66: {  	v13 =	vadd.s32 v6, v13;
	_ =	sdelay $0x1  }
0x67: {  	s6 =	simm.s32 $0x1800  }
0x68: {  	[tilespmem:s6], [sflag:$0x3] =	stream.indirect_vreg.gather [hbm4b:s10+s2], $0x80, v14, vm0, $0xb8;
	[tilespmem:$0x10800] =	vst v63  }
0x69: {  	s7 =	simm.s32 $0x2000  }
0x6a: {  	[tilespmem:s7], [sflag:$0x3] =	stream.indirect_vreg.gather [hbm4b:s10+s2], $0x80, v13, vm0, $0xb8;
	[tilespmem:$0x10800] =	vst v63  }
0x6b: {  	v13 =	vld [tilespmem:$0x20];
	_ =	sdelay $0x4  }
0x6c: {  	v14 =	vshll.u32 v13, $0x1  }
0x6d: {  	v13 =	vand.u32 $0x7, v13;
	v14 =	vand.u32 $0xFFFFFFF0, v14  }
0x6e: {  	v13 =	vor.u32 v13, v14  }
0x6f: {  	v14 =	vperm.xlane v13, v5;
	_ =	sdelay $0x1  }
0x70: {  	v13 =	vperm.xlane v13, v7;
	v14 =	vadd.s32 v6, v14;
	_ =	sdelay $0x1  }
0x71: {  	v13 =	vadd.s32 v6, v13;
	_ =	sdelay $0x1  }
0x72: {  	s8 =	simm.s32 $0x2800  }
0x73: {  	[tilespmem:s8], [sflag:$0x3] =	stream.indirect_vreg.gather [hbm4b:s10+s2], $0x80, v14, vm0, $0xb8;
	[tilespmem:$0x10800] =	vst v63  }
0x74: {  	s11 =	simm.s32 $0x3000  }
0x75: {  	[tilespmem:s11], [sflag:$0x3] =	stream.indirect_vreg.gather [hbm4b:s10+s2], $0x80, v13, vm0, $0xb8;
	[tilespmem:$0x10800] =	vst v63  }
0x76: {  	v13 =	vld [tilespmem:$0x30];
	_ =	sdelay $0x4  }
0x77: {  	v14 =	vshll.u32 v13, $0x1  }
0x78: {  	v13 =	vand.u32 $0x7, v13;
	v14 =	vand.u32 $0xFFFFFFF0, v14  }
0x79: {  	v13 =	vor.u32 v13, v14  }
0x7a: {  	v14 =	vperm.xlane v13, v5;
	_ =	sdelay $0x1  }
0x7b: {  	v13 =	vperm.xlane v13, v7;
	v14 =	vadd.s32 v6, v14;
	_ =	sdelay $0x1  }
0x7c: {  	v13 =	vadd.s32 v6, v13;
	_ =	sdelay $0x1  }
0x7d: {  	s13 =	simm.s32 $0x3800  }
0x7e: {  	[tilespmem:s13], [sflag:$0x3] =	stream.indirect_vreg.gather [hbm4b:s10+s2], $0x80, v14, vm0, $0xb8;
	[tilespmem:$0x10800] =	vst v63  }
0x7f: {  	s14 =	simm.s32 $0x4000  }
0x80: {  	[tilespmem:s14], [sflag:$0x3] =	stream.indirect_vreg.gather [hbm4b:s10+s2], $0x80, v13, vm0, $0xb8;
	[tilespmem:$0x10800] =	vst v63  }
0x81: {  	v13 =	vld [tilespmem:$0x40];
	_ =	sdelay $0x4  }
0x82: {  	v14 =	vadd.s32 v8, v13  }
0x83: {  	v15 =	vshll.u32 v14, $0x1  }
0x84: {  	v61 =	vld [tilespmem:$0x50];
	v13 =	vand.u32 $0x7, v13;
	v15 =	vand.u32 $0xFFFFFFF0, v15  }
0x85: {  	v62 =	vld [tilespmem:$0x60];
	v13 =	vor.u32 v13, v15  }
0x86: {  	v15 =	vld [tilespmem:$0x70];
	v63 =	vperm.xlane v13, v5;
	_ =	sdelay $0x1  }
0x87: {  	v13 =	vperm.xlane v13, v7;
	v18 =	vadd.s32 v6, v63  }
0x88: {  	[tilespmem:$0x40] =	vst v14;
	v14 =	vadd.s32 v9, v61  }
0x89: {  	[tilespmem:$0x50] =	vst v14;
	v14 =	vadd.s32 v10, v62;
	v13 =	vadd.s32 v6, v13  }
0x8a: {  	[tilespmem:$0x60] =	vst v14;
	v14 =	vadd.s32 v11, v15  }
0x8b: {  	[tilespmem:$0x70] =	vst v14  }
0x8c: {  	[tilespmem:s12], [sflag:$0x4] =	stream.indirect_vreg.gather [hbm4b:s10+s2], $0x80, v18, vm0, $0xb8;
	[tilespmem:$0x10800] =	vst v63  }
0x8d: {  	s15 =	simm.s32 $0x5000  }
0x8e: {  	[tilespmem:s15], [sflag:$0x4] =	stream.indirect_vreg.gather [hbm4b:s10+s2], $0x80, v13, vm0, $0xb8;
	[tilespmem:$0x10800] =	vst v63  }
0x8f: {  	v13 =	vld [tilespmem:$0x50];
	_ =	sdelay $0x4  }
0x90: {  	s3 =	sld [smem:$0x7E7];
	v14 =	vshll.u32 v13, $0x1  }
0x91: {  	s0 =	sld [smem:$0x7F9];
	v13 =	vand.u32 $0x7, v13;
	v14 =	vand.u32 $0xFFFFFFF0, v14  }
0x92: {  	s30 =	sld [smem:$0x7F6];
	v13 =	vor.u32 v13, v14  }
0x93: {  	s26 =	sld [smem:$0x7EF];
	v14 =	vperm.xlane v13, v5  }
0x94: {  	s29 =	sld [smem:$0x7EE]  }
0x95: {  	s31 =	sld [smem:$0x7ED];
	v13 =	vperm.xlane v13, v7;
	v14 =	vadd.s32 v6, v14  }
0x96: {  	[smem:$0x7C1] =	sst s26  }
0x97: {  	[smem:$0x7C2] =	sst s29;
	v13 =	vadd.s32 v6, v13  }
0x98: {  	[smem:$0x7C3] =	sst s31  }
0x99: {  	s16 =	simm.s32 $0x5800;
	s26 =	sld [smem:$0x7DF]  }
0x9a: {  	[tilespmem:s16], [sflag:$0x4] =	stream.indirect_vreg.gather [hbm4b:s10+s2], $0x80, v14, vm0, $0xb8;
	[tilespmem:$0x10800] =	vst v63  }
0x9b: {  	s17 =	simm.s32 $0x6000;
	s29 =	sld [smem:$0x7DD]  }
0x9c: {  	[tilespmem:s17], [sflag:$0x4] =	stream.indirect_vreg.gather [hbm4b:s10+s2], $0x80, v13, vm0, $0xb8;
	[tilespmem:$0x10800] =	vst v63  }
0x9d: {  	s31 =	sld [smem:$0x7DC];
	v13 =	vld [tilespmem:$0x60]  }
0x9e: {  	[smem:$0x7C9] =	sst s26  }
0x9f: {  	[smem:$0x7CA] =	sst s29  }
0xa0: {  	[smem:$0x7CB] =	sst s31  }
0xa1: {  	s26 =	sld [smem:$0x7D7]  }
0xa2: {  	s29 =	sld [smem:$0x7D6];
	v14 =	vshll.u32 v13, $0x1  }
0xa3: {  	s31 =	sld [smem:$0x7D5];
	v13 =	vand.u32 $0x7, v13;
	v14 =	vand.u32 $0xFFFFFFF0, v14  }
0xa4: {  	[smem:$0x7D0] =	sst s26;
	v13 =	vor.u32 v13, v14  }
0xa5: {  	[smem:$0x7D1] =	sst s29;
	v14 =	vperm.xlane v13, v5  }
0xa6: {  	s6 =	sld [smem:$0x7EC]  }
0xa7: {  	[smem:$0x7D2] =	sst s31;
	v13 =	vperm.xlane v13, v7;
	v14 =	vadd.s32 v6, v14  }
0xa8: {  	s5 =	sld [smem:$0x7FB]  }
0xa9: {  	[smem:$0x7C4] =	sst s6;
	v13 =	vadd.s32 v6, v13  }
0xaa: {  	s6 =	sld [smem:$0x7DB]  }
0xab: {  	s19 =	simm.s32 $0x6800;
	s7 =	sld [smem:$0x7F1]  }
0xac: {  	[tilespmem:s19], [sflag:$0x4] =	stream.indirect_vreg.gather [hbm4b:s10+s2], $0x80, v14, vm0, $0xb8;
	[tilespmem:$0x10800] =	vst v63  }
0xad: {  	s21 =	simm.s32 $0x7000;
	[smem:$0x7CC] =	sst s6  }
0xae: {  	[tilespmem:s21], [sflag:$0x4] =	stream.indirect_vreg.gather [hbm4b:s10+s2], $0x80, v13, vm0, $0xb8;
	[tilespmem:$0x10800] =	vst v63  }
0xaf: {  	s8 =	sld [smem:$0x7F4];
	v13 =	vld [tilespmem:$0x70]  }
0xb0: {  	s11 =	sld [smem:$0x7E8]  }
0xb1: {  	s12 =	sld [smem:$0x7E9]  }
0xb2: {  	s13 =	sld [smem:$0x7E6]  }
0xb3: {  	s15 =	sld [smem:$0x7E2]  }
0xb4: {  	[smem:$0x7C6] =	sst s12;
	v14 =	vshll.u32 v13, $0x1  }
0xb5: {  	s12 =	sld [smem:$0x7D9];
	v13 =	vand.u32 $0x7, v13;
	v14 =	vand.u32 $0xFFFFFFF0, v14  }
0xb6: {  	[smem:$0x7C7] =	sst s15;
	v13 =	vor.u32 v13, v14  }
0xb7: {  	s15 =	sld [smem:$0x7D8];
	v14 =	vperm.xlane v13, v5  }
0xb8: {  	s14 =	sld [smem:$0x7F7]  }
0xb9: {  	[smem:$0x7CE] =	sst s12;
	v13 =	vperm.xlane v13, v7;
	v14 =	vadd.s32 v6, v14  }
0xba: {  	[smem:$0x7CF] =	sst s15  }
0xbb: {  	s15 =	sld [smem:$0x7FA];
	v13 =	vadd.s32 v6, v13  }
0xbc: {  	s16 =	sld [smem:$0x7F0]  }
0xbd: {  	s22 =	simm.s32 $0x7800;
	s17 =	sld [smem:$0x7F5]  }
0xbe: {  	[tilespmem:s22], [sflag:$0x4] =	stream.indirect_vreg.gather [hbm4b:s10+s2], $0x80, v14, vm0, $0xb8;
	[tilespmem:$0x10800] =	vst v63  }
0xbf: {  	s23 =	simm.s32 $0x8000;
	s19 =	sld [smem:$0x7F3]  }
0xc0: {  	[tilespmem:s23], [sflag:$0x4] =	stream.indirect_vreg.gather [hbm4b:s10+s2], $0x80, v13, vm0, $0xb8;
	[tilespmem:$0x10800] =	vst v63  }
0xc1: {  	s10 =	sld [smem:$0x7EB]  }
0xc2: {  	s23 =	sld [smem:$0x7E0]  }
0xc3: {  	s21 =	sld [smem:$0x7F2]  }
0xc4: {  	[smem:$0x7C5] =	sst s10  }
0xc5: {  	[smem:$0x7C8] =	sst s23  }
0xc6: {  	s10 =	sld [smem:$0x7DA]  }
0xc7: {  	s23 =	sld [smem:$0x7DE]  }
0xc8: {  	s22 =	sld [smem:$0x7F8]  }
0xc9: {  	s28 =	simm.s32 $0x0;
	s4 =	simm.s32 $0x80;
	[smem:$0x7CD] =	sst s10  }
.LBB2_2:
0xca: {  	[smem:$0x7A8] =	sst s23  }
0xcb: {  	[smem:$0x798] =	sst s19  }
0xcc: {  	[smem:$0x7B3] =	sst s3  }
0xcd: {  	[smem:$0x7A0] =	sst s11  }
0xce: {  	s1 =	rddreg [dreg:$0x5]  }
0xcf: {  	s19 =	rddreg [dreg:$0x6]  }
0xd0: {  	s23 =	rddreg [dreg:$0x7]  }
0xd1: {  	s26 =	rddreg [dreg:$0x8]  }
0xd2: {  	s29 =	rddreg [dreg:$0x9]  }
0xd3: {  	s31 =	rddreg [dreg:$0xa]  }
0xd4: {  	s6 =	rddreg [dreg:$0xb]  }
0xd5: {  	s10 =	rddreg [dreg:$0xc]  }
0xd6: {  	s11 =	rddreg [dreg:$0xd]  }
0xd7: {  	s12 =	rddreg [dreg:$0xe]  }
0xd8: {  	[smem:$0x7B4] =	sst s15  }
0xd9: {  	[smem:$0x7B2] =	sst s1  }
0xda: {  	[smem:$0x7B1] =	sst s19  }
0xdb: {  	[smem:$0x7B0] =	sst s23  }
0xdc: {  	[smem:$0x7AF] =	sst s26  }
0xdd: {  	[smem:$0x7AE] =	sst s29  }
0xde: {  	[smem:$0x7AD] =	sst s31  }
0xdf: {  	[smem:$0x7AC] =	sst s6  }
0xe0: {  	[smem:$0x7AB] =	sst s10  }
0xe1: {  	[smem:$0x7AA] =	sst s11  }
0xe2: {  	[smem:$0x7A9] =	sst s12  }
0xe3: {  	s19 =	rddreg [dreg:$0xf]  }
0xe4: {  	s23 =	rddreg [dreg:$0x10]  }
0xe5: {  	s26 =	rddreg [dreg:$0x11]  }
0xe6: {  	s29 =	rddreg [dreg:$0x12]  }
0xe7: {  	s31 =	rddreg [dreg:$0x13]  }
0xe8: {  	s6 =	rddreg [dreg:$0x14]  }
0xe9: {  	s10 =	rddreg [dreg:$0x15]  }
0xea: {  	s11 =	rddreg [dreg:$0x16]  }
0xeb: {  	s12 =	sld [smem:$0x7EA]  }
0xec: {  	s1 =	rddreg [dreg:$0x1f]  }
0xed: {  	[smem:$0x7A7] =	sst s19  }
0xee: {  	[smem:$0x7A6] =	sst s23  }
0xef: {  	[smem:$0x7A5] =	sst s26  }
0xf0: {  	[smem:$0x7A4] =	sst s29  }
0xf1: {  	[smem:$0x7A3] =	sst s31  }
0xf2: {  	[smem:$0x7A2] =	sst s6  }
0xf3: {  	[smem:$0x7A1] =	sst s10  }
0xf4: {  	[smem:$0x79F] =	sst s11  }
0xf5: {  	s10 =	rddreg [dreg:$0x17]  }
0xf6: {  	s19 =	rddreg [dreg:$0x18]  }
0xf7: {  	s23 =	rddreg [dreg:$0x19]  }
0xf8: {  	s29 =	rddreg [dreg:$0x1a]  }
0xf9: {  	s6 =	rddreg [dreg:$0x1b]  }
0xfa: {  	s11 =	rddreg [dreg:$0x1c]  }
0xfb: {  	v13 =	vadd.s32 s4, v0;
	[smem:$0x79E] =	sst s10  }
0xfc: {  	vm1 =	vlt.s32 v13, $0xC8;
	s26 =	sadd.s32 $0x10, s4;
	[smem:$0x79D] =	sst s19  }
0xfd: {  	v14 =	vsel vm1, $0x0, v12;
	[tilespmem:s12], [sflag:$0x2] =	stream.linear.gather [hbm4b:s3+s2], $0x400, $0x38;
	[tilespmem:$0x10800] =	vst v63  }
0xfe: {  	s31 =	sadd.s32 $0x20, s4;
	[smem:$0x79C] =	sst s23;
	v13 =	vadd.s32 v13, v14;
	v15 =	vadd.s32 s26, v0;
	v14 =	vld [tilespmem:$0x80]  }
0xff: {  	[smem:$0x79B] =	sst s29;
	v17 =	vadd.s32 s31, v0;
	s10 =	sadd.s32 $0x30, s4;
	v13 =	vmul.u32 $0x3E8, v13;
	vm1 =	vlt.s32 v15, $0xC8;
	v16 =	vld [tilespmem:$0x90]  }
0x100: {  	[smem:$0x79A] =	sst s6;
	v20 =	vadd.s32 s10, v0;
	v18 =	vsel vm1, $0x0, v12;
	vm1 =	vlt.s32 v17, $0xC8;
	v19 =	vld [tilespmem:$0xA0]  }
0x101: {  	[smem:$0x799] =	sst s11;
	v21 =	vld [tilespmem:$0xB0];
	v15 =	vadd.s32 v15, v18;
	v33 =	vsel vm1, $0x0, v12;
	vm1 =	vlt.s32 v20, $0xC8  }
0x102: {  	s26 =	sld [smem:$0x7E1];
	v15 =	vmul.u32 $0x3E8, v15;
	v17 =	vadd.s32 v17, v33;
	v34 =	vsel vm1, $0x0, v12  }
0x103: {  	s6 =	smov.u32 s22;
	s22 =	sld [smem:$0x7E3];
	v35 =	vadd.s32 v20, v34;
	v13 =	vadd.s32 v13, v14;
	v14 =	vmul.u32 $0x3E8, v17  }
0x104: {  	s12 =	rddreg [dreg:$0x1d];
	[tilespmem:$0x80] =	vst v13;
	v13 =	vadd.s32 v15, v16;
	v15 =	vmul.u32 $0x3E8, v35  }
0x105: {  	p0 =	seq.s32 s28, $0x0;
	s3 =	rddreg [dreg:$0x1e];
	[tilespmem:$0x90] =	vst v13;
	v13 =	vadd.s32 v14, v19  }
0x106: {  	s11 =	simm.s32 @!p0 $0x9;
	[smem:$0x797] =	sst s12;
	s12 =	smulhi.u32 $0x14FA6D7B, s15;
	[tilespmem:$0xA0] =	vst v13;
	v13 =	vadd.s32 v15, v21  }
0x107: {  	s15 =	smov.u32 s7;
	s7 =	smov.u32 s30;
	s30 =	sld [smem:$0x7E5];
	[tilespmem:$0xB0] =	vst v13  }
0x108: {  	s29 =	sshrl.u32 s12, $0xE;
	s12 =	sld [smem:$0x7E4];
	_ =	swait.ge @!p0 [sflag:s11], $0x4000  }
0x109: {  	s23 =	sld [smem:$0x7FD]  }
0x10a: {  	s31 =	sadd.s32 $0x40, s4;
	s29 =	smul.u32 $0x61A000, s29;
	[sflag:s11] =	ssyncset.done @!p0 $0x0  }
0x10b: {  	p1 =	slt.s32 s31, $0xC8;
	[sflag:s11] =	ssyncadd.s32 @!p0 $0xFFFFC000  }
0x10c: {  	s11 =	simm.s32 $0x0;
	s10 =	ssub.s32 s23, s29;
	s29 =	sadd.s32 s28, s9  }
0x10d: {  	s19 =	simm.s32 $0x8800;
	s11 =	simm.s32 @!p1 $0xFFFFFF38;
	s10 =	sadd.s32 s10, s29  }
0x10e: {  	[tilespmem:s19], [sflag:$0x5] =	stream.linear.gather [hbm4b:s10+s2], $0x4000, $0x38;
	[tilespmem:$0x10800] =	vst v63  }
0x10f: {  	s11 =	sadd.s32 s31, s11;
	_ =	swait.ge [sflag:s18], $0x4000  }
0x110: {  	v13 =	vadd.s32 s11, v0;
	s10 =	simm.s32 $0x800;
	s9 =	rddreg [dreg:$0x4];
	[sflag:s18] =	ssyncset.done $0x0  }
0x111: {  	vm1 =	vlt.s32 v13, $0xC8;
	[sflag:s18] =	ssyncadd.s32 $0xFFFFC000;
	s4 =	sadd.s32 s28, s9;
	s18 =	sadd.s32 $0x10, s11  }
0x112: {  	v36 =	vsel vm1, $0x0, v12;
	[hbm4b:s4+s2] =	stream.linear.scatter [tilespmem:s10], [sflag:$0x7], $0x4000, $0x38;
	[tilespmem:$0x10800] =	vst v63  }
0x113: {  	s23 =	sadd.s32 $0x20, s11;
	v13 =	vadd.s32 v13, v36;
	v14 =	vadd.s32 s18, v0;
	v37 =	vld [tilespmem:$0xC0]  }
0x114: {  	v15 =	vadd.s32 s23, v0;
	v13 =	vmul.u32 $0x3E8, v13;
	s10 =	sadd.s32 $0x30, s11;
	vm1 =	vlt.s32 v14, $0xC8;
	v39 =	vld [tilespmem:$0xD0]  }
0x115: {  	v38 =	vadd.s32 s10, v0;
	v41 =	vld [tilespmem:$0xE0];
	v40 =	vsel vm1, $0x0, v12;
	vm1 =	vlt.s32 v15, $0xC8  }
0x116: {  	v43 =	vld [tilespmem:$0xF0];
	v14 =	vadd.s32 v14, v40;
	v42 =	vsel vm1, $0x0, v12;
	vm1 =	vlt.s32 v38, $0xC8  }
0x117: {  	v14 =	vmul.u32 $0x3E8, v14;
	v15 =	vadd.s32 v15, v42;
	v44 =	vsel vm1, $0x0, v12  }
0x118: {  	s18 =	smulhi.u32 $0x14FA6D7B, s5;
	v15 =	vmul.u32 $0x3E8, v15;
	v45 =	vadd.s32 v38, v44;
	v13 =	vadd.s32 v13, v37  }
0x119: {  	[tilespmem:$0xC0] =	vst v13;
	v13 =	vadd.s32 v14, v39;
	v14 =	vmul.u32 $0x3E8, v45  }
0x11a: {  	s9 =	sshrl.u32 s18, $0xE;
	[tilespmem:$0xD0] =	vst v13;
	v13 =	vadd.s32 v15, v41  }
0x11b: {  	s9 =	smul.u32 $0x61A000, s9;
	[tilespmem:$0xE0] =	vst v13;
	v13 =	vadd.s32 v14, v43  }
0x11c: {  	[smem:$0x7BE] =	sst s5;
	s10 =	simm.s32 @!p0 $0xA;
	[tilespmem:$0xF0] =	vst v13  }
0x11d: {  	s23 =	simm.s32 $0xC800;
	s9 =	ssub.s32 s12, s9;
	_ =	swait.ge @!p0 [sflag:s10], $0x4000  }
0x11e: {  	s5 =	sadd.s32 $0x40, s11;
	s9 =	sadd.s32 s9, s29;
	[sflag:s10] =	ssyncset.done @!p0 $0x0  }
0x11f: {  	[sflag:s10] =	ssyncadd.s32 @!p0 $0xFFFFC000;
	p0 =	slt.s32 s5, $0xC8;
	s10 =	simm.s32 $0x0  }
0x120: {  	[tilespmem:s23], [sflag:$0x6] =	stream.linear.gather [hbm4b:s9+s2], $0x4000, $0x38;
	[tilespmem:$0x10800] =	vst v63  }
0x121: {  	s11 =	sadd.s32 $0x800, s4;
	s10 =	simm.s32 @!p0 $0xFFFFFF38;
	_ =	swait.ge [sflag:s20], $0x4000  }
0x122: {  	s12 =	simm.s32 $0x4800;
	s9 =	sadd.s32 s5, s10;
	[sflag:s20] =	ssyncset.done $0x0  }
0x123: {  	v13 =	vadd.s32 s9, v0;
	s18 =	sadd.s32 $0x10, s9;
	s23 =	sadd.s32 $0x30, s9;
	[sflag:s20] =	ssyncadd.s32 $0xFFFFC000  }
0x124: {  	vm1 =	vlt.s32 v13, $0xC8;
	[hbm4b:s11+s2] =	stream.linear.scatter [tilespmem:s12], [sflag:$0x8], $0x4000, $0x38;
	[tilespmem:$0x10800] =	vst v63  }
0x125: {  	s20 =	sadd.s32 $0x20, s9;
	v14 =	vadd.s32 s18, v0;
	v48 =	vadd.s32 s23, v0;
	v46 =	vsel vm1, $0x0, v12;
	v47 =	vld [tilespmem:$0x100]  }
0x126: {  	v15 =	vadd.s32 s20, v0;
	vm1 =	vlt.s32 v14, $0xC8;
	v13 =	vadd.s32 v13, v46;
	v49 =	vld [tilespmem:$0x110]  }
0x127: {  	v50 =	vsel vm1, $0x0, v12;
	vm1 =	vlt.s32 v15, $0xC8;
	v51 =	vld [tilespmem:$0x120];
	v13 =	vmul.u32 $0x3E8, v13  }
0x128: {  	v53 =	vld [tilespmem:$0x130];
	v14 =	vadd.s32 v14, v50;
	v52 =	vsel vm1, $0x0, v12;
	vm1 =	vlt.s32 v48, $0xC8  }
0x129: {  	v14 =	vmul.u32 $0x3E8, v14;
	v15 =	vadd.s32 v15, v52;
	v54 =	vsel vm1, $0x0, v12  }
0x12a: {  	v15 =	vmul.u32 $0x3E8, v15;
	v55 =	vadd.s32 v48, v54;
	v13 =	vadd.s32 v13, v47  }
0x12b: {  	[tilespmem:$0x100] =	vst v13;
	v13 =	vadd.s32 v14, v49;
	v14 =	vmul.u32 $0x3E8, v55  }
0x12c: {  	[tilespmem:$0x110] =	vst v13;
	v13 =	vadd.s32 v15, v51  }
0x12d: {  	[tilespmem:$0x120] =	vst v13;
	v13 =	vadd.s32 v14, v53  }
0x12e: {  	s5 =	smulhi.u32 $0x14FA6D7B, s0;
	[smem:$0x7BD] =	sst s0;
	s18 =	simm.s32 $0x7;
	[tilespmem:$0x130] =	vst v13  }
0x12f: {  	_ =	swait.ge [sflag:s18], $0x4000  }
0x130: {  	s10 =	sshrl.u32 s5, $0xE;
	[smem:$0x7B8] =	sst s8  }
0x131: {  	s10 =	smul.u32 $0x61A000, s10;
	[smem:$0x7B9] =	sst s17  }
0x132: {  	s31 =	simm.s32 $0x800;
	s9 =	sadd.s32 $0x40, s9;
	[smem:$0x7BA] =	sst s7  }
0x133: {  	s10 =	ssub.s32 s22, s10;
	[smem:$0x7BB] =	sst s14;
	[sflag:s18] =	ssyncset.done $0x0  }
0x134: {  	s10 =	sadd.s32 s10, s29;
	[smem:$0x7BC] =	sst s6;
	[sflag:s18] =	ssyncadd.s32 $0xFFFFC000  }
0x135: {  	[tilespmem:s31], [sflag:$0x3] =	stream.linear.gather [hbm4b:s10+s2], $0x4000, $0x38;
	[tilespmem:$0x10800] =	vst v63  }
0x136: {  	p0 =	slt.s32 s9, $0xC8;
	[smem:$0x7BF] =	sst s13;
	s10 =	simm.s32 $0x0  }
0x137: {  	_ =	swait.ge [sflag:s24], $0x4000;
	s10 =	simm.s32 @!p0 $0xFFFFFF38  }
0x138: {  	s11 =	sadd.s32 $0x1000, s4;
	[sflag:s24] =	ssyncset.done $0x0;
	s9 =	sadd.s32 s9, s10  }
0x139: {  	[sflag:s24] =	ssyncadd.s32 $0xFFFFC000;
	v13 =	vadd.s32 s9, v0;
	s22 =	sadd.s32 $0x10, s9;
	s24 =	sadd.s32 $0x20, s9  }
0x13a: {  	[hbm4b:s11+s2] =	stream.linear.scatter [tilespmem:s19], [sflag:$0x9], $0x4000, $0x38;
	vm1 =	vlt.s32 v13, $0xC8;
	[tilespmem:$0x10800] =	vst v63  }
0x13b: {  	s0 =	sadd.s32 $0x30, s9;
	v14 =	vadd.s32 s22, v0;
	v15 =	vadd.s32 s24, v0;
	v56 =	vsel vm1, $0x0, v12;
	v57 =	vld [tilespmem:$0x140]  }
0x13c: {  	v58 =	vadd.s32 s0, v0;
	vm1 =	vlt.s32 v14, $0xC8;
	v59 =	vld [tilespmem:$0x150];
	v13 =	vadd.s32 v13, v56  }
0x13d: {  	v61 =	vld [tilespmem:$0x160];
	v60 =	vsel vm1, $0x0, v12;
	vm1 =	vlt.s32 v15, $0xC8;
	v13 =	vmul.u32 $0x3E8, v13  }
0x13e: {  	v63 =	vld [tilespmem:$0x170];
	v14 =	vadd.s32 v14, v60;
	v62 =	vsel vm1, $0x0, v12;
	vm1 =	vlt.s32 v58, $0xC8  }
0x13f: {  	v14 =	vmul.u32 $0x3E8, v14;
	v15 =	vadd.s32 v15, v62;
	v24 =	vsel vm1, $0x0, v12  }
0x140: {  	v15 =	vmul.u32 $0x3E8, v15;
	v25 =	vadd.s32 v58, v24;
	v13 =	vadd.s32 v13, v57  }
0x141: {  	s11 =	smulhi.u32 $0x14FA6D7B, s6;
	[tilespmem:$0x140] =	vst v13;
	v13 =	vadd.s32 v14, v59;
	v14 =	vmul.u32 $0x3E8, v25  }
0x142: {  	[tilespmem:$0x150] =	vst v13;
	v13 =	vadd.s32 v15, v61  }
0x143: {  	s10 =	sshrl.u32 s11, $0xE;
	[tilespmem:$0x160] =	vst v13;
	v13 =	vadd.s32 v14, v63  }
0x144: {  	s5 =	simm.s32 $0x8;
	s10 =	smul.u32 $0x61A000, s10;
	[tilespmem:$0x170] =	vst v13  }
0x145: {  	_ =	swait.ge [sflag:s5], $0x4000  }
0x146: {  	s9 =	sadd.s32 $0x40, s9;
	s10 =	ssub.s32 s26, s10;
	[sflag:s5] =	ssyncset.done $0x0  }
0x147: {  	s10 =	sadd.s32 s10, s29;
	[smem:$0x7B6] =	sst s15;
	[sflag:s5] =	ssyncadd.s32 $0xFFFFC000  }
0x148: {  	[tilespmem:s12], [sflag:$0x4] =	stream.linear.gather [hbm4b:s10+s2], $0x4000, $0x38;
	[tilespmem:$0x10800] =	vst v63  }
0x149: {  	p0 =	slt.s32 s9, $0xC8;
	[smem:$0x7B7] =	sst s21;
	s10 =	simm.s32 $0x0  }
0x14a: {  	s22 =	sadd.s32 $0x1800, s4;
	_ =	swait.ge [sflag:s25], $0x4000;
	s10 =	simm.s32 @!p0 $0xFFFFFF38  }
0x14b: {  	s24 =	simm.s32 $0xC800;
	[sflag:s25] =	ssyncset.done $0x0;
	s9 =	sadd.s32 s9, s10  }
0x14c: {  	[sflag:s25] =	ssyncadd.s32 $0xFFFFC000;
	v13 =	vadd.s32 s9, v0;
	s25 =	sadd.s32 $0x10, s9;
	s0 =	sadd.s32 $0x20, s9  }
0x14d: {  	[hbm4b:s22+s2] =	stream.linear.scatter [tilespmem:s24], [sflag:$0xA], $0x4000, $0x38;
	vm1 =	vlt.s32 v13, $0xC8;
	[tilespmem:$0x10800] =	vst v63  }
0x14e: {  	s6 =	sadd.s32 $0x30, s9;
	v14 =	vadd.s32 s25, v0;
	v15 =	vadd.s32 s0, v0;
	v26 =	vsel vm1, $0x0, v12;
	v27 =	vld [tilespmem:$0x180]  }
0x14f: {  	v28 =	vadd.s32 s6, v0;
	vm1 =	vlt.s32 v14, $0xC8;
	v29 =	vld [tilespmem:$0x190];
	v13 =	vadd.s32 v13, v26  }
0x150: {  	v31 =	vld [tilespmem:$0x1A0];
	v30 =	vsel vm1, $0x0, v12;
	vm1 =	vlt.s32 v15, $0xC8;
	v13 =	vmul.u32 $0x3E8, v13  }
0x151: {  	v33 =	vld [tilespmem:$0x1B0];
	v14 =	vadd.s32 v14, v30;
	v32 =	vsel vm1, $0x0, v12;
	vm1 =	vlt.s32 v28, $0xC8  }
0x152: {  	v14 =	vmul.u32 $0x3E8, v14;
	v15 =	vadd.s32 v15, v32;
	v34 =	vsel vm1, $0x0, v12  }
0x153: {  	v15 =	vmul.u32 $0x3E8, v15;
	v35 =	vadd.s32 v28, v34;
	v13 =	vadd.s32 v13, v27  }
0x154: {  	s14 =	smulhi.u32 $0x14FA6D7B, s14;
	[tilespmem:$0x180] =	vst v13;
	v13 =	vadd.s32 v14, v29;
	v14 =	vmul.u32 $0x3E8, v35  }
0x155: {  	[tilespmem:$0x190] =	vst v13;
	v13 =	vadd.s32 v15, v31  }
0x156: {  	s10 =	sshrl.u32 s14, $0xE;
	[tilespmem:$0x1A0] =	vst v13;
	v13 =	vadd.s32 v14, v33  }
0x157: {  	s26 =	simm.s32 $0x9;
	s10 =	smul.u32 $0x61A000, s10;
	[tilespmem:$0x1B0] =	vst v13  }
0x158: {  	s20 =	simm.s32 $0x3;
	s22 =	sadd.s32 $0x40, s9;
	_ =	swait.ge [sflag:s26], $0x4000  }
0x159: {  	s9 =	simm.s32 $0x0;
	s1 =	ssub.s32 s1, s10;
	[sflag:s26] =	ssyncset.done $0x0  }
0x15a: {  	p0 =	slt.s32 s22, $0xC8;
	s1 =	sadd.s32 s1, s29;
	[sflag:s26] =	ssyncadd.s32 $0xFFFFC000  }
0x15b: {  	[tilespmem:s19], [sflag:$0x5] =	stream.linear.gather [hbm4b:s1+s2], $0x4000, $0x38;
	[tilespmem:$0x10800] =	vst v63  }
0x15c: {  	s9 =	simm.s32 @!p0 $0xFFFFFF38;
	_ =	swait.ge [sflag:s20], $0x4000  }
0x15d: {  	s24 =	sadd.s32 $0x2000, s4;
	s1 =	sadd.s32 s22, s9;
	[sflag:s20] =	ssyncset.done $0x0  }
0x15e: {  	v13 =	vadd.s32 s1, v0;
	s25 =	sadd.s32 $0x10, s1;
	s0 =	sadd.s32 $0x20, s1;
	[sflag:s20] =	ssyncadd.s32 $0xFFFFC000  }
0x15f: {  	vm1 =	vlt.s32 v13, $0xC8;
	[hbm4b:s24+s2] =	stream.linear.scatter [tilespmem:s31], [sflag:$0x7], $0x4000, $0x38;
	[tilespmem:$0x10800] =	vst v63  }
0x160: {  	s6 =	sadd.s32 $0x30, s1;
	v14 =	vadd.s32 s25, v0;
	v15 =	vadd.s32 s0, v0;
	v36 =	vsel vm1, $0x0, v12;
	v37 =	vld [tilespmem:$0x1C0]  }
0x161: {  	v38 =	vadd.s32 s6, v0;
	vm1 =	vlt.s32 v14, $0xC8;
	v13 =	vadd.s32 v13, v36;
	v39 =	vld [tilespmem:$0x1D0]  }
0x162: {  	v40 =	vsel vm1, $0x0, v12;
	vm1 =	vlt.s32 v15, $0xC8;
	v13 =	vmul.u32 $0x3E8, v13;
	v41 =	vld [tilespmem:$0x1E0]  }
0x163: {  	v14 =	vadd.s32 v14, v40;
	v42 =	vsel vm1, $0x0, v12;
	vm1 =	vlt.s32 v38, $0xC8;
	v43 =	vld [tilespmem:$0x1F0]  }
0x164: {  	v14 =	vmul.u32 $0x3E8, v14;
	v15 =	vadd.s32 v15, v42;
	v44 =	vsel vm1, $0x0, v12  }
0x165: {  	v15 =	vmul.u32 $0x3E8, v15;
	v45 =	vadd.s32 v38, v44;
	v13 =	vadd.s32 v13, v37  }
0x166: {  	s10 =	smulhi.u32 $0x14FA6D7B, s7;
	[tilespmem:$0x1C0] =	vst v13;
	v13 =	vadd.s32 v14, v39;
	v14 =	vmul.u32 $0x3E8, v45  }
0x167: {  	[tilespmem:$0x1D0] =	vst v13;
	v13 =	vadd.s32 v15, v41  }
0x168: {  	s9 =	sshrl.u32 s10, $0xE;
	[tilespmem:$0x1E0] =	vst v13;
	v13 =	vadd.s32 v14, v43  }
0x169: {  	s9 =	smul.u32 $0x61A000, s9;
	s24 =	simm.s32 $0xA;
	[tilespmem:$0x1F0] =	vst v13  }
0x16a: {  	s23 =	simm.s32 $0x4;
	_ =	swait.ge [sflag:s24], $0x4000  }
0x16b: {  	s14 =	simm.s32 $0xC800;
	s9 =	ssub.s32 s3, s9;
	[sflag:s24] =	ssyncset.done $0x0  }
0x16c: {  	s1 =	sadd.s32 $0x40, s1;
	s9 =	sadd.s32 s9, s29;
	[sflag:s24] =	ssyncadd.s32 $0xFFFFC000  }
0x16d: {  	[tilespmem:s14], [sflag:$0x6] =	stream.linear.gather [hbm4b:s9+s2], $0x4000, $0x38;
	[tilespmem:$0x10800] =	vst v63  }
0x16e: {  	p0 =	slt.s32 s1, $0xC8;
	[smem:$0x7B5] =	sst s16;
	s9 =	simm.s32 $0x0  }
0x16f: {  	_ =	swait.ge [sflag:s23], $0x4000;
	s9 =	simm.s32 @!p0 $0xFFFFFF38  }
0x170: {  	s22 =	sadd.s32 $0x2800, s4;
	[sflag:s23] =	ssyncset.done $0x0;
	s1 =	sadd.s32 s1, s9  }
0x171: {  	[sflag:s23] =	ssyncadd.s32 $0xFFFFC000;
	v13 =	vadd.s32 s1, v0;
	s3 =	sadd.s32 $0x10, s1;
	s6 =	sadd.s32 $0x20, s1  }
0x172: {  	[hbm4b:s22+s2] =	stream.linear.scatter [tilespmem:s12], [sflag:$0x8], $0x4000, $0x38;
	vm1 =	vlt.s32 v13, $0xC8;
	[tilespmem:$0x10800] =	vst v63  }
0x173: {  	s7 =	sadd.s32 $0x30, s1;
	v14 =	vadd.s32 s3, v0;
	v15 =	vadd.s32 s6, v0;
	v46 =	vsel vm1, $0x0, v12;
	v47 =	vld [tilespmem:$0x200]  }
0x174: {  	v48 =	vadd.s32 s7, v0;
	vm1 =	vlt.s32 v14, $0xC8;
	v49 =	vld [tilespmem:$0x210];
	v13 =	vadd.s32 v13, v46  }
0x175: {  	v51 =	vld [tilespmem:$0x220];
	v50 =	vsel vm1, $0x0, v12;
	vm1 =	vlt.s32 v15, $0xC8;
	v13 =	vmul.u32 $0x3E8, v13  }
0x176: {  	v53 =	vld [tilespmem:$0x230];
	v14 =	vadd.s32 v14, v50;
	v52 =	vsel vm1, $0x0, v12;
	vm1 =	vlt.s32 v48, $0xC8  }
0x177: {  	v14 =	vmul.u32 $0x3E8, v14;
	v15 =	vadd.s32 v15, v52;
	v54 =	vsel vm1, $0x0, v12  }
0x178: {  	v15 =	vmul.u32 $0x3E8, v15;
	v55 =	vadd.s32 v48, v54;
	v13 =	vadd.s32 v13, v47  }
0x179: {  	[tilespmem:$0x200] =	vst v13;
	v13 =	vadd.s32 v14, v49;
	v14 =	vmul.u32 $0x3E8, v55  }
0x17a: {  	[tilespmem:$0x210] =	vst v13;
	v13 =	vadd.s32 v15, v51  }
0x17b: {  	[tilespmem:$0x220] =	vst v13;
	v13 =	vadd.s32 v14, v53  }
0x17c: {  	s10 =	smulhi.u32 $0x14FA6D7B, s17;
	[tilespmem:$0x230] =	vst v13  }
0x17d: {  	_ =	swait.ge [sflag:s18], $0x4000  }
0x17e: {  	s9 =	sshrl.u32 s10, $0xE;
	s14 =	sld [smem:$0x797]  }
0x17f: {  	s9 =	smul.u32 $0x61A000, s9;
	_ =	sdelay $0x1  }
0x180: {  	[sflag:s18] =	ssyncset.done $0x0;
	s9 =	ssub.s32 s14, s9  }
0x181: {  	s1 =	sadd.s32 $0x40, s1;
	[sflag:s18] =	ssyncadd.s32 $0xFFFFC000;
	s9 =	sadd.s32 s9, s29  }
0x182: {  	[tilespmem:s31], [sflag:$0x3] =	stream.linear.gather [hbm4b:s9+s2], $0x4000, $0x38;
	[tilespmem:$0x10800] =	vst v63  }
0x183: {  	s25 =	simm.s32 $0x5;
	p0 =	slt.s32 s1, $0xC8;
	s9 =	simm.s32 $0x0  }
0x184: {  	_ =	swait.ge [sflag:s25], $0x4000;
	s9 =	simm.s32 @!p0 $0xFFFFFF38  }
0x185: {  	s17 =	sadd.s32 $0x3000, s4;
	[sflag:s25] =	ssyncset.done $0x0;
	s1 =	sadd.s32 s1, s9  }
0x186: {  	[sflag:s25] =	ssyncadd.s32 $0xFFFFC000;
	v13 =	vadd.s32 s1, v0;
	s22 =	sadd.s32 $0x10, s1;
	s3 =	sadd.s32 $0x20, s1  }
0x187: {  	[hbm4b:s17+s2] =	stream.linear.scatter [tilespmem:s19], [sflag:$0x9], $0x4000, $0x38;
	vm1 =	vlt.s32 v13, $0xC8;
	[tilespmem:$0x10800] =	vst v63  }
0x188: {  	s6 =	sadd.s32 $0x30, s1;
	v14 =	vadd.s32 s22, v0;
	v15 =	vadd.s32 s3, v0;
	v56 =	vsel vm1, $0x0, v12;
	v57 =	vld [tilespmem:$0x240]  }
0x189: {  	v58 =	vadd.s32 s6, v0;
	vm1 =	vlt.s32 v14, $0xC8;
	v59 =	vld [tilespmem:$0x250];
	v13 =	vadd.s32 v13, v56  }
0x18a: {  	v61 =	vld [tilespmem:$0x260];
	v60 =	vsel vm1, $0x0, v12;
	vm1 =	vlt.s32 v15, $0xC8;
	v13 =	vmul.u32 $0x3E8, v13  }
0x18b: {  	v63 =	vld [tilespmem:$0x270];
	v14 =	vadd.s32 v14, v60;
	v62 =	vsel vm1, $0x0, v12;
	vm1 =	vlt.s32 v58, $0xC8  }
0x18c: {  	v14 =	vmul.u32 $0x3E8, v14;
	v15 =	vadd.s32 v15, v62;
	v22 =	vsel vm1, $0x0, v12  }
0x18d: {  	v15 =	vmul.u32 $0x3E8, v15;
	v23 =	vadd.s32 v58, v22;
	v13 =	vadd.s32 v13, v57  }
0x18e: {  	[tilespmem:$0x240] =	vst v13;
	v13 =	vadd.s32 v14, v59;
	v14 =	vmul.u32 $0x3E8, v23  }
0x18f: {  	[tilespmem:$0x250] =	vst v13;
	v13 =	vadd.s32 v15, v61  }
0x190: {  	[tilespmem:$0x260] =	vst v13;
	v13 =	vadd.s32 v14, v63  }
0x191: {  	s7 =	smulhi.u32 $0x14FA6D7B, s8;
	[tilespmem:$0x270] =	vst v13  }
0x192: {  	s19 =	sld [smem:$0x798];
	_ =	swait.ge [sflag:s5], $0x4000  }
0x193: {  	s9 =	sshrl.u32 s7, $0xE;
	s8 =	sld [smem:$0x799]  }
0x194: {  	s9 =	smul.u32 $0x61A000, s9;
	_ =	sdelay $0x1  }
0x195: {  	[sflag:s5] =	ssyncset.done $0x0;
	s9 =	ssub.s32 s8, s9  }
0x196: {  	s1 =	sadd.s32 $0x40, s1;
	[sflag:s5] =	ssyncadd.s32 $0xFFFFC000;
	s9 =	sadd.s32 s9, s29  }
0x197: {  	[tilespmem:s12], [sflag:$0x4] =	stream.linear.gather [hbm4b:s9+s2], $0x4000, $0x38;
	[tilespmem:$0x10800] =	vst v63  }
0x198: {  	s0 =	simm.s32 $0x6;
	p0 =	slt.s32 s1, $0xC8;
	s9 =	simm.s32 $0x0  }
0x199: {  	s10 =	simm.s32 $0xC800;
	_ =	swait.ge [sflag:s0], $0x4000;
	s9 =	simm.s32 @!p0 $0xFFFFFF38  }
0x19a: {  	s14 =	sadd.s32 $0x3800, s4;
	[sflag:s0] =	ssyncset.done $0x0;
	s1 =	sadd.s32 s1, s9  }
0x19b: {  	[sflag:s0] =	ssyncadd.s32 $0xFFFFC000;
	v13 =	vadd.s32 s1, v0;
	s17 =	sadd.s32 $0x10, s1;
	s22 =	sadd.s32 $0x20, s1  }
0x19c: {  	[hbm4b:s14+s2] =	stream.linear.scatter [tilespmem:s10], [sflag:$0xA], $0x4000, $0x38;
	vm1 =	vlt.s32 v13, $0xC8;
	[tilespmem:$0x10800] =	vst v63  }
0x19d: {  	s3 =	sadd.s32 $0x30, s1;
	v14 =	vadd.s32 s17, v0;
	v15 =	vadd.s32 s22, v0;
	v24 =	vsel vm1, $0x0, v12;
	v25 =	vld [tilespmem:$0x280]  }
0x19e: {  	v26 =	vadd.s32 s3, v0;
	vm1 =	vlt.s32 v14, $0xC8;
	v27 =	vld [tilespmem:$0x290];
	v13 =	vadd.s32 v13, v24  }
0x19f: {  	v29 =	vld [tilespmem:$0x2A0];
	v28 =	vsel vm1, $0x0, v12;
	vm1 =	vlt.s32 v15, $0xC8;
	v13 =	vmul.u32 $0x3E8, v13  }
0x1a0: {  	v31 =	vld [tilespmem:$0x2B0];
	v14 =	vadd.s32 v14, v28;
	v30 =	vsel vm1, $0x0, v12;
	vm1 =	vlt.s32 v26, $0xC8  }
0x1a1: {  	v14 =	vmul.u32 $0x3E8, v14;
	v15 =	vadd.s32 v15, v30;
	v32 =	vsel vm1, $0x0, v12  }
0x1a2: {  	v15 =	vmul.u32 $0x3E8, v15;
	v33 =	vadd.s32 v26, v32;
	v13 =	vadd.s32 v13, v25  }
0x1a3: {  	[tilespmem:$0x280] =	vst v13;
	v13 =	vadd.s32 v14, v27;
	v14 =	vmul.u32 $0x3E8, v33  }
0x1a4: {  	[tilespmem:$0x290] =	vst v13;
	v13 =	vadd.s32 v15, v29  }
0x1a5: {  	[tilespmem:$0x2A0] =	vst v13;
	v13 =	vadd.s32 v14, v31  }
0x1a6: {  	s7 =	smulhi.u32 $0x14FA6D7B, s19;
	[tilespmem:$0x2B0] =	vst v13  }
0x1a7: {  	_ =	swait.ge [sflag:s26], $0x4000  }
0x1a8: {  	s9 =	sshrl.u32 s7, $0xE;
	s8 =	sld [smem:$0x79A]  }
0x1a9: {  	s9 =	smul.u32 $0x61A000, s9;
	_ =	sdelay $0x1  }
0x1aa: {  	s6 =	simm.s32 $0x8800;
	[sflag:s26] =	ssyncset.done $0x0;
	s3 =	ssub.s32 s8, s9  }
0x1ab: {  	s1 =	sadd.s32 $0x40, s1;
	[sflag:s26] =	ssyncadd.s32 $0xFFFFC000;
	s3 =	sadd.s32 s3, s29  }
0x1ac: {  	[tilespmem:s6], [sflag:$0x5] =	stream.linear.gather [hbm4b:s3+s2], $0x4000, $0x38;
	[tilespmem:$0x10800] =	vst v63  }
0x1ad: {  	p0 =	slt.s32 s1, $0xC8;
	s3 =	simm.s32 $0x0  }
0x1ae: {  	_ =	swait.ge [sflag:s20], $0x4000;
	s3 =	simm.s32 @!p0 $0xFFFFFF38  }
0x1af: {  	s10 =	sadd.s32 $0x4000, s4;
	[sflag:s20] =	ssyncset.done $0x0;
	s1 =	sadd.s32 s1, s3  }
0x1b0: {  	[sflag:s20] =	ssyncadd.s32 $0xFFFFC000;
	v13 =	vadd.s32 s1, v0;
	s14 =	sadd.s32 $0x10, s1;
	s17 =	sadd.s32 $0x20, s1  }
0x1b1: {  	[hbm4b:s10+s2] =	stream.linear.scatter [tilespmem:s31], [sflag:$0x7], $0x4000, $0x38;
	vm1 =	vlt.s32 v13, $0xC8;
	[tilespmem:$0x10800] =	vst v63  }
0x1b2: {  	s22 =	sadd.s32 $0x30, s1;
	v14 =	vadd.s32 s14, v0;
	v15 =	vadd.s32 s17, v0;
	v34 =	vsel vm1, $0x0, v12;
	v35 =	vld [tilespmem:$0x2C0]  }
0x1b3: {  	v36 =	vadd.s32 s22, v0;
	vm1 =	vlt.s32 v14, $0xC8;
	v37 =	vld [tilespmem:$0x2D0];
	v13 =	vadd.s32 v13, v34  }
0x1b4: {  	v39 =	vld [tilespmem:$0x2E0];
	v38 =	vsel vm1, $0x0, v12;
	vm1 =	vlt.s32 v15, $0xC8;
	v13 =	vmul.u32 $0x3E8, v13  }
0x1b5: {  	v41 =	vld [tilespmem:$0x2F0];
	v14 =	vadd.s32 v14, v38;
	v40 =	vsel vm1, $0x0, v12;
	vm1 =	vlt.s32 v36, $0xC8  }
0x1b6: {  	v14 =	vmul.u32 $0x3E8, v14;
	v15 =	vadd.s32 v15, v40;
	v42 =	vsel vm1, $0x0, v12  }
0x1b7: {  	v15 =	vmul.u32 $0x3E8, v15;
	v43 =	vadd.s32 v36, v42;
	v13 =	vadd.s32 v13, v35  }
0x1b8: {  	[tilespmem:$0x2C0] =	vst v13;
	v13 =	vadd.s32 v14, v37;
	v14 =	vmul.u32 $0x3E8, v43  }
0x1b9: {  	[tilespmem:$0x2D0] =	vst v13;
	v13 =	vadd.s32 v15, v39  }
0x1ba: {  	[tilespmem:$0x2E0] =	vst v13;
	v13 =	vadd.s32 v14, v41  }
0x1bb: {  	s6 =	smulhi.u32 $0x14FA6D7B, s21;
	[tilespmem:$0x2F0] =	vst v13  }
0x1bc: {  	_ =	swait.ge [sflag:s24], $0x4000  }
0x1bd: {  	s3 =	sshrl.u32 s6, $0xE;
	s7 =	sld [smem:$0x79B]  }
0x1be: {  	s3 =	smul.u32 $0x61A000, s3;
	_ =	sdelay $0x1  }
0x1bf: {  	s6 =	simm.s32 $0xC800;
	[sflag:s24] =	ssyncset.done $0x0;
	s3 =	ssub.s32 s7, s3  }
0x1c0: {  	s1 =	sadd.s32 $0x40, s1;
	[sflag:s24] =	ssyncadd.s32 $0xFFFFC000;
	s3 =	sadd.s32 s3, s29  }
0x1c1: {  	[tilespmem:s6], [sflag:$0x6] =	stream.linear.gather [hbm4b:s3+s2], $0x4000, $0x38;
	[tilespmem:$0x10800] =	vst v63  }
0x1c2: {  	p0 =	slt.s32 s1, $0xC8;
	s3 =	simm.s32 $0x0  }
0x1c3: {  	s3 =	simm.s32 @!p0 $0xFFFFFF38  }
0x1c4: {  	_ =	swait.ge [sflag:s23], $0x4000;
	s1 =	sadd.s32 s1, s3  }
0x1c5: {  	[sflag:s23] =	ssyncset.done $0x0;
	v13 =	vadd.s32 s1, v0  }
0x1c6: {  	s8 =	sadd.s32 $0x4800, s4;
	[sflag:s23] =	ssyncadd.s32 $0xFFFFC000;
	s9 =	sadd.s32 $0x10, s1;
	vm1 =	vlt.s32 v13, $0xC8  }
0x1c7: {  	[hbm4b:s8+s2] =	stream.linear.scatter [tilespmem:s12], [sflag:$0x8], $0x4000, $0x38;
	v14 =	vsel vm1, $0x0, v12;
	[tilespmem:$0x10800] =	vst v63  }
0x1c8: {  	s10 =	sadd.s32 $0x20, s1;
	s14 =	sadd.s32 $0x30, s1;
	v15 =	vadd.s32 s9, v0;
	v13 =	vadd.s32 v13, v14;
	v14 =	vld [tilespmem:$0x300]  }
0x1c9: {  	v45 =	vadd.s32 s10, v0;
	v48 =	vadd.s32 s14, v0;
	vm1 =	vlt.s32 v15, $0xC8;
	v44 =	vld [tilespmem:$0x310]  }
0x1ca: {  	v47 =	vld [tilespmem:$0x320];
	v46 =	vsel vm1, $0x0, v12;
	vm1 =	vlt.s32 v45, $0xC8;
	v13 =	vmul.u32 $0x3E8, v13  }
0x1cb: {  	v50 =	vld [tilespmem:$0x330];
	v15 =	vadd.s32 v15, v46;
	v49 =	vsel vm1, $0x0, v12;
	vm1 =	vlt.s32 v48, $0xC8  }
0x1cc: {  	v15 =	vmul.u32 $0x3E8, v15;
	v17 =	vadd.s32 v45, v49;
	v51 =	vsel vm1, $0x0, v12  }
0x1cd: {  	v52 =	vadd.s32 v48, v51;
	v13 =	vadd.s32 v13, v14;
	v14 =	vmul.u32 $0x3E8, v17  }
0x1ce: {  	[tilespmem:$0x300] =	vst v13;
	v13 =	vadd.s32 v15, v44;
	v15 =	vmul.u32 $0x3E8, v52  }
0x1cf: {  	[tilespmem:$0x310] =	vst v13;
	v13 =	vadd.s32 v14, v47  }
0x1d0: {  	[tilespmem:$0x320] =	vst v13;
	v13 =	vadd.s32 v15, v50  }
0x1d1: {  	s17 =	smulhi.u32 $0x14FA6D7B, s15;
	[tilespmem:$0x330] =	vst v13  }
0x1d2: {  	_ =	swait.ge [sflag:s18], $0x4000  }
0x1d3: {  	s3 =	sshrl.u32 s17, $0xE;
	s21 =	sld [smem:$0x79C]  }
0x1d4: {  	s3 =	smul.u32 $0x61A000, s3;
	_ =	sdelay $0x1  }
0x1d5: {  	[sflag:s18] =	ssyncset.done $0x0;
	s3 =	ssub.s32 s21, s3  }
0x1d6: {  	s1 =	sadd.s32 $0x40, s1;
	[sflag:s18] =	ssyncadd.s32 $0xFFFFC000;
	s3 =	sadd.s32 s3, s29  }
0x1d7: {  	[tilespmem:s31], [sflag:$0x3] =	stream.linear.gather [hbm4b:s3+s2], $0x4000, $0x38;
	[tilespmem:$0x10800] =	vst v63  }
0x1d8: {  	p0 =	slt.s32 s1, $0xC8;
	s3 =	simm.s32 $0x0  }
0x1d9: {  	s3 =	simm.s32 @!p0 $0xFFFFFF38  }
0x1da: {  	_ =	swait.ge [sflag:s25], $0x4000;
	s1 =	sadd.s32 s1, s3  }
0x1db: {  	s22 =	sadd.s32 $0x5000, s4;
	[sflag:s25] =	ssyncset.done $0x0;
	v13 =	vadd.s32 s1, v0  }
0x1dc: {  	s7 =	simm.s32 $0x8800;
	[sflag:s25] =	ssyncadd.s32 $0xFFFFC000;
	s8 =	sadd.s32 $0x10, s1;
	vm1 =	vlt.s32 v13, $0xC8  }
0x1dd: {  	[hbm4b:s22+s2] =	stream.linear.scatter [tilespmem:s7], [sflag:$0x9], $0x4000, $0x38;
	v14 =	vsel vm1, $0x0, v12;
	[tilespmem:$0x10800] =	vst v63  }
0x1de: {  	s9 =	sadd.s32 $0x20, s1;
	s10 =	sadd.s32 $0x30, s1;
	v15 =	vadd.s32 s8, v0;
	v13 =	vadd.s32 v13, v14;
	v14 =	vld [tilespmem:$0x340]  }
0x1df: {  	v54 =	vadd.s32 s9, v0;
	v57 =	vadd.s32 s10, v0;
	vm1 =	vlt.s32 v15, $0xC8;
	v53 =	vld [tilespmem:$0x350]  }
0x1e0: {  	v56 =	vld [tilespmem:$0x360];
	v55 =	vsel vm1, $0x0, v12;
	vm1 =	vlt.s32 v54, $0xC8;
	v13 =	vmul.u32 $0x3E8, v13  }
0x1e1: {  	v59 =	vld [tilespmem:$0x370];
	v15 =	vadd.s32 v15, v55;
	v58 =	vsel vm1, $0x0, v12;
	vm1 =	vlt.s32 v57, $0xC8  }
0x1e2: {  	v15 =	vmul.u32 $0x3E8, v15;
	v17 =	vadd.s32 v54, v58;
	v60 =	vsel vm1, $0x0, v12  }
0x1e3: {  	v61 =	vadd.s32 v57, v60;
	v13 =	vadd.s32 v13, v14;
	v14 =	vmul.u32 $0x3E8, v17  }
0x1e4: {  	[tilespmem:$0x340] =	vst v13;
	v13 =	vadd.s32 v15, v53;
	v15 =	vmul.u32 $0x3E8, v61  }
0x1e5: {  	[tilespmem:$0x350] =	vst v13;
	v13 =	vadd.s32 v14, v56  }
0x1e6: {  	[tilespmem:$0x360] =	vst v13;
	v13 =	vadd.s32 v15, v59  }
0x1e7: {  	s14 =	smulhi.u32 $0x14FA6D7B, s16;
	[tilespmem:$0x370] =	vst v13  }
0x1e8: {  	_ =	swait.ge [sflag:s5], $0x4000  }
0x1e9: {  	s3 =	sshrl.u32 s14, $0xE;
	s15 =	sld [smem:$0x79D]  }
0x1ea: {  	s3 =	smul.u32 $0x61A000, s3;
	_ =	sdelay $0x1  }
0x1eb: {  	[sflag:s5] =	ssyncset.done $0x0;
	s3 =	ssub.s32 s15, s3  }
0x1ec: {  	s1 =	sadd.s32 $0x40, s1;
	[sflag:s5] =	ssyncadd.s32 $0xFFFFC000;
	s3 =	sadd.s32 s3, s29  }
0x1ed: {  	[tilespmem:s12], [sflag:$0x4] =	stream.linear.gather [hbm4b:s3+s2], $0x4000, $0x38;
	[tilespmem:$0x10800] =	vst v63  }
0x1ee: {  	p0 =	slt.s32 s1, $0xC8;
	s3 =	simm.s32 $0x0  }
0x1ef: {  	s3 =	simm.s32 @!p0 $0xFFFFFF38  }
0x1f0: {  	_ =	swait.ge [sflag:s0], $0x4000;
	s1 =	sadd.s32 s1, s3  }
0x1f1: {  	[sflag:s0] =	ssyncset.done $0x0;
	v13 =	vadd.s32 s1, v0  }
0x1f2: {  	s16 =	sadd.s32 $0x5800, s4;
	[sflag:s0] =	ssyncadd.s32 $0xFFFFC000;
	s17 =	sadd.s32 $0x10, s1;
	vm1 =	vlt.s32 v13, $0xC8  }
0x1f3: {  	[hbm4b:s16+s2] =	stream.linear.scatter [tilespmem:s6], [sflag:$0xA], $0x4000, $0x38;
	v14 =	vsel vm1, $0x0, v12;
	[tilespmem:$0x10800] =	vst v63  }
0x1f4: {  	s21 =	sadd.s32 $0x20, s1;
	s22 =	sadd.s32 $0x30, s1;
	v15 =	vadd.s32 s17, v0;
	v13 =	vadd.s32 v13, v14;
	v14 =	vld [tilespmem:$0x380]  }
0x1f5: {  	v63 =	vadd.s32 s21, v0;
	v26 =	vadd.s32 s22, v0;
	vm1 =	vlt.s32 v15, $0xC8;
	v62 =	vld [tilespmem:$0x390]  }
0x1f6: {  	v25 =	vld [tilespmem:$0x3A0];
	v24 =	vsel vm1, $0x0, v12;
	vm1 =	vlt.s32 v63, $0xC8;
	v13 =	vmul.u32 $0x3E8, v13  }
0x1f7: {  	v28 =	vld [tilespmem:$0x3B0];
	v15 =	vadd.s32 v15, v24;
	v27 =	vsel vm1, $0x0, v12;
	vm1 =	vlt.s32 v26, $0xC8  }
0x1f8: {  	v15 =	vmul.u32 $0x3E8, v15;
	v17 =	vadd.s32 v63, v27;
	v29 =	vsel vm1, $0x0, v12  }
0x1f9: {  	v30 =	vadd.s32 v26, v29;
	v13 =	vadd.s32 v13, v14;
	v14 =	vmul.u32 $0x3E8, v17  }
0x1fa: {  	s8 =	sld [smem:$0x7C1];
	[tilespmem:$0x380] =	vst v13;
	v13 =	vadd.s32 v15, v62;
	v15 =	vmul.u32 $0x3E8, v30  }
0x1fb: {  	[tilespmem:$0x390] =	vst v13;
	v13 =	vadd.s32 v14, v25  }
0x1fc: {  	[tilespmem:$0x3A0] =	vst v13;
	v13 =	vadd.s32 v15, v28  }
0x1fd: {  	[smem:$0x7C1] =	sst s8;
	s3 =	smulhi.u32 $0x14FA6D7B, s8;
	[tilespmem:$0x3B0] =	vst v13  }
0x1fe: {  	_ =	swait.ge [sflag:s26], $0x4000  }
0x1ff: {  	s3 =	sshrl.u32 s3, $0xE;
	s9 =	sld [smem:$0x79E]  }
0x200: {  	s3 =	smul.u32 $0x61A000, s3;
	_ =	sdelay $0x1  }
0x201: {  	[sflag:s26] =	ssyncset.done $0x0;
	s3 =	ssub.s32 s9, s3  }
0x202: {  	s1 =	sadd.s32 $0x40, s1;
	[sflag:s26] =	ssyncadd.s32 $0xFFFFC000;
	s3 =	sadd.s32 s3, s29  }
0x203: {  	[tilespmem:s7], [sflag:$0x5] =	stream.linear.gather [hbm4b:s3+s2], $0x4000, $0x38;
	[tilespmem:$0x10800] =	vst v63  }
0x204: {  	p0 =	slt.s32 s1, $0xC8;
	s3 =	simm.s32 $0x0  }
0x205: {  	s3 =	simm.s32 @!p0 $0xFFFFFF38  }
0x206: {  	_ =	swait.ge [sflag:s20], $0x4000;
	s1 =	sadd.s32 s1, s3  }
0x207: {  	[sflag:s20] =	ssyncset.done $0x0;
	v13 =	vadd.s32 s1, v0  }
0x208: {  	s10 =	sadd.s32 $0x6000, s4;
	[sflag:s20] =	ssyncadd.s32 $0xFFFFC000;
	s14 =	sadd.s32 $0x10, s1;
	vm1 =	vlt.s32 v13, $0xC8  }
0x209: {  	[hbm4b:s10+s2] =	stream.linear.scatter [tilespmem:s31], [sflag:$0x7], $0x4000, $0x38;
	v14 =	vsel vm1, $0x0, v12;
	[tilespmem:$0x10800] =	vst v63  }
0x20a: {  	s15 =	sadd.s32 $0x20, s1;
	s16 =	sadd.s32 $0x30, s1;
	v15 =	vadd.s32 s14, v0;
	v13 =	vadd.s32 v13, v14;
	v14 =	vld [tilespmem:$0x3C0]  }
0x20b: {  	v32 =	vadd.s32 s15, v0;
	v35 =	vadd.s32 s16, v0;
	vm1 =	vlt.s32 v15, $0xC8;
	v31 =	vld [tilespmem:$0x3D0]  }
0x20c: {  	v34 =	vld [tilespmem:$0x3E0];
	v33 =	vsel vm1, $0x0, v12;
	vm1 =	vlt.s32 v32, $0xC8;
	v13 =	vmul.u32 $0x3E8, v13  }
0x20d: {  	v37 =	vld [tilespmem:$0x3F0];
	v15 =	vadd.s32 v15, v33;
	v36 =	vsel vm1, $0x0, v12;
	vm1 =	vlt.s32 v35, $0xC8  }
0x20e: {  	v15 =	vmul.u32 $0x3E8, v15;
	v17 =	vadd.s32 v32, v36;
	v38 =	vsel vm1, $0x0, v12  }
0x20f: {  	v39 =	vadd.s32 v35, v38;
	v13 =	vadd.s32 v13, v14;
	v14 =	vmul.u32 $0x3E8, v17  }
0x210: {  	s17 =	sld [smem:$0x7C2];
	[tilespmem:$0x3C0] =	vst v13;
	v13 =	vadd.s32 v15, v31;
	v15 =	vmul.u32 $0x3E8, v39  }
0x211: {  	[tilespmem:$0x3D0] =	vst v13;
	v13 =	vadd.s32 v14, v34  }
0x212: {  	[tilespmem:$0x3E0] =	vst v13;
	v13 =	vadd.s32 v15, v37  }
0x213: {  	[smem:$0x7C2] =	sst s17;
	s3 =	smulhi.u32 $0x14FA6D7B, s17;
	[tilespmem:$0x3F0] =	vst v13  }
0x214: {  	_ =	swait.ge [sflag:s24], $0x4000  }
0x215: {  	s3 =	sshrl.u32 s3, $0xE;
	s22 =	sld [smem:$0x79F]  }
0x216: {  	s3 =	smul.u32 $0x61A000, s3;
	_ =	sdelay $0x1  }
0x217: {  	s6 =	simm.s32 $0xC800;
	[sflag:s24] =	ssyncset.done $0x0;
	s3 =	ssub.s32 s22, s3  }
0x218: {  	s1 =	sadd.s32 $0x40, s1;
	[sflag:s24] =	ssyncadd.s32 $0xFFFFC000;
	s3 =	sadd.s32 s3, s29  }
0x219: {  	[tilespmem:s6], [sflag:$0x6] =	stream.linear.gather [hbm4b:s3+s2], $0x4000, $0x38;
	[tilespmem:$0x10800] =	vst v63  }
0x21a: {  	p0 =	slt.s32 s1, $0xC8;
	s3 =	simm.s32 $0x0;
	_ =	swait.ge [sflag:s23], $0x4000  }
0x21b: {  	s11 =	simm.s32 $0x2;
	s3 =	simm.s32 @!p0 $0xFFFFFF38;
	[sflag:s23] =	ssyncset.done $0x0  }
0x21c: {  	s8 =	sadd.s32 $0x6800, s4;
	s1 =	sadd.s32 s1, s3;
	[sflag:s23] =	ssyncadd.s32 $0xFFFFC000  }
0x21d: {  	[hbm4b:s8+s2] =	stream.linear.scatter [tilespmem:s12], [sflag:$0x8], $0x4000, $0x38;
	[tilespmem:$0x10800] =	vst v63  }
0x21e: {  	v13 =	vadd.s32 s1, v0;
	_ =	swait.ge [sflag:s11], $0x400  }
0x21f: {  	vm1 =	vlt.s32 v13, $0xC8;
	[sflag:s11] =	ssyncset.done $0x0  }
0x220: {  	s3 =	sadd.s32 $0x10, s1;
	v14 =	vsel vm1, $0x0, v12;
	[sflag:s11] =	ssyncadd.s32 $0xFFFFFC00  }
0x221: {  	s9 =	sadd.s32 $0x20, s1;
	s10 =	sadd.s32 $0x30, s1;
	v15 =	vadd.s32 s3, v0;
	v13 =	vadd.s32 v13, v14;
	v14 =	vld [tilespmem:$0x400]  }
0x222: {  	v41 =	vadd.s32 s9, v0;
	v44 =	vadd.s32 s10, v0;
	vm1 =	vlt.s32 v15, $0xC8;
	v40 =	vld [tilespmem:$0x410]  }
0x223: {  	v42 =	vsel vm1, $0x0, v12;
	vm1 =	vlt.s32 v41, $0xC8;
	v13 =	vmul.u32 $0x3E8, v13;
	v43 =	vld [tilespmem:$0x420]  }
0x224: {  	v15 =	vadd.s32 v15, v42;
	v45 =	vsel vm1, $0x0, v12;
	vm1 =	vlt.s32 v44, $0xC8;
	v46 =	vld [tilespmem:$0x430]  }
0x225: {  	v15 =	vmul.u32 $0x3E8, v15;
	v17 =	vadd.s32 v41, v45;
	v47 =	vsel vm1, $0x0, v12  }
0x226: {  	v48 =	vadd.s32 v44, v47;
	v13 =	vadd.s32 v13, v14;
	v14 =	vmul.u32 $0x3E8, v17  }
0x227: {  	s14 =	sld [smem:$0x7C3];
	[tilespmem:$0x400] =	vst v13;
	v13 =	vadd.s32 v15, v40;
	v15 =	vmul.u32 $0x3E8, v48  }
0x228: {  	[tilespmem:$0x410] =	vst v13;
	v13 =	vadd.s32 v14, v43  }
0x229: {  	[tilespmem:$0x420] =	vst v13;
	v13 =	vadd.s32 v15, v46  }
0x22a: {  	[smem:$0x7C3] =	sst s14;
	s3 =	smulhi.u32 $0x14FA6D7B, s14;
	[tilespmem:$0x430] =	vst v13  }
0x22b: {  	s11 =	sld [smem:$0x7A0];
	_ =	swait.ge [sflag:s18], $0x4000  }
0x22c: {  	s3 =	sshrl.u32 s3, $0xE;
	s15 =	sld [smem:$0x7A1]  }
0x22d: {  	s3 =	smul.u32 $0x61A000, s3;
	_ =	sdelay $0x1  }
0x22e: {  	[sflag:s18] =	ssyncset.done $0x0;
	s3 =	ssub.s32 s15, s3  }
0x22f: {  	s1 =	sadd.s32 $0x40, s1;
	[sflag:s18] =	ssyncadd.s32 $0xFFFFC000;
	s3 =	sadd.s32 s3, s29  }
0x230: {  	[tilespmem:s31], [sflag:$0x3] =	stream.linear.gather [hbm4b:s3+s2], $0x4000, $0x38;
	[tilespmem:$0x10800] =	vst v63  }
0x231: {  	p0 =	slt.s32 s1, $0xC8;
	s3 =	simm.s32 $0x0  }
0x232: {  	s3 =	simm.s32 @!p0 $0xFFFFFF38  }
0x233: {  	_ =	swait.ge [sflag:s25], $0x4000;
	s1 =	sadd.s32 s1, s3  }
0x234: {  	s21 =	simm.s32 $0x8800;
	[sflag:s25] =	ssyncset.done $0x0;
	v13 =	vadd.s32 s1, v0  }
0x235: {  	s16 =	sadd.s32 $0x7000, s4;
	[sflag:s25] =	ssyncadd.s32 $0xFFFFC000;
	s17 =	sadd.s32 $0x10, s1;
	vm1 =	vlt.s32 v13, $0xC8  }
0x236: {  	[hbm4b:s16+s2] =	stream.linear.scatter [tilespmem:s21], [sflag:$0x9], $0x4000, $0x38;
	v14 =	vsel vm1, $0x0, v12;
	[tilespmem:$0x10800] =	vst v63  }
0x237: {  	s22 =	sadd.s32 $0x20, s1;
	s7 =	sadd.s32 $0x30, s1;
	v15 =	vadd.s32 s17, v0;
	v13 =	vadd.s32 v13, v14;
	v14 =	vld [tilespmem:$0x440]  }
0x238: {  	v50 =	vadd.s32 s22, v0;
	v53 =	vadd.s32 s7, v0;
	vm1 =	vlt.s32 v15, $0xC8;
	v49 =	vld [tilespmem:$0x450]  }
0x239: {  	v52 =	vld [tilespmem:$0x460];
	v51 =	vsel vm1, $0x0, v12;
	vm1 =	vlt.s32 v50, $0xC8;
	v13 =	vmul.u32 $0x3E8, v13  }
0x23a: {  	v55 =	vld [tilespmem:$0x470];
	v15 =	vadd.s32 v15, v51;
	v54 =	vsel vm1, $0x0, v12;
	vm1 =	vlt.s32 v53, $0xC8  }
0x23b: {  	v15 =	vmul.u32 $0x3E8, v15;
	v17 =	vadd.s32 v50, v54;
	v56 =	vsel vm1, $0x0, v12  }
0x23c: {  	v57 =	vadd.s32 v53, v56;
	v13 =	vadd.s32 v13, v14;
	v14 =	vmul.u32 $0x3E8, v17  }
0x23d: {  	s8 =	sld [smem:$0x7C4];
	[tilespmem:$0x440] =	vst v13;
	v13 =	vadd.s32 v15, v49;
	v15 =	vmul.u32 $0x3E8, v57  }
0x23e: {  	[tilespmem:$0x450] =	vst v13;
	v13 =	vadd.s32 v14, v52  }
0x23f: {  	[tilespmem:$0x460] =	vst v13;
	v13 =	vadd.s32 v15, v55  }
0x240: {  	[smem:$0x7C4] =	sst s8;
	s3 =	smulhi.u32 $0x14FA6D7B, s8;
	[tilespmem:$0x470] =	vst v13  }
0x241: {  	_ =	swait.ge [sflag:s5], $0x4000  }
0x242: {  	s3 =	sshrl.u32 s3, $0xE;
	s9 =	sld [smem:$0x7A2]  }
0x243: {  	s3 =	smul.u32 $0x61A000, s3;
	_ =	sdelay $0x1  }
0x244: {  	s6 =	simm.s32 $0xC800;
	[sflag:s5] =	ssyncset.done $0x0;
	s3 =	ssub.s32 s9, s3  }
0x245: {  	s1 =	sadd.s32 $0x40, s1;
	[sflag:s5] =	ssyncadd.s32 $0xFFFFC000;
	s3 =	sadd.s32 s3, s29  }
0x246: {  	[tilespmem:s12], [sflag:$0x4] =	stream.linear.gather [hbm4b:s3+s2], $0x4000, $0x38;
	[tilespmem:$0x10800] =	vst v63  }
0x247: {  	p0 =	slt.s32 s1, $0xC8;
	s3 =	simm.s32 $0x0;
	_ =	swait.ge [sflag:s0], $0x4000  }
0x248: {  	s10 =	sadd.s32 $0x7800, s4;
	s3 =	simm.s32 @!p0 $0xFFFFFF38;
	[sflag:s0] =	ssyncset.done $0x0  }
0x249: {  	p0 =	seq.s32 s28, $0x310000;
	s1 =	sadd.s32 s1, s3;
	[sflag:s0] =	ssyncadd.s32 $0xFFFFC000  }
0x24a: {  	v13 =	vadd.s32 s1, v0;
	[hbm4b:s10+s2] =	stream.linear.scatter [tilespmem:s6], [sflag:$0xA], $0x4000, $0x38;
	[tilespmem:$0x10800] =	vst v63  }
0x24b: {  	s3 =	simm.s32 @!p0 $0x0;
	s14 =	sadd.s32 $0x10, s1;
	vm1 =	vlt.s32 v13, $0xC8  }
0x24c: {  	v14 =	vsel vm1, $0x0, v12;
	[tilespmem:s3], [sflag:$0x1] =	stream.linear.gather @!p0 [hbm4b:s11+s3], $0x400, $0x38;
	[tilespmem:$0x10800] =	vst v63  }
0x24d: {  	s16 =	sadd.s32 $0x20, s1;
	s17 =	sadd.s32 $0x30, s1;
	v15 =	vadd.s32 s14, v0;
	v13 =	vadd.s32 v13, v14;
	v14 =	vld [tilespmem:$0x480]  }
0x24e: {  	v59 =	vadd.s32 s16, v0;
	v62 =	vadd.s32 s17, v0;
	vm1 =	vlt.s32 v15, $0xC8;
	v58 =	vld [tilespmem:$0x490]  }
0x24f: {  	v60 =	vsel vm1, $0x0, v12;
	vm1 =	vlt.s32 v59, $0xC8;
	v13 =	vmul.u32 $0x3E8, v13;
	v61 =	vld [tilespmem:$0x4A0]  }
0x250: {  	v15 =	vadd.s32 v15, v60;
	v63 =	vsel vm1, $0x0, v12;
	vm1 =	vlt.s32 v62, $0xC8;
	v24 =	vld [tilespmem:$0x4B0]  }
0x251: {  	v15 =	vmul.u32 $0x3E8, v15;
	v17 =	vadd.s32 v59, v63;
	v25 =	vsel vm1, $0x0, v12  }
0x252: {  	v26 =	vadd.s32 v62, v25;
	v13 =	vadd.s32 v13, v14;
	v14 =	vmul.u32 $0x3E8, v17  }
0x253: {  	s22 =	smulhi.u32 $0x14FA6D7B, s13;
	[tilespmem:$0x480] =	vst v13;
	v13 =	vadd.s32 v15, v58;
	v15 =	vmul.u32 $0x3E8, v26  }
0x254: {  	[tilespmem:$0x490] =	vst v13;
	v13 =	vadd.s32 v14, v61  }
0x255: {  	s3 =	sshrl.u32 s22, $0xE;
	[tilespmem:$0x4A0] =	vst v13;
	v13 =	vadd.s32 v15, v24  }
0x256: {  	s3 =	smul.u32 $0x61A000, s3;
	[tilespmem:$0x4B0] =	vst v13  }
0x257: {  	_ =	swait.ge [sflag:s26], $0x4000  }
0x258: {  	s3 =	ssub.s32 s30, s3;
	[sflag:s26] =	ssyncset.done $0x0  }
0x259: {  	s1 =	sadd.s32 $0x40, s1;
	s3 =	sadd.s32 s3, s29;
	[sflag:s26] =	ssyncadd.s32 $0xFFFFC000  }
0x25a: {  	[tilespmem:s21], [sflag:$0x5] =	stream.linear.gather [hbm4b:s3+s2], $0x4000, $0x38;
	[tilespmem:$0x10800] =	vst v63  }
0x25b: {  	p1 =	slt.s32 s1, $0xC8;
	s3 =	simm.s32 $0x0  }
0x25c: {  	s3 =	simm.s32 @!p1 $0xFFFFFF38  }
0x25d: {  	_ =	swait.ge [sflag:s20], $0x4000;
	s1 =	sadd.s32 s1, s3  }
0x25e: {  	[sflag:s20] =	ssyncset.done $0x0;
	v13 =	vadd.s32 s1, v0  }
0x25f: {  	s6 =	sadd.s32 $0x8000, s4;
	[sflag:s20] =	ssyncadd.s32 $0xFFFFC000;
	s8 =	sadd.s32 $0x10, s1;
	vm1 =	vlt.s32 v13, $0xC8  }
0x260: {  	[hbm4b:s6+s2] =	stream.linear.scatter [tilespmem:s31], [sflag:$0x7], $0x4000, $0x38;
	v14 =	vsel vm1, $0x0, v12;
	[tilespmem:$0x10800] =	vst v63  }
0x261: {  	s9 =	sadd.s32 $0x20, s1;
	s10 =	sadd.s32 $0x30, s1;
	v15 =	vadd.s32 s8, v0;
	v13 =	vadd.s32 v13, v14;
	v14 =	vld [tilespmem:$0x4C0]  }
0x262: {  	v28 =	vadd.s32 s9, v0;
	v31 =	vadd.s32 s10, v0;
	vm1 =	vlt.s32 v15, $0xC8;
	v27 =	vld [tilespmem:$0x4D0]  }
0x263: {  	v30 =	vld [tilespmem:$0x4E0];
	v29 =	vsel vm1, $0x0, v12;
	vm1 =	vlt.s32 v28, $0xC8;
	v13 =	vmul.u32 $0x3E8, v13  }
0x264: {  	v33 =	vld [tilespmem:$0x4F0];
	v15 =	vadd.s32 v15, v29;
	v32 =	vsel vm1, $0x0, v12;
	vm1 =	vlt.s32 v31, $0xC8  }
0x265: {  	v15 =	vmul.u32 $0x3E8, v15;
	v17 =	vadd.s32 v28, v32;
	v34 =	vsel vm1, $0x0, v12  }
0x266: {  	v35 =	vadd.s32 v31, v34;
	v13 =	vadd.s32 v13, v14;
	v14 =	vmul.u32 $0x3E8, v17  }
0x267: {  	s13 =	sld [smem:$0x7C5];
	[tilespmem:$0x4C0] =	vst v13;
	v13 =	vadd.s32 v15, v27;
	v15 =	vmul.u32 $0x3E8, v35  }
0x268: {  	[tilespmem:$0x4D0] =	vst v13;
	v13 =	vadd.s32 v14, v30  }
0x269: {  	[tilespmem:$0x4E0] =	vst v13;
	v13 =	vadd.s32 v15, v33  }
0x26a: {  	[smem:$0x7C5] =	sst s13;
	s3 =	smulhi.u32 $0x14FA6D7B, s13;
	[tilespmem:$0x4F0] =	vst v13  }
0x26b: {  	_ =	swait.ge [sflag:s24], $0x4000  }
0x26c: {  	s3 =	sshrl.u32 s3, $0xE;
	s14 =	sld [smem:$0x7A3]  }
0x26d: {  	s3 =	smul.u32 $0x61A000, s3;
	_ =	sdelay $0x1  }
0x26e: {  	s7 =	simm.s32 $0xC800;
	[sflag:s24] =	ssyncset.done $0x0;
	s3 =	ssub.s32 s14, s3  }
0x26f: {  	s1 =	sadd.s32 $0x40, s1;
	[sflag:s24] =	ssyncadd.s32 $0xFFFFC000;
	s3 =	sadd.s32 s3, s29  }
0x270: {  	[tilespmem:s7], [sflag:$0x6] =	stream.linear.gather [hbm4b:s3+s2], $0x4000, $0x38;
	[tilespmem:$0x10800] =	vst v63  }
0x271: {  	p1 =	slt.s32 s1, $0xC8;
	s3 =	simm.s32 $0x0  }
0x272: {  	s3 =	simm.s32 @!p1 $0xFFFFFF38  }
0x273: {  	_ =	swait.ge [sflag:s23], $0x4000;
	s1 =	sadd.s32 s1, s3  }
0x274: {  	[sflag:s23] =	ssyncset.done $0x0;
	v13 =	vadd.s32 s1, v0  }
0x275: {  	s16 =	sadd.s32 $0x8800, s4;
	[sflag:s23] =	ssyncadd.s32 $0xFFFFC000;
	s17 =	sadd.s32 $0x10, s1;
	vm1 =	vlt.s32 v13, $0xC8  }
0x276: {  	[hbm4b:s16+s2] =	stream.linear.scatter [tilespmem:s12], [sflag:$0x8], $0x4000, $0x38;
	v14 =	vsel vm1, $0x0, v12;
	[tilespmem:$0x10800] =	vst v63  }
0x277: {  	s22 =	sadd.s32 $0x20, s1;
	s6 =	sadd.s32 $0x30, s1;
	v15 =	vadd.s32 s17, v0;
	v13 =	vadd.s32 v13, v14;
	v14 =	vld [tilespmem:$0x500]  }
0x278: {  	v37 =	vadd.s32 s22, v0;
	v40 =	vadd.s32 s6, v0;
	vm1 =	vlt.s32 v15, $0xC8;
	v36 =	vld [tilespmem:$0x510]  }
0x279: {  	v39 =	vld [tilespmem:$0x520];
	v38 =	vsel vm1, $0x0, v12;
	vm1 =	vlt.s32 v37, $0xC8;
	v13 =	vmul.u32 $0x3E8, v13  }
0x27a: {  	v42 =	vld [tilespmem:$0x530];
	v15 =	vadd.s32 v15, v38;
	v41 =	vsel vm1, $0x0, v12;
	vm1 =	vlt.s32 v40, $0xC8  }
0x27b: {  	v15 =	vmul.u32 $0x3E8, v15;
	v17 =	vadd.s32 v37, v41;
	v43 =	vsel vm1, $0x0, v12  }
0x27c: {  	v44 =	vadd.s32 v40, v43;
	v13 =	vadd.s32 v13, v14;
	v14 =	vmul.u32 $0x3E8, v17  }
0x27d: {  	s8 =	sld [smem:$0x7C6];
	[tilespmem:$0x500] =	vst v13;
	v13 =	vadd.s32 v15, v36;
	v15 =	vmul.u32 $0x3E8, v44  }
0x27e: {  	[tilespmem:$0x510] =	vst v13;
	v13 =	vadd.s32 v14, v39  }
0x27f: {  	[tilespmem:$0x520] =	vst v13;
	v13 =	vadd.s32 v15, v42  }
0x280: {  	[smem:$0x7C6] =	sst s8;
	s3 =	smulhi.u32 $0x14FA6D7B, s8;
	[tilespmem:$0x530] =	vst v13  }
0x281: {  	_ =	swait.ge [sflag:s18], $0x4000  }
0x282: {  	s3 =	sshrl.u32 s3, $0xE;
	s9 =	sld [smem:$0x7A4]  }
0x283: {  	s3 =	smul.u32 $0x61A000, s3;
	_ =	sdelay $0x1  }
0x284: {  	[sflag:s18] =	ssyncset.done $0x0;
	s3 =	ssub.s32 s9, s3  }
0x285: {  	s1 =	sadd.s32 $0x40, s1;
	[sflag:s18] =	ssyncadd.s32 $0xFFFFC000;
	s3 =	sadd.s32 s3, s29  }
0x286: {  	[tilespmem:s31], [sflag:$0x3] =	stream.linear.gather [hbm4b:s3+s2], $0x4000, $0x38;
	[tilespmem:$0x10800] =	vst v63  }
0x287: {  	p1 =	slt.s32 s1, $0xC8;
	s3 =	simm.s32 $0x0  }
0x288: {  	s3 =	simm.s32 @!p1 $0xFFFFFF38  }
0x289: {  	_ =	swait.ge [sflag:s25], $0x4000;
	s1 =	sadd.s32 s1, s3  }
0x28a: {  	[sflag:s25] =	ssyncset.done $0x0;
	v13 =	vadd.s32 s1, v0  }
0x28b: {  	s10 =	sadd.s32 $0x9000, s4;
	[sflag:s25] =	ssyncadd.s32 $0xFFFFC000;
	s13 =	sadd.s32 $0x10, s1;
	vm1 =	vlt.s32 v13, $0xC8  }
0x28c: {  	[hbm4b:s10+s2] =	stream.linear.scatter [tilespmem:s21], [sflag:$0x9], $0x4000, $0x38;
	v14 =	vsel vm1, $0x0, v12;
	[tilespmem:$0x10800] =	vst v63  }
0x28d: {  	s14 =	sadd.s32 $0x20, s1;
	s16 =	sadd.s32 $0x30, s1;
	v15 =	vadd.s32 s13, v0;
	v13 =	vadd.s32 v13, v14;
	v14 =	vld [tilespmem:$0x540]  }
0x28e: {  	v46 =	vadd.s32 s14, v0;
	v49 =	vadd.s32 s16, v0;
	vm1 =	vlt.s32 v15, $0xC8;
	v45 =	vld [tilespmem:$0x550]  }
0x28f: {  	v48 =	vld [tilespmem:$0x560];
	v47 =	vsel vm1, $0x0, v12;
	vm1 =	vlt.s32 v46, $0xC8;
	v13 =	vmul.u32 $0x3E8, v13  }
0x290: {  	v51 =	vld [tilespmem:$0x570];
	v15 =	vadd.s32 v15, v47;
	v50 =	vsel vm1, $0x0, v12;
	vm1 =	vlt.s32 v49, $0xC8  }
0x291: {  	v15 =	vmul.u32 $0x3E8, v15;
	v17 =	vadd.s32 v46, v50;
	v52 =	vsel vm1, $0x0, v12  }
0x292: {  	v53 =	vadd.s32 v49, v52;
	v13 =	vadd.s32 v13, v14;
	v14 =	vmul.u32 $0x3E8, v17  }
0x293: {  	s8 =	sld [smem:$0x7C7];
	[tilespmem:$0x540] =	vst v13;
	v13 =	vadd.s32 v15, v45;
	v15 =	vmul.u32 $0x3E8, v53  }
0x294: {  	[tilespmem:$0x550] =	vst v13;
	v13 =	vadd.s32 v14, v48  }
0x295: {  	[tilespmem:$0x560] =	vst v13;
	v13 =	vadd.s32 v15, v51  }
0x296: {  	s17 =	smulhi.u32 $0x14FA6D7B, s8;
	[tilespmem:$0x570] =	vst v13  }
0x297: {  	_ =	swait.ge [sflag:s5], $0x4000  }
0x298: {  	s3 =	sshrl.u32 s17, $0xE;
	s22 =	sld [smem:$0x7A5]  }
0x299: {  	s3 =	smul.u32 $0x61A000, s3;
	_ =	sdelay $0x1  }
0x29a: {  	[sflag:s5] =	ssyncset.done $0x0;
	s3 =	ssub.s32 s22, s3  }
0x29b: {  	s1 =	sadd.s32 $0x40, s1;
	[sflag:s5] =	ssyncadd.s32 $0xFFFFC000;
	s3 =	sadd.s32 s3, s29  }
0x29c: {  	[tilespmem:s12], [sflag:$0x4] =	stream.linear.gather [hbm4b:s3+s2], $0x4000, $0x38;
	[tilespmem:$0x10800] =	vst v63  }
0x29d: {  	p1 =	slt.s32 s1, $0xC8;
	s3 =	simm.s32 $0x0  }
0x29e: {  	s3 =	simm.s32 @!p1 $0xFFFFFF38  }
0x29f: {  	_ =	swait.ge [sflag:s0], $0x4000;
	s1 =	sadd.s32 s1, s3  }
0x2a0: {  	s7 =	simm.s32 $0xC800;
	[sflag:s0] =	ssyncset.done $0x0;
	v13 =	vadd.s32 s1, v0  }
0x2a1: {  	s6 =	sadd.s32 $0x9800, s4;
	[sflag:s0] =	ssyncadd.s32 $0xFFFFC000;
	s9 =	sadd.s32 $0x10, s1;
	vm1 =	vlt.s32 v13, $0xC8  }
0x2a2: {  	[hbm4b:s6+s2] =	stream.linear.scatter [tilespmem:s7], [sflag:$0xA], $0x4000, $0x38;
	v14 =	vsel vm1, $0x0, v12;
	[tilespmem:$0x10800] =	vst v63  }
0x2a3: {  	s10 =	sadd.s32 $0x20, s1;
	s13 =	sadd.s32 $0x30, s1;
	v15 =	vadd.s32 s9, v0;
	v13 =	vadd.s32 v13, v14;
	v14 =	vld [tilespmem:$0x580]  }
0x2a4: {  	v55 =	vadd.s32 s10, v0;
	v58 =	vadd.s32 s13, v0;
	vm1 =	vlt.s32 v15, $0xC8;
	v54 =	vld [tilespmem:$0x590]  }
0x2a5: {  	v57 =	vld [tilespmem:$0x5A0];
	v56 =	vsel vm1, $0x0, v12;
	vm1 =	vlt.s32 v55, $0xC8;
	v13 =	vmul.u32 $0x3E8, v13  }
0x2a6: {  	v60 =	vld [tilespmem:$0x5B0];
	v15 =	vadd.s32 v15, v56;
	v59 =	vsel vm1, $0x0, v12;
	vm1 =	vlt.s32 v58, $0xC8  }
0x2a7: {  	v15 =	vmul.u32 $0x3E8, v15;
	v17 =	vadd.s32 v55, v59;
	v61 =	vsel vm1, $0x0, v12  }
0x2a8: {  	v62 =	vadd.s32 v58, v61;
	v13 =	vadd.s32 v13, v14;
	v14 =	vmul.u32 $0x3E8, v17  }
0x2a9: {  	s30 =	sld [smem:$0x7C8];
	[tilespmem:$0x580] =	vst v13;
	v13 =	vadd.s32 v15, v54;
	v15 =	vmul.u32 $0x3E8, v62  }
0x2aa: {  	[tilespmem:$0x590] =	vst v13;
	v13 =	vadd.s32 v14, v57  }
0x2ab: {  	[tilespmem:$0x5A0] =	vst v13;
	v13 =	vadd.s32 v15, v60  }
0x2ac: {  	s14 =	smulhi.u32 $0x14FA6D7B, s30;
	[tilespmem:$0x5B0] =	vst v13  }
0x2ad: {  	_ =	swait.ge [sflag:s26], $0x4000  }
0x2ae: {  	s3 =	sshrl.u32 s14, $0xE;
	s16 =	sld [smem:$0x7A6]  }
0x2af: {  	s3 =	smul.u32 $0x61A000, s3;
	_ =	sdelay $0x1  }
0x2b0: {  	[sflag:s26] =	ssyncset.done $0x0;
	s3 =	ssub.s32 s16, s3  }
0x2b1: {  	s1 =	sadd.s32 $0x40, s1;
	[sflag:s26] =	ssyncadd.s32 $0xFFFFC000;
	s3 =	sadd.s32 s3, s29  }
0x2b2: {  	[tilespmem:s21], [sflag:$0x5] =	stream.linear.gather [hbm4b:s3+s2], $0x4000, $0x38;
	[tilespmem:$0x10800] =	vst v63  }
0x2b3: {  	p1 =	slt.s32 s1, $0xC8;
	s3 =	simm.s32 $0x0  }
0x2b4: {  	s3 =	simm.s32 @!p1 $0xFFFFFF38  }
0x2b5: {  	_ =	swait.ge [sflag:s20], $0x4000;
	s1 =	sadd.s32 s1, s3  }
0x2b6: {  	[sflag:s20] =	ssyncset.done $0x0;
	v13 =	vadd.s32 s1, v0  }
0x2b7: {  	s17 =	sadd.s32 $0xA000, s4;
	[sflag:s20] =	ssyncadd.s32 $0xFFFFC000;
	s22 =	sadd.s32 $0x10, s1;
	vm1 =	vlt.s32 v13, $0xC8  }
0x2b8: {  	[hbm4b:s17+s2] =	stream.linear.scatter [tilespmem:s31], [sflag:$0x7], $0x4000, $0x38;
	v14 =	vsel vm1, $0x0, v12;
	[tilespmem:$0x10800] =	vst v63  }
0x2b9: {  	s6 =	sadd.s32 $0x20, s1;
	s9 =	sadd.s32 $0x30, s1;
	v15 =	vadd.s32 s22, v0;
	v13 =	vadd.s32 v13, v14;
	v14 =	vld [tilespmem:$0x5C0]  }
0x2ba: {  	v24 =	vadd.s32 s6, v0;
	v27 =	vadd.s32 s9, v0;
	vm1 =	vlt.s32 v15, $0xC8;
	v63 =	vld [tilespmem:$0x5D0]  }
0x2bb: {  	v26 =	vld [tilespmem:$0x5E0];
	v25 =	vsel vm1, $0x0, v12;
	vm1 =	vlt.s32 v24, $0xC8;
	v13 =	vmul.u32 $0x3E8, v13  }
0x2bc: {  	v29 =	vld [tilespmem:$0x5F0];
	v15 =	vadd.s32 v15, v25;
	v28 =	vsel vm1, $0x0, v12;
	vm1 =	vlt.s32 v27, $0xC8  }
0x2bd: {  	v15 =	vmul.u32 $0x3E8, v15;
	v17 =	vadd.s32 v24, v28;
	v30 =	vsel vm1, $0x0, v12  }
0x2be: {  	v31 =	vadd.s32 v27, v30;
	v13 =	vadd.s32 v13, v14;
	v14 =	vmul.u32 $0x3E8, v17  }
0x2bf: {  	s15 =	smov.u32 s28;
	s28 =	sld [smem:$0x7C9];
	[tilespmem:$0x5C0] =	vst v13;
	v13 =	vadd.s32 v15, v63;
	v15 =	vmul.u32 $0x3E8, v31  }
0x2c0: {  	[tilespmem:$0x5D0] =	vst v13;
	v13 =	vadd.s32 v14, v26  }
0x2c1: {  	[tilespmem:$0x5E0] =	vst v13;
	v13 =	vadd.s32 v15, v29  }
0x2c2: {  	s10 =	smulhi.u32 $0x14FA6D7B, s28;
	[tilespmem:$0x5F0] =	vst v13  }
0x2c3: {  	_ =	swait.ge [sflag:s24], $0x4000  }
0x2c4: {  	s3 =	sshrl.u32 s10, $0xE;
	s13 =	sld [smem:$0x7A7]  }
0x2c5: {  	s3 =	smul.u32 $0x61A000, s3;
	_ =	sdelay $0x1  }
0x2c6: {  	s7 =	simm.s32 $0xC800;
	[sflag:s24] =	ssyncset.done $0x0;
	s3 =	ssub.s32 s13, s3  }
0x2c7: {  	s1 =	sadd.s32 $0x40, s1;
	[sflag:s24] =	ssyncadd.s32 $0xFFFFC000;
	s3 =	sadd.s32 s3, s29  }
0x2c8: {  	[tilespmem:s7], [sflag:$0x6] =	stream.linear.gather [hbm4b:s3+s2], $0x4000, $0x38;
	[tilespmem:$0x10800] =	vst v63  }
0x2c9: {  	p1 =	slt.s32 s1, $0xC8;
	s3 =	simm.s32 $0x0  }
0x2ca: {  	s3 =	simm.s32 @!p1 $0xFFFFFF38  }
0x2cb: {  	_ =	swait.ge [sflag:s23], $0x4000;
	s1 =	sadd.s32 s1, s3  }
0x2cc: {  	[sflag:s23] =	ssyncset.done $0x0;
	v13 =	vadd.s32 s1, v0  }
0x2cd: {  	s14 =	sadd.s32 $0xA800, s4;
	[sflag:s23] =	ssyncadd.s32 $0xFFFFC000;
	s16 =	sadd.s32 $0x10, s1;
	vm1 =	vlt.s32 v13, $0xC8  }
0x2ce: {  	[hbm4b:s14+s2] =	stream.linear.scatter [tilespmem:s12], [sflag:$0x8], $0x4000, $0x38;
	v14 =	vsel vm1, $0x0, v12;
	[tilespmem:$0x10800] =	vst v63  }
0x2cf: {  	s17 =	sadd.s32 $0x20, s1;
	s22 =	sadd.s32 $0x30, s1;
	v15 =	vadd.s32 s16, v0;
	v13 =	vadd.s32 v13, v14;
	v14 =	vld [tilespmem:$0x600]  }
0x2d0: {  	v33 =	vadd.s32 s17, v0;
	v36 =	vadd.s32 s22, v0;
	vm1 =	vlt.s32 v15, $0xC8;
	v32 =	vld [tilespmem:$0x610]  }
0x2d1: {  	v35 =	vld [tilespmem:$0x620];
	v34 =	vsel vm1, $0x0, v12;
	vm1 =	vlt.s32 v33, $0xC8;
	v13 =	vmul.u32 $0x3E8, v13  }
0x2d2: {  	v38 =	vld [tilespmem:$0x630];
	v15 =	vadd.s32 v15, v34;
	v37 =	vsel vm1, $0x0, v12;
	vm1 =	vlt.s32 v36, $0xC8  }
0x2d3: {  	v15 =	vmul.u32 $0x3E8, v15;
	v17 =	vadd.s32 v33, v37;
	v39 =	vsel vm1, $0x0, v12  }
0x2d4: {  	v40 =	vadd.s32 v36, v39;
	v13 =	vadd.s32 v13, v14;
	v14 =	vmul.u32 $0x3E8, v17  }
0x2d5: {  	s23 =	sld [smem:$0x7A8];
	[tilespmem:$0x600] =	vst v13;
	v13 =	vadd.s32 v15, v32;
	v15 =	vmul.u32 $0x3E8, v40  }
0x2d6: {  	[tilespmem:$0x610] =	vst v13;
	v13 =	vadd.s32 v14, v35  }
0x2d7: {  	[tilespmem:$0x620] =	vst v13;
	v13 =	vadd.s32 v15, v38  }
0x2d8: {  	s6 =	smulhi.u32 $0x14FA6D7B, s23;
	[tilespmem:$0x630] =	vst v13  }
0x2d9: {  	_ =	swait.ge [sflag:s18], $0x4000  }
0x2da: {  	s3 =	sshrl.u32 s6, $0xE;
	s9 =	sld [smem:$0x7A9]  }
0x2db: {  	s3 =	smul.u32 $0x61A000, s3;
	_ =	sdelay $0x1  }
0x2dc: {  	[sflag:s18] =	ssyncset.done $0x0;
	s3 =	ssub.s32 s9, s3  }
0x2dd: {  	s1 =	sadd.s32 $0x40, s1;
	[sflag:s18] =	ssyncadd.s32 $0xFFFFC000;
	s3 =	sadd.s32 s3, s29  }
0x2de: {  	[tilespmem:s31], [sflag:$0x3] =	stream.linear.gather [hbm4b:s3+s2], $0x4000, $0x38;
	[tilespmem:$0x10800] =	vst v63  }
0x2df: {  	p1 =	slt.s32 s1, $0xC8;
	s3 =	simm.s32 $0x0  }
0x2e0: {  	s3 =	simm.s32 @!p1 $0xFFFFFF38  }
0x2e1: {  	_ =	swait.ge [sflag:s25], $0x4000;
	s1 =	sadd.s32 s1, s3  }
0x2e2: {  	[sflag:s25] =	ssyncset.done $0x0;
	v13 =	vadd.s32 s1, v0  }
0x2e3: {  	s10 =	sadd.s32 $0xB000, s4;
	[sflag:s25] =	ssyncadd.s32 $0xFFFFC000;
	s13 =	sadd.s32 $0x10, s1;
	vm1 =	vlt.s32 v13, $0xC8  }
0x2e4: {  	[hbm4b:s10+s2] =	stream.linear.scatter [tilespmem:s21], [sflag:$0x9], $0x4000, $0x38;
	v14 =	vsel vm1, $0x0, v12;
	[tilespmem:$0x10800] =	vst v63  }
0x2e5: {  	s14 =	sadd.s32 $0x20, s1;
	s16 =	sadd.s32 $0x30, s1;
	v15 =	vadd.s32 s13, v0;
	v13 =	vadd.s32 v13, v14;
	v14 =	vld [tilespmem:$0x640]  }
0x2e6: {  	v42 =	vadd.s32 s14, v0;
	v45 =	vadd.s32 s16, v0;
	vm1 =	vlt.s32 v15, $0xC8;
	v41 =	vld [tilespmem:$0x650]  }
0x2e7: {  	v44 =	vld [tilespmem:$0x660];
	v43 =	vsel vm1, $0x0, v12;
	vm1 =	vlt.s32 v42, $0xC8;
	v13 =	vmul.u32 $0x3E8, v13  }
0x2e8: {  	v47 =	vld [tilespmem:$0x670];
	v15 =	vadd.s32 v15, v43;
	v46 =	vsel vm1, $0x0, v12;
	vm1 =	vlt.s32 v45, $0xC8  }
0x2e9: {  	v15 =	vmul.u32 $0x3E8, v15;
	v17 =	vadd.s32 v42, v46;
	v48 =	vsel vm1, $0x0, v12  }
0x2ea: {  	v49 =	vadd.s32 v45, v48;
	v13 =	vadd.s32 v13, v14;
	v14 =	vmul.u32 $0x3E8, v17  }
0x2eb: {  	s16 =	sld [smem:$0x7CA];
	[tilespmem:$0x640] =	vst v13;
	v13 =	vadd.s32 v15, v41;
	v15 =	vmul.u32 $0x3E8, v49  }
0x2ec: {  	[tilespmem:$0x650] =	vst v13;
	v13 =	vadd.s32 v14, v44  }
0x2ed: {  	[tilespmem:$0x660] =	vst v13;
	v13 =	vadd.s32 v15, v47  }
0x2ee: {  	s17 =	smulhi.u32 $0x14FA6D7B, s16;
	[tilespmem:$0x670] =	vst v13  }
0x2ef: {  	_ =	swait.ge [sflag:s5], $0x4000  }
0x2f0: {  	s3 =	sshrl.u32 s17, $0xE;
	s22 =	sld [smem:$0x7AA]  }
0x2f1: {  	s3 =	smul.u32 $0x61A000, s3;
	_ =	sdelay $0x1  }
0x2f2: {  	[sflag:s5] =	ssyncset.done $0x0;
	s3 =	ssub.s32 s22, s3  }
0x2f3: {  	s1 =	sadd.s32 $0x40, s1;
	[sflag:s5] =	ssyncadd.s32 $0xFFFFC000;
	s3 =	sadd.s32 s3, s29  }
0x2f4: {  	[tilespmem:s12], [sflag:$0x4] =	stream.linear.gather [hbm4b:s3+s2], $0x4000, $0x38;
	[tilespmem:$0x10800] =	vst v63  }
0x2f5: {  	p1 =	slt.s32 s1, $0xC8;
	s3 =	simm.s32 $0x0  }
0x2f6: {  	s3 =	simm.s32 @!p1 $0xFFFFFF38  }
0x2f7: {  	_ =	swait.ge [sflag:s0], $0x4000;
	s1 =	sadd.s32 s1, s3  }
0x2f8: {  	s7 =	simm.s32 $0xC800;
	[sflag:s0] =	ssyncset.done $0x0;
	v13 =	vadd.s32 s1, v0  }
0x2f9: {  	[sflag:s0] =	ssyncadd.s32 $0xFFFFC000;
	s0 =	sadd.s32 $0xB800, s4;
	s6 =	sadd.s32 $0x10, s1;
	vm1 =	vlt.s32 v13, $0xC8  }
0x2fa: {  	[hbm4b:s0+s2] =	stream.linear.scatter [tilespmem:s7], [sflag:$0xA], $0x4000, $0x38;
	v14 =	vsel vm1, $0x0, v12;
	[tilespmem:$0x10800] =	vst v63  }
0x2fb: {  	s9 =	sadd.s32 $0x20, s1;
	s10 =	sadd.s32 $0x30, s1;
	v15 =	vadd.s32 s6, v0;
	v13 =	vadd.s32 v13, v14;
	v14 =	vld [tilespmem:$0x680]  }
0x2fc: {  	v51 =	vadd.s32 s9, v0;
	v54 =	vadd.s32 s10, v0;
	vm1 =	vlt.s32 v15, $0xC8;
	v50 =	vld [tilespmem:$0x690]  }
0x2fd: {  	v53 =	vld [tilespmem:$0x6A0];
	v52 =	vsel vm1, $0x0, v12;
	vm1 =	vlt.s32 v51, $0xC8;
	v13 =	vmul.u32 $0x3E8, v13  }
0x2fe: {  	v56 =	vld [tilespmem:$0x6B0];
	v15 =	vadd.s32 v15, v52;
	v55 =	vsel vm1, $0x0, v12;
	vm1 =	vlt.s32 v54, $0xC8  }
0x2ff: {  	v15 =	vmul.u32 $0x3E8, v15;
	v17 =	vadd.s32 v51, v55;
	v57 =	vsel vm1, $0x0, v12  }
0x300: {  	v58 =	vadd.s32 v54, v57;
	v13 =	vadd.s32 v13, v14;
	v14 =	vmul.u32 $0x3E8, v17  }
0x301: {  	s0 =	sld [smem:$0x7CB];
	[tilespmem:$0x680] =	vst v13;
	v13 =	vadd.s32 v15, v50;
	v15 =	vmul.u32 $0x3E8, v58  }
0x302: {  	[tilespmem:$0x690] =	vst v13;
	v13 =	vadd.s32 v14, v53  }
0x303: {  	[tilespmem:$0x6A0] =	vst v13;
	v13 =	vadd.s32 v15, v56  }
0x304: {  	s13 =	smulhi.u32 $0x14FA6D7B, s0;
	[tilespmem:$0x6B0] =	vst v13  }
0x305: {  	_ =	swait.ge [sflag:s26], $0x4000  }
0x306: {  	s3 =	sshrl.u32 s13, $0xE;
	s14 =	sld [smem:$0x7AB]  }
0x307: {  	s3 =	smul.u32 $0x61A000, s3;
	_ =	sdelay $0x1  }
0x308: {  	[sflag:s26] =	ssyncset.done $0x0;
	s3 =	ssub.s32 s14, s3  }
0x309: {  	s1 =	sadd.s32 $0x40, s1;
	[sflag:s26] =	ssyncadd.s32 $0xFFFFC000;
	s3 =	sadd.s32 s3, s29  }
0x30a: {  	[tilespmem:s21], [sflag:$0x5] =	stream.linear.gather [hbm4b:s3+s2], $0x4000, $0x38;
	[tilespmem:$0x10800] =	vst v63  }
0x30b: {  	p1 =	slt.s32 s1, $0xC8;
	s3 =	simm.s32 $0x0  }
0x30c: {  	s3 =	simm.s32 @!p1 $0xFFFFFF38  }
0x30d: {  	_ =	swait.ge [sflag:s20], $0x4000;
	s1 =	sadd.s32 s1, s3  }
0x30e: {  	[sflag:s20] =	ssyncset.done $0x0;
	v13 =	vadd.s32 s1, v0  }
0x30f: {  	s17 =	sadd.s32 $0xC000, s4;
	[sflag:s20] =	ssyncadd.s32 $0xFFFFC000;
	s22 =	sadd.s32 $0x10, s1;
	vm1 =	vlt.s32 v13, $0xC8  }
0x310: {  	[hbm4b:s17+s2] =	stream.linear.scatter [tilespmem:s31], [sflag:$0x7], $0x4000, $0x38;
	v14 =	vsel vm1, $0x0, v12;
	[tilespmem:$0x10800] =	vst v63  }
0x311: {  	s6 =	sadd.s32 $0x20, s1;
	s9 =	sadd.s32 $0x30, s1;
	v15 =	vadd.s32 s22, v0;
	v13 =	vadd.s32 v13, v14;
	v14 =	vld [tilespmem:$0x6C0]  }
0x312: {  	v60 =	vadd.s32 s6, v0;
	v63 =	vadd.s32 s9, v0;
	vm1 =	vlt.s32 v15, $0xC8;
	v59 =	vld [tilespmem:$0x6D0]  }
0x313: {  	v62 =	vld [tilespmem:$0x6E0];
	v61 =	vsel vm1, $0x0, v12;
	vm1 =	vlt.s32 v60, $0xC8;
	v13 =	vmul.u32 $0x3E8, v13  }
0x314: {  	v25 =	vld [tilespmem:$0x6F0];
	v15 =	vadd.s32 v15, v61;
	v24 =	vsel vm1, $0x0, v12;
	vm1 =	vlt.s32 v63, $0xC8  }
0x315: {  	v15 =	vmul.u32 $0x3E8, v15;
	v17 =	vadd.s32 v60, v24;
	v26 =	vsel vm1, $0x0, v12  }
0x316: {  	v27 =	vadd.s32 v63, v26;
	v13 =	vadd.s32 v13, v14;
	v14 =	vmul.u32 $0x3E8, v17  }
0x317: {  	s22 =	sld [smem:$0x7CC];
	[tilespmem:$0x6C0] =	vst v13;
	v13 =	vadd.s32 v15, v59;
	v15 =	vmul.u32 $0x3E8, v27  }
0x318: {  	[tilespmem:$0x6D0] =	vst v13;
	v13 =	vadd.s32 v14, v62  }
0x319: {  	[tilespmem:$0x6E0] =	vst v13;
	v13 =	vadd.s32 v15, v25  }
0x31a: {  	s10 =	smulhi.u32 $0x14FA6D7B, s22;
	[tilespmem:$0x6F0] =	vst v13  }
0x31b: {  	_ =	swait.ge [sflag:s24], $0x4000  }
0x31c: {  	s3 =	sshrl.u32 s10, $0xE;
	s13 =	sld [smem:$0x7AC]  }
0x31d: {  	s3 =	smul.u32 $0x61A000, s3;
	_ =	sdelay $0x1  }
0x31e: {  	s7 =	simm.s32 $0xC800;
	[sflag:s24] =	ssyncset.done $0x0;
	s3 =	ssub.s32 s13, s3  }
0x31f: {  	s1 =	sadd.s32 $0x40, s1;
	[sflag:s24] =	ssyncadd.s32 $0xFFFFC000;
	s3 =	sadd.s32 s3, s29  }
0x320: {  	[tilespmem:s7], [sflag:$0x6] =	stream.linear.gather [hbm4b:s3+s2], $0x4000, $0x38;
	[tilespmem:$0x10800] =	vst v63  }
0x321: {  	p1 =	slt.s32 s1, $0xC8;
	s3 =	simm.s32 $0x0  }
0x322: {  	s20 =	simm.s32 $0x4;
	s3 =	simm.s32 @!p1 $0xFFFFFF38  }
0x323: {  	_ =	swait.ge [sflag:s20], $0x4000;
	s1 =	sadd.s32 s1, s3  }
0x324: {  	[sflag:s20] =	ssyncset.done $0x0;
	v13 =	vadd.s32 s1, v0  }
0x325: {  	s14 =	sadd.s32 $0xC800, s4;
	[sflag:s20] =	ssyncadd.s32 $0xFFFFC000;
	s17 =	sadd.s32 $0x10, s1;
	vm1 =	vlt.s32 v13, $0xC8  }
0x326: {  	[hbm4b:s14+s2] =	stream.linear.scatter [tilespmem:s12], [sflag:$0x8], $0x4000, $0x38;
	v14 =	vsel vm1, $0x0, v12;
	[tilespmem:$0x10800] =	vst v63  }
0x327: {  	s6 =	sadd.s32 $0x20, s1;
	s7 =	sadd.s32 $0x30, s1;
	v15 =	vadd.s32 s17, v0;
	v13 =	vadd.s32 v13, v14;
	v14 =	vld [tilespmem:$0x700]  }
0x328: {  	v29 =	vadd.s32 s6, v0;
	v32 =	vadd.s32 s7, v0;
	vm1 =	vlt.s32 v15, $0xC8;
	v28 =	vld [tilespmem:$0x710]  }
0x329: {  	v31 =	vld [tilespmem:$0x720];
	v30 =	vsel vm1, $0x0, v12;
	vm1 =	vlt.s32 v29, $0xC8;
	v13 =	vmul.u32 $0x3E8, v13  }
0x32a: {  	v34 =	vld [tilespmem:$0x730];
	v15 =	vadd.s32 v15, v30;
	v33 =	vsel vm1, $0x0, v12;
	vm1 =	vlt.s32 v32, $0xC8  }
0x32b: {  	v15 =	vmul.u32 $0x3E8, v15;
	v17 =	vadd.s32 v29, v33;
	v35 =	vsel vm1, $0x0, v12  }
0x32c: {  	v36 =	vadd.s32 v32, v35;
	v13 =	vadd.s32 v13, v14;
	v14 =	vmul.u32 $0x3E8, v17  }
0x32d: {  	s6 =	sld [smem:$0x7CD];
	[tilespmem:$0x700] =	vst v13;
	v13 =	vadd.s32 v15, v28;
	v15 =	vmul.u32 $0x3E8, v36  }
0x32e: {  	[tilespmem:$0x710] =	vst v13;
	v13 =	vadd.s32 v14, v31  }
0x32f: {  	[tilespmem:$0x720] =	vst v13;
	v13 =	vadd.s32 v15, v34  }
0x330: {  	s10 =	smulhi.u32 $0x14FA6D7B, s6;
	[tilespmem:$0x730] =	vst v13  }
0x331: {  	_ =	swait.ge [sflag:s18], $0x4000  }
0x332: {  	s3 =	sshrl.u32 s10, $0xE;
	s13 =	sld [smem:$0x7AD]  }
0x333: {  	s3 =	smul.u32 $0x61A000, s3;
	_ =	sdelay $0x1  }
0x334: {  	[sflag:s18] =	ssyncset.done $0x0;
	s3 =	ssub.s32 s13, s3  }
0x335: {  	s1 =	sadd.s32 $0x40, s1;
	[sflag:s18] =	ssyncadd.s32 $0xFFFFC000;
	s3 =	sadd.s32 s3, s29  }
0x336: {  	[tilespmem:s31], [sflag:$0x3] =	stream.linear.gather [hbm4b:s3+s2], $0x4000, $0x38;
	[tilespmem:$0x10800] =	vst v63  }
0x337: {  	p1 =	slt.s32 s1, $0xC8;
	s3 =	simm.s32 $0x0  }
0x338: {  	s3 =	simm.s32 @!p1 $0xFFFFFF38  }
0x339: {  	_ =	swait.ge [sflag:s25], $0x4000;
	s1 =	sadd.s32 s1, s3  }
0x33a: {  	[sflag:s25] =	ssyncset.done $0x0;
	v13 =	vadd.s32 s1, v0  }
0x33b: {  	s14 =	sadd.s32 $0xD000, s4;
	[sflag:s25] =	ssyncadd.s32 $0xFFFFC000;
	s17 =	sadd.s32 $0x10, s1;
	vm1 =	vlt.s32 v13, $0xC8  }
0x33c: {  	[hbm4b:s14+s2] =	stream.linear.scatter [tilespmem:s21], [sflag:$0x9], $0x4000, $0x38;
	v14 =	vsel vm1, $0x0, v12;
	[tilespmem:$0x10800] =	vst v63  }
0x33d: {  	s7 =	sadd.s32 $0x20, s1;
	s10 =	sadd.s32 $0x30, s1;
	v15 =	vadd.s32 s17, v0;
	v13 =	vadd.s32 v13, v14;
	v14 =	vld [tilespmem:$0x740]  }
0x33e: {  	v38 =	vadd.s32 s7, v0;
	v41 =	vadd.s32 s10, v0;
	vm1 =	vlt.s32 v15, $0xC8;
	v37 =	vld [tilespmem:$0x750]  }
0x33f: {  	v40 =	vld [tilespmem:$0x760];
	v39 =	vsel vm1, $0x0, v12;
	vm1 =	vlt.s32 v38, $0xC8;
	v13 =	vmul.u32 $0x3E8, v13  }
0x340: {  	v43 =	vld [tilespmem:$0x770];
	v15 =	vadd.s32 v15, v39;
	v42 =	vsel vm1, $0x0, v12;
	vm1 =	vlt.s32 v41, $0xC8  }
0x341: {  	v15 =	vmul.u32 $0x3E8, v15;
	v17 =	vadd.s32 v38, v42;
	v44 =	vsel vm1, $0x0, v12  }
0x342: {  	v45 =	vadd.s32 v41, v44;
	v13 =	vadd.s32 v13, v14;
	v14 =	vmul.u32 $0x3E8, v17  }
0x343: {  	s14 =	sld [smem:$0x7CE];
	[tilespmem:$0x740] =	vst v13;
	v13 =	vadd.s32 v15, v37;
	v15 =	vmul.u32 $0x3E8, v45  }
0x344: {  	[tilespmem:$0x750] =	vst v13;
	v13 =	vadd.s32 v14, v40  }
0x345: {  	[tilespmem:$0x760] =	vst v13;
	v13 =	vadd.s32 v15, v43  }
0x346: {  	s13 =	smulhi.u32 $0x14FA6D7B, s14;
	[tilespmem:$0x770] =	vst v13  }
0x347: {  	_ =	swait.ge [sflag:s5], $0x4000  }
0x348: {  	s3 =	sshrl.u32 s13, $0xE;
	s17 =	sld [smem:$0x7AE]  }
0x349: {  	s3 =	smul.u32 $0x61A000, s3;
	_ =	sdelay $0x1  }
0x34a: {  	[sflag:s5] =	ssyncset.done $0x0;
	s3 =	ssub.s32 s17, s3  }
0x34b: {  	s1 =	sadd.s32 $0x40, s1;
	[sflag:s5] =	ssyncadd.s32 $0xFFFFC000;
	s3 =	sadd.s32 s3, s29  }
0x34c: {  	[tilespmem:s12], [sflag:$0x4] =	stream.linear.gather [hbm4b:s3+s2], $0x4000, $0x38;
	[tilespmem:$0x10800] =	vst v63  }
0x34d: {  	p1 =	slt.s32 s1, $0xC8;
	s3 =	simm.s32 $0x0  }
0x34e: {  	s25 =	simm.s32 $0x6;
	s3 =	simm.s32 @!p1 $0xFFFFFF38  }
0x34f: {  	_ =	swait.ge [sflag:s25], $0x4000;
	s1 =	sadd.s32 s1, s3  }
0x350: {  	s9 =	simm.s32 $0xC800;
	[sflag:s25] =	ssyncset.done $0x0;
	v13 =	vadd.s32 s1, v0  }
0x351: {  	s7 =	sadd.s32 $0xD800, s4;
	[sflag:s25] =	ssyncadd.s32 $0xFFFFC000;
	s10 =	sadd.s32 $0x10, s1;
	vm1 =	vlt.s32 v13, $0xC8  }
0x352: {  	[hbm4b:s7+s2] =	stream.linear.scatter [tilespmem:s9], [sflag:$0xA], $0x4000, $0x38;
	v14 =	vsel vm1, $0x0, v12;
	[tilespmem:$0x10800] =	vst v63  }
0x353: {  	s13 =	sadd.s32 $0x20, s1;
	s17 =	sadd.s32 $0x30, s1;
	v15 =	vadd.s32 s10, v0;
	v13 =	vadd.s32 v13, v14;
	v14 =	vld [tilespmem:$0x780]  }
0x354: {  	v47 =	vadd.s32 s13, v0;
	v50 =	vadd.s32 s17, v0;
	vm1 =	vlt.s32 v15, $0xC8;
	v46 =	vld [tilespmem:$0x790]  }
0x355: {  	v49 =	vld [tilespmem:$0x7A0];
	v48 =	vsel vm1, $0x0, v12;
	vm1 =	vlt.s32 v47, $0xC8;
	v13 =	vmul.u32 $0x3E8, v13  }
0x356: {  	v52 =	vld [tilespmem:$0x7B0];
	v15 =	vadd.s32 v15, v48;
	v51 =	vsel vm1, $0x0, v12;
	vm1 =	vlt.s32 v50, $0xC8  }
0x357: {  	v15 =	vmul.u32 $0x3E8, v15;
	v17 =	vadd.s32 v47, v51;
	v53 =	vsel vm1, $0x0, v12  }
0x358: {  	v54 =	vadd.s32 v50, v53;
	v13 =	vadd.s32 v13, v14;
	v14 =	vmul.u32 $0x3E8, v17  }
0x359: {  	s7 =	sld [smem:$0x7CF];
	[tilespmem:$0x780] =	vst v13;
	v13 =	vadd.s32 v15, v46;
	v15 =	vmul.u32 $0x3E8, v54  }
0x35a: {  	[tilespmem:$0x790] =	vst v13;
	v13 =	vadd.s32 v14, v49  }
0x35b: {  	[tilespmem:$0x7A0] =	vst v13;
	v13 =	vadd.s32 v15, v52  }
0x35c: {  	s5 =	smulhi.u32 $0x14FA6D7B, s7;
	[tilespmem:$0x7B0] =	vst v13  }
0x35d: {  	_ =	swait.ge [sflag:s26], $0x4000  }
0x35e: {  	s3 =	sshrl.u32 s5, $0xE;
	s10 =	sld [smem:$0x7AF]  }
0x35f: {  	s3 =	smul.u32 $0x61A000, s3;
	_ =	sdelay $0x1  }
0x360: {  	[sflag:s26] =	ssyncset.done $0x0;
	s3 =	ssub.s32 s10, s3  }
0x361: {  	s1 =	sadd.s32 $0x40, s1;
	[sflag:s26] =	ssyncadd.s32 $0xFFFFC000;
	s3 =	sadd.s32 s3, s29  }
0x362: {  	[tilespmem:s21], [sflag:$0x5] =	stream.linear.gather [hbm4b:s3+s2], $0x4000, $0x38;
	[tilespmem:$0x10800] =	vst v63  }
0x363: {  	p1 =	slt.s32 s1, $0xC8;
	s3 =	simm.s32 $0x0  }
0x364: {  	s18 =	simm.s32 $0x3;
	s3 =	simm.s32 @!p1 $0xFFFFFF38  }
0x365: {  	_ =	swait.ge [sflag:s18], $0x4000;
	s1 =	sadd.s32 s1, s3  }
0x366: {  	[sflag:s18] =	ssyncset.done $0x0;
	v13 =	vadd.s32 s1, v0  }
0x367: {  	s13 =	sadd.s32 $0xE000, s4;
	[sflag:s18] =	ssyncadd.s32 $0xFFFFC000;
	s17 =	sadd.s32 $0x10, s1;
	vm1 =	vlt.s32 v13, $0xC8  }
0x368: {  	[hbm4b:s13+s2] =	stream.linear.scatter [tilespmem:s31], [sflag:$0x7], $0x4000, $0x38;
	v14 =	vsel vm1, $0x0, v12;
	[tilespmem:$0x10800] =	vst v63  }
0x369: {  	s5 =	sadd.s32 $0x30, s1;
	v15 =	vadd.s32 s17, v0;
	s31 =	sadd.s32 $0x20, s1;
	v13 =	vadd.s32 v13, v14;
	v14 =	vld [tilespmem:$0x7C0]  }
0x36a: {  	v59 =	vadd.s32 s5, v0;
	vm1 =	vlt.s32 v15, $0xC8;
	v55 =	vld [tilespmem:$0x7D0];
	v56 =	vadd.s32 s31, v0  }
0x36b: {  	v58 =	vld [tilespmem:$0x7E0];
	v57 =	vsel vm1, $0x0, v12;
	vm1 =	vlt.s32 v56, $0xC8;
	v13 =	vmul.u32 $0x3E8, v13  }
0x36c: {  	v61 =	vld [tilespmem:$0x7F0];
	v15 =	vadd.s32 v15, v57;
	v60 =	vsel vm1, $0x0, v12;
	vm1 =	vlt.s32 v59, $0xC8  }
0x36d: {  	v15 =	vmul.u32 $0x3E8, v15;
	v17 =	vadd.s32 v56, v60;
	v62 =	vsel vm1, $0x0, v12  }
0x36e: {  	v63 =	vadd.s32 v59, v62;
	v13 =	vadd.s32 v13, v14;
	v14 =	vmul.u32 $0x3E8, v17  }
0x36f: {  	s17 =	sld [smem:$0x7D0];
	[tilespmem:$0x7C0] =	vst v13;
	v13 =	vadd.s32 v15, v55;
	v15 =	vmul.u32 $0x3E8, v63  }
0x370: {  	[tilespmem:$0x7D0] =	vst v13;
	v13 =	vadd.s32 v14, v58  }
0x371: {  	[tilespmem:$0x7E0] =	vst v13;
	v13 =	vadd.s32 v15, v61  }
0x372: {  	s10 =	smulhi.u32 $0x14FA6D7B, s17;
	[tilespmem:$0x7F0] =	vst v13  }
0x373: {  	_ =	swait.ge [sflag:s24], $0x4000  }
0x374: {  	s3 =	sshrl.u32 s10, $0xE;
	s13 =	sld [smem:$0x7B0]  }
0x375: {  	s3 =	smul.u32 $0x61A000, s3;
	_ =	sdelay $0x1  }
0x376: {  	s9 =	simm.s32 $0xC800;
	[sflag:s24] =	ssyncset.done $0x0;
	s3 =	ssub.s32 s13, s3  }
0x377: {  	s1 =	sadd.s32 $0x40, s1;
	[sflag:s24] =	ssyncadd.s32 $0xFFFFC000;
	s3 =	sadd.s32 s3, s29  }
0x378: {  	[tilespmem:s9], [sflag:$0x6] =	stream.linear.gather [hbm4b:s3+s2], $0x4000, $0x38;
	[tilespmem:$0x10800] =	vst v63  }
0x379: {  	p1 =	slt.s32 s1, $0xC8;
	s3 =	simm.s32 $0x0;
	_ =	swait.ge [sflag:s20], $0x4000  }
0x37a: {  	s29 =	sadd.s32 $0xE800, s4;
	s3 =	simm.s32 @!p1 $0xFFFFFF38;
	[sflag:s20] =	ssyncset.done $0x0  }
0x37b: {  	s1 =	sadd.s32 s1, s3;
	s3 =	simm.s32 @!p0 $0x1;
	[sflag:s20] =	ssyncadd.s32 $0xFFFFC000  }
0x37c: {  	v13 =	vlaneseq.u32 @!p0;
	[hbm4b:s29+s2] =	stream.linear.scatter [tilespmem:s12], [sflag:$0x8], $0x4000, $0x38;
	[tilespmem:$0x10800] =	vst v63  }
0x37d: {  	v14 =	vadd.s32 @!p0 s1, v13;
	_ =	swait.ge @!p0 [sflag:s3], $0x400  }
0x37e: {  	v15 =	vimm.s32 @!p0 $0xFFFFFF38;
	vm1 =	vlt.s32 @!p0 v14, $0xC8;
	[sflag:s3] =	ssyncset.done @!p0 $0x0  }
0x37f: {  	v16 =	vsel @!p0 vm1, $0x0, v15;
	[sflag:s3] =	ssyncadd.s32 @!p0 $0xFFFFFC00;
	s3 =	sadd.s32 @!p0 $0x10, s1  }
0x380: {  	v14 =	vadd.s32 @!p0 v14, v16;
	v16 =	vld @!p0 [tilespmem:$0x0];
	v17 =	vadd.s32 @!p0 s3, v13;
	s3 =	sadd.s32 @!p0 $0x20, s1  }
0x381: {  	v14 =	vmul.u32 @!p0 $0x3E8, v14;
	v18 =	vld @!p0 [tilespmem:$0x10];
	vm1 =	vlt.s32 @!p0 v17, $0xC8;
	v19 =	vadd.s32 @!p0 s3, v13;
	s3 =	sadd.s32 @!p0 $0x30, s1  }
0x382: {  	v21 =	vld @!p0 [tilespmem:$0x20];
	v20 =	vsel @!p0 vm1, $0x0, v15;
	vm1 =	vlt.s32 @!p0 v19, $0xC8;
	v22 =	vadd.s32 @!p0 s3, v13  }
0x383: {  	v23 =	vld @!p0 [tilespmem:$0x30];
	v17 =	vadd.s32 @!p0 v17, v20;
	v20 =	vsel @!p0 vm1, $0x0, v15;
	vm1 =	vlt.s32 @!p0 v22, $0xC8  }
0x384: {  	v19 =	vadd.s32 @!p0 v19, v20;
	v17 =	vmul.u32 @!p0 $0x3E8, v17;
	v20 =	vsel @!p0 vm1, $0x0, v15  }
0x385: {  	v14 =	vadd.s32 @!p0 v14, v16;
	v16 =	vmul.u32 @!p0 $0x3E8, v19;
	v19 =	vadd.s32 @!p0 v22, v20  }
0x386: {  	[tilespmem:$0x0] =	vst @!p0 v14;
	v14 =	vadd.s32 @!p0 v17, v18;
	v17 =	vmul.u32 @!p0 $0x3E8, v19  }
0x387: {  	s29 =	sld [smem:$0x7D1];
	[tilespmem:$0x10] =	vst @!p0 v14;
	v14 =	vadd.s32 @!p0 v16, v21  }
0x388: {  	[tilespmem:$0x20] =	vst @!p0 v14;
	v14 =	vadd.s32 @!p0 v17, v23  }
0x389: {  	s9 =	simm.s32 @!p0 $0x7;
	[tilespmem:$0x30] =	vst @!p0 v14  }
0x38a: {  	s31 =	smulhi.u32 $0x14FA6D7B, s29;
	_ =	swait.ge @!p0 [sflag:s9], $0x4000  }
0x38b: {  	s5 =	sld [smem:$0x7B1]  }
0x38c: {  	s3 =	sshrl.u32 s31, $0xE;
	s10 =	sld [smem:$0x7FC]  }
0x38d: {  	s3 =	smul.u32 $0x61A000, s3  }
0x38e: {  	s1 =	sadd.s32 $0x40, s1;
	[sflag:s9] =	ssyncset.done @!p0 $0x0  }
0x38f: {  	[sflag:s9] =	ssyncadd.s32 @!p0 $0xFFFFC000;
	s3 =	ssub.s32 s5, s3;
	s10 =	sadd.s32 @!p0 s15, s10  }
0x390: {  	s9 =	simm.s32 @!p0 $0x800;
	s5 =	simm.s32 @!p0 $0x0;
	s3 =	sadd.s32 @!p0 s3, s10  }
0x391: {  	[tilespmem:s9], [sflag:$0x3] =	stream.linear.gather @!p0 [hbm4b:s3+s5], $0x4000, $0x38;
	[tilespmem:$0x10800] =	vst v63  }
0x392: {  	s24 =	simm.s32 $0x5;
	p1 =	slt.s32 s1, $0xC8;
	s3 =	simm.s32 $0x0  }
0x393: {  	_ =	swait.ge [sflag:s24], $0x4000;
	s3 =	simm.s32 @!p1 $0xFFFFFF38  }
0x394: {  	[sflag:s24] =	ssyncset.done $0x0;
	s1 =	sadd.s32 s1, s3  }
0x395: {  	s9 =	sadd.s32 $0xF000, s4;
	[sflag:s24] =	ssyncadd.s32 $0xFFFFC000;
	v14 =	vadd.s32 @!p0 s1, v13;
	s3 =	sadd.s32 @!p0 $0x10, s1  }
0x396: {  	[hbm4b:s9+s2] =	stream.linear.scatter [tilespmem:s21], [sflag:$0x9], $0x4000, $0x38;
	vm1 =	vlt.s32 @!p0 v14, $0xC8;
	[tilespmem:$0x10800] =	vst v63  }
0x397: {  	v17 =	vadd.s32 @!p0 s3, v13;
	s3 =	sadd.s32 @!p0 $0x20, s1;
	v16 =	vsel @!p0 vm1, $0x0, v15  }
0x398: {  	vm1 =	vlt.s32 @!p0 v17, $0xC8;
	v19 =	vadd.s32 @!p0 s3, v13;
	s3 =	sadd.s32 @!p0 $0x30, s1;
	v14 =	vadd.s32 @!p0 v14, v16;
	v16 =	vld @!p0 [tilespmem:$0x40]  }
0x399: {  	v18 =	vld @!p0 [tilespmem:$0x50];
	v20 =	vsel @!p0 vm1, $0x0, v15;
	vm1 =	vlt.s32 @!p0 v19, $0xC8;
	v13 =	vadd.s32 @!p0 s3, v13  }
0x39a: {  	v22 =	vld @!p0 [tilespmem:$0x70];
	v17 =	vadd.s32 @!p0 v17, v20;
	v20 =	vsel @!p0 vm1, $0x0, v15;
	vm1 =	vlt.s32 @!p0 v13, $0xC8  }
0x39b: {  	v21 =	vld @!p0 [tilespmem:$0x60];
	v14 =	vmul.u32 @!p0 $0x3E8, v14;
	v15 =	vsel @!p0 vm1, $0x0, v15  }
0x39c: {  	v17 =	vmul.u32 @!p0 $0x3E8, v17;
	v13 =	vadd.s32 @!p0 v13, v15  }
0x39d: {  	v19 =	vadd.s32 @!p0 v19, v20;
	v13 =	vmul.u32 @!p0 $0x3E8, v13;
	v14 =	vadd.s32 @!p0 v14, v16  }
0x39e: {  	s21 =	sld [smem:$0x7D2];
	v15 =	vmul.u32 @!p0 $0x3E8, v19;
	[tilespmem:$0x40] =	vst @!p0 v14;
	v14 =	vadd.s32 @!p0 v17, v18  }
0x39f: {  	v13 =	vadd.s32 @!p0 v13, v22;
	[tilespmem:$0x50] =	vst @!p0 v14  }
0x3a0: {  	v14 =	vadd.s32 @!p0 v15, v21;
	[tilespmem:$0x70] =	vst @!p0 v13  }
0x3a1: {  	s31 =	smov.u32 s15;
	s9 =	simm.s32 @!p0 $0x8;
	s15 =	smulhi.u32 $0x14FA6D7B, s21;
	[tilespmem:$0x60] =	vst @!p0 v14  }
0x3a2: {  	_ =	swait.ge @!p0 [sflag:s9], $0x4000  }
0x3a3: {  	s3 =	sshrl.u32 s15, $0xE;
	s15 =	sld [smem:$0x7B2]  }
0x3a4: {  	s3 =	smul.u32 $0x61A000, s3  }
0x3a5: {  	[sflag:s9] =	ssyncset.done @!p0 $0x0  }
0x3a6: {  	[sflag:s9] =	ssyncadd.s32 @!p0 $0xFFFFC000;
	s3 =	ssub.s32 s15, s3  }
0x3a7: {  	s9 =	simm.s32 @!p0 $0x4800;
	s3 =	sadd.s32 @!p0 s3, s10;
	s10 =	sld [smem:$0x7FD]  }
0x3a8: {  	[tilespmem:s9], [sflag:$0x4] =	stream.linear.gather @!p0 [hbm4b:s3+s5], $0x4000, $0x38;
	[tilespmem:$0x10800] =	vst v63  }
0x3a9: {  	s9 =	sld [smem:$0x7FC];
	_ =	swait.ge [sflag:s25], $0x4000  }
0x3aa: {  	s21 =	sadd.s32 $0x800, s21;
	s5 =	sld [smem:$0x7B4]  }
0x3ab: {  	s29 =	sadd.s32 $0x800, s29;
	[smem:$0x7D2] =	sst s21  }
0x3ac: {  	s17 =	sadd.s32 $0x800, s17;
	[smem:$0x7D1] =	sst s29  }
0x3ad: {  	s7 =	sadd.s32 $0x800, s7;
	[smem:$0x7D0] =	sst s17  }
0x3ae: {  	s14 =	sadd.s32 $0x800, s14;
	[smem:$0x7CF] =	sst s7  }
0x3af: {  	s6 =	sadd.s32 $0x800, s6;
	[smem:$0x7CE] =	sst s14  }
0x3b0: {  	s22 =	sadd.s32 $0x800, s22;
	[smem:$0x7CD] =	sst s6  }
0x3b1: {  	s0 =	sadd.s32 $0x800, s0;
	[smem:$0x7CC] =	sst s22  }
0x3b2: {  	s16 =	sadd.s32 $0x800, s16;
	[smem:$0x7CB] =	sst s0  }
0x3b3: {  	s28 =	sadd.s32 $0x800, s28;
	[smem:$0x7CA] =	sst s16  }
0x3b4: {  	s30 =	sadd.s32 $0x800, s30;
	[smem:$0x7C9] =	sst s28  }
0x3b5: {  	s8 =	sadd.s32 $0x800, s8;
	[smem:$0x7C8] =	sst s30  }
0x3b6: {  	[smem:$0x7C7] =	sst s8  }
0x3b7: {  	s7 =	sld [smem:$0x7C6]  }
0x3b8: {  	s8 =	sld [smem:$0x7C5]  }
0x3b9: {  	s14 =	sld [smem:$0x7C3]  }
0x3ba: {  	s16 =	sld [smem:$0x7C2]  }
0x3bb: {  	s17 =	sld [smem:$0x7C1]  }
0x3bc: {  	s13 =	simm.s32 $0xC800;
	s21 =	sld [smem:$0x7B5]  }
0x3bd: {  	s31 =	sadd.s32 $0x10000, s31;
	s1 =	sadd.s32 $0x40, s1;
	s22 =	sld [smem:$0x7B6]  }
0x3be: {  	p0 =	slt.s32 s1, $0xC8;
	s3 =	simm.s32 $0x0;
	s29 =	sld [smem:$0x7B7]  }
0x3bf: {  	s4 =	sadd.s32 $0xF800, s4;
	s3 =	simm.s32 @!p0 $0xFFFFFF38;
	s30 =	sld [smem:$0x7BA]  }
0x3c0: {  	p0 =	sne.s32 s31, $0x320000;
	[sflag:s25] =	ssyncset.done $0x0;
	s6 =	sld [smem:$0x7BC]  }
0x3c1: {  	s28 =	smov.u32 s31;
	s31 =	sld [smem:$0x7BF];
	[sflag:s25] =	ssyncadd.s32 $0xFFFFC000  }
0x3c2: {  	[hbm4b:s4+s2] =	stream.linear.scatter [tilespmem:s13], [sflag:$0xA], $0x4000, $0x38;
	[tilespmem:$0x10800] =	vst v63  }
0x3c3: {  	s4 =	sadd.s32 s1, s3;
	s3 =	sld [smem:$0x7B3]  }
0x3c4: {  	s13 =	sld [smem:$0x7C4]  }
0x3c5: {  	s1 =	sld [smem:$0x7B9]  }
0x3c6: {  	s15 =	sadd.s32 $0x800, s5;
	s0 =	sadd.s32 $0x800, s7;
	s5 =	sld [smem:$0x7BB]  }
0x3c7: {  	[smem:$0x7C6] =	sst s0;
	s0 =	sadd.s32 $0x800, s8  }
0x3c8: {  	[smem:$0x7C5] =	sst s0  }
0x3c9: {  	s0 =	sadd.s32 $0x800, s13;
	s13 =	sld [smem:$0x7BD]  }
0x3ca: {  	[smem:$0x7C4] =	sst s0;
	s0 =	sadd.s32 $0x800, s14  }
0x3cb: {  	[smem:$0x7C3] =	sst s0;
	s0 =	sadd.s32 $0x800, s16  }
0x3cc: {  	s16 =	sadd.s32 $0x800, s21;
	s21 =	sadd.s32 $0x800, s29;
	s29 =	sld [smem:$0x7BE]  }
0x3cd: {  	s19 =	sadd.s32 $0x800, s19;
	[smem:$0x7C2] =	sst s0;
	s0 =	sadd.s32 $0x800, s17  }
.Ltmp0:
0x3ce: {  	s11 =	sadd.s32 $0x100, s11;
	[smem:$0x7C1] =	sst s0;
	(pc) =	sbr.rel @p0 .LBB2_2-.Ltmp0, $4  }
0x3cf: {  	s23 =	sadd.s32 $0x800, s23;
	s7 =	sadd.s32 $0x800, s22;
	s0 =	sld [smem:$0x7B8]  }
0x3d0: {  	s30 =	sadd.s32 $0x800, s30;
	s22 =	sadd.s32 $0x800, s6;
	s3 =	sadd.s32 $0x100, s3  }
0x3d1: {  	s14 =	sadd.s32 $0x800, s5;
	s17 =	sadd.s32 $0x800, s1;
	s5 =	sadd.s32 $0x800, s29  }
0x3d2: {  	s8 =	sadd.s32 $0x800, s0;
	s0 =	sadd.s32 $0x800, s13;
	s13 =	sadd.s32 $0x800, s31  }
0x3d3: {  	s0 =	simm.s32 $0x7  }
0x3d4: {  	_ =	swait.ge [sflag:s0], $0x4000  }
0x3d5: {  	[sflag:s0] =	ssyncset.done $0x0  }
0x3d6: {  	s30 =	simm.s32 $0x8;
	[sflag:s0] =	ssyncadd.s32 $0xFFFFC000  }
0x3d7: {  	_ =	swait.ge [sflag:s30], $0x4000  }
0x3d8: {  	[sflag:s30] =	ssyncset.done $0x0  }
0x3d9: {  	[sflag:s30] =	ssyncadd.s32 $0xFFFFC000  }
0x3da: {  	_ =	swait.ge [sflag:s26], $0x4000  }
0x3db: {  	[sflag:s26] =	ssyncset.done $0x0  }
0x3dc: {  	s1 =	simm.s32 $0xA;
	[sflag:s26] =	ssyncadd.s32 $0xFFFFC000  }
0x3dd: {  	_ =	swait.ge [sflag:s1], $0x4000  }
0x3de: {  	s3 =	sld [smem:$0x7C0]  }
0x3df: {  	s31 =	sld [smem:$0x7D4];
	_ =	sdelay $0x1  }
0x3e0: {  	s3 =	sadd.s32 $0x1, s3  }
0x3e1: {  	p0 =	sne.s32 s3, s31  }
.Ltmp1:
0x3e2: {  	_ = 	snop;
	(pc) =	sbr.rel @p0 .LBB2_1-.Ltmp1, $3  }
0x3e3: {  	_ =	sdelay $0x1  }
0x3e4: {  	[sflag:s1] =	ssyncset.done $0x0  }
0x3e5: {  	[sflag:s1] =	ssyncadd.s32 $0xFFFFC000;
	s1 =	simm.s32 $0x800  }
0x3e6: {  	_ =	sfence.sel $0x180000  }
0x3e7: {  	[bflag:$0x0] =	sbarrier.arrive $0xFFFF  }
0x3e8: {  	_ =	strace $0x90000047  }
0x3e9: {  	s0 =	stileid.u32;
	[bflag:$0x2] =	sbarrier.arrive $0xFFFF  }
0x3ea: {  	p0 =	sne.s32 s0, $0x0;
	s0 =	rddreg [dreg:$0x3]  }
0x3eb: {  	s0 =	sadd.s32 @!p0 $0x100000, s0  }
0x3ec: {  	[sflag:s0] =	ssyncadd.tile.s32 @!p0 $0x1;
	_ =	shalt  }
.Lfunc_end2:
_tile_overlayer_lowered:
.L_overlay_start_2:
0x3ed: {  	(tag) =	ssettag $0x2  }
0x3ee: {  	s0 =	rddreg [dreg:$0x0];
	s2 =	stileid.u32  }
0x3ef: {  	s1 =	rddreg [dreg:$0x1];
	p0 =	sne.s32 s2, $0x0  }
0x3f0: {  	s3 =	rddreg [dreg:$0x2];
	[bflag:$0x3] =	sbarrier.arrive $0xFFFF;
	s2 =	simm.s32 @!p0 $0x1C0B  }
0x3f1: {  	[timem:s3], [sflag:s2] =	dma.local @!p0 [hbm:s0], s1  }
0x3f2: {  	s0 =	simm.s32 @!p0 $0xB  }
0x3f3: {  	_ =	swait.ge @!p0 [sflag:s0], s1  }
0x3f4: {  	s1 =	ssub.s32 @!p0 $0x0, s1;
	[sflag:s0] =	ssyncset.done @!p0 $0x0  }
0x3f5: {  	[sflag:s0] =	ssyncadd.s32 @!p0 s1  }
0x3f6: {  	[bflag:$0x3] =	sbarrier.arrive $0xFFFF  }
0x3f7: {  	_ =	shalt  }

</sc_bundles>
